<compile_context>
chip_gen: v7x
topology: tpu7x:2x2x1
jax: 0.10.2.dev20260603
libtpu: 0.0.44.dev20260713+nightly
codegen_flags: <defaults>
</compile_context>

<pallas_src>
import functools

import jax
import jax.numpy as jnp
import numpy as np
from jax import lax
from jax.experimental import pallas as pl
from jax.experimental.pallas import tpu as pltpu
from jax.experimental.pallas import tpu_sc as plsc

M = 8
N = 32768
D = 128
P0, P1 = 64, 64
G = P0 * P1

NC = 2
NS = 16
L = 16

B_PER_CORE = M // NC
PTS_PER_TILE = N // NS
CH = 128
NCH = PTS_PER_TILE // CH
ROWS_PER_TILE = G // NS

SPACING = np.float32(1.0 / 63.0)
MAGIC = np.float32(12582912.0)


def _sc_grid_mean(xt_flat, z2, latf):
    mesh = plsc.VectorSubcoreMesh(core_axis_name="c", subcore_axis_name="s")

    @functools.partial(
        pl.kernel,
        mesh=mesh,
        out_type=jax.ShapeDtypeStruct((M * G, D), jnp.float32),
        scratch_types=[
            pltpu.VMEM((CH, D), jnp.float32),
            pltpu.VMEM((CH, D), jnp.float32),
            pltpu.VMEM((CH, D), jnp.float32),
            pltpu.VMEM((2 * PTS_PER_TILE,), jnp.float32),
            pltpu.VMEM((CH,), jnp.int32),
            pltpu.SemaphoreType.DMA,
            pltpu.VMEM_SHARED((G, D), jnp.float32),
            pltpu.VMEM_SHARED((G, D), jnp.float32),
        ],
    )
    def k(xt_hbm, z_hbm, lat_hbm, out_hbm,
          zbuf, cbuf, lbuf, xb, idxc, gsem, accum, counts):
        c = lax.axis_index("c")
        t = lax.axis_index("s")

        zero16 = jnp.zeros((L,), jnp.float32)
        one16 = jnp.full((L,), 1.0, jnp.float32)

        def fill(buf, val16):
            def body(r, _):
                for cc in range(D // L):
                    buf[r, pl.ds(cc * L, L)] = val16
                return _
            lax.fori_loop(0, CH, body, None)

        fill(cbuf, zero16)
        for h in range(ROWS_PER_TILE // CH):
            row0 = t * ROWS_PER_TILE + h * CH
            pltpu.sync_copy(cbuf, accum.at[pl.ds(row0, CH)])
            pltpu.sync_copy(cbuf, counts.at[pl.ds(row0, CH)])

        base = t * PTS_PER_TILE
        for kk in range(B_PER_CORE):
            b = c * B_PER_CORE + kk
            plsc.subcore_barrier()

            fill(lbuf, one16)
            pltpu.sync_copy(xt_hbm.at[pl.ds(b * N + base, PTS_PER_TILE)],
                            xb.at[pl.ds(0, PTS_PER_TILE)])
            pltpu.sync_copy(xt_hbm.at[pl.ds(M * N + b * N + base,
                                            PTS_PER_TILE)],
                            xb.at[pl.ds(PTS_PER_TILE, PTS_PER_TILE)])

            pltpu.async_copy(z_hbm.at[pl.ds(b * N + base, CH)], zbuf, gsem)

            def chunk_body(j, _):
                def group_body(g, _):
                    off = j * CH + g * L
                    v0 = xb[pl.ds(off, L)] / SPACING
                    v1 = xb[pl.ds(PTS_PER_TILE + off, L)] / SPACING
                    r0 = (v0 + MAGIC) - MAGIC
                    r1 = (v1 + MAGIC) - MAGIC
                    r0 = jnp.minimum(jnp.maximum(r0, 0.0), 63.0)
                    r1 = jnp.minimum(jnp.maximum(r1, 0.0), 63.0)
                    flat = r0.astype(jnp.int32) * P1 + r1.astype(jnp.int32)
                    flat = jnp.minimum(jnp.maximum(flat, 0), G - 1)
                    idxc[pl.ds(g * L, L)] = flat
                    return _
                lax.fori_loop(0, CH // L, group_body, None)

                pltpu.make_async_copy(z_hbm.at[pl.ds(0, CH)], zbuf,
                                      gsem).wait()
                pltpu.sync_copy(zbuf, accum.at[idxc], add=True)

                @pl.when(j < NCH - 1)
                def _prefetch():
                    pltpu.async_copy(
                        z_hbm.at[pl.ds(b * N + base + (j + 1) * CH, CH)],
                        zbuf, gsem)

                pltpu.sync_copy(lbuf, counts.at[idxc], add=True)
                return _
            lax.fori_loop(0, NCH, chunk_body, None)

            plsc.subcore_barrier()

            for h in range(ROWS_PER_TILE // CH):
                row0 = t * ROWS_PER_TILE + h * CH
                pltpu.sync_copy(accum.at[pl.ds(row0, CH)], zbuf)
                pltpu.sync_copy(counts.at[pl.ds(row0, CH)], cbuf)
                pltpu.sync_copy(lat_hbm.at[pl.ds(row0, CH)], lbuf)

                def row_body(r, _):
                    cnt = cbuf[r, pl.ds(0, L)]
                    rec = jnp.where(cnt >= 1.0,
                                    1.0 / jnp.maximum(cnt, 1.0), 0.0)
                    for cc in range(D // L):
                        s = zbuf[r, pl.ds(cc * L, L)]
                        zbuf[r, pl.ds(cc * L, L)] = (
                            s * rec + lbuf[r, pl.ds(cc * L, L)])
                    return _
                lax.fori_loop(0, CH, row_body, None)

                pltpu.sync_copy(zbuf, out_hbm.at[pl.ds(b * G + row0, CH)])
                if kk < B_PER_CORE - 1:
                    fill(cbuf, zero16)
                    pltpu.sync_copy(cbuf, accum.at[pl.ds(row0, CH)])
                    pltpu.sync_copy(cbuf, counts.at[pl.ds(row0, CH)])

    return k(xt_flat, z2, latf)


def kernel(x, z, latents):
    m, n, _ = x.shape
    axes = [jnp.linspace(0.0, 1.0, p) for p in (P0, P1)]
    mesh_xy = jnp.meshgrid(*axes, indexing="ij")
    grid = jnp.stack(mesh_xy, axis=-1)
    x_grid = jnp.broadcast_to(grid[None], (m, P0, P1, 2))

    xt_flat = jnp.transpose(x, (2, 0, 1)).reshape(2 * m * n)
    z2 = z.reshape(m * n, D)
    latf = latents.reshape(G, D)
    zg = _sc_grid_mean(xt_flat, z2, latf)
    z_grid = zg.reshape(m, P0, P1, D)
    return (x_grid, z_grid)

# --- scband reference (transcript-rebuilt; emitter-appended) ---
"""Pipeline reference for scband-average-grid-encoder-70257075028518 (READ-ONLY COPY).

The authoritative reference and input builder live on the scoring server;
editing this copy changes nothing except your own understanding.
"""

import jax, jax.numpy as jnp
import numpy as np

POINTS_PER_DIM = (64, 64)
GRID_RANGE = ((0.0, 1.0), (0.0, 1.0))
EMBED_DIM = 128


def construct_grid():
    axes = [jnp.linspace(lo, hi, p) for (lo, hi), p in zip(GRID_RANGE, POINTS_PER_DIM)]
    mesh = jnp.meshgrid(*axes, indexing='ij')
    return jnp.stack(mesh, axis=-1)  # [64, 64, 2]


def setup_inputs(seed: int = 0) -> dict:
    key = jax.random.key(seed)
    k1, k2, k3 = jax.random.split(key, 3)
    x = jax.random.uniform(k1, (8, 32768, 2), dtype=jnp.float32)
    z = jax.random.normal(k2, (8, 32768, EMBED_DIM), dtype=jnp.float32)
    latents = jax.random.normal(k3, POINTS_PER_DIM + (EMBED_DIM,), dtype=jnp.float32)
    return {"x": x, "z": z, "latents": latents}


def _nearest_flat_idx(x):
    # nearest grid cell on a regular grid == per-dim rounding to nearest lattice index
    idxs = []
    for d in range(len(POINTS_PER_DIM)):
        lo, hi = GRID_RANGE[d]
        p = POINTS_PER_DIM[d]
        spacing = (hi - lo) / (p - 1)
        i = jnp.clip(jnp.round((x[..., d] - lo) / spacing), 0, p - 1)
        idxs.append(i)
    flat = idxs[0] * POINTS_PER_DIM[1] + idxs[1]
    return flat.astype(jnp.int32)  # [m, n]


def reference(x, z, latents):
    m, n, _ = x.shape
    G = POINTS_PER_DIM[0] * POINTS_PER_DIM[1]
    grid = construct_grid()
    x_grid = jnp.broadcast_to(grid[None], (m,) + grid.shape)
    nearest = _nearest_flat_idx(jax.lax.stop_gradient(x))  # [m, n]
    seg = (nearest + jnp.arange(m, dtype=jnp.int32)[:, None] * G).reshape(-1)  # [m*n]
    z_flat = z.reshape(m * n, z.shape[-1])
    # scatter-add (segment mean) of point embeddings into grid cells; empty cells -> 0
    sums = jax.ops.segment_sum(z_flat, seg, num_segments=m * G)
    counts = jax.ops.segment_sum(jnp.ones((m * n,), dtype=z.dtype), seg, num_segments=m * G)
    mean = jnp.where(counts[:, None] > 0, sums / jnp.clip(counts[:, None], 1.0, None), 0.0)
    joint_grid = mean.reshape((m,) + POINTS_PER_DIM + (z.shape[-1],))
    z_grid = latents[None] + joint_grid
    return (x_grid, z_grid)

if __name__ == "__main__":
    import jax
    _d = setup_inputs()
    print(jax.jit(kernel)(*tuple(_d.values())))

</pallas_src>

<mosaic_0001>
#map = affine_map<(d0, d1) -> (0)>
#map1 = affine_map<(d0, d1) -> (0, 0)>
module attributes {stable_mosaic.version = 14 : i64} {
  func.func @k(%arg0: i32, %arg1: i32, %arg2: memref<524288xf32, #tpu.memory_space<hbm>>, %arg3: memref<262144x128xf32, #tpu.memory_space<hbm>>, %arg4: memref<4096x128xf32, #tpu.memory_space<hbm>>, %arg5: memref<32768x128xf32, #tpu.memory_space<hbm>>, %arg6: memref<128x128xf32, #tpu.memory_space<vmem>>, %arg7: memref<128x128xf32, #tpu.memory_space<vmem>>, %arg8: memref<128x128xf32, #tpu.memory_space<vmem>>, %arg9: memref<4096xf32, #tpu.memory_space<vmem>>, %arg10: memref<128xi32, #tpu.memory_space<vmem>>, %arg11: memref<!tpu.dma_semaphore, #tpu.memory_space<semaphore_mem>>, %arg12: memref<4096x128xf32, #tpu.memory_space<vmem_shared>>, %arg13: memref<4096x128xf32, #tpu.memory_space<vmem_shared>>) attributes {dimension_semantics = [#tpu.dimension_semantics<core_parallel>, #tpu.dimension_semantics<subcore_parallel>], iteration_bounds = array<i64: 2, 16>, scalar_prefetch = 0 : i64, scratch_operands = 8 : i64, tpu.core_type = #tpu.core_type<sc_vector_subcore>, window_params = [{transform_indices = #map}, {transform_indices = #map1}, {transform_indices = #map1}, {transform_indices = #map1}]} {
    %broadcast_in_dim3A = arith.constant 0.000000e+00 : f32
    %broadcast_in_dim3A_0 = vector.broadcast %broadcast_in_dim3A : f32 to vector<16xf32>
    %broadcast_in_dim3A_1 = arith.constant 1.000000e+00 : f32
    %broadcast_in_dim3A_2 = vector.broadcast %broadcast_in_dim3A_1 : f32 to vector<16xf32>
    %scan3A = arith.constant 0 : i32
    %scan3A_3 = arith.constant 128 : i32
    %scan3A_4 = arith.addi %scan3A, %scan3A_3 : i32
    %scan3A_5 = arith.constant 1 : i32
    scf.for %scan3A_263 = %scan3A to %scan3A_4 step %scan3A_5  : i32 {
      %swap3A = arith.index_cast %scan3A_263 : i32 to index
      %swap3A_264 = arith.constant 0 : index
      %swap3A_265 = tpu.vector_load %arg7[%swap3A, %swap3A_264] {strides = array<i32>} : memref<128x128xf32, #tpu.memory_space<vmem>>, vector<1x16xf32>,
      %swap3A_266 = vector.shape_cast %swap3A_265 : vector<1x16xf32> to vector<16xf32>
      %swap3A_267 = vector.shape_cast %broadcast_in_dim3A_0 : vector<16xf32> to vector<1x16xf32>
      tpu.vector_store %arg7[%swap3A, %swap3A_264], %swap3A_267 {strides = array<i32>} : memref<128x128xf32, #tpu.memory_space<vmem>>, vector<1x16xf32>,
      %swap3A_268 = arith.index_cast %scan3A_263 : i32 to index
      %swap3A_269 = arith.constant 16 : index
      %swap3A_270 = tpu.vector_load %arg7[%swap3A_268, %swap3A_269] {strides = array<i32>} : memref<128x128xf32, #tpu.memory_space<vmem>>, vector<1x16xf32>,
      %swap3A_271 = vector.shape_cast %swap3A_270 : vector<1x16xf32> to vector<16xf32>
      %swap3A_272 = vector.shape_cast %broadcast_in_dim3A_0 : vector<16xf32> to vector<1x16xf32>
      tpu.vector_store %arg7[%swap3A_268, %swap3A_269], %swap3A_272 {strides = array<i32>} : memref<128x128xf32, #tpu.memory_space<vmem>>, vector<1x16xf32>,
      %swap3A_273 = arith.index_cast %scan3A_263 : i32 to index
      %swap3A_274 = arith.constant 32 : index
      %swap3A_275 = tpu.vector_load %arg7[%swap3A_273, %swap3A_274] {strides = array<i32>} : memref<128x128xf32, #tpu.memory_space<vmem>>, vector<1x16xf32>,
      %swap3A_276 = vector.shape_cast %swap3A_275 : vector<1x16xf32> to vector<16xf32>
      %swap3A_277 = vector.shape_cast %broadcast_in_dim3A_0 : vector<16xf32> to vector<1x16xf32>
      tpu.vector_store %arg7[%swap3A_273, %swap3A_274], %swap3A_277 {strides = array<i32>} : memref<128x128xf32, #tpu.memory_space<vmem>>, vector<1x16xf32>,
      %swap3A_278 = arith.index_cast %scan3A_263 : i32 to index
      %swap3A_279 = arith.constant 48 : index
      %swap3A_280 = tpu.vector_load %arg7[%swap3A_278, %swap3A_279] {strides = array<i32>} : memref<128x128xf32, #tpu.memory_space<vmem>>, vector<1x16xf32>,
      %swap3A_281 = vector.shape_cast %swap3A_280 : vector<1x16xf32> to vector<16xf32>
      %swap3A_282 = vector.shape_cast %broadcast_in_dim3A_0 : vector<16xf32> to vector<1x16xf32>
      tpu.vector_store %arg7[%swap3A_278, %swap3A_279], %swap3A_282 {strides = array<i32>} : memref<128x128xf32, #tpu.memory_space<vmem>>, vector<1x16xf32>,
      %swap3A_283 = arith.index_cast %scan3A_263 : i32 to index
      %swap3A_284 = arith.constant 64 : index
      %swap3A_285 = tpu.vector_load %arg7[%swap3A_283, %swap3A_284] {strides = array<i32>} : memref<128x128xf32, #tpu.memory_space<vmem>>, vector<1x16xf32>,
      %swap3A_286 = vector.shape_cast %swap3A_285 : vector<1x16xf32> to vector<16xf32>
      %swap3A_287 = vector.shape_cast %broadcast_in_dim3A_0 : vector<16xf32> to vector<1x16xf32>
      tpu.vector_store %arg7[%swap3A_283, %swap3A_284], %swap3A_287 {strides = array<i32>} : memref<128x128xf32, #tpu.memory_space<vmem>>, vector<1x16xf32>,
      %swap3A_288 = arith.index_cast %scan3A_263 : i32 to index
      %swap3A_289 = arith.constant 80 : index
      %swap3A_290 = tpu.vector_load %arg7[%swap3A_288, %swap3A_289] {strides = array<i32>} : memref<128x128xf32, #tpu.memory_space<vmem>>, vector<1x16xf32>,
      %swap3A_291 = vector.shape_cast %swap3A_290 : vector<1x16xf32> to vector<16xf32>
      %swap3A_292 = vector.shape_cast %broadcast_in_dim3A_0 : vector<16xf32> to vector<1x16xf32>
      tpu.vector_store %arg7[%swap3A_288, %swap3A_289], %swap3A_292 {strides = array<i32>} : memref<128x128xf32, #tpu.memory_space<vmem>>, vector<1x16xf32>,
      %swap3A_293 = arith.index_cast %scan3A_263 : i32 to index
      %swap3A_294 = arith.constant 96 : index
      %swap3A_295 = tpu.vector_load %arg7[%swap3A_293, %swap3A_294] {strides = array<i32>} : memref<128x128xf32, #tpu.memory_space<vmem>>, vector<1x16xf32>,
      %swap3A_296 = vector.shape_cast %swap3A_295 : vector<1x16xf32> to vector<16xf32>
      %swap3A_297 = vector.shape_cast %broadcast_in_dim3A_0 : vector<16xf32> to vector<1x16xf32>
      tpu.vector_store %arg7[%swap3A_293, %swap3A_294], %swap3A_297 {strides = array<i32>} : memref<128x128xf32, #tpu.memory_space<vmem>>, vector<1x16xf32>,
      %swap3A_298 = arith.index_cast %scan3A_263 : i32 to index
      %swap3A_299 = arith.constant 112 : index
      %swap3A_300 = tpu.vector_load %arg7[%swap3A_298, %swap3A_299] {strides = array<i32>} : memref<128x128xf32, #tpu.memory_space<vmem>>, vector<1x16xf32>,
      %swap3A_301 = vector.shape_cast %swap3A_300 : vector<1x16xf32> to vector<16xf32>
      %swap3A_302 = vector.shape_cast %broadcast_in_dim3A_0 : vector<16xf32> to vector<1x16xf32>
      tpu.vector_store %arg7[%swap3A_298, %swap3A_299], %swap3A_302 {strides = array<i32>} : memref<128x128xf32, #tpu.memory_space<vmem>>, vector<1x16xf32>,
    }
    %scan3A_6 = arith.constant 128 : i32
    %mul3A = arith.constant 256 : i32
    %mul3A_7 = arith.muli %arg1, %mul3A : i32
    %add3A = arith.constant 0 : i32
    %add3A_8 = arith.addi %mul3A_7, %add3A : i32
    "tpu.region"() ({
      %run_scoped3A = tpu.sem_alloc : memref<!tpu.dma_semaphore, #tpu.memory_space<semaphore_mem>>
      %dma_start3A_263 = arith.constant 0 : i32
      %dma_start3A_264 = tpu.memref_slice %arg12[%add3A_8, %dma_start3A_263] : memref<4096x128xf32, #tpu.memory_space<vmem_shared>> -> memref<128x128xf32, #tpu.memory_space<vmem_shared>>
      %dma_start3A_265 = arith.constant 0 : i32
      %dma_start3A_266 = tpu.memref_slice %arg12[%add3A_8, %dma_start3A_265] : memref<4096x128xf32, #tpu.memory_space<vmem_shared>> -> memref<128x128xf32, #tpu.memory_space<vmem_shared>>
      tpu.enqueue_dma source(%arg7 : memref<128x128xf32, #tpu.memory_space<vmem>>) target(%dma_start3A_266 : memref<128x128xf32, #tpu.memory_space<vmem_shared>>) target_semaphore(%run_scoped3A : memref<!tpu.dma_semaphore, #tpu.memory_space<semaphore_mem>>)
      %dma_wait3A = arith.constant 0 : i32
      %dma_wait3A_267 = tpu.memref_slice %arg12[%add3A_8, %dma_wait3A] : memref<4096x128xf32, #tpu.memory_space<vmem_shared>> -> memref<128x128xf32, #tpu.memory_space<vmem_shared>>
      %dma_wait3A_268 = arith.constant 0 : i32
      %dma_wait3A_269 = tpu.memref_slice %arg12[%add3A_8, %dma_wait3A_268] : memref<4096x128xf32, #tpu.memory_space<vmem_shared>> -> memref<128x128xf32, #tpu.memory_space<vmem_shared>>
      tpu.wait_dma2 semaphore(%run_scoped3A : memref<!tpu.dma_semaphore, #tpu.memory_space<semaphore_mem>>) src(%arg7 : memref<128x128xf32, #tpu.memory_space<vmem>>) dst(%dma_wait3A_269 : memref<128x128xf32, #tpu.memory_space<vmem_shared>>)
      tpu.yield
    }) : () -> ()
    "tpu.region"() ({
      %run_scoped3A = tpu.sem_alloc : memref<!tpu.dma_semaphore, #tpu.memory_space<semaphore_mem>>
      %dma_start3A_263 = arith.constant 0 : i32
      %dma_start3A_264 = tpu.memref_slice %arg13[%add3A_8, %dma_start3A_263] : memref<4096x128xf32, #tpu.memory_space<vmem_shared>> -> memref<128x128xf32, #tpu.memory_space<vmem_shared>>
      %dma_start3A_265 = arith.constant 0 : i32
      %dma_start3A_266 = tpu.memref_slice %arg13[%add3A_8, %dma_start3A_265] : memref<4096x128xf32, #tpu.memory_space<vmem_shared>> -> memref<128x128xf32, #tpu.memory_space<vmem_shared>>
      tpu.enqueue_dma source(%arg7 : memref<128x128xf32, #tpu.memory_space<vmem>>) target(%dma_start3A_266 : memref<128x128xf32, #tpu.memory_space<vmem_shared>>) target_semaphore(%run_scoped3A : memref<!tpu.dma_semaphore, #tpu.memory_space<semaphore_mem>>)
      %dma_wait3A = arith.constant 0 : i32
      %dma_wait3A_267 = tpu.memref_slice %arg13[%add3A_8, %dma_wait3A] : memref<4096x128xf32, #tpu.memory_space<vmem_shared>> -> memref<128x128xf32, #tpu.memory_space<vmem_shared>>
      %dma_wait3A_268 = arith.constant 0 : i32
      %dma_wait3A_269 = tpu.memref_slice %arg13[%add3A_8, %dma_wait3A_268] : memref<4096x128xf32, #tpu.memory_space<vmem_shared>> -> memref<128x128xf32, #tpu.memory_space<vmem_shared>>
      tpu.wait_dma2 semaphore(%run_scoped3A : memref<!tpu.dma_semaphore, #tpu.memory_space<semaphore_mem>>) src(%arg7 : memref<128x128xf32, #tpu.memory_space<vmem>>) dst(%dma_wait3A_269 : memref<128x128xf32, #tpu.memory_space<vmem_shared>>)
      tpu.yield
    }) : () -> ()
    %mul3A_9 = arith.constant 256 : i32
    %mul3A_10 = arith.muli %arg1, %mul3A_9 : i32
    %add3A_11 = arith.constant 128 : i32
    %add3A_12 = arith.addi %mul3A_10, %add3A_11 : i32
    "tpu.region"() ({
      %run_scoped3A = tpu.sem_alloc : memref<!tpu.dma_semaphore, #tpu.memory_space<semaphore_mem>>
      %dma_start3A_263 = arith.constant 0 : i32
      %dma_start3A_264 = tpu.memref_slice %arg12[%add3A_12, %dma_start3A_263] : memref<4096x128xf32, #tpu.memory_space<vmem_shared>> -> memref<128x128xf32, #tpu.memory_space<vmem_shared>>
      %dma_start3A_265 = arith.constant 0 : i32
      %dma_start3A_266 = tpu.memref_slice %arg12[%add3A_12, %dma_start3A_265] : memref<4096x128xf32, #tpu.memory_space<vmem_shared>> -> memref<128x128xf32, #tpu.memory_space<vmem_shared>>
      tpu.enqueue_dma source(%arg7 : memref<128x128xf32, #tpu.memory_space<vmem>>) target(%dma_start3A_266 : memref<128x128xf32, #tpu.memory_space<vmem_shared>>) target_semaphore(%run_scoped3A : memref<!tpu.dma_semaphore, #tpu.memory_space<semaphore_mem>>)
      %dma_wait3A = arith.constant 0 : i32
      %dma_wait3A_267 = tpu.memref_slice %arg12[%add3A_12, %dma_wait3A] : memref<4096x128xf32, #tpu.memory_space<vmem_shared>> -> memref<128x128xf32, #tpu.memory_space<vmem_shared>>
      %dma_wait3A_268 = arith.constant 0 : i32
      %dma_wait3A_269 = tpu.memref_slice %arg12[%add3A_12, %dma_wait3A_268] : memref<4096x128xf32, #tpu.memory_space<vmem_shared>> -> memref<128x128xf32, #tpu.memory_space<vmem_shared>>
      tpu.wait_dma2 semaphore(%run_scoped3A : memref<!tpu.dma_semaphore, #tpu.memory_space<semaphore_mem>>) src(%arg7 : memref<128x128xf32, #tpu.memory_space<vmem>>) dst(%dma_wait3A_269 : memref<128x128xf32, #tpu.memory_space<vmem_shared>>)
      tpu.yield
    }) : () -> ()
    "tpu.region"() ({
      %run_scoped3A = tpu.sem_alloc : memref<!tpu.dma_semaphore, #tpu.memory_space<semaphore_mem>>
      %dma_start3A_263 = arith.constant 0 : i32
      %dma_start3A_264 = tpu.memref_slice %arg13[%add3A_12, %dma_start3A_263] : memref<4096x128xf32, #tpu.memory_space<vmem_shared>> -> memref<128x128xf32, #tpu.memory_space<vmem_shared>>
      %dma_start3A_265 = arith.constant 0 : i32
      %dma_start3A_266 = tpu.memref_slice %arg13[%add3A_12, %dma_start3A_265] : memref<4096x128xf32, #tpu.memory_space<vmem_shared>> -> memref<128x128xf32, #tpu.memory_space<vmem_shared>>
      tpu.enqueue_dma source(%arg7 : memref<128x128xf32, #tpu.memory_space<vmem>>) target(%dma_start3A_266 : memref<128x128xf32, #tpu.memory_space<vmem_shared>>) target_semaphore(%run_scoped3A : memref<!tpu.dma_semaphore, #tpu.memory_space<semaphore_mem>>)
      %dma_wait3A = arith.constant 0 : i32
      %dma_wait3A_267 = tpu.memref_slice %arg13[%add3A_12, %dma_wait3A] : memref<4096x128xf32, #tpu.memory_space<vmem_shared>> -> memref<128x128xf32, #tpu.memory_space<vmem_shared>>
      %dma_wait3A_268 = arith.constant 0 : i32
      %dma_wait3A_269 = tpu.memref_slice %arg13[%add3A_12, %dma_wait3A_268] : memref<4096x128xf32, #tpu.memory_space<vmem_shared>> -> memref<128x128xf32, #tpu.memory_space<vmem_shared>>
      tpu.wait_dma2 semaphore(%run_scoped3A : memref<!tpu.dma_semaphore, #tpu.memory_space<semaphore_mem>>) src(%arg7 : memref<128x128xf32, #tpu.memory_space<vmem>>) dst(%dma_wait3A_269 : memref<128x128xf32, #tpu.memory_space<vmem_shared>>)
      tpu.yield
    }) : () -> ()
    %mul3A_13 = arith.constant 2048 : i32
    %mul3A_14 = arith.muli %arg1, %mul3A_13 : i32
    %mul3A_15 = arith.constant 4 : i32
    %mul3A_16 = arith.muli %arg0, %mul3A_15 : i32
    %add3A_17 = arith.constant 0 : i32
    %add3A_18 = arith.addi %mul3A_16, %add3A_17 : i32
    %barrier3A = arith.constant 0 : index
    tpu.barrier barrier_id(%barrier3A)
    %scan3A_19 = arith.constant 0 : i32
    %scan3A_20 = arith.constant 128 : i32
    %scan3A_21 = arith.addi %scan3A_19, %scan3A_20 : i32
    %scan3A_22 = arith.constant 1 : i32
    scf.for %scan3A_263 = %scan3A_19 to %scan3A_21 step %scan3A_22  : i32 {
      %swap3A = arith.index_cast %scan3A_263 : i32 to index
      %swap3A_264 = arith.constant 0 : index
      %swap3A_265 = tpu.vector_load %arg8[%swap3A, %swap3A_264] {strides = array<i32>} : memref<128x128xf32, #tpu.memory_space<vmem>>, vector<1x16xf32>,
      %swap3A_266 = vector.shape_cast %swap3A_265 : vector<1x16xf32> to vector<16xf32>
      %swap3A_267 = vector.shape_cast %broadcast_in_dim3A_2 : vector<16xf32> to vector<1x16xf32>
      tpu.vector_store %arg8[%swap3A, %swap3A_264], %swap3A_267 {strides = array<i32>} : memref<128x128xf32, #tpu.memory_space<vmem>>, vector<1x16xf32>,
      %swap3A_268 = arith.index_cast %scan3A_263 : i32 to index
      %swap3A_269 = arith.constant 16 : index
      %swap3A_270 = tpu.vector_load %arg8[%swap3A_268, %swap3A_269] {strides = array<i32>} : memref<128x128xf32, #tpu.memory_space<vmem>>, vector<1x16xf32>,
      %swap3A_271 = vector.shape_cast %swap3A_270 : vector<1x16xf32> to vector<16xf32>
      %swap3A_272 = vector.shape_cast %broadcast_in_dim3A_2 : vector<16xf32> to vector<1x16xf32>
      tpu.vector_store %arg8[%swap3A_268, %swap3A_269], %swap3A_272 {strides = array<i32>} : memref<128x128xf32, #tpu.memory_space<vmem>>, vector<1x16xf32>,
      %swap3A_273 = arith.index_cast %scan3A_263 : i32 to index
      %swap3A_274 = arith.constant 32 : index
      %swap3A_275 = tpu.vector_load %arg8[%swap3A_273, %swap3A_274] {strides = array<i32>} : memref<128x128xf32, #tpu.memory_space<vmem>>, vector<1x16xf32>,
      %swap3A_276 = vector.shape_cast %swap3A_275 : vector<1x16xf32> to vector<16xf32>
      %swap3A_277 = vector.shape_cast %broadcast_in_dim3A_2 : vector<16xf32> to vector<1x16xf32>
      tpu.vector_store %arg8[%swap3A_273, %swap3A_274], %swap3A_277 {strides = array<i32>} : memref<128x128xf32, #tpu.memory_space<vmem>>, vector<1x16xf32>,
      %swap3A_278 = arith.index_cast %scan3A_263 : i32 to index
      %swap3A_279 = arith.constant 48 : index
      %swap3A_280 = tpu.vector_load %arg8[%swap3A_278, %swap3A_279] {strides = array<i32>} : memref<128x128xf32, #tpu.memory_space<vmem>>, vector<1x16xf32>,
      %swap3A_281 = vector.shape_cast %swap3A_280 : vector<1x16xf32> to vector<16xf32>
      %swap3A_282 = vector.shape_cast %broadcast_in_dim3A_2 : vector<16xf32> to vector<1x16xf32>
      tpu.vector_store %arg8[%swap3A_278, %swap3A_279], %swap3A_282 {strides = array<i32>} : memref<128x128xf32, #tpu.memory_space<vmem>>, vector<1x16xf32>,
      %swap3A_283 = arith.index_cast %scan3A_263 : i32 to index
      %swap3A_284 = arith.constant 64 : index
      %swap3A_285 = tpu.vector_load %arg8[%swap3A_283, %swap3A_284] {strides = array<i32>} : memref<128x128xf32, #tpu.memory_space<vmem>>, vector<1x16xf32>,
      %swap3A_286 = vector.shape_cast %swap3A_285 : vector<1x16xf32> to vector<16xf32>
      %swap3A_287 = vector.shape_cast %broadcast_in_dim3A_2 : vector<16xf32> to vector<1x16xf32>
      tpu.vector_store %arg8[%swap3A_283, %swap3A_284], %swap3A_287 {strides = array<i32>} : memref<128x128xf32, #tpu.memory_space<vmem>>, vector<1x16xf32>,
      %swap3A_288 = arith.index_cast %scan3A_263 : i32 to index
      %swap3A_289 = arith.constant 80 : index
      %swap3A_290 = tpu.vector_load %arg8[%swap3A_288, %swap3A_289] {strides = array<i32>} : memref<128x128xf32, #tpu.memory_space<vmem>>, vector<1x16xf32>,
      %swap3A_291 = vector.shape_cast %swap3A_290 : vector<1x16xf32> to vector<16xf32>
      %swap3A_292 = vector.shape_cast %broadcast_in_dim3A_2 : vector<16xf32> to vector<1x16xf32>
      tpu.vector_store %arg8[%swap3A_288, %swap3A_289], %swap3A_292 {strides = array<i32>} : memref<128x128xf32, #tpu.memory_space<vmem>>, vector<1x16xf32>,
      %swap3A_293 = arith.index_cast %scan3A_263 : i32 to index
      %swap3A_294 = arith.constant 96 : index
      %swap3A_295 = tpu.vector_load %arg8[%swap3A_293, %swap3A_294] {strides = array<i32>} : memref<128x128xf32, #tpu.memory_space<vmem>>, vector<1x16xf32>,
      %swap3A_296 = vector.shape_cast %swap3A_295 : vector<1x16xf32> to vector<16xf32>
      %swap3A_297 = vector.shape_cast %broadcast_in_dim3A_2 : vector<16xf32> to vector<1x16xf32>
      tpu.vector_store %arg8[%swap3A_293, %swap3A_294], %swap3A_297 {strides = array<i32>} : memref<128x128xf32, #tpu.memory_space<vmem>>, vector<1x16xf32>,
      %swap3A_298 = arith.index_cast %scan3A_263 : i32 to index
      %swap3A_299 = arith.constant 112 : index
      %swap3A_300 = tpu.vector_load %arg8[%swap3A_298, %swap3A_299] {strides = array<i32>} : memref<128x128xf32, #tpu.memory_space<vmem>>, vector<1x16xf32>,
      %swap3A_301 = vector.shape_cast %swap3A_300 : vector<1x16xf32> to vector<16xf32>
      %swap3A_302 = vector.shape_cast %broadcast_in_dim3A_2 : vector<16xf32> to vector<1x16xf32>
      tpu.vector_store %arg8[%swap3A_298, %swap3A_299], %swap3A_302 {strides = array<i32>} : memref<128x128xf32, #tpu.memory_space<vmem>>, vector<1x16xf32>,
    }
    %scan3A_23 = arith.constant 128 : i32
    %mul3A_24 = arith.constant 32768 : i32
    %mul3A_25 = arith.muli %add3A_18, %mul3A_24 : i32
    %add3A_26 = arith.addi %mul3A_25, %mul3A_14 : i32
    "tpu.region"() ({
      %run_scoped3A = tpu.sem_alloc : memref<!tpu.dma_semaphore, #tpu.memory_space<semaphore_mem>>
      %dma_start3A_263 = arith.constant 0 : i32
      %dma_start3A_264 = tpu.memref_slice %arg9[%dma_start3A_263] : memref<4096xf32, #tpu.memory_space<vmem>> -> memref<2048xf32, #tpu.memory_space<vmem>>
      %dma_start3A_265 = tpu.memref_slice %arg2[%add3A_26] : memref<524288xf32, #tpu.memory_space<hbm>> -> memref<2048xf32, #tpu.memory_space<hbm>>
      %dma_start3A_266 = arith.constant 0 : i32
      %dma_start3A_267 = tpu.memref_slice %arg9[%dma_start3A_266] : memref<4096xf32, #tpu.memory_space<vmem>> -> memref<2048xf32, #tpu.memory_space<vmem>>
      %dma_start3A_268 = tpu.memref_slice %arg2[%add3A_26] : memref<524288xf32, #tpu.memory_space<hbm>> -> memref<2048xf32, #tpu.memory_space<hbm>>
      tpu.enqueue_dma source(%dma_start3A_268 : memref<2048xf32, #tpu.memory_space<hbm>>) target(%dma_start3A_267 : memref<2048xf32, #tpu.memory_space<vmem>>) target_semaphore(%run_scoped3A : memref<!tpu.dma_semaphore, #tpu.memory_space<semaphore_mem>>)
      %dma_wait3A = arith.constant 0 : i32
      %dma_wait3A_269 = tpu.memref_slice %arg9[%dma_wait3A] : memref<4096xf32, #tpu.memory_space<vmem>> -> memref<2048xf32, #tpu.memory_space<vmem>>
      %dma_wait3A_270 = tpu.memref_slice %arg2[%add3A_26] : memref<524288xf32, #tpu.memory_space<hbm>> -> memref<2048xf32, #tpu.memory_space<hbm>>
      %dma_wait3A_271 = arith.constant 0 : i32
      %dma_wait3A_272 = tpu.memref_slice %arg9[%dma_wait3A_271] : memref<4096xf32, #tpu.memory_space<vmem>> -> memref<2048xf32, #tpu.memory_space<vmem>>
      %dma_wait3A_273 = tpu.memref_slice %arg2[%add3A_26] : memref<524288xf32, #tpu.memory_space<hbm>> -> memref<2048xf32, #tpu.memory_space<hbm>>
      tpu.wait_dma2 semaphore(%run_scoped3A : memref<!tpu.dma_semaphore, #tpu.memory_space<semaphore_mem>>) src(%dma_wait3A_273 : memref<2048xf32, #tpu.memory_space<hbm>>) dst(%dma_wait3A_272 : memref<2048xf32, #tpu.memory_space<vmem>>)
      tpu.yield
    }) : () -> ()
    %mul3A_27 = arith.constant 32768 : i32
    %mul3A_28 = arith.muli %add3A_18, %mul3A_27 : i32
    %add3A_29 = arith.constant 262144 : i32
    %add3A_30 = arith.addi %add3A_29, %mul3A_28 : i32
    %add3A_31 = arith.addi %add3A_30, %mul3A_14 : i32
    "tpu.region"() ({
      %run_scoped3A = tpu.sem_alloc : memref<!tpu.dma_semaphore, #tpu.memory_space<semaphore_mem>>
      %dma_start3A_263 = arith.constant 2048 : i32
      %dma_start3A_264 = tpu.memref_slice %arg9[%dma_start3A_263] : memref<4096xf32, #tpu.memory_space<vmem>> -> memref<2048xf32, #tpu.memory_space<vmem>>
      %dma_start3A_265 = tpu.memref_slice %arg2[%add3A_31] : memref<524288xf32, #tpu.memory_space<hbm>> -> memref<2048xf32, #tpu.memory_space<hbm>>
      %dma_start3A_266 = arith.constant 2048 : i32
      %dma_start3A_267 = tpu.memref_slice %arg9[%dma_start3A_266] : memref<4096xf32, #tpu.memory_space<vmem>> -> memref<2048xf32, #tpu.memory_space<vmem>>
      %dma_start3A_268 = tpu.memref_slice %arg2[%add3A_31] : memref<524288xf32, #tpu.memory_space<hbm>> -> memref<2048xf32, #tpu.memory_space<hbm>>
      tpu.enqueue_dma source(%dma_start3A_268 : memref<2048xf32, #tpu.memory_space<hbm>>) target(%dma_start3A_267 : memref<2048xf32, #tpu.memory_space<vmem>>) target_semaphore(%run_scoped3A : memref<!tpu.dma_semaphore, #tpu.memory_space<semaphore_mem>>)
      %dma_wait3A = arith.constant 2048 : i32
      %dma_wait3A_269 = tpu.memref_slice %arg9[%dma_wait3A] : memref<4096xf32, #tpu.memory_space<vmem>> -> memref<2048xf32, #tpu.memory_space<vmem>>
      %dma_wait3A_270 = tpu.memref_slice %arg2[%add3A_31] : memref<524288xf32, #tpu.memory_space<hbm>> -> memref<2048xf32, #tpu.memory_space<hbm>>
      %dma_wait3A_271 = arith.constant 2048 : i32
      %dma_wait3A_272 = tpu.memref_slice %arg9[%dma_wait3A_271] : memref<4096xf32, #tpu.memory_space<vmem>> -> memref<2048xf32, #tpu.memory_space<vmem>>
      %dma_wait3A_273 = tpu.memref_slice %arg2[%add3A_31] : memref<524288xf32, #tpu.memory_space<hbm>> -> memref<2048xf32, #tpu.memory_space<hbm>>
      tpu.wait_dma2 semaphore(%run_scoped3A : memref<!tpu.dma_semaphore, #tpu.memory_space<semaphore_mem>>) src(%dma_wait3A_273 : memref<2048xf32, #tpu.memory_space<hbm>>) dst(%dma_wait3A_272 : memref<2048xf32, #tpu.memory_space<vmem>>)
      tpu.yield
    }) : () -> ()
    %mul3A_32 = arith.constant 32768 : i32
    %mul3A_33 = arith.muli %add3A_18, %mul3A_32 : i32
    %add3A_34 = arith.addi %mul3A_33, %mul3A_14 : i32
    %dma_start3A = arith.constant 0 : i32
    %dma_start3A_35 = tpu.memref_slice %arg3[%add3A_34, %dma_start3A] : memref<262144x128xf32, #tpu.memory_space<hbm>> -> memref<128x128xf32, #tpu.memory_space<hbm>>
    %dma_start3A_36 = arith.constant 0 : i32
    %dma_start3A_37 = tpu.memref_slice %arg3[%add3A_34, %dma_start3A_36] : memref<262144x128xf32, #tpu.memory_space<hbm>> -> memref<128x128xf32, #tpu.memory_space<hbm>>
    tpu.enqueue_dma source(%dma_start3A_37 : memref<128x128xf32, #tpu.memory_space<hbm>>) target(%arg6 : memref<128x128xf32, #tpu.memory_space<vmem>>) target_semaphore(%arg11 : memref<!tpu.dma_semaphore, #tpu.memory_space<semaphore_mem>>)
    %scan3A_38 = arith.constant 0 : i32
    %scan3A_39 = arith.constant 16 : i32
    %scan3A_40 = arith.addi %scan3A_38, %scan3A_39 : i32
    %scan3A_41 = arith.constant 1 : i32
    scf.for %scan3A_263 = %scan3A_38 to %scan3A_40 step %scan3A_41  : i32 {
      %scan3A_264 = arith.constant 0 : i32
      %scan3A_265 = arith.constant 8 : i32
      %scan3A_266 = arith.addi %scan3A_264, %scan3A_265 : i32
      %scan3A_267 = arith.constant 1 : i32
      scf.for %scan3A_276 = %scan3A_264 to %scan3A_266 step %scan3A_267  : i32 {
        %mul3A_277 = arith.constant 128 : i32
        %mul3A_278 = arith.muli %scan3A_263, %mul3A_277 : i32
        %mul3A_279 = arith.constant 16 : i32
        %mul3A_280 = arith.muli %scan3A_276, %mul3A_279 : i32
        %add3A_281 = arith.addi %mul3A_278, %mul3A_280 : i32
        %get3A = arith.index_cast %add3A_281 : i32 to index
        %get3A_282 = tpu.vector_load %arg9[%get3A] {strides = array<i32>} : memref<4096xf32, #tpu.memory_space<vmem>>, vector<16xf32>,
        %get3A_283 = vector.shape_cast %get3A_282 : vector<16xf32> to vector<16xf32>
        %div3A = arith.constant 0.0158730168 : f32
        %div3A_284 = vector.broadcast %div3A : f32 to vector<16xf32>
        %div3A_285 = arith.divf %get3A_283, %div3A_284 : vector<16xf32>
        %add3A_286 = arith.constant 2048 : i32
        %add3A_287 = arith.addi %add3A_286, %add3A_281 : i32
        %get3A_288 = arith.index_cast %add3A_287 : i32 to index
        %get3A_289 = tpu.vector_load %arg9[%get3A_288] {strides = array<i32>} : memref<4096xf32, #tpu.memory_space<vmem>>, vector<16xf32>,
        %get3A_290 = vector.shape_cast %get3A_289 : vector<16xf32> to vector<16xf32>
        %div3A_291 = arith.constant 0.0158730168 : f32
        %div3A_292 = vector.broadcast %div3A_291 : f32 to vector<16xf32>
        %div3A_293 = arith.divf %get3A_290, %div3A_292 : vector<16xf32>
        %add3A_294 = arith.constant 0x4B400000 : f32
        %add3A_295 = vector.broadcast %add3A_294 : f32 to vector<16xf32>
        %add3A_296 = arith.addf %div3A_285, %add3A_295 : vector<16xf32>
        %sub3A = arith.constant 0x4B400000 : f32
        %sub3A_297 = vector.broadcast %sub3A : f32 to vector<16xf32>
        %sub3A_298 = arith.subf %add3A_296, %sub3A_297 : vector<16xf32>
        %add3A_299 = arith.constant 0x4B400000 : f32
        %add3A_300 = vector.broadcast %add3A_299 : f32 to vector<16xf32>
        %add3A_301 = arith.addf %div3A_293, %add3A_300 : vector<16xf32>
        %sub3A_302 = arith.constant 0x4B400000 : f32
        %sub3A_303 = vector.broadcast %sub3A_302 : f32 to vector<16xf32>
        %sub3A_304 = arith.subf %add3A_301, %sub3A_303 : vector<16xf32>
        %max3A = arith.constant 0.000000e+00 : f32
        %max3A_305 = vector.broadcast %max3A : f32 to vector<16xf32>
        %max3A_306 = arith.maximumf %sub3A_298, %max3A_305 : vector<16xf32>
        %min3A = arith.constant 6.300000e+01 : f32
        %min3A_307 = vector.broadcast %min3A : f32 to vector<16xf32>
        %min3A_308 = arith.minimumf %max3A_306, %min3A_307 : vector<16xf32>
        %max3A_309 = arith.constant 0.000000e+00 : f32
        %max3A_310 = vector.broadcast %max3A_309 : f32 to vector<16xf32>
        %max3A_311 = arith.maximumf %sub3A_304, %max3A_310 : vector<16xf32>
        %min3A_312 = arith.constant 6.300000e+01 : f32
        %min3A_313 = vector.broadcast %min3A_312 : f32 to vector<16xf32>
        %min3A_314 = arith.minimumf %max3A_311, %min3A_313 : vector<16xf32>
        %convert_element_type3A_315 = arith.fptosi %min3A_308 : vector<16xf32> to vector<16xi32>
        %mul3A_316 = arith.constant 64 : i32
        %mul3A_317 = vector.broadcast %mul3A_316 : i32 to vector<16xi32>
        %mul3A_318 = arith.muli %convert_element_type3A_315, %mul3A_317 : vector<16xi32>
        %convert_element_type3A_319 = arith.fptosi %min3A_314 : vector<16xf32> to vector<16xi32>
        %add3A_320 = arith.addi %mul3A_318, %convert_element_type3A_319 : vector<16xi32>
        %max3A_321 = arith.constant 0 : i32
        %max3A_322 = vector.broadcast %max3A_321 : i32 to vector<16xi32>
        %max3A_323 = arith.maxsi %add3A_320, %max3A_322 : vector<16xi32>
        %min3A_324 = arith.constant 4095 : i32
        %min3A_325 = vector.broadcast %min3A_324 : i32 to vector<16xi32>
        %min3A_326 = arith.minsi %max3A_323, %min3A_325 : vector<16xi32>
        %mul3A_327 = arith.constant 16 : i32
        %mul3A_328 = arith.muli %scan3A_276, %mul3A_327 : i32
        %swap3A = arith.index_cast %mul3A_328 : i32 to index
        %swap3A_329 = tpu.vector_load %arg10[%swap3A] {strides = array<i32>} : memref<128xi32, #tpu.memory_space<vmem>>, vector<16xi32>,
        %swap3A_330 = vector.shape_cast %swap3A_329 : vector<16xi32> to vector<16xi32>
        %swap3A_331 = vector.shape_cast %min3A_326 : vector<16xi32> to vector<16xi32>
        tpu.vector_store %arg10[%swap3A], %swap3A_331 {strides = array<i32>} : memref<128xi32, #tpu.memory_space<vmem>>, vector<16xi32>,
      }
      %scan3A_268 = arith.constant 8 : i32
      %dma_wait3A = arith.constant 0 : i32
      %dma_wait3A_269 = arith.constant 0 : i32
      %dma_wait3A_270 = tpu.memref_slice %arg3[%dma_wait3A, %dma_wait3A_269] : memref<262144x128xf32, #tpu.memory_space<hbm>> -> memref<128x128xf32, #tpu.memory_space<hbm>>
      %dma_wait3A_271 = arith.constant 0 : i32
      %dma_wait3A_272 = arith.constant 0 : i32
      %dma_wait3A_273 = tpu.memref_slice %arg3[%dma_wait3A_271, %dma_wait3A_272] : memref<262144x128xf32, #tpu.memory_space<hbm>> -> memref<128x128xf32, #tpu.memory_space<hbm>>
      tpu.wait_dma2 semaphore(%arg11 : memref<!tpu.dma_semaphore, #tpu.memory_space<semaphore_mem>>) src(%dma_wait3A_273 : memref<128x128xf32, #tpu.memory_space<hbm>>) dst(%arg6 : memref<128x128xf32, #tpu.memory_space<vmem>>)
      "tpu.region"() ({
        %run_scoped3A = tpu.sem_alloc : memref<!tpu.dma_semaphore, #tpu.memory_space<semaphore_mem>>
        %dma_start3A_276 = arith.constant 0 : i32
        %dma_start3A_277 = arith.constant 0 : i32
        %dma_start3A_278 = tpu.memref_slice %arg12[%dma_start3A_276, %dma_start3A_277] : memref<4096x128xf32, #tpu.memory_space<vmem_shared>> -> memref<4096x128xf32, #tpu.memory_space<vmem_shared>>
        tpu.enqueue_indirect_dma source(%arg6 : memref<128x128xf32, #tpu.memory_space<vmem>>) target(%dma_start3A_278 : memref<4096x128xf32, #tpu.memory_space<vmem_shared>>) offsets(%arg10 : memref<128xi32, #tpu.memory_space<vmem>>) semaphore(%run_scoped3A : memref<!tpu.dma_semaphore, #tpu.memory_space<semaphore_mem>>) {add = true}
        %dma_wait3A_279 = arith.constant 0 : i32
        %dma_wait3A_280 = arith.constant 0 : i32
        %dma_wait3A_281 = tpu.memref_slice %arg12[%dma_wait3A_279, %dma_wait3A_280] : memref<4096x128xf32, #tpu.memory_space<vmem_shared>> -> memref<4096x128xf32, #tpu.memory_space<vmem_shared>>
        tpu.wait_indirect_dma semaphore(%run_scoped3A : memref<!tpu.dma_semaphore, #tpu.memory_space<semaphore_mem>>) src(%arg6 : memref<128x128xf32, #tpu.memory_space<vmem>>) dst(%dma_wait3A_281 : memref<4096x128xf32, #tpu.memory_space<vmem_shared>>)
        tpu.yield
      }) : () -> ()
      %lt3A = arith.constant 15 : i32
      %lt3A_274 = arith.cmpi slt, %scan3A_263, %lt3A : i32
      %convert_element_type3A = arith.extui %lt3A_274 : i1 to i32
      %cond3A = arith.constant 0 : i32
      %cond3A_275 = arith.cmpi ne, %convert_element_type3A, %cond3A : i32
      scf.if %cond3A_275 {
        %mul3A_276 = arith.constant 32768 : i32
        %mul3A_277 = arith.muli %add3A_18, %mul3A_276 : i32
        %add3A_278 = arith.addi %mul3A_277, %mul3A_14 : i32
        %add3A_279 = arith.constant 1 : i32
        %add3A_280 = arith.addi %scan3A_263, %add3A_279 : i32
        %mul3A_281 = arith.constant 128 : i32
        %mul3A_282 = arith.muli %add3A_280, %mul3A_281 : i32
        %add3A_283 = arith.addi %add3A_278, %mul3A_282 : i32
        %dma_start3A_284 = arith.constant 0 : i32
        %dma_start3A_285 = tpu.memref_slice %arg3[%add3A_283, %dma_start3A_284] : memref<262144x128xf32, #tpu.memory_space<hbm>> -> memref<128x128xf32, #tpu.memory_space<hbm>>
        %dma_start3A_286 = arith.constant 0 : i32
        %dma_start3A_287 = tpu.memref_slice %arg3[%add3A_283, %dma_start3A_286] : memref<262144x128xf32, #tpu.memory_space<hbm>> -> memref<128x128xf32, #tpu.memory_space<hbm>>
        tpu.enqueue_dma source(%dma_start3A_287 : memref<128x128xf32, #tpu.memory_space<hbm>>) target(%arg6 : memref<128x128xf32, #tpu.memory_space<vmem>>) target_semaphore(%arg11 : memref<!tpu.dma_semaphore, #tpu.memory_space<semaphore_mem>>)
      } else {
      }
      "tpu.region"() ({
        %run_scoped3A = tpu.sem_alloc : memref<!tpu.dma_semaphore, #tpu.memory_space<semaphore_mem>>
        %dma_start3A_276 = arith.constant 0 : i32
        %dma_start3A_277 = arith.constant 0 : i32
        %dma_start3A_278 = tpu.memref_slice %arg13[%dma_start3A_276, %dma_start3A_277] : memref<4096x128xf32, #tpu.memory_space<vmem_shared>> -> memref<4096x128xf32, #tpu.memory_space<vmem_shared>>
        tpu.enqueue_indirect_dma source(%arg8 : memref<128x128xf32, #tpu.memory_space<vmem>>) target(%dma_start3A_278 : memref<4096x128xf32, #tpu.memory_space<vmem_shared>>) offsets(%arg10 : memref<128xi32, #tpu.memory_space<vmem>>) semaphore(%run_scoped3A : memref<!tpu.dma_semaphore, #tpu.memory_space<semaphore_mem>>) {add = true}
        %dma_wait3A_279 = arith.constant 0 : i32
        %dma_wait3A_280 = arith.constant 0 : i32
        %dma_wait3A_281 = tpu.memref_slice %arg13[%dma_wait3A_279, %dma_wait3A_280] : memref<4096x128xf32, #tpu.memory_space<vmem_shared>> -> memref<4096x128xf32, #tpu.memory_space<vmem_shared>>
        tpu.wait_indirect_dma semaphore(%run_scoped3A : memref<!tpu.dma_semaphore, #tpu.memory_space<semaphore_mem>>) src(%arg8 : memref<128x128xf32, #tpu.memory_space<vmem>>) dst(%dma_wait3A_281 : memref<4096x128xf32, #tpu.memory_space<vmem_shared>>)
        tpu.yield
      }) : () -> ()
    }
    %scan3A_42 = arith.constant 16 : i32
    %barrier3A_43 = arith.constant 0 : index
    tpu.barrier barrier_id(%barrier3A_43)
    %mul3A_44 = arith.constant 256 : i32
    %mul3A_45 = arith.muli %arg1, %mul3A_44 : i32
    %add3A_46 = arith.constant 0 : i32
    %add3A_47 = arith.addi %mul3A_45, %add3A_46 : i32
    "tpu.region"() ({
      %run_scoped3A = tpu.sem_alloc : memref<!tpu.dma_semaphore, #tpu.memory_space<semaphore_mem>>
      %dma_start3A_263 = arith.constant 0 : i32
      %dma_start3A_264 = tpu.memref_slice %arg12[%add3A_47, %dma_start3A_263] : memref<4096x128xf32, #tpu.memory_space<vmem_shared>> -> memref<128x128xf32, #tpu.memory_space<vmem_shared>>
      %dma_start3A_265 = arith.constant 0 : i32
      %dma_start3A_266 = tpu.memref_slice %arg12[%add3A_47, %dma_start3A_265] : memref<4096x128xf32, #tpu.memory_space<vmem_shared>> -> memref<128x128xf32, #tpu.memory_space<vmem_shared>>
      tpu.enqueue_dma source(%dma_start3A_266 : memref<128x128xf32, #tpu.memory_space<vmem_shared>>) target(%arg6 : memref<128x128xf32, #tpu.memory_space<vmem>>) target_semaphore(%run_scoped3A : memref<!tpu.dma_semaphore, #tpu.memory_space<semaphore_mem>>)
      %dma_wait3A = arith.constant 0 : i32
      %dma_wait3A_267 = tpu.memref_slice %arg12[%add3A_47, %dma_wait3A] : memref<4096x128xf32, #tpu.memory_space<vmem_shared>> -> memref<128x128xf32, #tpu.memory_space<vmem_shared>>
      %dma_wait3A_268 = arith.constant 0 : i32
      %dma_wait3A_269 = tpu.memref_slice %arg12[%add3A_47, %dma_wait3A_268] : memref<4096x128xf32, #tpu.memory_space<vmem_shared>> -> memref<128x128xf32, #tpu.memory_space<vmem_shared>>
      tpu.wait_dma2 semaphore(%run_scoped3A : memref<!tpu.dma_semaphore, #tpu.memory_space<semaphore_mem>>) src(%dma_wait3A_269 : memref<128x128xf32, #tpu.memory_space<vmem_shared>>) dst(%arg6 : memref<128x128xf32, #tpu.memory_space<vmem>>)
      tpu.yield
    }) : () -> ()
    "tpu.region"() ({
      %run_scoped3A = tpu.sem_alloc : memref<!tpu.dma_semaphore, #tpu.memory_space<semaphore_mem>>
      %dma_start3A_263 = arith.constant 0 : i32
      %dma_start3A_264 = tpu.memref_slice %arg13[%add3A_47, %dma_start3A_263] : memref<4096x128xf32, #tpu.memory_space<vmem_shared>> -> memref<128x128xf32, #tpu.memory_space<vmem_shared>>
      %dma_start3A_265 = arith.constant 0 : i32
      %dma_start3A_266 = tpu.memref_slice %arg13[%add3A_47, %dma_start3A_265] : memref<4096x128xf32, #tpu.memory_space<vmem_shared>> -> memref<128x128xf32, #tpu.memory_space<vmem_shared>>
      tpu.enqueue_dma source(%dma_start3A_266 : memref<128x128xf32, #tpu.memory_space<vmem_shared>>) target(%arg7 : memref<128x128xf32, #tpu.memory_space<vmem>>) target_semaphore(%run_scoped3A : memref<!tpu.dma_semaphore, #tpu.memory_space<semaphore_mem>>)
      %dma_wait3A = arith.constant 0 : i32
      %dma_wait3A_267 = tpu.memref_slice %arg13[%add3A_47, %dma_wait3A] : memref<4096x128xf32, #tpu.memory_space<vmem_shared>> -> memref<128x128xf32, #tpu.memory_space<vmem_shared>>
      %dma_wait3A_268 = arith.constant 0 : i32
      %dma_wait3A_269 = tpu.memref_slice %arg13[%add3A_47, %dma_wait3A_268] : memref<4096x128xf32, #tpu.memory_space<vmem_shared>> -> memref<128x128xf32, #tpu.memory_space<vmem_shared>>
      tpu.wait_dma2 semaphore(%run_scoped3A : memref<!tpu.dma_semaphore, #tpu.memory_space<semaphore_mem>>) src(%dma_wait3A_269 : memref<128x128xf32, #tpu.memory_space<vmem_shared>>) dst(%arg7 : memref<128x128xf32, #tpu.memory_space<vmem>>)
      tpu.yield
    }) : () -> ()
    "tpu.region"() ({
      %run_scoped3A = tpu.sem_alloc : memref<!tpu.dma_semaphore, #tpu.memory_space<semaphore_mem>>
      %dma_start3A_263 = arith.constant 0 : i32
      %dma_start3A_264 = tpu.memref_slice %arg4[%add3A_47, %dma_start3A_263] : memref<4096x128xf32, #tpu.memory_space<hbm>> -> memref<128x128xf32, #tpu.memory_space<hbm>>
      %dma_start3A_265 = arith.constant 0 : i32
      %dma_start3A_266 = tpu.memref_slice %arg4[%add3A_47, %dma_start3A_265] : memref<4096x128xf32, #tpu.memory_space<hbm>> -> memref<128x128xf32, #tpu.memory_space<hbm>>
      tpu.enqueue_dma source(%dma_start3A_266 : memref<128x128xf32, #tpu.memory_space<hbm>>) target(%arg8 : memref<128x128xf32, #tpu.memory_space<vmem>>) target_semaphore(%run_scoped3A : memref<!tpu.dma_semaphore, #tpu.memory_space<semaphore_mem>>)
      %dma_wait3A = arith.constant 0 : i32
      %dma_wait3A_267 = tpu.memref_slice %arg4[%add3A_47, %dma_wait3A] : memref<4096x128xf32, #tpu.memory_space<hbm>> -> memref<128x128xf32, #tpu.memory_space<hbm>>
      %dma_wait3A_268 = arith.constant 0 : i32
      %dma_wait3A_269 = tpu.memref_slice %arg4[%add3A_47, %dma_wait3A_268] : memref<4096x128xf32, #tpu.memory_space<hbm>> -> memref<128x128xf32, #tpu.memory_space<hbm>>
      tpu.wait_dma2 semaphore(%run_scoped3A : memref<!tpu.dma_semaphore, #tpu.memory_space<semaphore_mem>>) src(%dma_wait3A_269 : memref<128x128xf32, #tpu.memory_space<hbm>>) dst(%arg8 : memref<128x128xf32, #tpu.memory_space<vmem>>)
      tpu.yield
    }) : () -> ()
    %scan3A_48 = arith.constant 0 : i32
    %scan3A_49 = arith.constant 128 : i32
    %scan3A_50 = arith.addi %scan3A_48, %scan3A_49 : i32
    %scan3A_51 = arith.constant 1 : i32
    scf.for %scan3A_263 = %scan3A_48 to %scan3A_50 step %scan3A_51  : i32 {
      %get3A = arith.index_cast %scan3A_263 : i32 to index
      %get3A_264 = arith.constant 0 : index
      %get3A_265 = tpu.vector_load %arg7[%get3A, %get3A_264] {strides = array<i32>} : memref<128x128xf32, #tpu.memory_space<vmem>>, vector<1x16xf32>,
      %get3A_266 = vector.shape_cast %get3A_265 : vector<1x16xf32> to vector<16xf32>
      %ge3A = arith.constant 1.000000e+00 : f32
      %ge3A_267 = vector.broadcast %ge3A : f32 to vector<16xf32>
      %ge3A_268 = arith.cmpf oge, %get3A_266, %ge3A_267 : vector<16xf32>
      %max3A = arith.constant 1.000000e+00 : f32
      %max3A_269 = vector.broadcast %max3A : f32 to vector<16xf32>
      %max3A_270 = arith.maximumf %get3A_266, %max3A_269 : vector<16xf32>
      %div3A = arith.constant 1.000000e+00 : f32
      %div3A_271 = vector.broadcast %div3A : f32 to vector<16xf32>
      %div3A_272 = arith.divf %div3A_271, %max3A_270 : vector<16xf32>
      %jit3A = arith.constant 0.000000e+00 : f32
      %broadcast_in_dim3A_273 = vector.broadcast %jit3A : f32 to vector<16xf32>
      %select_n3A = arith.select %ge3A_268, %div3A_272, %broadcast_in_dim3A_273 : vector<16xi1>, vector<16xf32>
      %get3A_274 = arith.index_cast %scan3A_263 : i32 to index
      %get3A_275 = arith.constant 0 : index
      %get3A_276 = tpu.vector_load %arg6[%get3A_274, %get3A_275] {strides = array<i32>} : memref<128x128xf32, #tpu.memory_space<vmem>>, vector<1x16xf32>,
      %get3A_277 = vector.shape_cast %get3A_276 : vector<1x16xf32> to vector<16xf32>
      %mul3A_278 = arith.mulf %get3A_277, %select_n3A : vector<16xf32>
      %get3A_279 = arith.index_cast %scan3A_263 : i32 to index
      %get3A_280 = arith.constant 0 : index
      %get3A_281 = tpu.vector_load %arg8[%get3A_279, %get3A_280] {strides = array<i32>} : memref<128x128xf32, #tpu.memory_space<vmem>>, vector<1x16xf32>,
      %get3A_282 = vector.shape_cast %get3A_281 : vector<1x16xf32> to vector<16xf32>
      %add3A_283 = arith.addf %mul3A_278, %get3A_282 : vector<16xf32>
      %swap3A = arith.index_cast %scan3A_263 : i32 to index
      %swap3A_284 = arith.constant 0 : index
      %swap3A_285 = tpu.vector_load %arg6[%swap3A, %swap3A_284] {strides = array<i32>} : memref<128x128xf32, #tpu.memory_space<vmem>>, vector<1x16xf32>,
      %swap3A_286 = vector.shape_cast %swap3A_285 : vector<1x16xf32> to vector<16xf32>
      %swap3A_287 = vector.shape_cast %add3A_283 : vector<16xf32> to vector<1x16xf32>
      tpu.vector_store %arg6[%swap3A, %swap3A_284], %swap3A_287 {strides = array<i32>} : memref<128x128xf32, #tpu.memory_space<vmem>>, vector<1x16xf32>,
      %get3A_288 = arith.index_cast %scan3A_263 : i32 to index
      %get3A_289 = arith.constant 16 : index
      %get3A_290 = tpu.vector_load %arg6[%get3A_288, %get3A_289] {strides = array<i32>} : memref<128x128xf32, #tpu.memory_space<vmem>>, vector<1x16xf32>,
      %get3A_291 = vector.shape_cast %get3A_290 : vector<1x16xf32> to vector<16xf32>
      %mul3A_292 = arith.mulf %get3A_291, %select_n3A : vector<16xf32>
      %get3A_293 = arith.index_cast %scan3A_263 : i32 to index
      %get3A_294 = arith.constant 16 : index
      %get3A_295 = tpu.vector_load %arg8[%get3A_293, %get3A_294] {strides = array<i32>} : memref<128x128xf32, #tpu.memory_space<vmem>>, vector<1x16xf32>,
      %get3A_296 = vector.shape_cast %get3A_295 : vector<1x16xf32> to vector<16xf32>
      %add3A_297 = arith.addf %mul3A_292, %get3A_296 : vector<16xf32>
      %swap3A_298 = arith.index_cast %scan3A_263 : i32 to index
      %swap3A_299 = arith.constant 16 : index
      %swap3A_300 = tpu.vector_load %arg6[%swap3A_298, %swap3A_299] {strides = array<i32>} : memref<128x128xf32, #tpu.memory_space<vmem>>, vector<1x16xf32>,
      %swap3A_301 = vector.shape_cast %swap3A_300 : vector<1x16xf32> to vector<16xf32>
      %swap3A_302 = vector.shape_cast %add3A_297 : vector<16xf32> to vector<1x16xf32>
      tpu.vector_store %arg6[%swap3A_298, %swap3A_299], %swap3A_302 {strides = array<i32>} : memref<128x128xf32, #tpu.memory_space<vmem>>, vector<1x16xf32>,
      %get3A_303 = arith.index_cast %scan3A_263 : i32 to index
      %get3A_304 = arith.constant 32 : index
      %get3A_305 = tpu.vector_load %arg6[%get3A_303, %get3A_304] {strides = array<i32>} : memref<128x128xf32, #tpu.memory_space<vmem>>, vector<1x16xf32>,
      %get3A_306 = vector.shape_cast %get3A_305 : vector<1x16xf32> to vector<16xf32>
      %mul3A_307 = arith.mulf %get3A_306, %select_n3A : vector<16xf32>
      %get3A_308 = arith.index_cast %scan3A_263 : i32 to index
      %get3A_309 = arith.constant 32 : index
      %get3A_310 = tpu.vector_load %arg8[%get3A_308, %get3A_309] {strides = array<i32>} : memref<128x128xf32, #tpu.memory_space<vmem>>, vector<1x16xf32>,
      %get3A_311 = vector.shape_cast %get3A_310 : vector<1x16xf32> to vector<16xf32>
      %add3A_312 = arith.addf %mul3A_307, %get3A_311 : vector<16xf32>
      %swap3A_313 = arith.index_cast %scan3A_263 : i32 to index
      %swap3A_314 = arith.constant 32 : index
      %swap3A_315 = tpu.vector_load %arg6[%swap3A_313, %swap3A_314] {strides = array<i32>} : memref<128x128xf32, #tpu.memory_space<vmem>>, vector<1x16xf32>,
      %swap3A_316 = vector.shape_cast %swap3A_315 : vector<1x16xf32> to vector<16xf32>
      %swap3A_317 = vector.shape_cast %add3A_312 : vector<16xf32> to vector<1x16xf32>
      tpu.vector_store %arg6[%swap3A_313, %swap3A_314], %swap3A_317 {strides = array<i32>} : memref<128x128xf32, #tpu.memory_space<vmem>>, vector<1x16xf32>,
      %get3A_318 = arith.index_cast %scan3A_263 : i32 to index
      %get3A_319 = arith.constant 48 : index
      %get3A_320 = tpu.vector_load %arg6[%get3A_318, %get3A_319] {strides = array<i32>} : memref<128x128xf32, #tpu.memory_space<vmem>>, vector<1x16xf32>,
      %get3A_321 = vector.shape_cast %get3A_320 : vector<1x16xf32> to vector<16xf32>
      %mul3A_322 = arith.mulf %get3A_321, %select_n3A : vector<16xf32>
      %get3A_323 = arith.index_cast %scan3A_263 : i32 to index
      %get3A_324 = arith.constant 48 : index
      %get3A_325 = tpu.vector_load %arg8[%get3A_323, %get3A_324] {strides = array<i32>} : memref<128x128xf32, #tpu.memory_space<vmem>>, vector<1x16xf32>,
      %get3A_326 = vector.shape_cast %get3A_325 : vector<1x16xf32> to vector<16xf32>
      %add3A_327 = arith.addf %mul3A_322, %get3A_326 : vector<16xf32>
      %swap3A_328 = arith.index_cast %scan3A_263 : i32 to index
      %swap3A_329 = arith.constant 48 : index
      %swap3A_330 = tpu.vector_load %arg6[%swap3A_328, %swap3A_329] {strides = array<i32>} : memref<128x128xf32, #tpu.memory_space<vmem>>, vector<1x16xf32>,
      %swap3A_331 = vector.shape_cast %swap3A_330 : vector<1x16xf32> to vector<16xf32>
      %swap3A_332 = vector.shape_cast %add3A_327 : vector<16xf32> to vector<1x16xf32>
      tpu.vector_store %arg6[%swap3A_328, %swap3A_329], %swap3A_332 {strides = array<i32>} : memref<128x128xf32, #tpu.memory_space<vmem>>, vector<1x16xf32>,
      %get3A_333 = arith.index_cast %scan3A_263 : i32 to index
      %get3A_334 = arith.constant 64 : index
      %get3A_335 = tpu.vector_load %arg6[%get3A_333, %get3A_334] {strides = array<i32>} : memref<128x128xf32, #tpu.memory_space<vmem>>, vector<1x16xf32>,
      %get3A_336 = vector.shape_cast %get3A_335 : vector<1x16xf32> to vector<16xf32>
      %mul3A_337 = arith.mulf %get3A_336, %select_n3A : vector<16xf32>
      %get3A_338 = arith.index_cast %scan3A_263 : i32 to index
      %get3A_339 = arith.constant 64 : index
      %get3A_340 = tpu.vector_load %arg8[%get3A_338, %get3A_339] {strides = array<i32>} : memref<128x128xf32, #tpu.memory_space<vmem>>, vector<1x16xf32>,
      %get3A_341 = vector.shape_cast %get3A_340 : vector<1x16xf32> to vector<16xf32>
      %add3A_342 = arith.addf %mul3A_337, %get3A_341 : vector<16xf32>
      %swap3A_343 = arith.index_cast %scan3A_263 : i32 to index
      %swap3A_344 = arith.constant 64 : index
      %swap3A_345 = tpu.vector_load %arg6[%swap3A_343, %swap3A_344] {strides = array<i32>} : memref<128x128xf32, #tpu.memory_space<vmem>>, vector<1x16xf32>,
      %swap3A_346 = vector.shape_cast %swap3A_345 : vector<1x16xf32> to vector<16xf32>
      %swap3A_347 = vector.shape_cast %add3A_342 : vector<16xf32> to vector<1x16xf32>
      tpu.vector_store %arg6[%swap3A_343, %swap3A_344], %swap3A_347 {strides = array<i32>} : memref<128x128xf32, #tpu.memory_space<vmem>>, vector<1x16xf32>,
      %get3A_348 = arith.index_cast %scan3A_263 : i32 to index
      %get3A_349 = arith.constant 80 : index
      %get3A_350 = tpu.vector_load %arg6[%get3A_348, %get3A_349] {strides = array<i32>} : memref<128x128xf32, #tpu.memory_space<vmem>>, vector<1x16xf32>,
      %get3A_351 = vector.shape_cast %get3A_350 : vector<1x16xf32> to vector<16xf32>
      %mul3A_352 = arith.mulf %get3A_351, %select_n3A : vector<16xf32>
      %get3A_353 = arith.index_cast %scan3A_263 : i32 to index
      %get3A_354 = arith.constant 80 : index
      %get3A_355 = tpu.vector_load %arg8[%get3A_353, %get3A_354] {strides = array<i32>} : memref<128x128xf32, #tpu.memory_space<vmem>>, vector<1x16xf32>,
      %get3A_356 = vector.shape_cast %get3A_355 : vector<1x16xf32> to vector<16xf32>
      %add3A_357 = arith.addf %mul3A_352, %get3A_356 : vector<16xf32>
      %swap3A_358 = arith.index_cast %scan3A_263 : i32 to index
      %swap3A_359 = arith.constant 80 : index
      %swap3A_360 = tpu.vector_load %arg6[%swap3A_358, %swap3A_359] {strides = array<i32>} : memref<128x128xf32, #tpu.memory_space<vmem>>, vector<1x16xf32>,
      %swap3A_361 = vector.shape_cast %swap3A_360 : vector<1x16xf32> to vector<16xf32>
      %swap3A_362 = vector.shape_cast %add3A_357 : vector<16xf32> to vector<1x16xf32>
      tpu.vector_store %arg6[%swap3A_358, %swap3A_359], %swap3A_362 {strides = array<i32>} : memref<128x128xf32, #tpu.memory_space<vmem>>, vector<1x16xf32>,
      %get3A_363 = arith.index_cast %scan3A_263 : i32 to index
      %get3A_364 = arith.constant 96 : index
      %get3A_365 = tpu.vector_load %arg6[%get3A_363, %get3A_364] {strides = array<i32>} : memref<128x128xf32, #tpu.memory_space<vmem>>, vector<1x16xf32>,
      %get3A_366 = vector.shape_cast %get3A_365 : vector<1x16xf32> to vector<16xf32>
      %mul3A_367 = arith.mulf %get3A_366, %select_n3A : vector<16xf32>
      %get3A_368 = arith.index_cast %scan3A_263 : i32 to index
      %get3A_369 = arith.constant 96 : index
      %get3A_370 = tpu.vector_load %arg8[%get3A_368, %get3A_369] {strides = array<i32>} : memref<128x128xf32, #tpu.memory_space<vmem>>, vector<1x16xf32>,
      %get3A_371 = vector.shape_cast %get3A_370 : vector<1x16xf32> to vector<16xf32>
      %add3A_372 = arith.addf %mul3A_367, %get3A_371 : vector<16xf32>
      %swap3A_373 = arith.index_cast %scan3A_263 : i32 to index
      %swap3A_374 = arith.constant 96 : index
      %swap3A_375 = tpu.vector_load %arg6[%swap3A_373, %swap3A_374] {strides = array<i32>} : memref<128x128xf32, #tpu.memory_space<vmem>>, vector<1x16xf32>,
      %swap3A_376 = vector.shape_cast %swap3A_375 : vector<1x16xf32> to vector<16xf32>
      %swap3A_377 = vector.shape_cast %add3A_372 : vector<16xf32> to vector<1x16xf32>
      tpu.vector_store %arg6[%swap3A_373, %swap3A_374], %swap3A_377 {strides = array<i32>} : memref<128x128xf32, #tpu.memory_space<vmem>>, vector<1x16xf32>,
      %get3A_378 = arith.index_cast %scan3A_263 : i32 to index
      %get3A_379 = arith.constant 112 : index
      %get3A_380 = tpu.vector_load %arg6[%get3A_378, %get3A_379] {strides = array<i32>} : memref<128x128xf32, #tpu.memory_space<vmem>>, vector<1x16xf32>,
      %get3A_381 = vector.shape_cast %get3A_380 : vector<1x16xf32> to vector<16xf32>
      %mul3A_382 = arith.mulf %get3A_381, %select_n3A : vector<16xf32>
      %get3A_383 = arith.index_cast %scan3A_263 : i32 to index
      %get3A_384 = arith.constant 112 : index
      %get3A_385 = tpu.vector_load %arg8[%get3A_383, %get3A_384] {strides = array<i32>} : memref<128x128xf32, #tpu.memory_space<vmem>>, vector<1x16xf32>,
      %get3A_386 = vector.shape_cast %get3A_385 : vector<1x16xf32> to vector<16xf32>
      %add3A_387 = arith.addf %mul3A_382, %get3A_386 : vector<16xf32>
      %swap3A_388 = arith.index_cast %scan3A_263 : i32 to index
      %swap3A_389 = arith.constant 112 : index
      %swap3A_390 = tpu.vector_load %arg6[%swap3A_388, %swap3A_389] {strides = array<i32>} : memref<128x128xf32, #tpu.memory_space<vmem>>, vector<1x16xf32>,
      %swap3A_391 = vector.shape_cast %swap3A_390 : vector<1x16xf32> to vector<16xf32>
      %swap3A_392 = vector.shape_cast %add3A_387 : vector<16xf32> to vector<1x16xf32>
      tpu.vector_store %arg6[%swap3A_388, %swap3A_389], %swap3A_392 {strides = array<i32>} : memref<128x128xf32, #tpu.memory_space<vmem>>, vector<1x16xf32>,
    }
    %scan3A_52 = arith.constant 128 : i32
    %mul3A_53 = arith.constant 4096 : i32
    %mul3A_54 = arith.muli %add3A_18, %mul3A_53 : i32
    %add3A_55 = arith.addi %mul3A_54, %add3A_47 : i32
    "tpu.region"() ({
      %run_scoped3A = tpu.sem_alloc : memref<!tpu.dma_semaphore, #tpu.memory_space<semaphore_mem>>
      %dma_start3A_263 = arith.constant 0 : i32
      %dma_start3A_264 = tpu.memref_slice %arg5[%add3A_55, %dma_start3A_263] : memref<32768x128xf32, #tpu.memory_space<hbm>> -> memref<128x128xf32, #tpu.memory_space<hbm>>
      %dma_start3A_265 = arith.constant 0 : i32
      %dma_start3A_266 = tpu.memref_slice %arg5[%add3A_55, %dma_start3A_265] : memref<32768x128xf32, #tpu.memory_space<hbm>> -> memref<128x128xf32, #tpu.memory_space<hbm>>
      tpu.enqueue_dma source(%arg6 : memref<128x128xf32, #tpu.memory_space<vmem>>) target(%dma_start3A_266 : memref<128x128xf32, #tpu.memory_space<hbm>>) target_semaphore(%run_scoped3A : memref<!tpu.dma_semaphore, #tpu.memory_space<semaphore_mem>>)
      %dma_wait3A = arith.constant 0 : i32
      %dma_wait3A_267 = tpu.memref_slice %arg5[%add3A_55, %dma_wait3A] : memref<32768x128xf32, #tpu.memory_space<hbm>> -> memref<128x128xf32, #tpu.memory_space<hbm>>
      %dma_wait3A_268 = arith.constant 0 : i32
      %dma_wait3A_269 = tpu.memref_slice %arg5[%add3A_55, %dma_wait3A_268] : memref<32768x128xf32, #tpu.memory_space<hbm>> -> memref<128x128xf32, #tpu.memory_space<hbm>>
      tpu.wait_dma2 semaphore(%run_scoped3A : memref<!tpu.dma_semaphore, #tpu.memory_space<semaphore_mem>>) src(%arg6 : memref<128x128xf32, #tpu.memory_space<vmem>>) dst(%dma_wait3A_269 : memref<128x128xf32, #tpu.memory_space<hbm>>)
      tpu.yield
    }) : () -> ()
    %scan3A_56 = arith.constant 0 : i32
    %scan3A_57 = arith.constant 128 : i32
    %scan3A_58 = arith.addi %scan3A_56, %scan3A_57 : i32
    %scan3A_59 = arith.constant 1 : i32
    scf.for %scan3A_263 = %scan3A_56 to %scan3A_58 step %scan3A_59  : i32 {
      %swap3A = arith.index_cast %scan3A_263 : i32 to index
      %swap3A_264 = arith.constant 0 : index
      %swap3A_265 = tpu.vector_load %arg7[%swap3A, %swap3A_264] {strides = array<i32>} : memref<128x128xf32, #tpu.memory_space<vmem>>, vector<1x16xf32>,
      %swap3A_266 = vector.shape_cast %swap3A_265 : vector<1x16xf32> to vector<16xf32>
      %swap3A_267 = vector.shape_cast %broadcast_in_dim3A_0 : vector<16xf32> to vector<1x16xf32>
      tpu.vector_store %arg7[%swap3A, %swap3A_264], %swap3A_267 {strides = array<i32>} : memref<128x128xf32, #tpu.memory_space<vmem>>, vector<1x16xf32>,
      %swap3A_268 = arith.index_cast %scan3A_263 : i32 to index
      %swap3A_269 = arith.constant 16 : index
      %swap3A_270 = tpu.vector_load %arg7[%swap3A_268, %swap3A_269] {strides = array<i32>} : memref<128x128xf32, #tpu.memory_space<vmem>>, vector<1x16xf32>,
      %swap3A_271 = vector.shape_cast %swap3A_270 : vector<1x16xf32> to vector<16xf32>
      %swap3A_272 = vector.shape_cast %broadcast_in_dim3A_0 : vector<16xf32> to vector<1x16xf32>
      tpu.vector_store %arg7[%swap3A_268, %swap3A_269], %swap3A_272 {strides = array<i32>} : memref<128x128xf32, #tpu.memory_space<vmem>>, vector<1x16xf32>,
      %swap3A_273 = arith.index_cast %scan3A_263 : i32 to index
      %swap3A_274 = arith.constant 32 : index
      %swap3A_275 = tpu.vector_load %arg7[%swap3A_273, %swap3A_274] {strides = array<i32>} : memref<128x128xf32, #tpu.memory_space<vmem>>, vector<1x16xf32>,
      %swap3A_276 = vector.shape_cast %swap3A_275 : vector<1x16xf32> to vector<16xf32>
      %swap3A_277 = vector.shape_cast %broadcast_in_dim3A_0 : vector<16xf32> to vector<1x16xf32>
      tpu.vector_store %arg7[%swap3A_273, %swap3A_274], %swap3A_277 {strides = array<i32>} : memref<128x128xf32, #tpu.memory_space<vmem>>, vector<1x16xf32>,
      %swap3A_278 = arith.index_cast %scan3A_263 : i32 to index
      %swap3A_279 = arith.constant 48 : index
      %swap3A_280 = tpu.vector_load %arg7[%swap3A_278, %swap3A_279] {strides = array<i32>} : memref<128x128xf32, #tpu.memory_space<vmem>>, vector<1x16xf32>,
      %swap3A_281 = vector.shape_cast %swap3A_280 : vector<1x16xf32> to vector<16xf32>
      %swap3A_282 = vector.shape_cast %broadcast_in_dim3A_0 : vector<16xf32> to vector<1x16xf32>
      tpu.vector_store %arg7[%swap3A_278, %swap3A_279], %swap3A_282 {strides = array<i32>} : memref<128x128xf32, #tpu.memory_space<vmem>>, vector<1x16xf32>,
      %swap3A_283 = arith.index_cast %scan3A_263 : i32 to index
      %swap3A_284 = arith.constant 64 : index
      %swap3A_285 = tpu.vector_load %arg7[%swap3A_283, %swap3A_284] {strides = array<i32>} : memref<128x128xf32, #tpu.memory_space<vmem>>, vector<1x16xf32>,
      %swap3A_286 = vector.shape_cast %swap3A_285 : vector<1x16xf32> to vector<16xf32>
      %swap3A_287 = vector.shape_cast %broadcast_in_dim3A_0 : vector<16xf32> to vector<1x16xf32>
      tpu.vector_store %arg7[%swap3A_283, %swap3A_284], %swap3A_287 {strides = array<i32>} : memref<128x128xf32, #tpu.memory_space<vmem>>, vector<1x16xf32>,
      %swap3A_288 = arith.index_cast %scan3A_263 : i32 to index
      %swap3A_289 = arith.constant 80 : index
      %swap3A_290 = tpu.vector_load %arg7[%swap3A_288, %swap3A_289] {strides = array<i32>} : memref<128x128xf32, #tpu.memory_space<vmem>>, vector<1x16xf32>,
      %swap3A_291 = vector.shape_cast %swap3A_290 : vector<1x16xf32> to vector<16xf32>
      %swap3A_292 = vector.shape_cast %broadcast_in_dim3A_0 : vector<16xf32> to vector<1x16xf32>
      tpu.vector_store %arg7[%swap3A_288, %swap3A_289], %swap3A_292 {strides = array<i32>} : memref<128x128xf32, #tpu.memory_space<vmem>>, vector<1x16xf32>,
      %swap3A_293 = arith.index_cast %scan3A_263 : i32 to index
      %swap3A_294 = arith.constant 96 : index
      %swap3A_295 = tpu.vector_load %arg7[%swap3A_293, %swap3A_294] {strides = array<i32>} : memref<128x128xf32, #tpu.memory_space<vmem>>, vector<1x16xf32>,
      %swap3A_296 = vector.shape_cast %swap3A_295 : vector<1x16xf32> to vector<16xf32>
      %swap3A_297 = vector.shape_cast %broadcast_in_dim3A_0 : vector<16xf32> to vector<1x16xf32>
      tpu.vector_store %arg7[%swap3A_293, %swap3A_294], %swap3A_297 {strides = array<i32>} : memref<128x128xf32, #tpu.memory_space<vmem>>, vector<1x16xf32>,
      %swap3A_298 = arith.index_cast %scan3A_263 : i32 to index
      %swap3A_299 = arith.constant 112 : index
      %swap3A_300 = tpu.vector_load %arg7[%swap3A_298, %swap3A_299] {strides = array<i32>} : memref<128x128xf32, #tpu.memory_space<vmem>>, vector<1x16xf32>,
      %swap3A_301 = vector.shape_cast %swap3A_300 : vector<1x16xf32> to vector<16xf32>
      %swap3A_302 = vector.shape_cast %broadcast_in_dim3A_0 : vector<16xf32> to vector<1x16xf32>
      tpu.vector_store %arg7[%swap3A_298, %swap3A_299], %swap3A_302 {strides = array<i32>} : memref<128x128xf32, #tpu.memory_space<vmem>>, vector<1x16xf32>,
    }
    %scan3A_60 = arith.constant 128 : i32
    "tpu.region"() ({
      %run_scoped3A = tpu.sem_alloc : memref<!tpu.dma_semaphore, #tpu.memory_space<semaphore_mem>>
      %dma_start3A_263 = arith.constant 0 : i32
      %dma_start3A_264 = tpu.memref_slice %arg12[%add3A_47, %dma_start3A_263] : memref<4096x128xf32, #tpu.memory_space<vmem_shared>> -> memref<128x128xf32, #tpu.memory_space<vmem_shared>>
      %dma_start3A_265 = arith.constant 0 : i32
      %dma_start3A_266 = tpu.memref_slice %arg12[%add3A_47, %dma_start3A_265] : memref<4096x128xf32, #tpu.memory_space<vmem_shared>> -> memref<128x128xf32, #tpu.memory_space<vmem_shared>>
      tpu.enqueue_dma source(%arg7 : memref<128x128xf32, #tpu.memory_space<vmem>>) target(%dma_start3A_266 : memref<128x128xf32, #tpu.memory_space<vmem_shared>>) target_semaphore(%run_scoped3A : memref<!tpu.dma_semaphore, #tpu.memory_space<semaphore_mem>>)
      %dma_wait3A = arith.constant 0 : i32
      %dma_wait3A_267 = tpu.memref_slice %arg12[%add3A_47, %dma_wait3A] : memref<4096x128xf32, #tpu.memory_space<vmem_shared>> -> memref<128x128xf32, #tpu.memory_space<vmem_shared>>
      %dma_wait3A_268 = arith.constant 0 : i32
      %dma_wait3A_269 = tpu.memref_slice %arg12[%add3A_47, %dma_wait3A_268] : memref<4096x128xf32, #tpu.memory_space<vmem_shared>> -> memref<128x128xf32, #tpu.memory_space<vmem_shared>>
      tpu.wait_dma2 semaphore(%run_scoped3A : memref<!tpu.dma_semaphore, #tpu.memory_space<semaphore_mem>>) src(%arg7 : memref<128x128xf32, #tpu.memory_space<vmem>>) dst(%dma_wait3A_269 : memref<128x128xf32, #tpu.memory_space<vmem_shared>>)
      tpu.yield
    }) : () -> ()
    "tpu.region"() ({
      %run_scoped3A = tpu.sem_alloc : memref<!tpu.dma_semaphore, #tpu.memory_space<semaphore_mem>>
      %dma_start3A_263 = arith.constant 0 : i32
      %dma_start3A_264 = tpu.memref_slice %arg13[%add3A_47, %dma_start3A_263] : memref<4096x128xf32, #tpu.memory_space<vmem_shared>> -> memref<128x128xf32, #tpu.memory_space<vmem_shared>>
      %dma_start3A_265 = arith.constant 0 : i32
      %dma_start3A_266 = tpu.memref_slice %arg13[%add3A_47, %dma_start3A_265] : memref<4096x128xf32, #tpu.memory_space<vmem_shared>> -> memref<128x128xf32, #tpu.memory_space<vmem_shared>>
      tpu.enqueue_dma source(%arg7 : memref<128x128xf32, #tpu.memory_space<vmem>>) target(%dma_start3A_266 : memref<128x128xf32, #tpu.memory_space<vmem_shared>>) target_semaphore(%run_scoped3A : memref<!tpu.dma_semaphore, #tpu.memory_space<semaphore_mem>>)
      %dma_wait3A = arith.constant 0 : i32
      %dma_wait3A_267 = tpu.memref_slice %arg13[%add3A_47, %dma_wait3A] : memref<4096x128xf32, #tpu.memory_space<vmem_shared>> -> memref<128x128xf32, #tpu.memory_space<vmem_shared>>
      %dma_wait3A_268 = arith.constant 0 : i32
      %dma_wait3A_269 = tpu.memref_slice %arg13[%add3A_47, %dma_wait3A_268] : memref<4096x128xf32, #tpu.memory_space<vmem_shared>> -> memref<128x128xf32, #tpu.memory_space<vmem_shared>>
      tpu.wait_dma2 semaphore(%run_scoped3A : memref<!tpu.dma_semaphore, #tpu.memory_space<semaphore_mem>>) src(%arg7 : memref<128x128xf32, #tpu.memory_space<vmem>>) dst(%dma_wait3A_269 : memref<128x128xf32, #tpu.memory_space<vmem_shared>>)
      tpu.yield
    }) : () -> ()
    %mul3A_61 = arith.constant 256 : i32
    %mul3A_62 = arith.muli %arg1, %mul3A_61 : i32
    %add3A_63 = arith.constant 128 : i32
    %add3A_64 = arith.addi %mul3A_62, %add3A_63 : i32
    "tpu.region"() ({
      %run_scoped3A = tpu.sem_alloc : memref<!tpu.dma_semaphore, #tpu.memory_space<semaphore_mem>>
      %dma_start3A_263 = arith.constant 0 : i32
      %dma_start3A_264 = tpu.memref_slice %arg12[%add3A_64, %dma_start3A_263] : memref<4096x128xf32, #tpu.memory_space<vmem_shared>> -> memref<128x128xf32, #tpu.memory_space<vmem_shared>>
      %dma_start3A_265 = arith.constant 0 : i32
      %dma_start3A_266 = tpu.memref_slice %arg12[%add3A_64, %dma_start3A_265] : memref<4096x128xf32, #tpu.memory_space<vmem_shared>> -> memref<128x128xf32, #tpu.memory_space<vmem_shared>>
      tpu.enqueue_dma source(%dma_start3A_266 : memref<128x128xf32, #tpu.memory_space<vmem_shared>>) target(%arg6 : memref<128x128xf32, #tpu.memory_space<vmem>>) target_semaphore(%run_scoped3A : memref<!tpu.dma_semaphore, #tpu.memory_space<semaphore_mem>>)
      %dma_wait3A = arith.constant 0 : i32
      %dma_wait3A_267 = tpu.memref_slice %arg12[%add3A_64, %dma_wait3A] : memref<4096x128xf32, #tpu.memory_space<vmem_shared>> -> memref<128x128xf32, #tpu.memory_space<vmem_shared>>
      %dma_wait3A_268 = arith.constant 0 : i32
      %dma_wait3A_269 = tpu.memref_slice %arg12[%add3A_64, %dma_wait3A_268] : memref<4096x128xf32, #tpu.memory_space<vmem_shared>> -> memref<128x128xf32, #tpu.memory_space<vmem_shared>>
      tpu.wait_dma2 semaphore(%run_scoped3A : memref<!tpu.dma_semaphore, #tpu.memory_space<semaphore_mem>>) src(%dma_wait3A_269 : memref<128x128xf32, #tpu.memory_space<vmem_shared>>) dst(%arg6 : memref<128x128xf32, #tpu.memory_space<vmem>>)
      tpu.yield
    }) : () -> ()
    "tpu.region"() ({
      %run_scoped3A = tpu.sem_alloc : memref<!tpu.dma_semaphore, #tpu.memory_space<semaphore_mem>>
      %dma_start3A_263 = arith.constant 0 : i32
      %dma_start3A_264 = tpu.memref_slice %arg13[%add3A_64, %dma_start3A_263] : memref<4096x128xf32, #tpu.memory_space<vmem_shared>> -> memref<128x128xf32, #tpu.memory_space<vmem_shared>>
      %dma_start3A_265 = arith.constant 0 : i32
      %dma_start3A_266 = tpu.memref_slice %arg13[%add3A_64, %dma_start3A_265] : memref<4096x128xf32, #tpu.memory_space<vmem_shared>> -> memref<128x128xf32, #tpu.memory_space<vmem_shared>>
      tpu.enqueue_dma source(%dma_start3A_266 : memref<128x128xf32, #tpu.memory_space<vmem_shared>>) target(%arg7 : memref<128x128xf32, #tpu.memory_space<vmem>>) target_semaphore(%run_scoped3A : memref<!tpu.dma_semaphore, #tpu.memory_space<semaphore_mem>>)
      %dma_wait3A = arith.constant 0 : i32
      %dma_wait3A_267 = tpu.memref_slice %arg13[%add3A_64, %dma_wait3A] : memref<4096x128xf32, #tpu.memory_space<vmem_shared>> -> memref<128x128xf32, #tpu.memory_space<vmem_shared>>
      %dma_wait3A_268 = arith.constant 0 : i32
      %dma_wait3A_269 = tpu.memref_slice %arg13[%add3A_64, %dma_wait3A_268] : memref<4096x128xf32, #tpu.memory_space<vmem_shared>> -> memref<128x128xf32, #tpu.memory_space<vmem_shared>>
      tpu.wait_dma2 semaphore(%run_scoped3A : memref<!tpu.dma_semaphore, #tpu.memory_space<semaphore_mem>>) src(%dma_wait3A_269 : memref<128x128xf32, #tpu.memory_space<vmem_shared>>) dst(%arg7 : memref<128x128xf32, #tpu.memory_space<vmem>>)
      tpu.yield
    }) : () -> ()
    "tpu.region"() ({
      %run_scoped3A = tpu.sem_alloc : memref<!tpu.dma_semaphore, #tpu.memory_space<semaphore_mem>>
      %dma_start3A_263 = arith.constant 0 : i32
      %dma_start3A_264 = tpu.memref_slice %arg4[%add3A_64, %dma_start3A_263] : memref<4096x128xf32, #tpu.memory_space<hbm>> -> memref<128x128xf32, #tpu.memory_space<hbm>>
      %dma_start3A_265 = arith.constant 0 : i32
      %dma_start3A_266 = tpu.memref_slice %arg4[%add3A_64, %dma_start3A_265] : memref<4096x128xf32, #tpu.memory_space<hbm>> -> memref<128x128xf32, #tpu.memory_space<hbm>>
      tpu.enqueue_dma source(%dma_start3A_266 : memref<128x128xf32, #tpu.memory_space<hbm>>) target(%arg8 : memref<128x128xf32, #tpu.memory_space<vmem>>) target_semaphore(%run_scoped3A : memref<!tpu.dma_semaphore, #tpu.memory_space<semaphore_mem>>)
      %dma_wait3A = arith.constant 0 : i32
      %dma_wait3A_267 = tpu.memref_slice %arg4[%add3A_64, %dma_wait3A] : memref<4096x128xf32, #tpu.memory_space<hbm>> -> memref<128x128xf32, #tpu.memory_space<hbm>>
      %dma_wait3A_268 = arith.constant 0 : i32
      %dma_wait3A_269 = tpu.memref_slice %arg4[%add3A_64, %dma_wait3A_268] : memref<4096x128xf32, #tpu.memory_space<hbm>> -> memref<128x128xf32, #tpu.memory_space<hbm>>
      tpu.wait_dma2 semaphore(%run_scoped3A : memref<!tpu.dma_semaphore, #tpu.memory_space<semaphore_mem>>) src(%dma_wait3A_269 : memref<128x128xf32, #tpu.memory_space<hbm>>) dst(%arg8 : memref<128x128xf32, #tpu.memory_space<vmem>>)
      tpu.yield
    }) : () -> ()
    %scan3A_65 = arith.constant 0 : i32
    %scan3A_66 = arith.constant 128 : i32
    %scan3A_67 = arith.addi %scan3A_65, %scan3A_66 : i32
    %scan3A_68 = arith.constant 1 : i32
    scf.for %scan3A_263 = %scan3A_65 to %scan3A_67 step %scan3A_68  : i32 {
      %get3A = arith.index_cast %scan3A_263 : i32 to index
      %get3A_264 = arith.constant 0 : index
      %get3A_265 = tpu.vector_load %arg7[%get3A, %get3A_264] {strides = array<i32>} : memref<128x128xf32, #tpu.memory_space<vmem>>, vector<1x16xf32>,
      %get3A_266 = vector.shape_cast %get3A_265 : vector<1x16xf32> to vector<16xf32>
      %ge3A = arith.constant 1.000000e+00 : f32
      %ge3A_267 = vector.broadcast %ge3A : f32 to vector<16xf32>
      %ge3A_268 = arith.cmpf oge, %get3A_266, %ge3A_267 : vector<16xf32>
      %max3A = arith.constant 1.000000e+00 : f32
      %max3A_269 = vector.broadcast %max3A : f32 to vector<16xf32>
      %max3A_270 = arith.maximumf %get3A_266, %max3A_269 : vector<16xf32>
      %div3A = arith.constant 1.000000e+00 : f32
      %div3A_271 = vector.broadcast %div3A : f32 to vector<16xf32>
      %div3A_272 = arith.divf %div3A_271, %max3A_270 : vector<16xf32>
      %jit3A = arith.constant 0.000000e+00 : f32
      %broadcast_in_dim3A_273 = vector.broadcast %jit3A : f32 to vector<16xf32>
      %select_n3A = arith.select %ge3A_268, %div3A_272, %broadcast_in_dim3A_273 : vector<16xi1>, vector<16xf32>
      %get3A_274 = arith.index_cast %scan3A_263 : i32 to index
      %get3A_275 = arith.constant 0 : index
      %get3A_276 = tpu.vector_load %arg6[%get3A_274, %get3A_275] {strides = array<i32>} : memref<128x128xf32, #tpu.memory_space<vmem>>, vector<1x16xf32>,
      %get3A_277 = vector.shape_cast %get3A_276 : vector<1x16xf32> to vector<16xf32>
      %mul3A_278 = arith.mulf %get3A_277, %select_n3A : vector<16xf32>
      %get3A_279 = arith.index_cast %scan3A_263 : i32 to index
      %get3A_280 = arith.constant 0 : index
      %get3A_281 = tpu.vector_load %arg8[%get3A_279, %get3A_280] {strides = array<i32>} : memref<128x128xf32, #tpu.memory_space<vmem>>, vector<1x16xf32>,
      %get3A_282 = vector.shape_cast %get3A_281 : vector<1x16xf32> to vector<16xf32>
      %add3A_283 = arith.addf %mul3A_278, %get3A_282 : vector<16xf32>
      %swap3A = arith.index_cast %scan3A_263 : i32 to index
      %swap3A_284 = arith.constant 0 : index
      %swap3A_285 = tpu.vector_load %arg6[%swap3A, %swap3A_284] {strides = array<i32>} : memref<128x128xf32, #tpu.memory_space<vmem>>, vector<1x16xf32>,
      %swap3A_286 = vector.shape_cast %swap3A_285 : vector<1x16xf32> to vector<16xf32>
      %swap3A_287 = vector.shape_cast %add3A_283 : vector<16xf32> to vector<1x16xf32>
      tpu.vector_store %arg6[%swap3A, %swap3A_284], %swap3A_287 {strides = array<i32>} : memref<128x128xf32, #tpu.memory_space<vmem>>, vector<1x16xf32>,
      %get3A_288 = arith.index_cast %scan3A_263 : i32 to index
      %get3A_289 = arith.constant 16 : index
      %get3A_290 = tpu.vector_load %arg6[%get3A_288, %get3A_289] {strides = array<i32>} : memref<128x128xf32, #tpu.memory_space<vmem>>, vector<1x16xf32>,
      %get3A_291 = vector.shape_cast %get3A_290 : vector<1x16xf32> to vector<16xf32>
      %mul3A_292 = arith.mulf %get3A_291, %select_n3A : vector<16xf32>
      %get3A_293 = arith.index_cast %scan3A_263 : i32 to index
      %get3A_294 = arith.constant 16 : index
      %get3A_295 = tpu.vector_load %arg8[%get3A_293, %get3A_294] {strides = array<i32>} : memref<128x128xf32, #tpu.memory_space<vmem>>, vector<1x16xf32>,
      %get3A_296 = vector.shape_cast %get3A_295 : vector<1x16xf32> to vector<16xf32>
      %add3A_297 = arith.addf %mul3A_292, %get3A_296 : vector<16xf32>
      %swap3A_298 = arith.index_cast %scan3A_263 : i32 to index
      %swap3A_299 = arith.constant 16 : index
      %swap3A_300 = tpu.vector_load %arg6[%swap3A_298, %swap3A_299] {strides = array<i32>} : memref<128x128xf32, #tpu.memory_space<vmem>>, vector<1x16xf32>,
      %swap3A_301 = vector.shape_cast %swap3A_300 : vector<1x16xf32> to vector<16xf32>
      %swap3A_302 = vector.shape_cast %add3A_297 : vector<16xf32> to vector<1x16xf32>
      tpu.vector_store %arg6[%swap3A_298, %swap3A_299], %swap3A_302 {strides = array<i32>} : memref<128x128xf32, #tpu.memory_space<vmem>>, vector<1x16xf32>,
      %get3A_303 = arith.index_cast %scan3A_263 : i32 to index
      %get3A_304 = arith.constant 32 : index
      %get3A_305 = tpu.vector_load %arg6[%get3A_303, %get3A_304] {strides = array<i32>} : memref<128x128xf32, #tpu.memory_space<vmem>>, vector<1x16xf32>,
      %get3A_306 = vector.shape_cast %get3A_305 : vector<1x16xf32> to vector<16xf32>
      %mul3A_307 = arith.mulf %get3A_306, %select_n3A : vector<16xf32>
      %get3A_308 = arith.index_cast %scan3A_263 : i32 to index
      %get3A_309 = arith.constant 32 : index
      %get3A_310 = tpu.vector_load %arg8[%get3A_308, %get3A_309] {strides = array<i32>} : memref<128x128xf32, #tpu.memory_space<vmem>>, vector<1x16xf32>,
      %get3A_311 = vector.shape_cast %get3A_310 : vector<1x16xf32> to vector<16xf32>
      %add3A_312 = arith.addf %mul3A_307, %get3A_311 : vector<16xf32>
      %swap3A_313 = arith.index_cast %scan3A_263 : i32 to index
      %swap3A_314 = arith.constant 32 : index
      %swap3A_315 = tpu.vector_load %arg6[%swap3A_313, %swap3A_314] {strides = array<i32>} : memref<128x128xf32, #tpu.memory_space<vmem>>, vector<1x16xf32>,
      %swap3A_316 = vector.shape_cast %swap3A_315 : vector<1x16xf32> to vector<16xf32>
      %swap3A_317 = vector.shape_cast %add3A_312 : vector<16xf32> to vector<1x16xf32>
      tpu.vector_store %arg6[%swap3A_313, %swap3A_314], %swap3A_317 {strides = array<i32>} : memref<128x128xf32, #tpu.memory_space<vmem>>, vector<1x16xf32>,
      %get3A_318 = arith.index_cast %scan3A_263 : i32 to index
      %get3A_319 = arith.constant 48 : index
      %get3A_320 = tpu.vector_load %arg6[%get3A_318, %get3A_319] {strides = array<i32>} : memref<128x128xf32, #tpu.memory_space<vmem>>, vector<1x16xf32>,
      %get3A_321 = vector.shape_cast %get3A_320 : vector<1x16xf32> to vector<16xf32>
      %mul3A_322 = arith.mulf %get3A_321, %select_n3A : vector<16xf32>
      %get3A_323 = arith.index_cast %scan3A_263 : i32 to index
      %get3A_324 = arith.constant 48 : index
      %get3A_325 = tpu.vector_load %arg8[%get3A_323, %get3A_324] {strides = array<i32>} : memref<128x128xf32, #tpu.memory_space<vmem>>, vector<1x16xf32>,
      %get3A_326 = vector.shape_cast %get3A_325 : vector<1x16xf32> to vector<16xf32>
      %add3A_327 = arith.addf %mul3A_322, %get3A_326 : vector<16xf32>
      %swap3A_328 = arith.index_cast %scan3A_263 : i32 to index
      %swap3A_329 = arith.constant 48 : index
      %swap3A_330 = tpu.vector_load %arg6[%swap3A_328, %swap3A_329] {strides = array<i32>} : memref<128x128xf32, #tpu.memory_space<vmem>>, vector<1x16xf32>,
      %swap3A_331 = vector.shape_cast %swap3A_330 : vector<1x16xf32> to vector<16xf32>
      %swap3A_332 = vector.shape_cast %add3A_327 : vector<16xf32> to vector<1x16xf32>
      tpu.vector_store %arg6[%swap3A_328, %swap3A_329], %swap3A_332 {strides = array<i32>} : memref<128x128xf32, #tpu.memory_space<vmem>>, vector<1x16xf32>,
      %get3A_333 = arith.index_cast %scan3A_263 : i32 to index
      %get3A_334 = arith.constant 64 : index
      %get3A_335 = tpu.vector_load %arg6[%get3A_333, %get3A_334] {strides = array<i32>} : memref<128x128xf32, #tpu.memory_space<vmem>>, vector<1x16xf32>,
      %get3A_336 = vector.shape_cast %get3A_335 : vector<1x16xf32> to vector<16xf32>
      %mul3A_337 = arith.mulf %get3A_336, %select_n3A : vector<16xf32>
      %get3A_338 = arith.index_cast %scan3A_263 : i32 to index
      %get3A_339 = arith.constant 64 : index
      %get3A_340 = tpu.vector_load %arg8[%get3A_338, %get3A_339] {strides = array<i32>} : memref<128x128xf32, #tpu.memory_space<vmem>>, vector<1x16xf32>,
      %get3A_341 = vector.shape_cast %get3A_340 : vector<1x16xf32> to vector<16xf32>
      %add3A_342 = arith.addf %mul3A_337, %get3A_341 : vector<16xf32>
      %swap3A_343 = arith.index_cast %scan3A_263 : i32 to index
      %swap3A_344 = arith.constant 64 : index
      %swap3A_345 = tpu.vector_load %arg6[%swap3A_343, %swap3A_344] {strides = array<i32>} : memref<128x128xf32, #tpu.memory_space<vmem>>, vector<1x16xf32>,
      %swap3A_346 = vector.shape_cast %swap3A_345 : vector<1x16xf32> to vector<16xf32>
      %swap3A_347 = vector.shape_cast %add3A_342 : vector<16xf32> to vector<1x16xf32>
      tpu.vector_store %arg6[%swap3A_343, %swap3A_344], %swap3A_347 {strides = array<i32>} : memref<128x128xf32, #tpu.memory_space<vmem>>, vector<1x16xf32>,
      %get3A_348 = arith.index_cast %scan3A_263 : i32 to index
      %get3A_349 = arith.constant 80 : index
      %get3A_350 = tpu.vector_load %arg6[%get3A_348, %get3A_349] {strides = array<i32>} : memref<128x128xf32, #tpu.memory_space<vmem>>, vector<1x16xf32>,
      %get3A_351 = vector.shape_cast %get3A_350 : vector<1x16xf32> to vector<16xf32>
      %mul3A_352 = arith.mulf %get3A_351, %select_n3A : vector<16xf32>
      %get3A_353 = arith.index_cast %scan3A_263 : i32 to index
      %get3A_354 = arith.constant 80 : index
      %get3A_355 = tpu.vector_load %arg8[%get3A_353, %get3A_354] {strides = array<i32>} : memref<128x128xf32, #tpu.memory_space<vmem>>, vector<1x16xf32>,
      %get3A_356 = vector.shape_cast %get3A_355 : vector<1x16xf32> to vector<16xf32>
      %add3A_357 = arith.addf %mul3A_352, %get3A_356 : vector<16xf32>
      %swap3A_358 = arith.index_cast %scan3A_263 : i32 to index
      %swap3A_359 = arith.constant 80 : index
      %swap3A_360 = tpu.vector_load %arg6[%swap3A_358, %swap3A_359] {strides = array<i32>} : memref<128x128xf32, #tpu.memory_space<vmem>>, vector<1x16xf32>,
      %swap3A_361 = vector.shape_cast %swap3A_360 : vector<1x16xf32> to vector<16xf32>
      %swap3A_362 = vector.shape_cast %add3A_357 : vector<16xf32> to vector<1x16xf32>
      tpu.vector_store %arg6[%swap3A_358, %swap3A_359], %swap3A_362 {strides = array<i32>} : memref<128x128xf32, #tpu.memory_space<vmem>>, vector<1x16xf32>,
      %get3A_363 = arith.index_cast %scan3A_263 : i32 to index
      %get3A_364 = arith.constant 96 : index
      %get3A_365 = tpu.vector_load %arg6[%get3A_363, %get3A_364] {strides = array<i32>} : memref<128x128xf32, #tpu.memory_space<vmem>>, vector<1x16xf32>,
      %get3A_366 = vector.shape_cast %get3A_365 : vector<1x16xf32> to vector<16xf32>
      %mul3A_367 = arith.mulf %get3A_366, %select_n3A : vector<16xf32>
      %get3A_368 = arith.index_cast %scan3A_263 : i32 to index
      %get3A_369 = arith.constant 96 : index
      %get3A_370 = tpu.vector_load %arg8[%get3A_368, %get3A_369] {strides = array<i32>} : memref<128x128xf32, #tpu.memory_space<vmem>>, vector<1x16xf32>,
      %get3A_371 = vector.shape_cast %get3A_370 : vector<1x16xf32> to vector<16xf32>
      %add3A_372 = arith.addf %mul3A_367, %get3A_371 : vector<16xf32>
      %swap3A_373 = arith.index_cast %scan3A_263 : i32 to index
      %swap3A_374 = arith.constant 96 : index
      %swap3A_375 = tpu.vector_load %arg6[%swap3A_373, %swap3A_374] {strides = array<i32>} : memref<128x128xf32, #tpu.memory_space<vmem>>, vector<1x16xf32>,
      %swap3A_376 = vector.shape_cast %swap3A_375 : vector<1x16xf32> to vector<16xf32>
      %swap3A_377 = vector.shape_cast %add3A_372 : vector<16xf32> to vector<1x16xf32>
      tpu.vector_store %arg6[%swap3A_373, %swap3A_374], %swap3A_377 {strides = array<i32>} : memref<128x128xf32, #tpu.memory_space<vmem>>, vector<1x16xf32>,
      %get3A_378 = arith.index_cast %scan3A_263 : i32 to index
      %get3A_379 = arith.constant 112 : index
      %get3A_380 = tpu.vector_load %arg6[%get3A_378, %get3A_379] {strides = array<i32>} : memref<128x128xf32, #tpu.memory_space<vmem>>, vector<1x16xf32>,
      %get3A_381 = vector.shape_cast %get3A_380 : vector<1x16xf32> to vector<16xf32>
      %mul3A_382 = arith.mulf %get3A_381, %select_n3A : vector<16xf32>
      %get3A_383 = arith.index_cast %scan3A_263 : i32 to index
      %get3A_384 = arith.constant 112 : index
      %get3A_385 = tpu.vector_load %arg8[%get3A_383, %get3A_384] {strides = array<i32>} : memref<128x128xf32, #tpu.memory_space<vmem>>, vector<1x16xf32>,
      %get3A_386 = vector.shape_cast %get3A_385 : vector<1x16xf32> to vector<16xf32>
      %add3A_387 = arith.addf %mul3A_382, %get3A_386 : vector<16xf32>
      %swap3A_388 = arith.index_cast %scan3A_263 : i32 to index
      %swap3A_389 = arith.constant 112 : index
      %swap3A_390 = tpu.vector_load %arg6[%swap3A_388, %swap3A_389] {strides = array<i32>} : memref<128x128xf32, #tpu.memory_space<vmem>>, vector<1x16xf32>,
      %swap3A_391 = vector.shape_cast %swap3A_390 : vector<1x16xf32> to vector<16xf32>
      %swap3A_392 = vector.shape_cast %add3A_387 : vector<16xf32> to vector<1x16xf32>
      tpu.vector_store %arg6[%swap3A_388, %swap3A_389], %swap3A_392 {strides = array<i32>} : memref<128x128xf32, #tpu.memory_space<vmem>>, vector<1x16xf32>,
    }
    %scan3A_69 = arith.constant 128 : i32
    %mul3A_70 = arith.constant 4096 : i32
    %mul3A_71 = arith.muli %add3A_18, %mul3A_70 : i32
    %add3A_72 = arith.addi %mul3A_71, %add3A_64 : i32
    "tpu.region"() ({
      %run_scoped3A = tpu.sem_alloc : memref<!tpu.dma_semaphore, #tpu.memory_space<semaphore_mem>>
      %dma_start3A_263 = arith.constant 0 : i32
      %dma_start3A_264 = tpu.memref_slice %arg5[%add3A_72, %dma_start3A_263] : memref<32768x128xf32, #tpu.memory_space<hbm>> -> memref<128x128xf32, #tpu.memory_space<hbm>>
      %dma_start3A_265 = arith.constant 0 : i32
      %dma_start3A_266 = tpu.memref_slice %arg5[%add3A_72, %dma_start3A_265] : memref<32768x128xf32, #tpu.memory_space<hbm>> -> memref<128x128xf32, #tpu.memory_space<hbm>>
      tpu.enqueue_dma source(%arg6 : memref<128x128xf32, #tpu.memory_space<vmem>>) target(%dma_start3A_266 : memref<128x128xf32, #tpu.memory_space<hbm>>) target_semaphore(%run_scoped3A : memref<!tpu.dma_semaphore, #tpu.memory_space<semaphore_mem>>)
      %dma_wait3A = arith.constant 0 : i32
      %dma_wait3A_267 = tpu.memref_slice %arg5[%add3A_72, %dma_wait3A] : memref<32768x128xf32, #tpu.memory_space<hbm>> -> memref<128x128xf32, #tpu.memory_space<hbm>>
      %dma_wait3A_268 = arith.constant 0 : i32
      %dma_wait3A_269 = tpu.memref_slice %arg5[%add3A_72, %dma_wait3A_268] : memref<32768x128xf32, #tpu.memory_space<hbm>> -> memref<128x128xf32, #tpu.memory_space<hbm>>
      tpu.wait_dma2 semaphore(%run_scoped3A : memref<!tpu.dma_semaphore, #tpu.memory_space<semaphore_mem>>) src(%arg6 : memref<128x128xf32, #tpu.memory_space<vmem>>) dst(%dma_wait3A_269 : memref<128x128xf32, #tpu.memory_space<hbm>>)
      tpu.yield
    }) : () -> ()
    %scan3A_73 = arith.constant 0 : i32
    %scan3A_74 = arith.constant 128 : i32
    %scan3A_75 = arith.addi %scan3A_73, %scan3A_74 : i32
    %scan3A_76 = arith.constant 1 : i32
    scf.for %scan3A_263 = %scan3A_73 to %scan3A_75 step %scan3A_76  : i32 {
      %swap3A = arith.index_cast %scan3A_263 : i32 to index
      %swap3A_264 = arith.constant 0 : index
      %swap3A_265 = tpu.vector_load %arg7[%swap3A, %swap3A_264] {strides = array<i32>} : memref<128x128xf32, #tpu.memory_space<vmem>>, vector<1x16xf32>,
      %swap3A_266 = vector.shape_cast %swap3A_265 : vector<1x16xf32> to vector<16xf32>
      %swap3A_267 = vector.shape_cast %broadcast_in_dim3A_0 : vector<16xf32> to vector<1x16xf32>
      tpu.vector_store %arg7[%swap3A, %swap3A_264], %swap3A_267 {strides = array<i32>} : memref<128x128xf32, #tpu.memory_space<vmem>>, vector<1x16xf32>,
      %swap3A_268 = arith.index_cast %scan3A_263 : i32 to index
      %swap3A_269 = arith.constant 16 : index
      %swap3A_270 = tpu.vector_load %arg7[%swap3A_268, %swap3A_269] {strides = array<i32>} : memref<128x128xf32, #tpu.memory_space<vmem>>, vector<1x16xf32>,
      %swap3A_271 = vector.shape_cast %swap3A_270 : vector<1x16xf32> to vector<16xf32>
      %swap3A_272 = vector.shape_cast %broadcast_in_dim3A_0 : vector<16xf32> to vector<1x16xf32>
      tpu.vector_store %arg7[%swap3A_268, %swap3A_269], %swap3A_272 {strides = array<i32>} : memref<128x128xf32, #tpu.memory_space<vmem>>, vector<1x16xf32>,
      %swap3A_273 = arith.index_cast %scan3A_263 : i32 to index
      %swap3A_274 = arith.constant 32 : index
      %swap3A_275 = tpu.vector_load %arg7[%swap3A_273, %swap3A_274] {strides = array<i32>} : memref<128x128xf32, #tpu.memory_space<vmem>>, vector<1x16xf32>,
      %swap3A_276 = vector.shape_cast %swap3A_275 : vector<1x16xf32> to vector<16xf32>
      %swap3A_277 = vector.shape_cast %broadcast_in_dim3A_0 : vector<16xf32> to vector<1x16xf32>
      tpu.vector_store %arg7[%swap3A_273, %swap3A_274], %swap3A_277 {strides = array<i32>} : memref<128x128xf32, #tpu.memory_space<vmem>>, vector<1x16xf32>,
      %swap3A_278 = arith.index_cast %scan3A_263 : i32 to index
      %swap3A_279 = arith.constant 48 : index
      %swap3A_280 = tpu.vector_load %arg7[%swap3A_278, %swap3A_279] {strides = array<i32>} : memref<128x128xf32, #tpu.memory_space<vmem>>, vector<1x16xf32>,
      %swap3A_281 = vector.shape_cast %swap3A_280 : vector<1x16xf32> to vector<16xf32>
      %swap3A_282 = vector.shape_cast %broadcast_in_dim3A_0 : vector<16xf32> to vector<1x16xf32>
      tpu.vector_store %arg7[%swap3A_278, %swap3A_279], %swap3A_282 {strides = array<i32>} : memref<128x128xf32, #tpu.memory_space<vmem>>, vector<1x16xf32>,
      %swap3A_283 = arith.index_cast %scan3A_263 : i32 to index
      %swap3A_284 = arith.constant 64 : index
      %swap3A_285 = tpu.vector_load %arg7[%swap3A_283, %swap3A_284] {strides = array<i32>} : memref<128x128xf32, #tpu.memory_space<vmem>>, vector<1x16xf32>,
      %swap3A_286 = vector.shape_cast %swap3A_285 : vector<1x16xf32> to vector<16xf32>
      %swap3A_287 = vector.shape_cast %broadcast_in_dim3A_0 : vector<16xf32> to vector<1x16xf32>
      tpu.vector_store %arg7[%swap3A_283, %swap3A_284], %swap3A_287 {strides = array<i32>} : memref<128x128xf32, #tpu.memory_space<vmem>>, vector<1x16xf32>,
      %swap3A_288 = arith.index_cast %scan3A_263 : i32 to index
      %swap3A_289 = arith.constant 80 : index
      %swap3A_290 = tpu.vector_load %arg7[%swap3A_288, %swap3A_289] {strides = array<i32>} : memref<128x128xf32, #tpu.memory_space<vmem>>, vector<1x16xf32>,
      %swap3A_291 = vector.shape_cast %swap3A_290 : vector<1x16xf32> to vector<16xf32>
      %swap3A_292 = vector.shape_cast %broadcast_in_dim3A_0 : vector<16xf32> to vector<1x16xf32>
      tpu.vector_store %arg7[%swap3A_288, %swap3A_289], %swap3A_292 {strides = array<i32>} : memref<128x128xf32, #tpu.memory_space<vmem>>, vector<1x16xf32>,
      %swap3A_293 = arith.index_cast %scan3A_263 : i32 to index
      %swap3A_294 = arith.constant 96 : index
      %swap3A_295 = tpu.vector_load %arg7[%swap3A_293, %swap3A_294] {strides = array<i32>} : memref<128x128xf32, #tpu.memory_space<vmem>>, vector<1x16xf32>,
      %swap3A_296 = vector.shape_cast %swap3A_295 : vector<1x16xf32> to vector<16xf32>
      %swap3A_297 = vector.shape_cast %broadcast_in_dim3A_0 : vector<16xf32> to vector<1x16xf32>
      tpu.vector_store %arg7[%swap3A_293, %swap3A_294], %swap3A_297 {strides = array<i32>} : memref<128x128xf32, #tpu.memory_space<vmem>>, vector<1x16xf32>,
      %swap3A_298 = arith.index_cast %scan3A_263 : i32 to index
      %swap3A_299 = arith.constant 112 : index
      %swap3A_300 = tpu.vector_load %arg7[%swap3A_298, %swap3A_299] {strides = array<i32>} : memref<128x128xf32, #tpu.memory_space<vmem>>, vector<1x16xf32>,
      %swap3A_301 = vector.shape_cast %swap3A_300 : vector<1x16xf32> to vector<16xf32>
      %swap3A_302 = vector.shape_cast %broadcast_in_dim3A_0 : vector<16xf32> to vector<1x16xf32>
      tpu.vector_store %arg7[%swap3A_298, %swap3A_299], %swap3A_302 {strides = array<i32>} : memref<128x128xf32, #tpu.memory_space<vmem>>, vector<1x16xf32>,
    }
    %scan3A_77 = arith.constant 128 : i32
    "tpu.region"() ({
      %run_scoped3A = tpu.sem_alloc : memref<!tpu.dma_semaphore, #tpu.memory_space<semaphore_mem>>
      %dma_start3A_263 = arith.constant 0 : i32
      %dma_start3A_264 = tpu.memref_slice %arg12[%add3A_64, %dma_start3A_263] : memref<4096x128xf32, #tpu.memory_space<vmem_shared>> -> memref<128x128xf32, #tpu.memory_space<vmem_shared>>
      %dma_start3A_265 = arith.constant 0 : i32
      %dma_start3A_266 = tpu.memref_slice %arg12[%add3A_64, %dma_start3A_265] : memref<4096x128xf32, #tpu.memory_space<vmem_shared>> -> memref<128x128xf32, #tpu.memory_space<vmem_shared>>
      tpu.enqueue_dma source(%arg7 : memref<128x128xf32, #tpu.memory_space<vmem>>) target(%dma_start3A_266 : memref<128x128xf32, #tpu.memory_space<vmem_shared>>) target_semaphore(%run_scoped3A : memref<!tpu.dma_semaphore, #tpu.memory_space<semaphore_mem>>)
      %dma_wait3A = arith.constant 0 : i32
      %dma_wait3A_267 = tpu.memref_slice %arg12[%add3A_64, %dma_wait3A] : memref<4096x128xf32, #tpu.memory_space<vmem_shared>> -> memref<128x128xf32, #tpu.memory_space<vmem_shared>>
      %dma_wait3A_268 = arith.constant 0 : i32
      %dma_wait3A_269 = tpu.memref_slice %arg12[%add3A_64, %dma_wait3A_268] : memref<4096x128xf32, #tpu.memory_space<vmem_shared>> -> memref<128x128xf32, #tpu.memory_space<vmem_shared>>
      tpu.wait_dma2 semaphore(%run_scoped3A : memref<!tpu.dma_semaphore, #tpu.memory_space<semaphore_mem>>) src(%arg7 : memref<128x128xf32, #tpu.memory_space<vmem>>) dst(%dma_wait3A_269 : memref<128x128xf32, #tpu.memory_space<vmem_shared>>)
      tpu.yield
    }) : () -> ()
    "tpu.region"() ({
      %run_scoped3A = tpu.sem_alloc : memref<!tpu.dma_semaphore, #tpu.memory_space<semaphore_mem>>
      %dma_start3A_263 = arith.constant 0 : i32
      %dma_start3A_264 = tpu.memref_slice %arg13[%add3A_64, %dma_start3A_263] : memref<4096x128xf32, #tpu.memory_space<vmem_shared>> -> memref<128x128xf32, #tpu.memory_space<vmem_shared>>
      %dma_start3A_265 = arith.constant 0 : i32
      %dma_start3A_266 = tpu.memref_slice %arg13[%add3A_64, %dma_start3A_265] : memref<4096x128xf32, #tpu.memory_space<vmem_shared>> -> memref<128x128xf32, #tpu.memory_space<vmem_shared>>
      tpu.enqueue_dma source(%arg7 : memref<128x128xf32, #tpu.memory_space<vmem>>) target(%dma_start3A_266 : memref<128x128xf32, #tpu.memory_space<vmem_shared>>) target_semaphore(%run_scoped3A : memref<!tpu.dma_semaphore, #tpu.memory_space<semaphore_mem>>)
      %dma_wait3A = arith.constant 0 : i32
      %dma_wait3A_267 = tpu.memref_slice %arg13[%add3A_64, %dma_wait3A] : memref<4096x128xf32, #tpu.memory_space<vmem_shared>> -> memref<128x128xf32, #tpu.memory_space<vmem_shared>>
      %dma_wait3A_268 = arith.constant 0 : i32
      %dma_wait3A_269 = tpu.memref_slice %arg13[%add3A_64, %dma_wait3A_268] : memref<4096x128xf32, #tpu.memory_space<vmem_shared>> -> memref<128x128xf32, #tpu.memory_space<vmem_shared>>
      tpu.wait_dma2 semaphore(%run_scoped3A : memref<!tpu.dma_semaphore, #tpu.memory_space<semaphore_mem>>) src(%arg7 : memref<128x128xf32, #tpu.memory_space<vmem>>) dst(%dma_wait3A_269 : memref<128x128xf32, #tpu.memory_space<vmem_shared>>)
      tpu.yield
    }) : () -> ()
    %mul3A_78 = arith.constant 4 : i32
    %mul3A_79 = arith.muli %arg0, %mul3A_78 : i32
    %add3A_80 = arith.constant 1 : i32
    %add3A_81 = arith.addi %mul3A_79, %add3A_80 : i32
    %barrier3A_82 = arith.constant 0 : index
    tpu.barrier barrier_id(%barrier3A_82)
    %scan3A_83 = arith.constant 0 : i32
    %scan3A_84 = arith.constant 128 : i32
    %scan3A_85 = arith.addi %scan3A_83, %scan3A_84 : i32
    %scan3A_86 = arith.constant 1 : i32
    scf.for %scan3A_263 = %scan3A_83 to %scan3A_85 step %scan3A_86  : i32 {
      %swap3A = arith.index_cast %scan3A_263 : i32 to index
      %swap3A_264 = arith.constant 0 : index
      %swap3A_265 = tpu.vector_load %arg8[%swap3A, %swap3A_264] {strides = array<i32>} : memref<128x128xf32, #tpu.memory_space<vmem>>, vector<1x16xf32>,
      %swap3A_266 = vector.shape_cast %swap3A_265 : vector<1x16xf32> to vector<16xf32>
      %swap3A_267 = vector.shape_cast %broadcast_in_dim3A_2 : vector<16xf32> to vector<1x16xf32>
      tpu.vector_store %arg8[%swap3A, %swap3A_264], %swap3A_267 {strides = array<i32>} : memref<128x128xf32, #tpu.memory_space<vmem>>, vector<1x16xf32>,
      %swap3A_268 = arith.index_cast %scan3A_263 : i32 to index
      %swap3A_269 = arith.constant 16 : index
      %swap3A_270 = tpu.vector_load %arg8[%swap3A_268, %swap3A_269] {strides = array<i32>} : memref<128x128xf32, #tpu.memory_space<vmem>>, vector<1x16xf32>,
      %swap3A_271 = vector.shape_cast %swap3A_270 : vector<1x16xf32> to vector<16xf32>
      %swap3A_272 = vector.shape_cast %broadcast_in_dim3A_2 : vector<16xf32> to vector<1x16xf32>
      tpu.vector_store %arg8[%swap3A_268, %swap3A_269], %swap3A_272 {strides = array<i32>} : memref<128x128xf32, #tpu.memory_space<vmem>>, vector<1x16xf32>,
      %swap3A_273 = arith.index_cast %scan3A_263 : i32 to index
      %swap3A_274 = arith.constant 32 : index
      %swap3A_275 = tpu.vector_load %arg8[%swap3A_273, %swap3A_274] {strides = array<i32>} : memref<128x128xf32, #tpu.memory_space<vmem>>, vector<1x16xf32>,
      %swap3A_276 = vector.shape_cast %swap3A_275 : vector<1x16xf32> to vector<16xf32>
      %swap3A_277 = vector.shape_cast %broadcast_in_dim3A_2 : vector<16xf32> to vector<1x16xf32>
      tpu.vector_store %arg8[%swap3A_273, %swap3A_274], %swap3A_277 {strides = array<i32>} : memref<128x128xf32, #tpu.memory_space<vmem>>, vector<1x16xf32>,
      %swap3A_278 = arith.index_cast %scan3A_263 : i32 to index
      %swap3A_279 = arith.constant 48 : index
      %swap3A_280 = tpu.vector_load %arg8[%swap3A_278, %swap3A_279] {strides = array<i32>} : memref<128x128xf32, #tpu.memory_space<vmem>>, vector<1x16xf32>,
      %swap3A_281 = vector.shape_cast %swap3A_280 : vector<1x16xf32> to vector<16xf32>
      %swap3A_282 = vector.shape_cast %broadcast_in_dim3A_2 : vector<16xf32> to vector<1x16xf32>
      tpu.vector_store %arg8[%swap3A_278, %swap3A_279], %swap3A_282 {strides = array<i32>} : memref<128x128xf32, #tpu.memory_space<vmem>>, vector<1x16xf32>,
      %swap3A_283 = arith.index_cast %scan3A_263 : i32 to index
      %swap3A_284 = arith.constant 64 : index
      %swap3A_285 = tpu.vector_load %arg8[%swap3A_283, %swap3A_284] {strides = array<i32>} : memref<128x128xf32, #tpu.memory_space<vmem>>, vector<1x16xf32>,
      %swap3A_286 = vector.shape_cast %swap3A_285 : vector<1x16xf32> to vector<16xf32>
      %swap3A_287 = vector.shape_cast %broadcast_in_dim3A_2 : vector<16xf32> to vector<1x16xf32>
      tpu.vector_store %arg8[%swap3A_283, %swap3A_284], %swap3A_287 {strides = array<i32>} : memref<128x128xf32, #tpu.memory_space<vmem>>, vector<1x16xf32>,
      %swap3A_288 = arith.index_cast %scan3A_263 : i32 to index
      %swap3A_289 = arith.constant 80 : index
      %swap3A_290 = tpu.vector_load %arg8[%swap3A_288, %swap3A_289] {strides = array<i32>} : memref<128x128xf32, #tpu.memory_space<vmem>>, vector<1x16xf32>,
      %swap3A_291 = vector.shape_cast %swap3A_290 : vector<1x16xf32> to vector<16xf32>
      %swap3A_292 = vector.shape_cast %broadcast_in_dim3A_2 : vector<16xf32> to vector<1x16xf32>
      tpu.vector_store %arg8[%swap3A_288, %swap3A_289], %swap3A_292 {strides = array<i32>} : memref<128x128xf32, #tpu.memory_space<vmem>>, vector<1x16xf32>,
      %swap3A_293 = arith.index_cast %scan3A_263 : i32 to index
      %swap3A_294 = arith.constant 96 : index
      %swap3A_295 = tpu.vector_load %arg8[%swap3A_293, %swap3A_294] {strides = array<i32>} : memref<128x128xf32, #tpu.memory_space<vmem>>, vector<1x16xf32>,
      %swap3A_296 = vector.shape_cast %swap3A_295 : vector<1x16xf32> to vector<16xf32>
      %swap3A_297 = vector.shape_cast %broadcast_in_dim3A_2 : vector<16xf32> to vector<1x16xf32>
      tpu.vector_store %arg8[%swap3A_293, %swap3A_294], %swap3A_297 {strides = array<i32>} : memref<128x128xf32, #tpu.memory_space<vmem>>, vector<1x16xf32>,
      %swap3A_298 = arith.index_cast %scan3A_263 : i32 to index
      %swap3A_299 = arith.constant 112 : index
      %swap3A_300 = tpu.vector_load %arg8[%swap3A_298, %swap3A_299] {strides = array<i32>} : memref<128x128xf32, #tpu.memory_space<vmem>>, vector<1x16xf32>,
      %swap3A_301 = vector.shape_cast %swap3A_300 : vector<1x16xf32> to vector<16xf32>
      %swap3A_302 = vector.shape_cast %broadcast_in_dim3A_2 : vector<16xf32> to vector<1x16xf32>
      tpu.vector_store %arg8[%swap3A_298, %swap3A_299], %swap3A_302 {strides = array<i32>} : memref<128x128xf32, #tpu.memory_space<vmem>>, vector<1x16xf32>,
    }
    %scan3A_87 = arith.constant 128 : i32
    %mul3A_88 = arith.constant 32768 : i32
    %mul3A_89 = arith.muli %add3A_81, %mul3A_88 : i32
    %add3A_90 = arith.addi %mul3A_89, %mul3A_14 : i32
    "tpu.region"() ({
      %run_scoped3A = tpu.sem_alloc : memref<!tpu.dma_semaphore, #tpu.memory_space<semaphore_mem>>
      %dma_start3A_263 = arith.constant 0 : i32
      %dma_start3A_264 = tpu.memref_slice %arg9[%dma_start3A_263] : memref<4096xf32, #tpu.memory_space<vmem>> -> memref<2048xf32, #tpu.memory_space<vmem>>
      %dma_start3A_265 = tpu.memref_slice %arg2[%add3A_90] : memref<524288xf32, #tpu.memory_space<hbm>> -> memref<2048xf32, #tpu.memory_space<hbm>>
      %dma_start3A_266 = arith.constant 0 : i32
      %dma_start3A_267 = tpu.memref_slice %arg9[%dma_start3A_266] : memref<4096xf32, #tpu.memory_space<vmem>> -> memref<2048xf32, #tpu.memory_space<vmem>>
      %dma_start3A_268 = tpu.memref_slice %arg2[%add3A_90] : memref<524288xf32, #tpu.memory_space<hbm>> -> memref<2048xf32, #tpu.memory_space<hbm>>
      tpu.enqueue_dma source(%dma_start3A_268 : memref<2048xf32, #tpu.memory_space<hbm>>) target(%dma_start3A_267 : memref<2048xf32, #tpu.memory_space<vmem>>) target_semaphore(%run_scoped3A : memref<!tpu.dma_semaphore, #tpu.memory_space<semaphore_mem>>)
      %dma_wait3A = arith.constant 0 : i32
      %dma_wait3A_269 = tpu.memref_slice %arg9[%dma_wait3A] : memref<4096xf32, #tpu.memory_space<vmem>> -> memref<2048xf32, #tpu.memory_space<vmem>>
      %dma_wait3A_270 = tpu.memref_slice %arg2[%add3A_90] : memref<524288xf32, #tpu.memory_space<hbm>> -> memref<2048xf32, #tpu.memory_space<hbm>>
      %dma_wait3A_271 = arith.constant 0 : i32
      %dma_wait3A_272 = tpu.memref_slice %arg9[%dma_wait3A_271] : memref<4096xf32, #tpu.memory_space<vmem>> -> memref<2048xf32, #tpu.memory_space<vmem>>
      %dma_wait3A_273 = tpu.memref_slice %arg2[%add3A_90] : memref<524288xf32, #tpu.memory_space<hbm>> -> memref<2048xf32, #tpu.memory_space<hbm>>
      tpu.wait_dma2 semaphore(%run_scoped3A : memref<!tpu.dma_semaphore, #tpu.memory_space<semaphore_mem>>) src(%dma_wait3A_273 : memref<2048xf32, #tpu.memory_space<hbm>>) dst(%dma_wait3A_272 : memref<2048xf32, #tpu.memory_space<vmem>>)
      tpu.yield
    }) : () -> ()
    %mul3A_91 = arith.constant 32768 : i32
    %mul3A_92 = arith.muli %add3A_81, %mul3A_91 : i32
    %add3A_93 = arith.constant 262144 : i32
    %add3A_94 = arith.addi %add3A_93, %mul3A_92 : i32
    %add3A_95 = arith.addi %add3A_94, %mul3A_14 : i32
    "tpu.region"() ({
      %run_scoped3A = tpu.sem_alloc : memref<!tpu.dma_semaphore, #tpu.memory_space<semaphore_mem>>
      %dma_start3A_263 = arith.constant 2048 : i32
      %dma_start3A_264 = tpu.memref_slice %arg9[%dma_start3A_263] : memref<4096xf32, #tpu.memory_space<vmem>> -> memref<2048xf32, #tpu.memory_space<vmem>>
      %dma_start3A_265 = tpu.memref_slice %arg2[%add3A_95] : memref<524288xf32, #tpu.memory_space<hbm>> -> memref<2048xf32, #tpu.memory_space<hbm>>
      %dma_start3A_266 = arith.constant 2048 : i32
      %dma_start3A_267 = tpu.memref_slice %arg9[%dma_start3A_266] : memref<4096xf32, #tpu.memory_space<vmem>> -> memref<2048xf32, #tpu.memory_space<vmem>>
      %dma_start3A_268 = tpu.memref_slice %arg2[%add3A_95] : memref<524288xf32, #tpu.memory_space<hbm>> -> memref<2048xf32, #tpu.memory_space<hbm>>
      tpu.enqueue_dma source(%dma_start3A_268 : memref<2048xf32, #tpu.memory_space<hbm>>) target(%dma_start3A_267 : memref<2048xf32, #tpu.memory_space<vmem>>) target_semaphore(%run_scoped3A : memref<!tpu.dma_semaphore, #tpu.memory_space<semaphore_mem>>)
      %dma_wait3A = arith.constant 2048 : i32
      %dma_wait3A_269 = tpu.memref_slice %arg9[%dma_wait3A] : memref<4096xf32, #tpu.memory_space<vmem>> -> memref<2048xf32, #tpu.memory_space<vmem>>
      %dma_wait3A_270 = tpu.memref_slice %arg2[%add3A_95] : memref<524288xf32, #tpu.memory_space<hbm>> -> memref<2048xf32, #tpu.memory_space<hbm>>
      %dma_wait3A_271 = arith.constant 2048 : i32
      %dma_wait3A_272 = tpu.memref_slice %arg9[%dma_wait3A_271] : memref<4096xf32, #tpu.memory_space<vmem>> -> memref<2048xf32, #tpu.memory_space<vmem>>
      %dma_wait3A_273 = tpu.memref_slice %arg2[%add3A_95] : memref<524288xf32, #tpu.memory_space<hbm>> -> memref<2048xf32, #tpu.memory_space<hbm>>
      tpu.wait_dma2 semaphore(%run_scoped3A : memref<!tpu.dma_semaphore, #tpu.memory_space<semaphore_mem>>) src(%dma_wait3A_273 : memref<2048xf32, #tpu.memory_space<hbm>>) dst(%dma_wait3A_272 : memref<2048xf32, #tpu.memory_space<vmem>>)
      tpu.yield
    }) : () -> ()
    %mul3A_96 = arith.constant 32768 : i32
    %mul3A_97 = arith.muli %add3A_81, %mul3A_96 : i32
    %add3A_98 = arith.addi %mul3A_97, %mul3A_14 : i32
    %dma_start3A_99 = arith.constant 0 : i32
    %dma_start3A_100 = tpu.memref_slice %arg3[%add3A_98, %dma_start3A_99] : memref<262144x128xf32, #tpu.memory_space<hbm>> -> memref<128x128xf32, #tpu.memory_space<hbm>>
    %dma_start3A_101 = arith.constant 0 : i32
    %dma_start3A_102 = tpu.memref_slice %arg3[%add3A_98, %dma_start3A_101] : memref<262144x128xf32, #tpu.memory_space<hbm>> -> memref<128x128xf32, #tpu.memory_space<hbm>>
    tpu.enqueue_dma source(%dma_start3A_102 : memref<128x128xf32, #tpu.memory_space<hbm>>) target(%arg6 : memref<128x128xf32, #tpu.memory_space<vmem>>) target_semaphore(%arg11 : memref<!tpu.dma_semaphore, #tpu.memory_space<semaphore_mem>>)
    %scan3A_103 = arith.constant 0 : i32
    %scan3A_104 = arith.constant 16 : i32
    %scan3A_105 = arith.addi %scan3A_103, %scan3A_104 : i32
    %scan3A_106 = arith.constant 1 : i32
    scf.for %scan3A_263 = %scan3A_103 to %scan3A_105 step %scan3A_106  : i32 {
      %scan3A_264 = arith.constant 0 : i32
      %scan3A_265 = arith.constant 8 : i32
      %scan3A_266 = arith.addi %scan3A_264, %scan3A_265 : i32
      %scan3A_267 = arith.constant 1 : i32
      scf.for %scan3A_276 = %scan3A_264 to %scan3A_266 step %scan3A_267  : i32 {
        %mul3A_277 = arith.constant 128 : i32
        %mul3A_278 = arith.muli %scan3A_263, %mul3A_277 : i32
        %mul3A_279 = arith.constant 16 : i32
        %mul3A_280 = arith.muli %scan3A_276, %mul3A_279 : i32
        %add3A_281 = arith.addi %mul3A_278, %mul3A_280 : i32
        %get3A = arith.index_cast %add3A_281 : i32 to index
        %get3A_282 = tpu.vector_load %arg9[%get3A] {strides = array<i32>} : memref<4096xf32, #tpu.memory_space<vmem>>, vector<16xf32>,
        %get3A_283 = vector.shape_cast %get3A_282 : vector<16xf32> to vector<16xf32>
        %div3A = arith.constant 0.0158730168 : f32
        %div3A_284 = vector.broadcast %div3A : f32 to vector<16xf32>
        %div3A_285 = arith.divf %get3A_283, %div3A_284 : vector<16xf32>
        %add3A_286 = arith.constant 2048 : i32
        %add3A_287 = arith.addi %add3A_286, %add3A_281 : i32
        %get3A_288 = arith.index_cast %add3A_287 : i32 to index
        %get3A_289 = tpu.vector_load %arg9[%get3A_288] {strides = array<i32>} : memref<4096xf32, #tpu.memory_space<vmem>>, vector<16xf32>,
        %get3A_290 = vector.shape_cast %get3A_289 : vector<16xf32> to vector<16xf32>
        %div3A_291 = arith.constant 0.0158730168 : f32
        %div3A_292 = vector.broadcast %div3A_291 : f32 to vector<16xf32>
        %div3A_293 = arith.divf %get3A_290, %div3A_292 : vector<16xf32>
        %add3A_294 = arith.constant 0x4B400000 : f32
        %add3A_295 = vector.broadcast %add3A_294 : f32 to vector<16xf32>
        %add3A_296 = arith.addf %div3A_285, %add3A_295 : vector<16xf32>
        %sub3A = arith.constant 0x4B400000 : f32
        %sub3A_297 = vector.broadcast %sub3A : f32 to vector<16xf32>
        %sub3A_298 = arith.subf %add3A_296, %sub3A_297 : vector<16xf32>
        %add3A_299 = arith.constant 0x4B400000 : f32
        %add3A_300 = vector.broadcast %add3A_299 : f32 to vector<16xf32>
        %add3A_301 = arith.addf %div3A_293, %add3A_300 : vector<16xf32>
        %sub3A_302 = arith.constant 0x4B400000 : f32
        %sub3A_303 = vector.broadcast %sub3A_302 : f32 to vector<16xf32>
        %sub3A_304 = arith.subf %add3A_301, %sub3A_303 : vector<16xf32>
        %max3A = arith.constant 0.000000e+00 : f32
        %max3A_305 = vector.broadcast %max3A : f32 to vector<16xf32>
        %max3A_306 = arith.maximumf %sub3A_298, %max3A_305 : vector<16xf32>
        %min3A = arith.constant 6.300000e+01 : f32
        %min3A_307 = vector.broadcast %min3A : f32 to vector<16xf32>
        %min3A_308 = arith.minimumf %max3A_306, %min3A_307 : vector<16xf32>
        %max3A_309 = arith.constant 0.000000e+00 : f32
        %max3A_310 = vector.broadcast %max3A_309 : f32 to vector<16xf32>
        %max3A_311 = arith.maximumf %sub3A_304, %max3A_310 : vector<16xf32>
        %min3A_312 = arith.constant 6.300000e+01 : f32
        %min3A_313 = vector.broadcast %min3A_312 : f32 to vector<16xf32>
        %min3A_314 = arith.minimumf %max3A_311, %min3A_313 : vector<16xf32>
        %convert_element_type3A_315 = arith.fptosi %min3A_308 : vector<16xf32> to vector<16xi32>
        %mul3A_316 = arith.constant 64 : i32
        %mul3A_317 = vector.broadcast %mul3A_316 : i32 to vector<16xi32>
        %mul3A_318 = arith.muli %convert_element_type3A_315, %mul3A_317 : vector<16xi32>
        %convert_element_type3A_319 = arith.fptosi %min3A_314 : vector<16xf32> to vector<16xi32>
        %add3A_320 = arith.addi %mul3A_318, %convert_element_type3A_319 : vector<16xi32>
        %max3A_321 = arith.constant 0 : i32
        %max3A_322 = vector.broadcast %max3A_321 : i32 to vector<16xi32>
        %max3A_323 = arith.maxsi %add3A_320, %max3A_322 : vector<16xi32>
        %min3A_324 = arith.constant 4095 : i32
        %min3A_325 = vector.broadcast %min3A_324 : i32 to vector<16xi32>
        %min3A_326 = arith.minsi %max3A_323, %min3A_325 : vector<16xi32>
        %mul3A_327 = arith.constant 16 : i32
        %mul3A_328 = arith.muli %scan3A_276, %mul3A_327 : i32
        %swap3A = arith.index_cast %mul3A_328 : i32 to index
        %swap3A_329 = tpu.vector_load %arg10[%swap3A] {strides = array<i32>} : memref<128xi32, #tpu.memory_space<vmem>>, vector<16xi32>,
        %swap3A_330 = vector.shape_cast %swap3A_329 : vector<16xi32> to vector<16xi32>
        %swap3A_331 = vector.shape_cast %min3A_326 : vector<16xi32> to vector<16xi32>
        tpu.vector_store %arg10[%swap3A], %swap3A_331 {strides = array<i32>} : memref<128xi32, #tpu.memory_space<vmem>>, vector<16xi32>,
      }
      %scan3A_268 = arith.constant 8 : i32
      %dma_wait3A = arith.constant 0 : i32
      %dma_wait3A_269 = arith.constant 0 : i32
      %dma_wait3A_270 = tpu.memref_slice %arg3[%dma_wait3A, %dma_wait3A_269] : memref<262144x128xf32, #tpu.memory_space<hbm>> -> memref<128x128xf32, #tpu.memory_space<hbm>>
      %dma_wait3A_271 = arith.constant 0 : i32
      %dma_wait3A_272 = arith.constant 0 : i32
      %dma_wait3A_273 = tpu.memref_slice %arg3[%dma_wait3A_271, %dma_wait3A_272] : memref<262144x128xf32, #tpu.memory_space<hbm>> -> memref<128x128xf32, #tpu.memory_space<hbm>>
      tpu.wait_dma2 semaphore(%arg11 : memref<!tpu.dma_semaphore, #tpu.memory_space<semaphore_mem>>) src(%dma_wait3A_273 : memref<128x128xf32, #tpu.memory_space<hbm>>) dst(%arg6 : memref<128x128xf32, #tpu.memory_space<vmem>>)
      "tpu.region"() ({
        %run_scoped3A = tpu.sem_alloc : memref<!tpu.dma_semaphore, #tpu.memory_space<semaphore_mem>>
        %dma_start3A_276 = arith.constant 0 : i32
        %dma_start3A_277 = arith.constant 0 : i32
        %dma_start3A_278 = tpu.memref_slice %arg12[%dma_start3A_276, %dma_start3A_277] : memref<4096x128xf32, #tpu.memory_space<vmem_shared>> -> memref<4096x128xf32, #tpu.memory_space<vmem_shared>>
        tpu.enqueue_indirect_dma source(%arg6 : memref<128x128xf32, #tpu.memory_space<vmem>>) target(%dma_start3A_278 : memref<4096x128xf32, #tpu.memory_space<vmem_shared>>) offsets(%arg10 : memref<128xi32, #tpu.memory_space<vmem>>) semaphore(%run_scoped3A : memref<!tpu.dma_semaphore, #tpu.memory_space<semaphore_mem>>) {add = true}
        %dma_wait3A_279 = arith.constant 0 : i32
        %dma_wait3A_280 = arith.constant 0 : i32
        %dma_wait3A_281 = tpu.memref_slice %arg12[%dma_wait3A_279, %dma_wait3A_280] : memref<4096x128xf32, #tpu.memory_space<vmem_shared>> -> memref<4096x128xf32, #tpu.memory_space<vmem_shared>>
        tpu.wait_indirect_dma semaphore(%run_scoped3A : memref<!tpu.dma_semaphore, #tpu.memory_space<semaphore_mem>>) src(%arg6 : memref<128x128xf32, #tpu.memory_space<vmem>>) dst(%dma_wait3A_281 : memref<4096x128xf32, #tpu.memory_space<vmem_shared>>)
        tpu.yield
      }) : () -> ()
      %lt3A = arith.constant 15 : i32
      %lt3A_274 = arith.cmpi slt, %scan3A_263, %lt3A : i32
      %convert_element_type3A = arith.extui %lt3A_274 : i1 to i32
      %cond3A = arith.constant 0 : i32
      %cond3A_275 = arith.cmpi ne, %convert_element_type3A, %cond3A : i32
      scf.if %cond3A_275 {
        %mul3A_276 = arith.constant 32768 : i32
        %mul3A_277 = arith.muli %add3A_81, %mul3A_276 : i32
        %add3A_278 = arith.addi %mul3A_277, %mul3A_14 : i32
        %add3A_279 = arith.constant 1 : i32
        %add3A_280 = arith.addi %scan3A_263, %add3A_279 : i32
        %mul3A_281 = arith.constant 128 : i32
        %mul3A_282 = arith.muli %add3A_280, %mul3A_281 : i32
        %add3A_283 = arith.addi %add3A_278, %mul3A_282 : i32
        %dma_start3A_284 = arith.constant 0 : i32
        %dma_start3A_285 = tpu.memref_slice %arg3[%add3A_283, %dma_start3A_284] : memref<262144x128xf32, #tpu.memory_space<hbm>> -> memref<128x128xf32, #tpu.memory_space<hbm>>
        %dma_start3A_286 = arith.constant 0 : i32
        %dma_start3A_287 = tpu.memref_slice %arg3[%add3A_283, %dma_start3A_286] : memref<262144x128xf32, #tpu.memory_space<hbm>> -> memref<128x128xf32, #tpu.memory_space<hbm>>
        tpu.enqueue_dma source(%dma_start3A_287 : memref<128x128xf32, #tpu.memory_space<hbm>>) target(%arg6 : memref<128x128xf32, #tpu.memory_space<vmem>>) target_semaphore(%arg11 : memref<!tpu.dma_semaphore, #tpu.memory_space<semaphore_mem>>)
      } else {
      }
      "tpu.region"() ({
        %run_scoped3A = tpu.sem_alloc : memref<!tpu.dma_semaphore, #tpu.memory_space<semaphore_mem>>
        %dma_start3A_276 = arith.constant 0 : i32
        %dma_start3A_277 = arith.constant 0 : i32
        %dma_start3A_278 = tpu.memref_slice %arg13[%dma_start3A_276, %dma_start3A_277] : memref<4096x128xf32, #tpu.memory_space<vmem_shared>> -> memref<4096x128xf32, #tpu.memory_space<vmem_shared>>
        tpu.enqueue_indirect_dma source(%arg8 : memref<128x128xf32, #tpu.memory_space<vmem>>) target(%dma_start3A_278 : memref<4096x128xf32, #tpu.memory_space<vmem_shared>>) offsets(%arg10 : memref<128xi32, #tpu.memory_space<vmem>>) semaphore(%run_scoped3A : memref<!tpu.dma_semaphore, #tpu.memory_space<semaphore_mem>>) {add = true}
        %dma_wait3A_279 = arith.constant 0 : i32
        %dma_wait3A_280 = arith.constant 0 : i32
        %dma_wait3A_281 = tpu.memref_slice %arg13[%dma_wait3A_279, %dma_wait3A_280] : memref<4096x128xf32, #tpu.memory_space<vmem_shared>> -> memref<4096x128xf32, #tpu.memory_space<vmem_shared>>
        tpu.wait_indirect_dma semaphore(%run_scoped3A : memref<!tpu.dma_semaphore, #tpu.memory_space<semaphore_mem>>) src(%arg8 : memref<128x128xf32, #tpu.memory_space<vmem>>) dst(%dma_wait3A_281 : memref<4096x128xf32, #tpu.memory_space<vmem_shared>>)
        tpu.yield
      }) : () -> ()
    }
    %scan3A_107 = arith.constant 16 : i32
    %barrier3A_108 = arith.constant 0 : index
    tpu.barrier barrier_id(%barrier3A_108)
    %mul3A_109 = arith.constant 256 : i32
    %mul3A_110 = arith.muli %arg1, %mul3A_109 : i32
    %add3A_111 = arith.constant 0 : i32
    %add3A_112 = arith.addi %mul3A_110, %add3A_111 : i32
    "tpu.region"() ({
      %run_scoped3A = tpu.sem_alloc : memref<!tpu.dma_semaphore, #tpu.memory_space<semaphore_mem>>
      %dma_start3A_263 = arith.constant 0 : i32
      %dma_start3A_264 = tpu.memref_slice %arg12[%add3A_112, %dma_start3A_263] : memref<4096x128xf32, #tpu.memory_space<vmem_shared>> -> memref<128x128xf32, #tpu.memory_space<vmem_shared>>
      %dma_start3A_265 = arith.constant 0 : i32
      %dma_start3A_266 = tpu.memref_slice %arg12[%add3A_112, %dma_start3A_265] : memref<4096x128xf32, #tpu.memory_space<vmem_shared>> -> memref<128x128xf32, #tpu.memory_space<vmem_shared>>
      tpu.enqueue_dma source(%dma_start3A_266 : memref<128x128xf32, #tpu.memory_space<vmem_shared>>) target(%arg6 : memref<128x128xf32, #tpu.memory_space<vmem>>) target_semaphore(%run_scoped3A : memref<!tpu.dma_semaphore, #tpu.memory_space<semaphore_mem>>)
      %dma_wait3A = arith.constant 0 : i32
      %dma_wait3A_267 = tpu.memref_slice %arg12[%add3A_112, %dma_wait3A] : memref<4096x128xf32, #tpu.memory_space<vmem_shared>> -> memref<128x128xf32, #tpu.memory_space<vmem_shared>>
      %dma_wait3A_268 = arith.constant 0 : i32
      %dma_wait3A_269 = tpu.memref_slice %arg12[%add3A_112, %dma_wait3A_268] : memref<4096x128xf32, #tpu.memory_space<vmem_shared>> -> memref<128x128xf32, #tpu.memory_space<vmem_shared>>
      tpu.wait_dma2 semaphore(%run_scoped3A : memref<!tpu.dma_semaphore, #tpu.memory_space<semaphore_mem>>) src(%dma_wait3A_269 : memref<128x128xf32, #tpu.memory_space<vmem_shared>>) dst(%arg6 : memref<128x128xf32, #tpu.memory_space<vmem>>)
      tpu.yield
    }) : () -> ()
    "tpu.region"() ({
      %run_scoped3A = tpu.sem_alloc : memref<!tpu.dma_semaphore, #tpu.memory_space<semaphore_mem>>
      %dma_start3A_263 = arith.constant 0 : i32
      %dma_start3A_264 = tpu.memref_slice %arg13[%add3A_112, %dma_start3A_263] : memref<4096x128xf32, #tpu.memory_space<vmem_shared>> -> memref<128x128xf32, #tpu.memory_space<vmem_shared>>
      %dma_start3A_265 = arith.constant 0 : i32
      %dma_start3A_266 = tpu.memref_slice %arg13[%add3A_112, %dma_start3A_265] : memref<4096x128xf32, #tpu.memory_space<vmem_shared>> -> memref<128x128xf32, #tpu.memory_space<vmem_shared>>
      tpu.enqueue_dma source(%dma_start3A_266 : memref<128x128xf32, #tpu.memory_space<vmem_shared>>) target(%arg7 : memref<128x128xf32, #tpu.memory_space<vmem>>) target_semaphore(%run_scoped3A : memref<!tpu.dma_semaphore, #tpu.memory_space<semaphore_mem>>)
      %dma_wait3A = arith.constant 0 : i32
      %dma_wait3A_267 = tpu.memref_slice %arg13[%add3A_112, %dma_wait3A] : memref<4096x128xf32, #tpu.memory_space<vmem_shared>> -> memref<128x128xf32, #tpu.memory_space<vmem_shared>>
      %dma_wait3A_268 = arith.constant 0 : i32
      %dma_wait3A_269 = tpu.memref_slice %arg13[%add3A_112, %dma_wait3A_268] : memref<4096x128xf32, #tpu.memory_space<vmem_shared>> -> memref<128x128xf32, #tpu.memory_space<vmem_shared>>
      tpu.wait_dma2 semaphore(%run_scoped3A : memref<!tpu.dma_semaphore, #tpu.memory_space<semaphore_mem>>) src(%dma_wait3A_269 : memref<128x128xf32, #tpu.memory_space<vmem_shared>>) dst(%arg7 : memref<128x128xf32, #tpu.memory_space<vmem>>)
      tpu.yield
    }) : () -> ()
    "tpu.region"() ({
      %run_scoped3A = tpu.sem_alloc : memref<!tpu.dma_semaphore, #tpu.memory_space<semaphore_mem>>
      %dma_start3A_263 = arith.constant 0 : i32
      %dma_start3A_264 = tpu.memref_slice %arg4[%add3A_112, %dma_start3A_263] : memref<4096x128xf32, #tpu.memory_space<hbm>> -> memref<128x128xf32, #tpu.memory_space<hbm>>
      %dma_start3A_265 = arith.constant 0 : i32
      %dma_start3A_266 = tpu.memref_slice %arg4[%add3A_112, %dma_start3A_265] : memref<4096x128xf32, #tpu.memory_space<hbm>> -> memref<128x128xf32, #tpu.memory_space<hbm>>
      tpu.enqueue_dma source(%dma_start3A_266 : memref<128x128xf32, #tpu.memory_space<hbm>>) target(%arg8 : memref<128x128xf32, #tpu.memory_space<vmem>>) target_semaphore(%run_scoped3A : memref<!tpu.dma_semaphore, #tpu.memory_space<semaphore_mem>>)
      %dma_wait3A = arith.constant 0 : i32
      %dma_wait3A_267 = tpu.memref_slice %arg4[%add3A_112, %dma_wait3A] : memref<4096x128xf32, #tpu.memory_space<hbm>> -> memref<128x128xf32, #tpu.memory_space<hbm>>
      %dma_wait3A_268 = arith.constant 0 : i32
      %dma_wait3A_269 = tpu.memref_slice %arg4[%add3A_112, %dma_wait3A_268] : memref<4096x128xf32, #tpu.memory_space<hbm>> -> memref<128x128xf32, #tpu.memory_space<hbm>>
      tpu.wait_dma2 semaphore(%run_scoped3A : memref<!tpu.dma_semaphore, #tpu.memory_space<semaphore_mem>>) src(%dma_wait3A_269 : memref<128x128xf32, #tpu.memory_space<hbm>>) dst(%arg8 : memref<128x128xf32, #tpu.memory_space<vmem>>)
      tpu.yield
    }) : () -> ()
    %scan3A_113 = arith.constant 0 : i32
    %scan3A_114 = arith.constant 128 : i32
    %scan3A_115 = arith.addi %scan3A_113, %scan3A_114 : i32
    %scan3A_116 = arith.constant 1 : i32
    scf.for %scan3A_263 = %scan3A_113 to %scan3A_115 step %scan3A_116  : i32 {
      %get3A = arith.index_cast %scan3A_263 : i32 to index
      %get3A_264 = arith.constant 0 : index
      %get3A_265 = tpu.vector_load %arg7[%get3A, %get3A_264] {strides = array<i32>} : memref<128x128xf32, #tpu.memory_space<vmem>>, vector<1x16xf32>,
      %get3A_266 = vector.shape_cast %get3A_265 : vector<1x16xf32> to vector<16xf32>
      %ge3A = arith.constant 1.000000e+00 : f32
      %ge3A_267 = vector.broadcast %ge3A : f32 to vector<16xf32>
      %ge3A_268 = arith.cmpf oge, %get3A_266, %ge3A_267 : vector<16xf32>
      %max3A = arith.constant 1.000000e+00 : f32
      %max3A_269 = vector.broadcast %max3A : f32 to vector<16xf32>
      %max3A_270 = arith.maximumf %get3A_266, %max3A_269 : vector<16xf32>
      %div3A = arith.constant 1.000000e+00 : f32
      %div3A_271 = vector.broadcast %div3A : f32 to vector<16xf32>
      %div3A_272 = arith.divf %div3A_271, %max3A_270 : vector<16xf32>
      %jit3A = arith.constant 0.000000e+00 : f32
      %broadcast_in_dim3A_273 = vector.broadcast %jit3A : f32 to vector<16xf32>
      %select_n3A = arith.select %ge3A_268, %div3A_272, %broadcast_in_dim3A_273 : vector<16xi1>, vector<16xf32>
      %get3A_274 = arith.index_cast %scan3A_263 : i32 to index
      %get3A_275 = arith.constant 0 : index
      %get3A_276 = tpu.vector_load %arg6[%get3A_274, %get3A_275] {strides = array<i32>} : memref<128x128xf32, #tpu.memory_space<vmem>>, vector<1x16xf32>,
      %get3A_277 = vector.shape_cast %get3A_276 : vector<1x16xf32> to vector<16xf32>
      %mul3A_278 = arith.mulf %get3A_277, %select_n3A : vector<16xf32>
      %get3A_279 = arith.index_cast %scan3A_263 : i32 to index
      %get3A_280 = arith.constant 0 : index
      %get3A_281 = tpu.vector_load %arg8[%get3A_279, %get3A_280] {strides = array<i32>} : memref<128x128xf32, #tpu.memory_space<vmem>>, vector<1x16xf32>,
      %get3A_282 = vector.shape_cast %get3A_281 : vector<1x16xf32> to vector<16xf32>
      %add3A_283 = arith.addf %mul3A_278, %get3A_282 : vector<16xf32>
      %swap3A = arith.index_cast %scan3A_263 : i32 to index
      %swap3A_284 = arith.constant 0 : index
      %swap3A_285 = tpu.vector_load %arg6[%swap3A, %swap3A_284] {strides = array<i32>} : memref<128x128xf32, #tpu.memory_space<vmem>>, vector<1x16xf32>,
      %swap3A_286 = vector.shape_cast %swap3A_285 : vector<1x16xf32> to vector<16xf32>
      %swap3A_287 = vector.shape_cast %add3A_283 : vector<16xf32> to vector<1x16xf32>
      tpu.vector_store %arg6[%swap3A, %swap3A_284], %swap3A_287 {strides = array<i32>} : memref<128x128xf32, #tpu.memory_space<vmem>>, vector<1x16xf32>,
      %get3A_288 = arith.index_cast %scan3A_263 : i32 to index
      %get3A_289 = arith.constant 16 : index
      %get3A_290 = tpu.vector_load %arg6[%get3A_288, %get3A_289] {strides = array<i32>} : memref<128x128xf32, #tpu.memory_space<vmem>>, vector<1x16xf32>,
      %get3A_291 = vector.shape_cast %get3A_290 : vector<1x16xf32> to vector<16xf32>
      %mul3A_292 = arith.mulf %get3A_291, %select_n3A : vector<16xf32>
      %get3A_293 = arith.index_cast %scan3A_263 : i32 to index
      %get3A_294 = arith.constant 16 : index
      %get3A_295 = tpu.vector_load %arg8[%get3A_293, %get3A_294] {strides = array<i32>} : memref<128x128xf32, #tpu.memory_space<vmem>>, vector<1x16xf32>,
      %get3A_296 = vector.shape_cast %get3A_295 : vector<1x16xf32> to vector<16xf32>
      %add3A_297 = arith.addf %mul3A_292, %get3A_296 : vector<16xf32>
      %swap3A_298 = arith.index_cast %scan3A_263 : i32 to index
      %swap3A_299 = arith.constant 16 : index
      %swap3A_300 = tpu.vector_load %arg6[%swap3A_298, %swap3A_299] {strides = array<i32>} : memref<128x128xf32, #tpu.memory_space<vmem>>, vector<1x16xf32>,
      %swap3A_301 = vector.shape_cast %swap3A_300 : vector<1x16xf32> to vector<16xf32>
      %swap3A_302 = vector.shape_cast %add3A_297 : vector<16xf32> to vector<1x16xf32>
      tpu.vector_store %arg6[%swap3A_298, %swap3A_299], %swap3A_302 {strides = array<i32>} : memref<128x128xf32, #tpu.memory_space<vmem>>, vector<1x16xf32>,
      %get3A_303 = arith.index_cast %scan3A_263 : i32 to index
      %get3A_304 = arith.constant 32 : index
      %get3A_305 = tpu.vector_load %arg6[%get3A_303, %get3A_304] {strides = array<i32>} : memref<128x128xf32, #tpu.memory_space<vmem>>, vector<1x16xf32>,
      %get3A_306 = vector.shape_cast %get3A_305 : vector<1x16xf32> to vector<16xf32>
      %mul3A_307 = arith.mulf %get3A_306, %select_n3A : vector<16xf32>
      %get3A_308 = arith.index_cast %scan3A_263 : i32 to index
      %get3A_309 = arith.constant 32 : index
      %get3A_310 = tpu.vector_load %arg8[%get3A_308, %get3A_309] {strides = array<i32>} : memref<128x128xf32, #tpu.memory_space<vmem>>, vector<1x16xf32>,
      %get3A_311 = vector.shape_cast %get3A_310 : vector<1x16xf32> to vector<16xf32>
      %add3A_312 = arith.addf %mul3A_307, %get3A_311 : vector<16xf32>
      %swap3A_313 = arith.index_cast %scan3A_263 : i32 to index
      %swap3A_314 = arith.constant 32 : index
      %swap3A_315 = tpu.vector_load %arg6[%swap3A_313, %swap3A_314] {strides = array<i32>} : memref<128x128xf32, #tpu.memory_space<vmem>>, vector<1x16xf32>,
      %swap3A_316 = vector.shape_cast %swap3A_315 : vector<1x16xf32> to vector<16xf32>
      %swap3A_317 = vector.shape_cast %add3A_312 : vector<16xf32> to vector<1x16xf32>
      tpu.vector_store %arg6[%swap3A_313, %swap3A_314], %swap3A_317 {strides = array<i32>} : memref<128x128xf32, #tpu.memory_space<vmem>>, vector<1x16xf32>,
      %get3A_318 = arith.index_cast %scan3A_263 : i32 to index
      %get3A_319 = arith.constant 48 : index
      %get3A_320 = tpu.vector_load %arg6[%get3A_318, %get3A_319] {strides = array<i32>} : memref<128x128xf32, #tpu.memory_space<vmem>>, vector<1x16xf32>,
      %get3A_321 = vector.shape_cast %get3A_320 : vector<1x16xf32> to vector<16xf32>
      %mul3A_322 = arith.mulf %get3A_321, %select_n3A : vector<16xf32>
      %get3A_323 = arith.index_cast %scan3A_263 : i32 to index
      %get3A_324 = arith.constant 48 : index
      %get3A_325 = tpu.vector_load %arg8[%get3A_323, %get3A_324] {strides = array<i32>} : memref<128x128xf32, #tpu.memory_space<vmem>>, vector<1x16xf32>,
      %get3A_326 = vector.shape_cast %get3A_325 : vector<1x16xf32> to vector<16xf32>
      %add3A_327 = arith.addf %mul3A_322, %get3A_326 : vector<16xf32>
      %swap3A_328 = arith.index_cast %scan3A_263 : i32 to index
      %swap3A_329 = arith.constant 48 : index
      %swap3A_330 = tpu.vector_load %arg6[%swap3A_328, %swap3A_329] {strides = array<i32>} : memref<128x128xf32, #tpu.memory_space<vmem>>, vector<1x16xf32>,
      %swap3A_331 = vector.shape_cast %swap3A_330 : vector<1x16xf32> to vector<16xf32>
      %swap3A_332 = vector.shape_cast %add3A_327 : vector<16xf32> to vector<1x16xf32>
      tpu.vector_store %arg6[%swap3A_328, %swap3A_329], %swap3A_332 {strides = array<i32>} : memref<128x128xf32, #tpu.memory_space<vmem>>, vector<1x16xf32>,
      %get3A_333 = arith.index_cast %scan3A_263 : i32 to index
      %get3A_334 = arith.constant 64 : index
      %get3A_335 = tpu.vector_load %arg6[%get3A_333, %get3A_334] {strides = array<i32>} : memref<128x128xf32, #tpu.memory_space<vmem>>, vector<1x16xf32>,
      %get3A_336 = vector.shape_cast %get3A_335 : vector<1x16xf32> to vector<16xf32>
      %mul3A_337 = arith.mulf %get3A_336, %select_n3A : vector<16xf32>
      %get3A_338 = arith.index_cast %scan3A_263 : i32 to index
      %get3A_339 = arith.constant 64 : index
      %get3A_340 = tpu.vector_load %arg8[%get3A_338, %get3A_339] {strides = array<i32>} : memref<128x128xf32, #tpu.memory_space<vmem>>, vector<1x16xf32>,
      %get3A_341 = vector.shape_cast %get3A_340 : vector<1x16xf32> to vector<16xf32>
      %add3A_342 = arith.addf %mul3A_337, %get3A_341 : vector<16xf32>
      %swap3A_343 = arith.index_cast %scan3A_263 : i32 to index
      %swap3A_344 = arith.constant 64 : index
      %swap3A_345 = tpu.vector_load %arg6[%swap3A_343, %swap3A_344] {strides = array<i32>} : memref<128x128xf32, #tpu.memory_space<vmem>>, vector<1x16xf32>,
      %swap3A_346 = vector.shape_cast %swap3A_345 : vector<1x16xf32> to vector<16xf32>
      %swap3A_347 = vector.shape_cast %add3A_342 : vector<16xf32> to vector<1x16xf32>
      tpu.vector_store %arg6[%swap3A_343, %swap3A_344], %swap3A_347 {strides = array<i32>} : memref<128x128xf32, #tpu.memory_space<vmem>>, vector<1x16xf32>,
      %get3A_348 = arith.index_cast %scan3A_263 : i32 to index
      %get3A_349 = arith.constant 80 : index
      %get3A_350 = tpu.vector_load %arg6[%get3A_348, %get3A_349] {strides = array<i32>} : memref<128x128xf32, #tpu.memory_space<vmem>>, vector<1x16xf32>,
      %get3A_351 = vector.shape_cast %get3A_350 : vector<1x16xf32> to vector<16xf32>
      %mul3A_352 = arith.mulf %get3A_351, %select_n3A : vector<16xf32>
      %get3A_353 = arith.index_cast %scan3A_263 : i32 to index
      %get3A_354 = arith.constant 80 : index
      %get3A_355 = tpu.vector_load %arg8[%get3A_353, %get3A_354] {strides = array<i32>} : memref<128x128xf32, #tpu.memory_space<vmem>>, vector<1x16xf32>,
      %get3A_356 = vector.shape_cast %get3A_355 : vector<1x16xf32> to vector<16xf32>
      %add3A_357 = arith.addf %mul3A_352, %get3A_356 : vector<16xf32>
      %swap3A_358 = arith.index_cast %scan3A_263 : i32 to index
      %swap3A_359 = arith.constant 80 : index
      %swap3A_360 = tpu.vector_load %arg6[%swap3A_358, %swap3A_359] {strides = array<i32>} : memref<128x128xf32, #tpu.memory_space<vmem>>, vector<1x16xf32>,
      %swap3A_361 = vector.shape_cast %swap3A_360 : vector<1x16xf32> to vector<16xf32>
      %swap3A_362 = vector.shape_cast %add3A_357 : vector<16xf32> to vector<1x16xf32>
      tpu.vector_store %arg6[%swap3A_358, %swap3A_359], %swap3A_362 {strides = array<i32>} : memref<128x128xf32, #tpu.memory_space<vmem>>, vector<1x16xf32>,
      %get3A_363 = arith.index_cast %scan3A_263 : i32 to index
      %get3A_364 = arith.constant 96 : index
      %get3A_365 = tpu.vector_load %arg6[%get3A_363, %get3A_364] {strides = array<i32>} : memref<128x128xf32, #tpu.memory_space<vmem>>, vector<1x16xf32>,
      %get3A_366 = vector.shape_cast %get3A_365 : vector<1x16xf32> to vector<16xf32>
      %mul3A_367 = arith.mulf %get3A_366, %select_n3A : vector<16xf32>
      %get3A_368 = arith.index_cast %scan3A_263 : i32 to index
      %get3A_369 = arith.constant 96 : index
      %get3A_370 = tpu.vector_load %arg8[%get3A_368, %get3A_369] {strides = array<i32>} : memref<128x128xf32, #tpu.memory_space<vmem>>, vector<1x16xf32>,
      %get3A_371 = vector.shape_cast %get3A_370 : vector<1x16xf32> to vector<16xf32>
      %add3A_372 = arith.addf %mul3A_367, %get3A_371 : vector<16xf32>
      %swap3A_373 = arith.index_cast %scan3A_263 : i32 to index
      %swap3A_374 = arith.constant 96 : index
      %swap3A_375 = tpu.vector_load %arg6[%swap3A_373, %swap3A_374] {strides = array<i32>} : memref<128x128xf32, #tpu.memory_space<vmem>>, vector<1x16xf32>,
      %swap3A_376 = vector.shape_cast %swap3A_375 : vector<1x16xf32> to vector<16xf32>
      %swap3A_377 = vector.shape_cast %add3A_372 : vector<16xf32> to vector<1x16xf32>
      tpu.vector_store %arg6[%swap3A_373, %swap3A_374], %swap3A_377 {strides = array<i32>} : memref<128x128xf32, #tpu.memory_space<vmem>>, vector<1x16xf32>,
      %get3A_378 = arith.index_cast %scan3A_263 : i32 to index
      %get3A_379 = arith.constant 112 : index
      %get3A_380 = tpu.vector_load %arg6[%get3A_378, %get3A_379] {strides = array<i32>} : memref<128x128xf32, #tpu.memory_space<vmem>>, vector<1x16xf32>,
      %get3A_381 = vector.shape_cast %get3A_380 : vector<1x16xf32> to vector<16xf32>
      %mul3A_382 = arith.mulf %get3A_381, %select_n3A : vector<16xf32>
      %get3A_383 = arith.index_cast %scan3A_263 : i32 to index
      %get3A_384 = arith.constant 112 : index
      %get3A_385 = tpu.vector_load %arg8[%get3A_383, %get3A_384] {strides = array<i32>} : memref<128x128xf32, #tpu.memory_space<vmem>>, vector<1x16xf32>,
      %get3A_386 = vector.shape_cast %get3A_385 : vector<1x16xf32> to vector<16xf32>
      %add3A_387 = arith.addf %mul3A_382, %get3A_386 : vector<16xf32>
      %swap3A_388 = arith.index_cast %scan3A_263 : i32 to index
      %swap3A_389 = arith.constant 112 : index
      %swap3A_390 = tpu.vector_load %arg6[%swap3A_388, %swap3A_389] {strides = array<i32>} : memref<128x128xf32, #tpu.memory_space<vmem>>, vector<1x16xf32>,
      %swap3A_391 = vector.shape_cast %swap3A_390 : vector<1x16xf32> to vector<16xf32>
      %swap3A_392 = vector.shape_cast %add3A_387 : vector<16xf32> to vector<1x16xf32>
      tpu.vector_store %arg6[%swap3A_388, %swap3A_389], %swap3A_392 {strides = array<i32>} : memref<128x128xf32, #tpu.memory_space<vmem>>, vector<1x16xf32>,
    }
    %scan3A_117 = arith.constant 128 : i32
    %mul3A_118 = arith.constant 4096 : i32
    %mul3A_119 = arith.muli %add3A_81, %mul3A_118 : i32
    %add3A_120 = arith.addi %mul3A_119, %add3A_112 : i32
    "tpu.region"() ({
      %run_scoped3A = tpu.sem_alloc : memref<!tpu.dma_semaphore, #tpu.memory_space<semaphore_mem>>
      %dma_start3A_263 = arith.constant 0 : i32
      %dma_start3A_264 = tpu.memref_slice %arg5[%add3A_120, %dma_start3A_263] : memref<32768x128xf32, #tpu.memory_space<hbm>> -> memref<128x128xf32, #tpu.memory_space<hbm>>
      %dma_start3A_265 = arith.constant 0 : i32
      %dma_start3A_266 = tpu.memref_slice %arg5[%add3A_120, %dma_start3A_265] : memref<32768x128xf32, #tpu.memory_space<hbm>> -> memref<128x128xf32, #tpu.memory_space<hbm>>
      tpu.enqueue_dma source(%arg6 : memref<128x128xf32, #tpu.memory_space<vmem>>) target(%dma_start3A_266 : memref<128x128xf32, #tpu.memory_space<hbm>>) target_semaphore(%run_scoped3A : memref<!tpu.dma_semaphore, #tpu.memory_space<semaphore_mem>>)
      %dma_wait3A = arith.constant 0 : i32
      %dma_wait3A_267 = tpu.memref_slice %arg5[%add3A_120, %dma_wait3A] : memref<32768x128xf32, #tpu.memory_space<hbm>> -> memref<128x128xf32, #tpu.memory_space<hbm>>
      %dma_wait3A_268 = arith.constant 0 : i32
      %dma_wait3A_269 = tpu.memref_slice %arg5[%add3A_120, %dma_wait3A_268] : memref<32768x128xf32, #tpu.memory_space<hbm>> -> memref<128x128xf32, #tpu.memory_space<hbm>>
      tpu.wait_dma2 semaphore(%run_scoped3A : memref<!tpu.dma_semaphore, #tpu.memory_space<semaphore_mem>>) src(%arg6 : memref<128x128xf32, #tpu.memory_space<vmem>>) dst(%dma_wait3A_269 : memref<128x128xf32, #tpu.memory_space<hbm>>)
      tpu.yield
    }) : () -> ()
    %scan3A_121 = arith.constant 0 : i32
    %scan3A_122 = arith.constant 128 : i32
    %scan3A_123 = arith.addi %scan3A_121, %scan3A_122 : i32
    %scan3A_124 = arith.constant 1 : i32
    scf.for %scan3A_263 = %scan3A_121 to %scan3A_123 step %scan3A_124  : i32 {
      %swap3A = arith.index_cast %scan3A_263 : i32 to index
      %swap3A_264 = arith.constant 0 : index
      %swap3A_265 = tpu.vector_load %arg7[%swap3A, %swap3A_264] {strides = array<i32>} : memref<128x128xf32, #tpu.memory_space<vmem>>, vector<1x16xf32>,
      %swap3A_266 = vector.shape_cast %swap3A_265 : vector<1x16xf32> to vector<16xf32>
      %swap3A_267 = vector.shape_cast %broadcast_in_dim3A_0 : vector<16xf32> to vector<1x16xf32>
      tpu.vector_store %arg7[%swap3A, %swap3A_264], %swap3A_267 {strides = array<i32>} : memref<128x128xf32, #tpu.memory_space<vmem>>, vector<1x16xf32>,
      %swap3A_268 = arith.index_cast %scan3A_263 : i32 to index
      %swap3A_269 = arith.constant 16 : index
      %swap3A_270 = tpu.vector_load %arg7[%swap3A_268, %swap3A_269] {strides = array<i32>} : memref<128x128xf32, #tpu.memory_space<vmem>>, vector<1x16xf32>,
      %swap3A_271 = vector.shape_cast %swap3A_270 : vector<1x16xf32> to vector<16xf32>
      %swap3A_272 = vector.shape_cast %broadcast_in_dim3A_0 : vector<16xf32> to vector<1x16xf32>
      tpu.vector_store %arg7[%swap3A_268, %swap3A_269], %swap3A_272 {strides = array<i32>} : memref<128x128xf32, #tpu.memory_space<vmem>>, vector<1x16xf32>,
      %swap3A_273 = arith.index_cast %scan3A_263 : i32 to index
      %swap3A_274 = arith.constant 32 : index
      %swap3A_275 = tpu.vector_load %arg7[%swap3A_273, %swap3A_274] {strides = array<i32>} : memref<128x128xf32, #tpu.memory_space<vmem>>, vector<1x16xf32>,
      %swap3A_276 = vector.shape_cast %swap3A_275 : vector<1x16xf32> to vector<16xf32>
      %swap3A_277 = vector.shape_cast %broadcast_in_dim3A_0 : vector<16xf32> to vector<1x16xf32>
      tpu.vector_store %arg7[%swap3A_273, %swap3A_274], %swap3A_277 {strides = array<i32>} : memref<128x128xf32, #tpu.memory_space<vmem>>, vector<1x16xf32>,
      %swap3A_278 = arith.index_cast %scan3A_263 : i32 to index
      %swap3A_279 = arith.constant 48 : index
      %swap3A_280 = tpu.vector_load %arg7[%swap3A_278, %swap3A_279] {strides = array<i32>} : memref<128x128xf32, #tpu.memory_space<vmem>>, vector<1x16xf32>,
      %swap3A_281 = vector.shape_cast %swap3A_280 : vector<1x16xf32> to vector<16xf32>
      %swap3A_282 = vector.shape_cast %broadcast_in_dim3A_0 : vector<16xf32> to vector<1x16xf32>
      tpu.vector_store %arg7[%swap3A_278, %swap3A_279], %swap3A_282 {strides = array<i32>} : memref<128x128xf32, #tpu.memory_space<vmem>>, vector<1x16xf32>,
      %swap3A_283 = arith.index_cast %scan3A_263 : i32 to index
      %swap3A_284 = arith.constant 64 : index
      %swap3A_285 = tpu.vector_load %arg7[%swap3A_283, %swap3A_284] {strides = array<i32>} : memref<128x128xf32, #tpu.memory_space<vmem>>, vector<1x16xf32>,
      %swap3A_286 = vector.shape_cast %swap3A_285 : vector<1x16xf32> to vector<16xf32>
      %swap3A_287 = vector.shape_cast %broadcast_in_dim3A_0 : vector<16xf32> to vector<1x16xf32>
      tpu.vector_store %arg7[%swap3A_283, %swap3A_284], %swap3A_287 {strides = array<i32>} : memref<128x128xf32, #tpu.memory_space<vmem>>, vector<1x16xf32>,
      %swap3A_288 = arith.index_cast %scan3A_263 : i32 to index
      %swap3A_289 = arith.constant 80 : index
      %swap3A_290 = tpu.vector_load %arg7[%swap3A_288, %swap3A_289] {strides = array<i32>} : memref<128x128xf32, #tpu.memory_space<vmem>>, vector<1x16xf32>,
      %swap3A_291 = vector.shape_cast %swap3A_290 : vector<1x16xf32> to vector<16xf32>
      %swap3A_292 = vector.shape_cast %broadcast_in_dim3A_0 : vector<16xf32> to vector<1x16xf32>
      tpu.vector_store %arg7[%swap3A_288, %swap3A_289], %swap3A_292 {strides = array<i32>} : memref<128x128xf32, #tpu.memory_space<vmem>>, vector<1x16xf32>,
      %swap3A_293 = arith.index_cast %scan3A_263 : i32 to index
      %swap3A_294 = arith.constant 96 : index
      %swap3A_295 = tpu.vector_load %arg7[%swap3A_293, %swap3A_294] {strides = array<i32>} : memref<128x128xf32, #tpu.memory_space<vmem>>, vector<1x16xf32>,
      %swap3A_296 = vector.shape_cast %swap3A_295 : vector<1x16xf32> to vector<16xf32>
      %swap3A_297 = vector.shape_cast %broadcast_in_dim3A_0 : vector<16xf32> to vector<1x16xf32>
      tpu.vector_store %arg7[%swap3A_293, %swap3A_294], %swap3A_297 {strides = array<i32>} : memref<128x128xf32, #tpu.memory_space<vmem>>, vector<1x16xf32>,
      %swap3A_298 = arith.index_cast %scan3A_263 : i32 to index
      %swap3A_299 = arith.constant 112 : index
      %swap3A_300 = tpu.vector_load %arg7[%swap3A_298, %swap3A_299] {strides = array<i32>} : memref<128x128xf32, #tpu.memory_space<vmem>>, vector<1x16xf32>,
      %swap3A_301 = vector.shape_cast %swap3A_300 : vector<1x16xf32> to vector<16xf32>
      %swap3A_302 = vector.shape_cast %broadcast_in_dim3A_0 : vector<16xf32> to vector<1x16xf32>
      tpu.vector_store %arg7[%swap3A_298, %swap3A_299], %swap3A_302 {strides = array<i32>} : memref<128x128xf32, #tpu.memory_space<vmem>>, vector<1x16xf32>,
    }
    %scan3A_125 = arith.constant 128 : i32
    "tpu.region"() ({
      %run_scoped3A = tpu.sem_alloc : memref<!tpu.dma_semaphore, #tpu.memory_space<semaphore_mem>>
      %dma_start3A_263 = arith.constant 0 : i32
      %dma_start3A_264 = tpu.memref_slice %arg12[%add3A_112, %dma_start3A_263] : memref<4096x128xf32, #tpu.memory_space<vmem_shared>> -> memref<128x128xf32, #tpu.memory_space<vmem_shared>>
      %dma_start3A_265 = arith.constant 0 : i32
      %dma_start3A_266 = tpu.memref_slice %arg12[%add3A_112, %dma_start3A_265] : memref<4096x128xf32, #tpu.memory_space<vmem_shared>> -> memref<128x128xf32, #tpu.memory_space<vmem_shared>>
      tpu.enqueue_dma source(%arg7 : memref<128x128xf32, #tpu.memory_space<vmem>>) target(%dma_start3A_266 : memref<128x128xf32, #tpu.memory_space<vmem_shared>>) target_semaphore(%run_scoped3A : memref<!tpu.dma_semaphore, #tpu.memory_space<semaphore_mem>>)
      %dma_wait3A = arith.constant 0 : i32
      %dma_wait3A_267 = tpu.memref_slice %arg12[%add3A_112, %dma_wait3A] : memref<4096x128xf32, #tpu.memory_space<vmem_shared>> -> memref<128x128xf32, #tpu.memory_space<vmem_shared>>
      %dma_wait3A_268 = arith.constant 0 : i32
      %dma_wait3A_269 = tpu.memref_slice %arg12[%add3A_112, %dma_wait3A_268] : memref<4096x128xf32, #tpu.memory_space<vmem_shared>> -> memref<128x128xf32, #tpu.memory_space<vmem_shared>>
      tpu.wait_dma2 semaphore(%run_scoped3A : memref<!tpu.dma_semaphore, #tpu.memory_space<semaphore_mem>>) src(%arg7 : memref<128x128xf32, #tpu.memory_space<vmem>>) dst(%dma_wait3A_269 : memref<128x128xf32, #tpu.memory_space<vmem_shared>>)
      tpu.yield
    }) : () -> ()
    "tpu.region"() ({
      %run_scoped3A = tpu.sem_alloc : memref<!tpu.dma_semaphore, #tpu.memory_space<semaphore_mem>>
      %dma_start3A_263 = arith.constant 0 : i32
      %dma_start3A_264 = tpu.memref_slice %arg13[%add3A_112, %dma_start3A_263] : memref<4096x128xf32, #tpu.memory_space<vmem_shared>> -> memref<128x128xf32, #tpu.memory_space<vmem_shared>>
      %dma_start3A_265 = arith.constant 0 : i32
      %dma_start3A_266 = tpu.memref_slice %arg13[%add3A_112, %dma_start3A_265] : memref<4096x128xf32, #tpu.memory_space<vmem_shared>> -> memref<128x128xf32, #tpu.memory_space<vmem_shared>>
      tpu.enqueue_dma source(%arg7 : memref<128x128xf32, #tpu.memory_space<vmem>>) target(%dma_start3A_266 : memref<128x128xf32, #tpu.memory_space<vmem_shared>>) target_semaphore(%run_scoped3A : memref<!tpu.dma_semaphore, #tpu.memory_space<semaphore_mem>>)
      %dma_wait3A = arith.constant 0 : i32
      %dma_wait3A_267 = tpu.memref_slice %arg13[%add3A_112, %dma_wait3A] : memref<4096x128xf32, #tpu.memory_space<vmem_shared>> -> memref<128x128xf32, #tpu.memory_space<vmem_shared>>
      %dma_wait3A_268 = arith.constant 0 : i32
      %dma_wait3A_269 = tpu.memref_slice %arg13[%add3A_112, %dma_wait3A_268] : memref<4096x128xf32, #tpu.memory_space<vmem_shared>> -> memref<128x128xf32, #tpu.memory_space<vmem_shared>>
      tpu.wait_dma2 semaphore(%run_scoped3A : memref<!tpu.dma_semaphore, #tpu.memory_space<semaphore_mem>>) src(%arg7 : memref<128x128xf32, #tpu.memory_space<vmem>>) dst(%dma_wait3A_269 : memref<128x128xf32, #tpu.memory_space<vmem_shared>>)
      tpu.yield
    }) : () -> ()
    %mul3A_126 = arith.constant 256 : i32
    %mul3A_127 = arith.muli %arg1, %mul3A_126 : i32
    %add3A_128 = arith.constant 128 : i32
    %add3A_129 = arith.addi %mul3A_127, %add3A_128 : i32
    "tpu.region"() ({
      %run_scoped3A = tpu.sem_alloc : memref<!tpu.dma_semaphore, #tpu.memory_space<semaphore_mem>>
      %dma_start3A_263 = arith.constant 0 : i32
      %dma_start3A_264 = tpu.memref_slice %arg12[%add3A_129, %dma_start3A_263] : memref<4096x128xf32, #tpu.memory_space<vmem_shared>> -> memref<128x128xf32, #tpu.memory_space<vmem_shared>>
      %dma_start3A_265 = arith.constant 0 : i32
      %dma_start3A_266 = tpu.memref_slice %arg12[%add3A_129, %dma_start3A_265] : memref<4096x128xf32, #tpu.memory_space<vmem_shared>> -> memref<128x128xf32, #tpu.memory_space<vmem_shared>>
      tpu.enqueue_dma source(%dma_start3A_266 : memref<128x128xf32, #tpu.memory_space<vmem_shared>>) target(%arg6 : memref<128x128xf32, #tpu.memory_space<vmem>>) target_semaphore(%run_scoped3A : memref<!tpu.dma_semaphore, #tpu.memory_space<semaphore_mem>>)
      %dma_wait3A = arith.constant 0 : i32
      %dma_wait3A_267 = tpu.memref_slice %arg12[%add3A_129, %dma_wait3A] : memref<4096x128xf32, #tpu.memory_space<vmem_shared>> -> memref<128x128xf32, #tpu.memory_space<vmem_shared>>
      %dma_wait3A_268 = arith.constant 0 : i32
      %dma_wait3A_269 = tpu.memref_slice %arg12[%add3A_129, %dma_wait3A_268] : memref<4096x128xf32, #tpu.memory_space<vmem_shared>> -> memref<128x128xf32, #tpu.memory_space<vmem_shared>>
      tpu.wait_dma2 semaphore(%run_scoped3A : memref<!tpu.dma_semaphore, #tpu.memory_space<semaphore_mem>>) src(%dma_wait3A_269 : memref<128x128xf32, #tpu.memory_space<vmem_shared>>) dst(%arg6 : memref<128x128xf32, #tpu.memory_space<vmem>>)
      tpu.yield
    }) : () -> ()
    "tpu.region"() ({
      %run_scoped3A = tpu.sem_alloc : memref<!tpu.dma_semaphore, #tpu.memory_space<semaphore_mem>>
      %dma_start3A_263 = arith.constant 0 : i32
      %dma_start3A_264 = tpu.memref_slice %arg13[%add3A_129, %dma_start3A_263] : memref<4096x128xf32, #tpu.memory_space<vmem_shared>> -> memref<128x128xf32, #tpu.memory_space<vmem_shared>>
      %dma_start3A_265 = arith.constant 0 : i32
      %dma_start3A_266 = tpu.memref_slice %arg13[%add3A_129, %dma_start3A_265] : memref<4096x128xf32, #tpu.memory_space<vmem_shared>> -> memref<128x128xf32, #tpu.memory_space<vmem_shared>>
      tpu.enqueue_dma source(%dma_start3A_266 : memref<128x128xf32, #tpu.memory_space<vmem_shared>>) target(%arg7 : memref<128x128xf32, #tpu.memory_space<vmem>>) target_semaphore(%run_scoped3A : memref<!tpu.dma_semaphore, #tpu.memory_space<semaphore_mem>>)
      %dma_wait3A = arith.constant 0 : i32
      %dma_wait3A_267 = tpu.memref_slice %arg13[%add3A_129, %dma_wait3A] : memref<4096x128xf32, #tpu.memory_space<vmem_shared>> -> memref<128x128xf32, #tpu.memory_space<vmem_shared>>
      %dma_wait3A_268 = arith.constant 0 : i32
      %dma_wait3A_269 = tpu.memref_slice %arg13[%add3A_129, %dma_wait3A_268] : memref<4096x128xf32, #tpu.memory_space<vmem_shared>> -> memref<128x128xf32, #tpu.memory_space<vmem_shared>>
      tpu.wait_dma2 semaphore(%run_scoped3A : memref<!tpu.dma_semaphore, #tpu.memory_space<semaphore_mem>>) src(%dma_wait3A_269 : memref<128x128xf32, #tpu.memory_space<vmem_shared>>) dst(%arg7 : memref<128x128xf32, #tpu.memory_space<vmem>>)
      tpu.yield
    }) : () -> ()
    "tpu.region"() ({
      %run_scoped3A = tpu.sem_alloc : memref<!tpu.dma_semaphore, #tpu.memory_space<semaphore_mem>>
      %dma_start3A_263 = arith.constant 0 : i32
      %dma_start3A_264 = tpu.memref_slice %arg4[%add3A_129, %dma_start3A_263] : memref<4096x128xf32, #tpu.memory_space<hbm>> -> memref<128x128xf32, #tpu.memory_space<hbm>>
      %dma_start3A_265 = arith.constant 0 : i32
      %dma_start3A_266 = tpu.memref_slice %arg4[%add3A_129, %dma_start3A_265] : memref<4096x128xf32, #tpu.memory_space<hbm>> -> memref<128x128xf32, #tpu.memory_space<hbm>>
      tpu.enqueue_dma source(%dma_start3A_266 : memref<128x128xf32, #tpu.memory_space<hbm>>) target(%arg8 : memref<128x128xf32, #tpu.memory_space<vmem>>) target_semaphore(%run_scoped3A : memref<!tpu.dma_semaphore, #tpu.memory_space<semaphore_mem>>)
      %dma_wait3A = arith.constant 0 : i32
      %dma_wait3A_267 = tpu.memref_slice %arg4[%add3A_129, %dma_wait3A] : memref<4096x128xf32, #tpu.memory_space<hbm>> -> memref<128x128xf32, #tpu.memory_space<hbm>>
      %dma_wait3A_268 = arith.constant 0 : i32
      %dma_wait3A_269 = tpu.memref_slice %arg4[%add3A_129, %dma_wait3A_268] : memref<4096x128xf32, #tpu.memory_space<hbm>> -> memref<128x128xf32, #tpu.memory_space<hbm>>
      tpu.wait_dma2 semaphore(%run_scoped3A : memref<!tpu.dma_semaphore, #tpu.memory_space<semaphore_mem>>) src(%dma_wait3A_269 : memref<128x128xf32, #tpu.memory_space<hbm>>) dst(%arg8 : memref<128x128xf32, #tpu.memory_space<vmem>>)
      tpu.yield
    }) : () -> ()
    %scan3A_130 = arith.constant 0 : i32
    %scan3A_131 = arith.constant 128 : i32
    %scan3A_132 = arith.addi %scan3A_130, %scan3A_131 : i32
    %scan3A_133 = arith.constant 1 : i32
    scf.for %scan3A_263 = %scan3A_130 to %scan3A_132 step %scan3A_133  : i32 {
      %get3A = arith.index_cast %scan3A_263 : i32 to index
      %get3A_264 = arith.constant 0 : index
      %get3A_265 = tpu.vector_load %arg7[%get3A, %get3A_264] {strides = array<i32>} : memref<128x128xf32, #tpu.memory_space<vmem>>, vector<1x16xf32>,
      %get3A_266 = vector.shape_cast %get3A_265 : vector<1x16xf32> to vector<16xf32>
      %ge3A = arith.constant 1.000000e+00 : f32
      %ge3A_267 = vector.broadcast %ge3A : f32 to vector<16xf32>
      %ge3A_268 = arith.cmpf oge, %get3A_266, %ge3A_267 : vector<16xf32>
      %max3A = arith.constant 1.000000e+00 : f32
      %max3A_269 = vector.broadcast %max3A : f32 to vector<16xf32>
      %max3A_270 = arith.maximumf %get3A_266, %max3A_269 : vector<16xf32>
      %div3A = arith.constant 1.000000e+00 : f32
      %div3A_271 = vector.broadcast %div3A : f32 to vector<16xf32>
      %div3A_272 = arith.divf %div3A_271, %max3A_270 : vector<16xf32>
      %jit3A = arith.constant 0.000000e+00 : f32
      %broadcast_in_dim3A_273 = vector.broadcast %jit3A : f32 to vector<16xf32>
      %select_n3A = arith.select %ge3A_268, %div3A_272, %broadcast_in_dim3A_273 : vector<16xi1>, vector<16xf32>
      %get3A_274 = arith.index_cast %scan3A_263 : i32 to index
      %get3A_275 = arith.constant 0 : index
      %get3A_276 = tpu.vector_load %arg6[%get3A_274, %get3A_275] {strides = array<i32>} : memref<128x128xf32, #tpu.memory_space<vmem>>, vector<1x16xf32>,
      %get3A_277 = vector.shape_cast %get3A_276 : vector<1x16xf32> to vector<16xf32>
      %mul3A_278 = arith.mulf %get3A_277, %select_n3A : vector<16xf32>
      %get3A_279 = arith.index_cast %scan3A_263 : i32 to index
      %get3A_280 = arith.constant 0 : index
      %get3A_281 = tpu.vector_load %arg8[%get3A_279, %get3A_280] {strides = array<i32>} : memref<128x128xf32, #tpu.memory_space<vmem>>, vector<1x16xf32>,
      %get3A_282 = vector.shape_cast %get3A_281 : vector<1x16xf32> to vector<16xf32>
      %add3A_283 = arith.addf %mul3A_278, %get3A_282 : vector<16xf32>
      %swap3A = arith.index_cast %scan3A_263 : i32 to index
      %swap3A_284 = arith.constant 0 : index
      %swap3A_285 = tpu.vector_load %arg6[%swap3A, %swap3A_284] {strides = array<i32>} : memref<128x128xf32, #tpu.memory_space<vmem>>, vector<1x16xf32>,
      %swap3A_286 = vector.shape_cast %swap3A_285 : vector<1x16xf32> to vector<16xf32>
      %swap3A_287 = vector.shape_cast %add3A_283 : vector<16xf32> to vector<1x16xf32>
      tpu.vector_store %arg6[%swap3A, %swap3A_284], %swap3A_287 {strides = array<i32>} : memref<128x128xf32, #tpu.memory_space<vmem>>, vector<1x16xf32>,
      %get3A_288 = arith.index_cast %scan3A_263 : i32 to index
      %get3A_289 = arith.constant 16 : index
      %get3A_290 = tpu.vector_load %arg6[%get3A_288, %get3A_289] {strides = array<i32>} : memref<128x128xf32, #tpu.memory_space<vmem>>, vector<1x16xf32>,
      %get3A_291 = vector.shape_cast %get3A_290 : vector<1x16xf32> to vector<16xf32>
      %mul3A_292 = arith.mulf %get3A_291, %select_n3A : vector<16xf32>
      %get3A_293 = arith.index_cast %scan3A_263 : i32 to index
      %get3A_294 = arith.constant 16 : index
      %get3A_295 = tpu.vector_load %arg8[%get3A_293, %get3A_294] {strides = array<i32>} : memref<128x128xf32, #tpu.memory_space<vmem>>, vector<1x16xf32>,
      %get3A_296 = vector.shape_cast %get3A_295 : vector<1x16xf32> to vector<16xf32>
      %add3A_297 = arith.addf %mul3A_292, %get3A_296 : vector<16xf32>
      %swap3A_298 = arith.index_cast %scan3A_263 : i32 to index
      %swap3A_299 = arith.constant 16 : index
      %swap3A_300 = tpu.vector_load %arg6[%swap3A_298, %swap3A_299] {strides = array<i32>} : memref<128x128xf32, #tpu.memory_space<vmem>>, vector<1x16xf32>,
      %swap3A_301 = vector.shape_cast %swap3A_300 : vector<1x16xf32> to vector<16xf32>
      %swap3A_302 = vector.shape_cast %add3A_297 : vector<16xf32> to vector<1x16xf32>
      tpu.vector_store %arg6[%swap3A_298, %swap3A_299], %swap3A_302 {strides = array<i32>} : memref<128x128xf32, #tpu.memory_space<vmem>>, vector<1x16xf32>,
      %get3A_303 = arith.index_cast %scan3A_263 : i32 to index
      %get3A_304 = arith.constant 32 : index
      %get3A_305 = tpu.vector_load %arg6[%get3A_303, %get3A_304] {strides = array<i32>} : memref<128x128xf32, #tpu.memory_space<vmem>>, vector<1x16xf32>,
      %get3A_306 = vector.shape_cast %get3A_305 : vector<1x16xf32> to vector<16xf32>
      %mul3A_307 = arith.mulf %get3A_306, %select_n3A : vector<16xf32>
      %get3A_308 = arith.index_cast %scan3A_263 : i32 to index
      %get3A_309 = arith.constant 32 : index
      %get3A_310 = tpu.vector_load %arg8[%get3A_308, %get3A_309] {strides = array<i32>} : memref<128x128xf32, #tpu.memory_space<vmem>>, vector<1x16xf32>,
      %get3A_311 = vector.shape_cast %get3A_310 : vector<1x16xf32> to vector<16xf32>
      %add3A_312 = arith.addf %mul3A_307, %get3A_311 : vector<16xf32>
      %swap3A_313 = arith.index_cast %scan3A_263 : i32 to index
      %swap3A_314 = arith.constant 32 : index
      %swap3A_315 = tpu.vector_load %arg6[%swap3A_313, %swap3A_314] {strides = array<i32>} : memref<128x128xf32, #tpu.memory_space<vmem>>, vector<1x16xf32>,
      %swap3A_316 = vector.shape_cast %swap3A_315 : vector<1x16xf32> to vector<16xf32>
      %swap3A_317 = vector.shape_cast %add3A_312 : vector<16xf32> to vector<1x16xf32>
      tpu.vector_store %arg6[%swap3A_313, %swap3A_314], %swap3A_317 {strides = array<i32>} : memref<128x128xf32, #tpu.memory_space<vmem>>, vector<1x16xf32>,
      %get3A_318 = arith.index_cast %scan3A_263 : i32 to index
      %get3A_319 = arith.constant 48 : index
      %get3A_320 = tpu.vector_load %arg6[%get3A_318, %get3A_319] {strides = array<i32>} : memref<128x128xf32, #tpu.memory_space<vmem>>, vector<1x16xf32>,
      %get3A_321 = vector.shape_cast %get3A_320 : vector<1x16xf32> to vector<16xf32>
      %mul3A_322 = arith.mulf %get3A_321, %select_n3A : vector<16xf32>
      %get3A_323 = arith.index_cast %scan3A_263 : i32 to index
      %get3A_324 = arith.constant 48 : index
      %get3A_325 = tpu.vector_load %arg8[%get3A_323, %get3A_324] {strides = array<i32>} : memref<128x128xf32, #tpu.memory_space<vmem>>, vector<1x16xf32>,
      %get3A_326 = vector.shape_cast %get3A_325 : vector<1x16xf32> to vector<16xf32>
      %add3A_327 = arith.addf %mul3A_322, %get3A_326 : vector<16xf32>
      %swap3A_328 = arith.index_cast %scan3A_263 : i32 to index
      %swap3A_329 = arith.constant 48 : index
      %swap3A_330 = tpu.vector_load %arg6[%swap3A_328, %swap3A_329] {strides = array<i32>} : memref<128x128xf32, #tpu.memory_space<vmem>>, vector<1x16xf32>,
      %swap3A_331 = vector.shape_cast %swap3A_330 : vector<1x16xf32> to vector<16xf32>
      %swap3A_332 = vector.shape_cast %add3A_327 : vector<16xf32> to vector<1x16xf32>
      tpu.vector_store %arg6[%swap3A_328, %swap3A_329], %swap3A_332 {strides = array<i32>} : memref<128x128xf32, #tpu.memory_space<vmem>>, vector<1x16xf32>,
      %get3A_333 = arith.index_cast %scan3A_263 : i32 to index
      %get3A_334 = arith.constant 64 : index
      %get3A_335 = tpu.vector_load %arg6[%get3A_333, %get3A_334] {strides = array<i32>} : memref<128x128xf32, #tpu.memory_space<vmem>>, vector<1x16xf32>,
      %get3A_336 = vector.shape_cast %get3A_335 : vector<1x16xf32> to vector<16xf32>
      %mul3A_337 = arith.mulf %get3A_336, %select_n3A : vector<16xf32>
      %get3A_338 = arith.index_cast %scan3A_263 : i32 to index
      %get3A_339 = arith.constant 64 : index
      %get3A_340 = tpu.vector_load %arg8[%get3A_338, %get3A_339] {strides = array<i32>} : memref<128x128xf32, #tpu.memory_space<vmem>>, vector<1x16xf32>,
      %get3A_341 = vector.shape_cast %get3A_340 : vector<1x16xf32> to vector<16xf32>
      %add3A_342 = arith.addf %mul3A_337, %get3A_341 : vector<16xf32>
      %swap3A_343 = arith.index_cast %scan3A_263 : i32 to index
      %swap3A_344 = arith.constant 64 : index
      %swap3A_345 = tpu.vector_load %arg6[%swap3A_343, %swap3A_344] {strides = array<i32>} : memref<128x128xf32, #tpu.memory_space<vmem>>, vector<1x16xf32>,
      %swap3A_346 = vector.shape_cast %swap3A_345 : vector<1x16xf32> to vector<16xf32>
      %swap3A_347 = vector.shape_cast %add3A_342 : vector<16xf32> to vector<1x16xf32>
      tpu.vector_store %arg6[%swap3A_343, %swap3A_344], %swap3A_347 {strides = array<i32>} : memref<128x128xf32, #tpu.memory_space<vmem>>, vector<1x16xf32>,
      %get3A_348 = arith.index_cast %scan3A_263 : i32 to index
      %get3A_349 = arith.constant 80 : index
      %get3A_350 = tpu.vector_load %arg6[%get3A_348, %get3A_349] {strides = array<i32>} : memref<128x128xf32, #tpu.memory_space<vmem>>, vector<1x16xf32>,
      %get3A_351 = vector.shape_cast %get3A_350 : vector<1x16xf32> to vector<16xf32>
      %mul3A_352 = arith.mulf %get3A_351, %select_n3A : vector<16xf32>
      %get3A_353 = arith.index_cast %scan3A_263 : i32 to index
      %get3A_354 = arith.constant 80 : index
      %get3A_355 = tpu.vector_load %arg8[%get3A_353, %get3A_354] {strides = array<i32>} : memref<128x128xf32, #tpu.memory_space<vmem>>, vector<1x16xf32>,
      %get3A_356 = vector.shape_cast %get3A_355 : vector<1x16xf32> to vector<16xf32>
      %add3A_357 = arith.addf %mul3A_352, %get3A_356 : vector<16xf32>
      %swap3A_358 = arith.index_cast %scan3A_263 : i32 to index
      %swap3A_359 = arith.constant 80 : index
      %swap3A_360 = tpu.vector_load %arg6[%swap3A_358, %swap3A_359] {strides = array<i32>} : memref<128x128xf32, #tpu.memory_space<vmem>>, vector<1x16xf32>,
      %swap3A_361 = vector.shape_cast %swap3A_360 : vector<1x16xf32> to vector<16xf32>
      %swap3A_362 = vector.shape_cast %add3A_357 : vector<16xf32> to vector<1x16xf32>
      tpu.vector_store %arg6[%swap3A_358, %swap3A_359], %swap3A_362 {strides = array<i32>} : memref<128x128xf32, #tpu.memory_space<vmem>>, vector<1x16xf32>,
      %get3A_363 = arith.index_cast %scan3A_263 : i32 to index
      %get3A_364 = arith.constant 96 : index
      %get3A_365 = tpu.vector_load %arg6[%get3A_363, %get3A_364] {strides = array<i32>} : memref<128x128xf32, #tpu.memory_space<vmem>>, vector<1x16xf32>,
      %get3A_366 = vector.shape_cast %get3A_365 : vector<1x16xf32> to vector<16xf32>
      %mul3A_367 = arith.mulf %get3A_366, %select_n3A : vector<16xf32>
      %get3A_368 = arith.index_cast %scan3A_263 : i32 to index
      %get3A_369 = arith.constant 96 : index
      %get3A_370 = tpu.vector_load %arg8[%get3A_368, %get3A_369] {strides = array<i32>} : memref<128x128xf32, #tpu.memory_space<vmem>>, vector<1x16xf32>,
      %get3A_371 = vector.shape_cast %get3A_370 : vector<1x16xf32> to vector<16xf32>
      %add3A_372 = arith.addf %mul3A_367, %get3A_371 : vector<16xf32>
      %swap3A_373 = arith.index_cast %scan3A_263 : i32 to index
      %swap3A_374 = arith.constant 96 : index
      %swap3A_375 = tpu.vector_load %arg6[%swap3A_373, %swap3A_374] {strides = array<i32>} : memref<128x128xf32, #tpu.memory_space<vmem>>, vector<1x16xf32>,
      %swap3A_376 = vector.shape_cast %swap3A_375 : vector<1x16xf32> to vector<16xf32>
      %swap3A_377 = vector.shape_cast %add3A_372 : vector<16xf32> to vector<1x16xf32>
      tpu.vector_store %arg6[%swap3A_373, %swap3A_374], %swap3A_377 {strides = array<i32>} : memref<128x128xf32, #tpu.memory_space<vmem>>, vector<1x16xf32>,
      %get3A_378 = arith.index_cast %scan3A_263 : i32 to index
      %get3A_379 = arith.constant 112 : index
      %get3A_380 = tpu.vector_load %arg6[%get3A_378, %get3A_379] {strides = array<i32>} : memref<128x128xf32, #tpu.memory_space<vmem>>, vector<1x16xf32>,
      %get3A_381 = vector.shape_cast %get3A_380 : vector<1x16xf32> to vector<16xf32>
      %mul3A_382 = arith.mulf %get3A_381, %select_n3A : vector<16xf32>
      %get3A_383 = arith.index_cast %scan3A_263 : i32 to index
      %get3A_384 = arith.constant 112 : index
      %get3A_385 = tpu.vector_load %arg8[%get3A_383, %get3A_384] {strides = array<i32>} : memref<128x128xf32, #tpu.memory_space<vmem>>, vector<1x16xf32>,
      %get3A_386 = vector.shape_cast %get3A_385 : vector<1x16xf32> to vector<16xf32>
      %add3A_387 = arith.addf %mul3A_382, %get3A_386 : vector<16xf32>
      %swap3A_388 = arith.index_cast %scan3A_263 : i32 to index
      %swap3A_389 = arith.constant 112 : index
      %swap3A_390 = tpu.vector_load %arg6[%swap3A_388, %swap3A_389] {strides = array<i32>} : memref<128x128xf32, #tpu.memory_space<vmem>>, vector<1x16xf32>,
      %swap3A_391 = vector.shape_cast %swap3A_390 : vector<1x16xf32> to vector<16xf32>
      %swap3A_392 = vector.shape_cast %add3A_387 : vector<16xf32> to vector<1x16xf32>
      tpu.vector_store %arg6[%swap3A_388, %swap3A_389], %swap3A_392 {strides = array<i32>} : memref<128x128xf32, #tpu.memory_space<vmem>>, vector<1x16xf32>,
    }
    %scan3A_134 = arith.constant 128 : i32
    %mul3A_135 = arith.constant 4096 : i32
    %mul3A_136 = arith.muli %add3A_81, %mul3A_135 : i32
    %add3A_137 = arith.addi %mul3A_136, %add3A_129 : i32
    "tpu.region"() ({
      %run_scoped3A = tpu.sem_alloc : memref<!tpu.dma_semaphore, #tpu.memory_space<semaphore_mem>>
      %dma_start3A_263 = arith.constant 0 : i32
      %dma_start3A_264 = tpu.memref_slice %arg5[%add3A_137, %dma_start3A_263] : memref<32768x128xf32, #tpu.memory_space<hbm>> -> memref<128x128xf32, #tpu.memory_space<hbm>>
      %dma_start3A_265 = arith.constant 0 : i32
      %dma_start3A_266 = tpu.memref_slice %arg5[%add3A_137, %dma_start3A_265] : memref<32768x128xf32, #tpu.memory_space<hbm>> -> memref<128x128xf32, #tpu.memory_space<hbm>>
      tpu.enqueue_dma source(%arg6 : memref<128x128xf32, #tpu.memory_space<vmem>>) target(%dma_start3A_266 : memref<128x128xf32, #tpu.memory_space<hbm>>) target_semaphore(%run_scoped3A : memref<!tpu.dma_semaphore, #tpu.memory_space<semaphore_mem>>)
      %dma_wait3A = arith.constant 0 : i32
      %dma_wait3A_267 = tpu.memref_slice %arg5[%add3A_137, %dma_wait3A] : memref<32768x128xf32, #tpu.memory_space<hbm>> -> memref<128x128xf32, #tpu.memory_space<hbm>>
      %dma_wait3A_268 = arith.constant 0 : i32
      %dma_wait3A_269 = tpu.memref_slice %arg5[%add3A_137, %dma_wait3A_268] : memref<32768x128xf32, #tpu.memory_space<hbm>> -> memref<128x128xf32, #tpu.memory_space<hbm>>
      tpu.wait_dma2 semaphore(%run_scoped3A : memref<!tpu.dma_semaphore, #tpu.memory_space<semaphore_mem>>) src(%arg6 : memref<128x128xf32, #tpu.memory_space<vmem>>) dst(%dma_wait3A_269 : memref<128x128xf32, #tpu.memory_space<hbm>>)
      tpu.yield
    }) : () -> ()
    %scan3A_138 = arith.constant 0 : i32
    %scan3A_139 = arith.constant 128 : i32
    %scan3A_140 = arith.addi %scan3A_138, %scan3A_139 : i32
    %scan3A_141 = arith.constant 1 : i32
    scf.for %scan3A_263 = %scan3A_138 to %scan3A_140 step %scan3A_141  : i32 {
      %swap3A = arith.index_cast %scan3A_263 : i32 to index
      %swap3A_264 = arith.constant 0 : index
      %swap3A_265 = tpu.vector_load %arg7[%swap3A, %swap3A_264] {strides = array<i32>} : memref<128x128xf32, #tpu.memory_space<vmem>>, vector<1x16xf32>,
      %swap3A_266 = vector.shape_cast %swap3A_265 : vector<1x16xf32> to vector<16xf32>
      %swap3A_267 = vector.shape_cast %broadcast_in_dim3A_0 : vector<16xf32> to vector<1x16xf32>
      tpu.vector_store %arg7[%swap3A, %swap3A_264], %swap3A_267 {strides = array<i32>} : memref<128x128xf32, #tpu.memory_space<vmem>>, vector<1x16xf32>,
      %swap3A_268 = arith.index_cast %scan3A_263 : i32 to index
      %swap3A_269 = arith.constant 16 : index
      %swap3A_270 = tpu.vector_load %arg7[%swap3A_268, %swap3A_269] {strides = array<i32>} : memref<128x128xf32, #tpu.memory_space<vmem>>, vector<1x16xf32>,
      %swap3A_271 = vector.shape_cast %swap3A_270 : vector<1x16xf32> to vector<16xf32>
      %swap3A_272 = vector.shape_cast %broadcast_in_dim3A_0 : vector<16xf32> to vector<1x16xf32>
      tpu.vector_store %arg7[%swap3A_268, %swap3A_269], %swap3A_272 {strides = array<i32>} : memref<128x128xf32, #tpu.memory_space<vmem>>, vector<1x16xf32>,
      %swap3A_273 = arith.index_cast %scan3A_263 : i32 to index
      %swap3A_274 = arith.constant 32 : index
      %swap3A_275 = tpu.vector_load %arg7[%swap3A_273, %swap3A_274] {strides = array<i32>} : memref<128x128xf32, #tpu.memory_space<vmem>>, vector<1x16xf32>,
      %swap3A_276 = vector.shape_cast %swap3A_275 : vector<1x16xf32> to vector<16xf32>
      %swap3A_277 = vector.shape_cast %broadcast_in_dim3A_0 : vector<16xf32> to vector<1x16xf32>
      tpu.vector_store %arg7[%swap3A_273, %swap3A_274], %swap3A_277 {strides = array<i32>} : memref<128x128xf32, #tpu.memory_space<vmem>>, vector<1x16xf32>,
      %swap3A_278 = arith.index_cast %scan3A_263 : i32 to index
      %swap3A_279 = arith.constant 48 : index
      %swap3A_280 = tpu.vector_load %arg7[%swap3A_278, %swap3A_279] {strides = array<i32>} : memref<128x128xf32, #tpu.memory_space<vmem>>, vector<1x16xf32>,
      %swap3A_281 = vector.shape_cast %swap3A_280 : vector<1x16xf32> to vector<16xf32>
      %swap3A_282 = vector.shape_cast %broadcast_in_dim3A_0 : vector<16xf32> to vector<1x16xf32>
      tpu.vector_store %arg7[%swap3A_278, %swap3A_279], %swap3A_282 {strides = array<i32>} : memref<128x128xf32, #tpu.memory_space<vmem>>, vector<1x16xf32>,
      %swap3A_283 = arith.index_cast %scan3A_263 : i32 to index
      %swap3A_284 = arith.constant 64 : index
      %swap3A_285 = tpu.vector_load %arg7[%swap3A_283, %swap3A_284] {strides = array<i32>} : memref<128x128xf32, #tpu.memory_space<vmem>>, vector<1x16xf32>,
      %swap3A_286 = vector.shape_cast %swap3A_285 : vector<1x16xf32> to vector<16xf32>
      %swap3A_287 = vector.shape_cast %broadcast_in_dim3A_0 : vector<16xf32> to vector<1x16xf32>
      tpu.vector_store %arg7[%swap3A_283, %swap3A_284], %swap3A_287 {strides = array<i32>} : memref<128x128xf32, #tpu.memory_space<vmem>>, vector<1x16xf32>,
      %swap3A_288 = arith.index_cast %scan3A_263 : i32 to index
      %swap3A_289 = arith.constant 80 : index
      %swap3A_290 = tpu.vector_load %arg7[%swap3A_288, %swap3A_289] {strides = array<i32>} : memref<128x128xf32, #tpu.memory_space<vmem>>, vector<1x16xf32>,
      %swap3A_291 = vector.shape_cast %swap3A_290 : vector<1x16xf32> to vector<16xf32>
      %swap3A_292 = vector.shape_cast %broadcast_in_dim3A_0 : vector<16xf32> to vector<1x16xf32>
      tpu.vector_store %arg7[%swap3A_288, %swap3A_289], %swap3A_292 {strides = array<i32>} : memref<128x128xf32, #tpu.memory_space<vmem>>, vector<1x16xf32>,
      %swap3A_293 = arith.index_cast %scan3A_263 : i32 to index
      %swap3A_294 = arith.constant 96 : index
      %swap3A_295 = tpu.vector_load %arg7[%swap3A_293, %swap3A_294] {strides = array<i32>} : memref<128x128xf32, #tpu.memory_space<vmem>>, vector<1x16xf32>,
      %swap3A_296 = vector.shape_cast %swap3A_295 : vector<1x16xf32> to vector<16xf32>
      %swap3A_297 = vector.shape_cast %broadcast_in_dim3A_0 : vector<16xf32> to vector<1x16xf32>
      tpu.vector_store %arg7[%swap3A_293, %swap3A_294], %swap3A_297 {strides = array<i32>} : memref<128x128xf32, #tpu.memory_space<vmem>>, vector<1x16xf32>,
      %swap3A_298 = arith.index_cast %scan3A_263 : i32 to index
      %swap3A_299 = arith.constant 112 : index
      %swap3A_300 = tpu.vector_load %arg7[%swap3A_298, %swap3A_299] {strides = array<i32>} : memref<128x128xf32, #tpu.memory_space<vmem>>, vector<1x16xf32>,
      %swap3A_301 = vector.shape_cast %swap3A_300 : vector<1x16xf32> to vector<16xf32>
      %swap3A_302 = vector.shape_cast %broadcast_in_dim3A_0 : vector<16xf32> to vector<1x16xf32>
      tpu.vector_store %arg7[%swap3A_298, %swap3A_299], %swap3A_302 {strides = array<i32>} : memref<128x128xf32, #tpu.memory_space<vmem>>, vector<1x16xf32>,
    }
    %scan3A_142 = arith.constant 128 : i32
    "tpu.region"() ({
      %run_scoped3A = tpu.sem_alloc : memref<!tpu.dma_semaphore, #tpu.memory_space<semaphore_mem>>
      %dma_start3A_263 = arith.constant 0 : i32
      %dma_start3A_264 = tpu.memref_slice %arg12[%add3A_129, %dma_start3A_263] : memref<4096x128xf32, #tpu.memory_space<vmem_shared>> -> memref<128x128xf32, #tpu.memory_space<vmem_shared>>
      %dma_start3A_265 = arith.constant 0 : i32
      %dma_start3A_266 = tpu.memref_slice %arg12[%add3A_129, %dma_start3A_265] : memref<4096x128xf32, #tpu.memory_space<vmem_shared>> -> memref<128x128xf32, #tpu.memory_space<vmem_shared>>
      tpu.enqueue_dma source(%arg7 : memref<128x128xf32, #tpu.memory_space<vmem>>) target(%dma_start3A_266 : memref<128x128xf32, #tpu.memory_space<vmem_shared>>) target_semaphore(%run_scoped3A : memref<!tpu.dma_semaphore, #tpu.memory_space<semaphore_mem>>)
      %dma_wait3A = arith.constant 0 : i32
      %dma_wait3A_267 = tpu.memref_slice %arg12[%add3A_129, %dma_wait3A] : memref<4096x128xf32, #tpu.memory_space<vmem_shared>> -> memref<128x128xf32, #tpu.memory_space<vmem_shared>>
      %dma_wait3A_268 = arith.constant 0 : i32
      %dma_wait3A_269 = tpu.memref_slice %arg12[%add3A_129, %dma_wait3A_268] : memref<4096x128xf32, #tpu.memory_space<vmem_shared>> -> memref<128x128xf32, #tpu.memory_space<vmem_shared>>
      tpu.wait_dma2 semaphore(%run_scoped3A : memref<!tpu.dma_semaphore, #tpu.memory_space<semaphore_mem>>) src(%arg7 : memref<128x128xf32, #tpu.memory_space<vmem>>) dst(%dma_wait3A_269 : memref<128x128xf32, #tpu.memory_space<vmem_shared>>)
      tpu.yield
    }) : () -> ()
    "tpu.region"() ({
      %run_scoped3A = tpu.sem_alloc : memref<!tpu.dma_semaphore, #tpu.memory_space<semaphore_mem>>
      %dma_start3A_263 = arith.constant 0 : i32
      %dma_start3A_264 = tpu.memref_slice %arg13[%add3A_129, %dma_start3A_263] : memref<4096x128xf32, #tpu.memory_space<vmem_shared>> -> memref<128x128xf32, #tpu.memory_space<vmem_shared>>
      %dma_start3A_265 = arith.constant 0 : i32
      %dma_start3A_266 = tpu.memref_slice %arg13[%add3A_129, %dma_start3A_265] : memref<4096x128xf32, #tpu.memory_space<vmem_shared>> -> memref<128x128xf32, #tpu.memory_space<vmem_shared>>
      tpu.enqueue_dma source(%arg7 : memref<128x128xf32, #tpu.memory_space<vmem>>) target(%dma_start3A_266 : memref<128x128xf32, #tpu.memory_space<vmem_shared>>) target_semaphore(%run_scoped3A : memref<!tpu.dma_semaphore, #tpu.memory_space<semaphore_mem>>)
      %dma_wait3A = arith.constant 0 : i32
      %dma_wait3A_267 = tpu.memref_slice %arg13[%add3A_129, %dma_wait3A] : memref<4096x128xf32, #tpu.memory_space<vmem_shared>> -> memref<128x128xf32, #tpu.memory_space<vmem_shared>>
      %dma_wait3A_268 = arith.constant 0 : i32
      %dma_wait3A_269 = tpu.memref_slice %arg13[%add3A_129, %dma_wait3A_268] : memref<4096x128xf32, #tpu.memory_space<vmem_shared>> -> memref<128x128xf32, #tpu.memory_space<vmem_shared>>
      tpu.wait_dma2 semaphore(%run_scoped3A : memref<!tpu.dma_semaphore, #tpu.memory_space<semaphore_mem>>) src(%arg7 : memref<128x128xf32, #tpu.memory_space<vmem>>) dst(%dma_wait3A_269 : memref<128x128xf32, #tpu.memory_space<vmem_shared>>)
      tpu.yield
    }) : () -> ()
    %mul3A_143 = arith.constant 4 : i32
    %mul3A_144 = arith.muli %arg0, %mul3A_143 : i32
    %add3A_145 = arith.constant 2 : i32
    %add3A_146 = arith.addi %mul3A_144, %add3A_145 : i32
    %barrier3A_147 = arith.constant 0 : index
    tpu.barrier barrier_id(%barrier3A_147)
    %scan3A_148 = arith.constant 0 : i32
    %scan3A_149 = arith.constant 128 : i32
    %scan3A_150 = arith.addi %scan3A_148, %scan3A_149 : i32
    %scan3A_151 = arith.constant 1 : i32
    scf.for %scan3A_263 = %scan3A_148 to %scan3A_150 step %scan3A_151  : i32 {
      %swap3A = arith.index_cast %scan3A_263 : i32 to index
      %swap3A_264 = arith.constant 0 : index
      %swap3A_265 = tpu.vector_load %arg8[%swap3A, %swap3A_264] {strides = array<i32>} : memref<128x128xf32, #tpu.memory_space<vmem>>, vector<1x16xf32>,
      %swap3A_266 = vector.shape_cast %swap3A_265 : vector<1x16xf32> to vector<16xf32>
      %swap3A_267 = vector.shape_cast %broadcast_in_dim3A_2 : vector<16xf32> to vector<1x16xf32>
      tpu.vector_store %arg8[%swap3A, %swap3A_264], %swap3A_267 {strides = array<i32>} : memref<128x128xf32, #tpu.memory_space<vmem>>, vector<1x16xf32>,
      %swap3A_268 = arith.index_cast %scan3A_263 : i32 to index
      %swap3A_269 = arith.constant 16 : index
      %swap3A_270 = tpu.vector_load %arg8[%swap3A_268, %swap3A_269] {strides = array<i32>} : memref<128x128xf32, #tpu.memory_space<vmem>>, vector<1x16xf32>,
      %swap3A_271 = vector.shape_cast %swap3A_270 : vector<1x16xf32> to vector<16xf32>
      %swap3A_272 = vector.shape_cast %broadcast_in_dim3A_2 : vector<16xf32> to vector<1x16xf32>
      tpu.vector_store %arg8[%swap3A_268, %swap3A_269], %swap3A_272 {strides = array<i32>} : memref<128x128xf32, #tpu.memory_space<vmem>>, vector<1x16xf32>,
      %swap3A_273 = arith.index_cast %scan3A_263 : i32 to index
      %swap3A_274 = arith.constant 32 : index
      %swap3A_275 = tpu.vector_load %arg8[%swap3A_273, %swap3A_274] {strides = array<i32>} : memref<128x128xf32, #tpu.memory_space<vmem>>, vector<1x16xf32>,
      %swap3A_276 = vector.shape_cast %swap3A_275 : vector<1x16xf32> to vector<16xf32>
      %swap3A_277 = vector.shape_cast %broadcast_in_dim3A_2 : vector<16xf32> to vector<1x16xf32>
      tpu.vector_store %arg8[%swap3A_273, %swap3A_274], %swap3A_277 {strides = array<i32>} : memref<128x128xf32, #tpu.memory_space<vmem>>, vector<1x16xf32>,
      %swap3A_278 = arith.index_cast %scan3A_263 : i32 to index
      %swap3A_279 = arith.constant 48 : index
      %swap3A_280 = tpu.vector_load %arg8[%swap3A_278, %swap3A_279] {strides = array<i32>} : memref<128x128xf32, #tpu.memory_space<vmem>>, vector<1x16xf32>,
      %swap3A_281 = vector.shape_cast %swap3A_280 : vector<1x16xf32> to vector<16xf32>
      %swap3A_282 = vector.shape_cast %broadcast_in_dim3A_2 : vector<16xf32> to vector<1x16xf32>
      tpu.vector_store %arg8[%swap3A_278, %swap3A_279], %swap3A_282 {strides = array<i32>} : memref<128x128xf32, #tpu.memory_space<vmem>>, vector<1x16xf32>,
      %swap3A_283 = arith.index_cast %scan3A_263 : i32 to index
      %swap3A_284 = arith.constant 64 : index
      %swap3A_285 = tpu.vector_load %arg8[%swap3A_283, %swap3A_284] {strides = array<i32>} : memref<128x128xf32, #tpu.memory_space<vmem>>, vector<1x16xf32>,
      %swap3A_286 = vector.shape_cast %swap3A_285 : vector<1x16xf32> to vector<16xf32>
      %swap3A_287 = vector.shape_cast %broadcast_in_dim3A_2 : vector<16xf32> to vector<1x16xf32>
      tpu.vector_store %arg8[%swap3A_283, %swap3A_284], %swap3A_287 {strides = array<i32>} : memref<128x128xf32, #tpu.memory_space<vmem>>, vector<1x16xf32>,
      %swap3A_288 = arith.index_cast %scan3A_263 : i32 to index
      %swap3A_289 = arith.constant 80 : index
      %swap3A_290 = tpu.vector_load %arg8[%swap3A_288, %swap3A_289] {strides = array<i32>} : memref<128x128xf32, #tpu.memory_space<vmem>>, vector<1x16xf32>,
      %swap3A_291 = vector.shape_cast %swap3A_290 : vector<1x16xf32> to vector<16xf32>
      %swap3A_292 = vector.shape_cast %broadcast_in_dim3A_2 : vector<16xf32> to vector<1x16xf32>
      tpu.vector_store %arg8[%swap3A_288, %swap3A_289], %swap3A_292 {strides = array<i32>} : memref<128x128xf32, #tpu.memory_space<vmem>>, vector<1x16xf32>,
      %swap3A_293 = arith.index_cast %scan3A_263 : i32 to index
      %swap3A_294 = arith.constant 96 : index
      %swap3A_295 = tpu.vector_load %arg8[%swap3A_293, %swap3A_294] {strides = array<i32>} : memref<128x128xf32, #tpu.memory_space<vmem>>, vector<1x16xf32>,
      %swap3A_296 = vector.shape_cast %swap3A_295 : vector<1x16xf32> to vector<16xf32>
      %swap3A_297 = vector.shape_cast %broadcast_in_dim3A_2 : vector<16xf32> to vector<1x16xf32>
      tpu.vector_store %arg8[%swap3A_293, %swap3A_294], %swap3A_297 {strides = array<i32>} : memref<128x128xf32, #tpu.memory_space<vmem>>, vector<1x16xf32>,
      %swap3A_298 = arith.index_cast %scan3A_263 : i32 to index
      %swap3A_299 = arith.constant 112 : index
      %swap3A_300 = tpu.vector_load %arg8[%swap3A_298, %swap3A_299] {strides = array<i32>} : memref<128x128xf32, #tpu.memory_space<vmem>>, vector<1x16xf32>,
      %swap3A_301 = vector.shape_cast %swap3A_300 : vector<1x16xf32> to vector<16xf32>
      %swap3A_302 = vector.shape_cast %broadcast_in_dim3A_2 : vector<16xf32> to vector<1x16xf32>
      tpu.vector_store %arg8[%swap3A_298, %swap3A_299], %swap3A_302 {strides = array<i32>} : memref<128x128xf32, #tpu.memory_space<vmem>>, vector<1x16xf32>,
    }
    %scan3A_152 = arith.constant 128 : i32
    %mul3A_153 = arith.constant 32768 : i32
    %mul3A_154 = arith.muli %add3A_146, %mul3A_153 : i32
    %add3A_155 = arith.addi %mul3A_154, %mul3A_14 : i32
    "tpu.region"() ({
      %run_scoped3A = tpu.sem_alloc : memref<!tpu.dma_semaphore, #tpu.memory_space<semaphore_mem>>
      %dma_start3A_263 = arith.constant 0 : i32
      %dma_start3A_264 = tpu.memref_slice %arg9[%dma_start3A_263] : memref<4096xf32, #tpu.memory_space<vmem>> -> memref<2048xf32, #tpu.memory_space<vmem>>
      %dma_start3A_265 = tpu.memref_slice %arg2[%add3A_155] : memref<524288xf32, #tpu.memory_space<hbm>> -> memref<2048xf32, #tpu.memory_space<hbm>>
      %dma_start3A_266 = arith.constant 0 : i32
      %dma_start3A_267 = tpu.memref_slice %arg9[%dma_start3A_266] : memref<4096xf32, #tpu.memory_space<vmem>> -> memref<2048xf32, #tpu.memory_space<vmem>>
      %dma_start3A_268 = tpu.memref_slice %arg2[%add3A_155] : memref<524288xf32, #tpu.memory_space<hbm>> -> memref<2048xf32, #tpu.memory_space<hbm>>
      tpu.enqueue_dma source(%dma_start3A_268 : memref<2048xf32, #tpu.memory_space<hbm>>) target(%dma_start3A_267 : memref<2048xf32, #tpu.memory_space<vmem>>) target_semaphore(%run_scoped3A : memref<!tpu.dma_semaphore, #tpu.memory_space<semaphore_mem>>)
      %dma_wait3A = arith.constant 0 : i32
      %dma_wait3A_269 = tpu.memref_slice %arg9[%dma_wait3A] : memref<4096xf32, #tpu.memory_space<vmem>> -> memref<2048xf32, #tpu.memory_space<vmem>>
      %dma_wait3A_270 = tpu.memref_slice %arg2[%add3A_155] : memref<524288xf32, #tpu.memory_space<hbm>> -> memref<2048xf32, #tpu.memory_space<hbm>>
      %dma_wait3A_271 = arith.constant 0 : i32
      %dma_wait3A_272 = tpu.memref_slice %arg9[%dma_wait3A_271] : memref<4096xf32, #tpu.memory_space<vmem>> -> memref<2048xf32, #tpu.memory_space<vmem>>
      %dma_wait3A_273 = tpu.memref_slice %arg2[%add3A_155] : memref<524288xf32, #tpu.memory_space<hbm>> -> memref<2048xf32, #tpu.memory_space<hbm>>
      tpu.wait_dma2 semaphore(%run_scoped3A : memref<!tpu.dma_semaphore, #tpu.memory_space<semaphore_mem>>) src(%dma_wait3A_273 : memref<2048xf32, #tpu.memory_space<hbm>>) dst(%dma_wait3A_272 : memref<2048xf32, #tpu.memory_space<vmem>>)
      tpu.yield
    }) : () -> ()
    %mul3A_156 = arith.constant 32768 : i32
    %mul3A_157 = arith.muli %add3A_146, %mul3A_156 : i32
    %add3A_158 = arith.constant 262144 : i32
    %add3A_159 = arith.addi %add3A_158, %mul3A_157 : i32
    %add3A_160 = arith.addi %add3A_159, %mul3A_14 : i32
    "tpu.region"() ({
      %run_scoped3A = tpu.sem_alloc : memref<!tpu.dma_semaphore, #tpu.memory_space<semaphore_mem>>
      %dma_start3A_263 = arith.constant 2048 : i32
      %dma_start3A_264 = tpu.memref_slice %arg9[%dma_start3A_263] : memref<4096xf32, #tpu.memory_space<vmem>> -> memref<2048xf32, #tpu.memory_space<vmem>>
      %dma_start3A_265 = tpu.memref_slice %arg2[%add3A_160] : memref<524288xf32, #tpu.memory_space<hbm>> -> memref<2048xf32, #tpu.memory_space<hbm>>
      %dma_start3A_266 = arith.constant 2048 : i32
      %dma_start3A_267 = tpu.memref_slice %arg9[%dma_start3A_266] : memref<4096xf32, #tpu.memory_space<vmem>> -> memref<2048xf32, #tpu.memory_space<vmem>>
      %dma_start3A_268 = tpu.memref_slice %arg2[%add3A_160] : memref<524288xf32, #tpu.memory_space<hbm>> -> memref<2048xf32, #tpu.memory_space<hbm>>
      tpu.enqueue_dma source(%dma_start3A_268 : memref<2048xf32, #tpu.memory_space<hbm>>) target(%dma_start3A_267 : memref<2048xf32, #tpu.memory_space<vmem>>) target_semaphore(%run_scoped3A : memref<!tpu.dma_semaphore, #tpu.memory_space<semaphore_mem>>)
      %dma_wait3A = arith.constant 2048 : i32
      %dma_wait3A_269 = tpu.memref_slice %arg9[%dma_wait3A] : memref<4096xf32, #tpu.memory_space<vmem>> -> memref<2048xf32, #tpu.memory_space<vmem>>
      %dma_wait3A_270 = tpu.memref_slice %arg2[%add3A_160] : memref<524288xf32, #tpu.memory_space<hbm>> -> memref<2048xf32, #tpu.memory_space<hbm>>
      %dma_wait3A_271 = arith.constant 2048 : i32
      %dma_wait3A_272 = tpu.memref_slice %arg9[%dma_wait3A_271] : memref<4096xf32, #tpu.memory_space<vmem>> -> memref<2048xf32, #tpu.memory_space<vmem>>
      %dma_wait3A_273 = tpu.memref_slice %arg2[%add3A_160] : memref<524288xf32, #tpu.memory_space<hbm>> -> memref<2048xf32, #tpu.memory_space<hbm>>
      tpu.wait_dma2 semaphore(%run_scoped3A : memref<!tpu.dma_semaphore, #tpu.memory_space<semaphore_mem>>) src(%dma_wait3A_273 : memref<2048xf32, #tpu.memory_space<hbm>>) dst(%dma_wait3A_272 : memref<2048xf32, #tpu.memory_space<vmem>>)
      tpu.yield
    }) : () -> ()
    %mul3A_161 = arith.constant 32768 : i32
    %mul3A_162 = arith.muli %add3A_146, %mul3A_161 : i32
    %add3A_163 = arith.addi %mul3A_162, %mul3A_14 : i32
    %dma_start3A_164 = arith.constant 0 : i32
    %dma_start3A_165 = tpu.memref_slice %arg3[%add3A_163, %dma_start3A_164] : memref<262144x128xf32, #tpu.memory_space<hbm>> -> memref<128x128xf32, #tpu.memory_space<hbm>>
    %dma_start3A_166 = arith.constant 0 : i32
    %dma_start3A_167 = tpu.memref_slice %arg3[%add3A_163, %dma_start3A_166] : memref<262144x128xf32, #tpu.memory_space<hbm>> -> memref<128x128xf32, #tpu.memory_space<hbm>>
    tpu.enqueue_dma source(%dma_start3A_167 : memref<128x128xf32, #tpu.memory_space<hbm>>) target(%arg6 : memref<128x128xf32, #tpu.memory_space<vmem>>) target_semaphore(%arg11 : memref<!tpu.dma_semaphore, #tpu.memory_space<semaphore_mem>>)
    %scan3A_168 = arith.constant 0 : i32
    %scan3A_169 = arith.constant 16 : i32
    %scan3A_170 = arith.addi %scan3A_168, %scan3A_169 : i32
    %scan3A_171 = arith.constant 1 : i32
    scf.for %scan3A_263 = %scan3A_168 to %scan3A_170 step %scan3A_171  : i32 {
      %scan3A_264 = arith.constant 0 : i32
      %scan3A_265 = arith.constant 8 : i32
      %scan3A_266 = arith.addi %scan3A_264, %scan3A_265 : i32
      %scan3A_267 = arith.constant 1 : i32
      scf.for %scan3A_276 = %scan3A_264 to %scan3A_266 step %scan3A_267  : i32 {
        %mul3A_277 = arith.constant 128 : i32
        %mul3A_278 = arith.muli %scan3A_263, %mul3A_277 : i32
        %mul3A_279 = arith.constant 16 : i32
        %mul3A_280 = arith.muli %scan3A_276, %mul3A_279 : i32
        %add3A_281 = arith.addi %mul3A_278, %mul3A_280 : i32
        %get3A = arith.index_cast %add3A_281 : i32 to index
        %get3A_282 = tpu.vector_load %arg9[%get3A] {strides = array<i32>} : memref<4096xf32, #tpu.memory_space<vmem>>, vector<16xf32>,
        %get3A_283 = vector.shape_cast %get3A_282 : vector<16xf32> to vector<16xf32>
        %div3A = arith.constant 0.0158730168 : f32
        %div3A_284 = vector.broadcast %div3A : f32 to vector<16xf32>
        %div3A_285 = arith.divf %get3A_283, %div3A_284 : vector<16xf32>
        %add3A_286 = arith.constant 2048 : i32
        %add3A_287 = arith.addi %add3A_286, %add3A_281 : i32
        %get3A_288 = arith.index_cast %add3A_287 : i32 to index
        %get3A_289 = tpu.vector_load %arg9[%get3A_288] {strides = array<i32>} : memref<4096xf32, #tpu.memory_space<vmem>>, vector<16xf32>,
        %get3A_290 = vector.shape_cast %get3A_289 : vector<16xf32> to vector<16xf32>
        %div3A_291 = arith.constant 0.0158730168 : f32
        %div3A_292 = vector.broadcast %div3A_291 : f32 to vector<16xf32>
        %div3A_293 = arith.divf %get3A_290, %div3A_292 : vector<16xf32>
        %add3A_294 = arith.constant 0x4B400000 : f32
        %add3A_295 = vector.broadcast %add3A_294 : f32 to vector<16xf32>
        %add3A_296 = arith.addf %div3A_285, %add3A_295 : vector<16xf32>
        %sub3A = arith.constant 0x4B400000 : f32
        %sub3A_297 = vector.broadcast %sub3A : f32 to vector<16xf32>
        %sub3A_298 = arith.subf %add3A_296, %sub3A_297 : vector<16xf32>
        %add3A_299 = arith.constant 0x4B400000 : f32
        %add3A_300 = vector.broadcast %add3A_299 : f32 to vector<16xf32>
        %add3A_301 = arith.addf %div3A_293, %add3A_300 : vector<16xf32>
        %sub3A_302 = arith.constant 0x4B400000 : f32
        %sub3A_303 = vector.broadcast %sub3A_302 : f32 to vector<16xf32>
        %sub3A_304 = arith.subf %add3A_301, %sub3A_303 : vector<16xf32>
        %max3A = arith.constant 0.000000e+00 : f32
        %max3A_305 = vector.broadcast %max3A : f32 to vector<16xf32>
        %max3A_306 = arith.maximumf %sub3A_298, %max3A_305 : vector<16xf32>
        %min3A = arith.constant 6.300000e+01 : f32
        %min3A_307 = vector.broadcast %min3A : f32 to vector<16xf32>
        %min3A_308 = arith.minimumf %max3A_306, %min3A_307 : vector<16xf32>
        %max3A_309 = arith.constant 0.000000e+00 : f32
        %max3A_310 = vector.broadcast %max3A_309 : f32 to vector<16xf32>
        %max3A_311 = arith.maximumf %sub3A_304, %max3A_310 : vector<16xf32>
        %min3A_312 = arith.constant 6.300000e+01 : f32
        %min3A_313 = vector.broadcast %min3A_312 : f32 to vector<16xf32>
        %min3A_314 = arith.minimumf %max3A_311, %min3A_313 : vector<16xf32>
        %convert_element_type3A_315 = arith.fptosi %min3A_308 : vector<16xf32> to vector<16xi32>
        %mul3A_316 = arith.constant 64 : i32
        %mul3A_317 = vector.broadcast %mul3A_316 : i32 to vector<16xi32>
        %mul3A_318 = arith.muli %convert_element_type3A_315, %mul3A_317 : vector<16xi32>
        %convert_element_type3A_319 = arith.fptosi %min3A_314 : vector<16xf32> to vector<16xi32>
        %add3A_320 = arith.addi %mul3A_318, %convert_element_type3A_319 : vector<16xi32>
        %max3A_321 = arith.constant 0 : i32
        %max3A_322 = vector.broadcast %max3A_321 : i32 to vector<16xi32>
        %max3A_323 = arith.maxsi %add3A_320, %max3A_322 : vector<16xi32>
        %min3A_324 = arith.constant 4095 : i32
        %min3A_325 = vector.broadcast %min3A_324 : i32 to vector<16xi32>
        %min3A_326 = arith.minsi %max3A_323, %min3A_325 : vector<16xi32>
        %mul3A_327 = arith.constant 16 : i32
        %mul3A_328 = arith.muli %scan3A_276, %mul3A_327 : i32
        %swap3A = arith.index_cast %mul3A_328 : i32 to index
        %swap3A_329 = tpu.vector_load %arg10[%swap3A] {strides = array<i32>} : memref<128xi32, #tpu.memory_space<vmem>>, vector<16xi32>,
        %swap3A_330 = vector.shape_cast %swap3A_329 : vector<16xi32> to vector<16xi32>
        %swap3A_331 = vector.shape_cast %min3A_326 : vector<16xi32> to vector<16xi32>
        tpu.vector_store %arg10[%swap3A], %swap3A_331 {strides = array<i32>} : memref<128xi32, #tpu.memory_space<vmem>>, vector<16xi32>,
      }
      %scan3A_268 = arith.constant 8 : i32
      %dma_wait3A = arith.constant 0 : i32
      %dma_wait3A_269 = arith.constant 0 : i32
      %dma_wait3A_270 = tpu.memref_slice %arg3[%dma_wait3A, %dma_wait3A_269] : memref<262144x128xf32, #tpu.memory_space<hbm>> -> memref<128x128xf32, #tpu.memory_space<hbm>>
      %dma_wait3A_271 = arith.constant 0 : i32
      %dma_wait3A_272 = arith.constant 0 : i32
      %dma_wait3A_273 = tpu.memref_slice %arg3[%dma_wait3A_271, %dma_wait3A_272] : memref<262144x128xf32, #tpu.memory_space<hbm>> -> memref<128x128xf32, #tpu.memory_space<hbm>>
      tpu.wait_dma2 semaphore(%arg11 : memref<!tpu.dma_semaphore, #tpu.memory_space<semaphore_mem>>) src(%dma_wait3A_273 : memref<128x128xf32, #tpu.memory_space<hbm>>) dst(%arg6 : memref<128x128xf32, #tpu.memory_space<vmem>>)
      "tpu.region"() ({
        %run_scoped3A = tpu.sem_alloc : memref<!tpu.dma_semaphore, #tpu.memory_space<semaphore_mem>>
        %dma_start3A_276 = arith.constant 0 : i32
        %dma_start3A_277 = arith.constant 0 : i32
        %dma_start3A_278 = tpu.memref_slice %arg12[%dma_start3A_276, %dma_start3A_277] : memref<4096x128xf32, #tpu.memory_space<vmem_shared>> -> memref<4096x128xf32, #tpu.memory_space<vmem_shared>>
        tpu.enqueue_indirect_dma source(%arg6 : memref<128x128xf32, #tpu.memory_space<vmem>>) target(%dma_start3A_278 : memref<4096x128xf32, #tpu.memory_space<vmem_shared>>) offsets(%arg10 : memref<128xi32, #tpu.memory_space<vmem>>) semaphore(%run_scoped3A : memref<!tpu.dma_semaphore, #tpu.memory_space<semaphore_mem>>) {add = true}
        %dma_wait3A_279 = arith.constant 0 : i32
        %dma_wait3A_280 = arith.constant 0 : i32
        %dma_wait3A_281 = tpu.memref_slice %arg12[%dma_wait3A_279, %dma_wait3A_280] : memref<4096x128xf32, #tpu.memory_space<vmem_shared>> -> memref<4096x128xf32, #tpu.memory_space<vmem_shared>>
        tpu.wait_indirect_dma semaphore(%run_scoped3A : memref<!tpu.dma_semaphore, #tpu.memory_space<semaphore_mem>>) src(%arg6 : memref<128x128xf32, #tpu.memory_space<vmem>>) dst(%dma_wait3A_281 : memref<4096x128xf32, #tpu.memory_space<vmem_shared>>)
        tpu.yield
      }) : () -> ()
      %lt3A = arith.constant 15 : i32
      %lt3A_274 = arith.cmpi slt, %scan3A_263, %lt3A : i32
      %convert_element_type3A = arith.extui %lt3A_274 : i1 to i32
      %cond3A = arith.constant 0 : i32
      %cond3A_275 = arith.cmpi ne, %convert_element_type3A, %cond3A : i32
      scf.if %cond3A_275 {
        %mul3A_276 = arith.constant 32768 : i32
        %mul3A_277 = arith.muli %add3A_146, %mul3A_276 : i32
        %add3A_278 = arith.addi %mul3A_277, %mul3A_14 : i32
        %add3A_279 = arith.constant 1 : i32
        %add3A_280 = arith.addi %scan3A_263, %add3A_279 : i32
        %mul3A_281 = arith.constant 128 : i32
        %mul3A_282 = arith.muli %add3A_280, %mul3A_281 : i32
        %add3A_283 = arith.addi %add3A_278, %mul3A_282 : i32
        %dma_start3A_284 = arith.constant 0 : i32
        %dma_start3A_285 = tpu.memref_slice %arg3[%add3A_283, %dma_start3A_284] : memref<262144x128xf32, #tpu.memory_space<hbm>> -> memref<128x128xf32, #tpu.memory_space<hbm>>
        %dma_start3A_286 = arith.constant 0 : i32
        %dma_start3A_287 = tpu.memref_slice %arg3[%add3A_283, %dma_start3A_286] : memref<262144x128xf32, #tpu.memory_space<hbm>> -> memref<128x128xf32, #tpu.memory_space<hbm>>
        tpu.enqueue_dma source(%dma_start3A_287 : memref<128x128xf32, #tpu.memory_space<hbm>>) target(%arg6 : memref<128x128xf32, #tpu.memory_space<vmem>>) target_semaphore(%arg11 : memref<!tpu.dma_semaphore, #tpu.memory_space<semaphore_mem>>)
      } else {
      }
      "tpu.region"() ({
        %run_scoped3A = tpu.sem_alloc : memref<!tpu.dma_semaphore, #tpu.memory_space<semaphore_mem>>
        %dma_start3A_276 = arith.constant 0 : i32
        %dma_start3A_277 = arith.constant 0 : i32
        %dma_start3A_278 = tpu.memref_slice %arg13[%dma_start3A_276, %dma_start3A_277] : memref<4096x128xf32, #tpu.memory_space<vmem_shared>> -> memref<4096x128xf32, #tpu.memory_space<vmem_shared>>
        tpu.enqueue_indirect_dma source(%arg8 : memref<128x128xf32, #tpu.memory_space<vmem>>) target(%dma_start3A_278 : memref<4096x128xf32, #tpu.memory_space<vmem_shared>>) offsets(%arg10 : memref<128xi32, #tpu.memory_space<vmem>>) semaphore(%run_scoped3A : memref<!tpu.dma_semaphore, #tpu.memory_space<semaphore_mem>>) {add = true}
        %dma_wait3A_279 = arith.constant 0 : i32
        %dma_wait3A_280 = arith.constant 0 : i32
        %dma_wait3A_281 = tpu.memref_slice %arg13[%dma_wait3A_279, %dma_wait3A_280] : memref<4096x128xf32, #tpu.memory_space<vmem_shared>> -> memref<4096x128xf32, #tpu.memory_space<vmem_shared>>
        tpu.wait_indirect_dma semaphore(%run_scoped3A : memref<!tpu.dma_semaphore, #tpu.memory_space<semaphore_mem>>) src(%arg8 : memref<128x128xf32, #tpu.memory_space<vmem>>) dst(%dma_wait3A_281 : memref<4096x128xf32, #tpu.memory_space<vmem_shared>>)
        tpu.yield
      }) : () -> ()
    }
    %scan3A_172 = arith.constant 16 : i32
    %barrier3A_173 = arith.constant 0 : index
    tpu.barrier barrier_id(%barrier3A_173)
    %mul3A_174 = arith.constant 256 : i32
    %mul3A_175 = arith.muli %arg1, %mul3A_174 : i32
    %add3A_176 = arith.constant 0 : i32
    %add3A_177 = arith.addi %mul3A_175, %add3A_176 : i32
    "tpu.region"() ({
      %run_scoped3A = tpu.sem_alloc : memref<!tpu.dma_semaphore, #tpu.memory_space<semaphore_mem>>
      %dma_start3A_263 = arith.constant 0 : i32
      %dma_start3A_264 = tpu.memref_slice %arg12[%add3A_177, %dma_start3A_263] : memref<4096x128xf32, #tpu.memory_space<vmem_shared>> -> memref<128x128xf32, #tpu.memory_space<vmem_shared>>
      %dma_start3A_265 = arith.constant 0 : i32
      %dma_start3A_266 = tpu.memref_slice %arg12[%add3A_177, %dma_start3A_265] : memref<4096x128xf32, #tpu.memory_space<vmem_shared>> -> memref<128x128xf32, #tpu.memory_space<vmem_shared>>
      tpu.enqueue_dma source(%dma_start3A_266 : memref<128x128xf32, #tpu.memory_space<vmem_shared>>) target(%arg6 : memref<128x128xf32, #tpu.memory_space<vmem>>) target_semaphore(%run_scoped3A : memref<!tpu.dma_semaphore, #tpu.memory_space<semaphore_mem>>)
      %dma_wait3A = arith.constant 0 : i32
      %dma_wait3A_267 = tpu.memref_slice %arg12[%add3A_177, %dma_wait3A] : memref<4096x128xf32, #tpu.memory_space<vmem_shared>> -> memref<128x128xf32, #tpu.memory_space<vmem_shared>>
      %dma_wait3A_268 = arith.constant 0 : i32
      %dma_wait3A_269 = tpu.memref_slice %arg12[%add3A_177, %dma_wait3A_268] : memref<4096x128xf32, #tpu.memory_space<vmem_shared>> -> memref<128x128xf32, #tpu.memory_space<vmem_shared>>
      tpu.wait_dma2 semaphore(%run_scoped3A : memref<!tpu.dma_semaphore, #tpu.memory_space<semaphore_mem>>) src(%dma_wait3A_269 : memref<128x128xf32, #tpu.memory_space<vmem_shared>>) dst(%arg6 : memref<128x128xf32, #tpu.memory_space<vmem>>)
      tpu.yield
    }) : () -> ()
    "tpu.region"() ({
      %run_scoped3A = tpu.sem_alloc : memref<!tpu.dma_semaphore, #tpu.memory_space<semaphore_mem>>
      %dma_start3A_263 = arith.constant 0 : i32
      %dma_start3A_264 = tpu.memref_slice %arg13[%add3A_177, %dma_start3A_263] : memref<4096x128xf32, #tpu.memory_space<vmem_shared>> -> memref<128x128xf32, #tpu.memory_space<vmem_shared>>
      %dma_start3A_265 = arith.constant 0 : i32
      %dma_start3A_266 = tpu.memref_slice %arg13[%add3A_177, %dma_start3A_265] : memref<4096x128xf32, #tpu.memory_space<vmem_shared>> -> memref<128x128xf32, #tpu.memory_space<vmem_shared>>
      tpu.enqueue_dma source(%dma_start3A_266 : memref<128x128xf32, #tpu.memory_space<vmem_shared>>) target(%arg7 : memref<128x128xf32, #tpu.memory_space<vmem>>) target_semaphore(%run_scoped3A : memref<!tpu.dma_semaphore, #tpu.memory_space<semaphore_mem>>)
      %dma_wait3A = arith.constant 0 : i32
      %dma_wait3A_267 = tpu.memref_slice %arg13[%add3A_177, %dma_wait3A] : memref<4096x128xf32, #tpu.memory_space<vmem_shared>> -> memref<128x128xf32, #tpu.memory_space<vmem_shared>>
      %dma_wait3A_268 = arith.constant 0 : i32
      %dma_wait3A_269 = tpu.memref_slice %arg13[%add3A_177, %dma_wait3A_268] : memref<4096x128xf32, #tpu.memory_space<vmem_shared>> -> memref<128x128xf32, #tpu.memory_space<vmem_shared>>
      tpu.wait_dma2 semaphore(%run_scoped3A : memref<!tpu.dma_semaphore, #tpu.memory_space<semaphore_mem>>) src(%dma_wait3A_269 : memref<128x128xf32, #tpu.memory_space<vmem_shared>>) dst(%arg7 : memref<128x128xf32, #tpu.memory_space<vmem>>)
      tpu.yield
    }) : () -> ()
    "tpu.region"() ({
      %run_scoped3A = tpu.sem_alloc : memref<!tpu.dma_semaphore, #tpu.memory_space<semaphore_mem>>
      %dma_start3A_263 = arith.constant 0 : i32
      %dma_start3A_264 = tpu.memref_slice %arg4[%add3A_177, %dma_start3A_263] : memref<4096x128xf32, #tpu.memory_space<hbm>> -> memref<128x128xf32, #tpu.memory_space<hbm>>
      %dma_start3A_265 = arith.constant 0 : i32
      %dma_start3A_266 = tpu.memref_slice %arg4[%add3A_177, %dma_start3A_265] : memref<4096x128xf32, #tpu.memory_space<hbm>> -> memref<128x128xf32, #tpu.memory_space<hbm>>
      tpu.enqueue_dma source(%dma_start3A_266 : memref<128x128xf32, #tpu.memory_space<hbm>>) target(%arg8 : memref<128x128xf32, #tpu.memory_space<vmem>>) target_semaphore(%run_scoped3A : memref<!tpu.dma_semaphore, #tpu.memory_space<semaphore_mem>>)
      %dma_wait3A = arith.constant 0 : i32
      %dma_wait3A_267 = tpu.memref_slice %arg4[%add3A_177, %dma_wait3A] : memref<4096x128xf32, #tpu.memory_space<hbm>> -> memref<128x128xf32, #tpu.memory_space<hbm>>
      %dma_wait3A_268 = arith.constant 0 : i32
      %dma_wait3A_269 = tpu.memref_slice %arg4[%add3A_177, %dma_wait3A_268] : memref<4096x128xf32, #tpu.memory_space<hbm>> -> memref<128x128xf32, #tpu.memory_space<hbm>>
      tpu.wait_dma2 semaphore(%run_scoped3A : memref<!tpu.dma_semaphore, #tpu.memory_space<semaphore_mem>>) src(%dma_wait3A_269 : memref<128x128xf32, #tpu.memory_space<hbm>>) dst(%arg8 : memref<128x128xf32, #tpu.memory_space<vmem>>)
      tpu.yield
    }) : () -> ()
    %scan3A_178 = arith.constant 0 : i32
    %scan3A_179 = arith.constant 128 : i32
    %scan3A_180 = arith.addi %scan3A_178, %scan3A_179 : i32
    %scan3A_181 = arith.constant 1 : i32
    scf.for %scan3A_263 = %scan3A_178 to %scan3A_180 step %scan3A_181  : i32 {
      %get3A = arith.index_cast %scan3A_263 : i32 to index
      %get3A_264 = arith.constant 0 : index
      %get3A_265 = tpu.vector_load %arg7[%get3A, %get3A_264] {strides = array<i32>} : memref<128x128xf32, #tpu.memory_space<vmem>>, vector<1x16xf32>,
      %get3A_266 = vector.shape_cast %get3A_265 : vector<1x16xf32> to vector<16xf32>
      %ge3A = arith.constant 1.000000e+00 : f32
      %ge3A_267 = vector.broadcast %ge3A : f32 to vector<16xf32>
      %ge3A_268 = arith.cmpf oge, %get3A_266, %ge3A_267 : vector<16xf32>
      %max3A = arith.constant 1.000000e+00 : f32
      %max3A_269 = vector.broadcast %max3A : f32 to vector<16xf32>
      %max3A_270 = arith.maximumf %get3A_266, %max3A_269 : vector<16xf32>
      %div3A = arith.constant 1.000000e+00 : f32
      %div3A_271 = vector.broadcast %div3A : f32 to vector<16xf32>
      %div3A_272 = arith.divf %div3A_271, %max3A_270 : vector<16xf32>
      %jit3A = arith.constant 0.000000e+00 : f32
      %broadcast_in_dim3A_273 = vector.broadcast %jit3A : f32 to vector<16xf32>
      %select_n3A = arith.select %ge3A_268, %div3A_272, %broadcast_in_dim3A_273 : vector<16xi1>, vector<16xf32>
      %get3A_274 = arith.index_cast %scan3A_263 : i32 to index
      %get3A_275 = arith.constant 0 : index
      %get3A_276 = tpu.vector_load %arg6[%get3A_274, %get3A_275] {strides = array<i32>} : memref<128x128xf32, #tpu.memory_space<vmem>>, vector<1x16xf32>,
      %get3A_277 = vector.shape_cast %get3A_276 : vector<1x16xf32> to vector<16xf32>
      %mul3A_278 = arith.mulf %get3A_277, %select_n3A : vector<16xf32>
      %get3A_279 = arith.index_cast %scan3A_263 : i32 to index
      %get3A_280 = arith.constant 0 : index
      %get3A_281 = tpu.vector_load %arg8[%get3A_279, %get3A_280] {strides = array<i32>} : memref<128x128xf32, #tpu.memory_space<vmem>>, vector<1x16xf32>,
      %get3A_282 = vector.shape_cast %get3A_281 : vector<1x16xf32> to vector<16xf32>
      %add3A_283 = arith.addf %mul3A_278, %get3A_282 : vector<16xf32>
      %swap3A = arith.index_cast %scan3A_263 : i32 to index
      %swap3A_284 = arith.constant 0 : index
      %swap3A_285 = tpu.vector_load %arg6[%swap3A, %swap3A_284] {strides = array<i32>} : memref<128x128xf32, #tpu.memory_space<vmem>>, vector<1x16xf32>,
      %swap3A_286 = vector.shape_cast %swap3A_285 : vector<1x16xf32> to vector<16xf32>
      %swap3A_287 = vector.shape_cast %add3A_283 : vector<16xf32> to vector<1x16xf32>
      tpu.vector_store %arg6[%swap3A, %swap3A_284], %swap3A_287 {strides = array<i32>} : memref<128x128xf32, #tpu.memory_space<vmem>>, vector<1x16xf32>,
      %get3A_288 = arith.index_cast %scan3A_263 : i32 to index
      %get3A_289 = arith.constant 16 : index
      %get3A_290 = tpu.vector_load %arg6[%get3A_288, %get3A_289] {strides = array<i32>} : memref<128x128xf32, #tpu.memory_space<vmem>>, vector<1x16xf32>,
      %get3A_291 = vector.shape_cast %get3A_290 : vector<1x16xf32> to vector<16xf32>
      %mul3A_292 = arith.mulf %get3A_291, %select_n3A : vector<16xf32>
      %get3A_293 = arith.index_cast %scan3A_263 : i32 to index
      %get3A_294 = arith.constant 16 : index
      %get3A_295 = tpu.vector_load %arg8[%get3A_293, %get3A_294] {strides = array<i32>} : memref<128x128xf32, #tpu.memory_space<vmem>>, vector<1x16xf32>,
      %get3A_296 = vector.shape_cast %get3A_295 : vector<1x16xf32> to vector<16xf32>
      %add3A_297 = arith.addf %mul3A_292, %get3A_296 : vector<16xf32>
      %swap3A_298 = arith.index_cast %scan3A_263 : i32 to index
      %swap3A_299 = arith.constant 16 : index
      %swap3A_300 = tpu.vector_load %arg6[%swap3A_298, %swap3A_299] {strides = array<i32>} : memref<128x128xf32, #tpu.memory_space<vmem>>, vector<1x16xf32>,
      %swap3A_301 = vector.shape_cast %swap3A_300 : vector<1x16xf32> to vector<16xf32>
      %swap3A_302 = vector.shape_cast %add3A_297 : vector<16xf32> to vector<1x16xf32>
      tpu.vector_store %arg6[%swap3A_298, %swap3A_299], %swap3A_302 {strides = array<i32>} : memref<128x128xf32, #tpu.memory_space<vmem>>, vector<1x16xf32>,
      %get3A_303 = arith.index_cast %scan3A_263 : i32 to index
      %get3A_304 = arith.constant 32 : index
      %get3A_305 = tpu.vector_load %arg6[%get3A_303, %get3A_304] {strides = array<i32>} : memref<128x128xf32, #tpu.memory_space<vmem>>, vector<1x16xf32>,
      %get3A_306 = vector.shape_cast %get3A_305 : vector<1x16xf32> to vector<16xf32>
      %mul3A_307 = arith.mulf %get3A_306, %select_n3A : vector<16xf32>
      %get3A_308 = arith.index_cast %scan3A_263 : i32 to index
      %get3A_309 = arith.constant 32 : index
      %get3A_310 = tpu.vector_load %arg8[%get3A_308, %get3A_309] {strides = array<i32>} : memref<128x128xf32, #tpu.memory_space<vmem>>, vector<1x16xf32>,
      %get3A_311 = vector.shape_cast %get3A_310 : vector<1x16xf32> to vector<16xf32>
      %add3A_312 = arith.addf %mul3A_307, %get3A_311 : vector<16xf32>
      %swap3A_313 = arith.index_cast %scan3A_263 : i32 to index
      %swap3A_314 = arith.constant 32 : index
      %swap3A_315 = tpu.vector_load %arg6[%swap3A_313, %swap3A_314] {strides = array<i32>} : memref<128x128xf32, #tpu.memory_space<vmem>>, vector<1x16xf32>,
      %swap3A_316 = vector.shape_cast %swap3A_315 : vector<1x16xf32> to vector<16xf32>
      %swap3A_317 = vector.shape_cast %add3A_312 : vector<16xf32> to vector<1x16xf32>
      tpu.vector_store %arg6[%swap3A_313, %swap3A_314], %swap3A_317 {strides = array<i32>} : memref<128x128xf32, #tpu.memory_space<vmem>>, vector<1x16xf32>,
      %get3A_318 = arith.index_cast %scan3A_263 : i32 to index
      %get3A_319 = arith.constant 48 : index
      %get3A_320 = tpu.vector_load %arg6[%get3A_318, %get3A_319] {strides = array<i32>} : memref<128x128xf32, #tpu.memory_space<vmem>>, vector<1x16xf32>,
      %get3A_321 = vector.shape_cast %get3A_320 : vector<1x16xf32> to vector<16xf32>
      %mul3A_322 = arith.mulf %get3A_321, %select_n3A : vector<16xf32>
      %get3A_323 = arith.index_cast %scan3A_263 : i32 to index
      %get3A_324 = arith.constant 48 : index
      %get3A_325 = tpu.vector_load %arg8[%get3A_323, %get3A_324] {strides = array<i32>} : memref<128x128xf32, #tpu.memory_space<vmem>>, vector<1x16xf32>,
      %get3A_326 = vector.shape_cast %get3A_325 : vector<1x16xf32> to vector<16xf32>
      %add3A_327 = arith.addf %mul3A_322, %get3A_326 : vector<16xf32>
      %swap3A_328 = arith.index_cast %scan3A_263 : i32 to index
      %swap3A_329 = arith.constant 48 : index
      %swap3A_330 = tpu.vector_load %arg6[%swap3A_328, %swap3A_329] {strides = array<i32>} : memref<128x128xf32, #tpu.memory_space<vmem>>, vector<1x16xf32>,
      %swap3A_331 = vector.shape_cast %swap3A_330 : vector<1x16xf32> to vector<16xf32>
      %swap3A_332 = vector.shape_cast %add3A_327 : vector<16xf32> to vector<1x16xf32>
      tpu.vector_store %arg6[%swap3A_328, %swap3A_329], %swap3A_332 {strides = array<i32>} : memref<128x128xf32, #tpu.memory_space<vmem>>, vector<1x16xf32>,
      %get3A_333 = arith.index_cast %scan3A_263 : i32 to index
      %get3A_334 = arith.constant 64 : index
      %get3A_335 = tpu.vector_load %arg6[%get3A_333, %get3A_334] {strides = array<i32>} : memref<128x128xf32, #tpu.memory_space<vmem>>, vector<1x16xf32>,
      %get3A_336 = vector.shape_cast %get3A_335 : vector<1x16xf32> to vector<16xf32>
      %mul3A_337 = arith.mulf %get3A_336, %select_n3A : vector<16xf32>
      %get3A_338 = arith.index_cast %scan3A_263 : i32 to index
      %get3A_339 = arith.constant 64 : index
      %get3A_340 = tpu.vector_load %arg8[%get3A_338, %get3A_339] {strides = array<i32>} : memref<128x128xf32, #tpu.memory_space<vmem>>, vector<1x16xf32>,
      %get3A_341 = vector.shape_cast %get3A_340 : vector<1x16xf32> to vector<16xf32>
      %add3A_342 = arith.addf %mul3A_337, %get3A_341 : vector<16xf32>
      %swap3A_343 = arith.index_cast %scan3A_263 : i32 to index
      %swap3A_344 = arith.constant 64 : index
      %swap3A_345 = tpu.vector_load %arg6[%swap3A_343, %swap3A_344] {strides = array<i32>} : memref<128x128xf32, #tpu.memory_space<vmem>>, vector<1x16xf32>,
      %swap3A_346 = vector.shape_cast %swap3A_345 : vector<1x16xf32> to vector<16xf32>
      %swap3A_347 = vector.shape_cast %add3A_342 : vector<16xf32> to vector<1x16xf32>
      tpu.vector_store %arg6[%swap3A_343, %swap3A_344], %swap3A_347 {strides = array<i32>} : memref<128x128xf32, #tpu.memory_space<vmem>>, vector<1x16xf32>,
      %get3A_348 = arith.index_cast %scan3A_263 : i32 to index
      %get3A_349 = arith.constant 80 : index
      %get3A_350 = tpu.vector_load %arg6[%get3A_348, %get3A_349] {strides = array<i32>} : memref<128x128xf32, #tpu.memory_space<vmem>>, vector<1x16xf32>,
      %get3A_351 = vector.shape_cast %get3A_350 : vector<1x16xf32> to vector<16xf32>
      %mul3A_352 = arith.mulf %get3A_351, %select_n3A : vector<16xf32>
      %get3A_353 = arith.index_cast %scan3A_263 : i32 to index
      %get3A_354 = arith.constant 80 : index
      %get3A_355 = tpu.vector_load %arg8[%get3A_353, %get3A_354] {strides = array<i32>} : memref<128x128xf32, #tpu.memory_space<vmem>>, vector<1x16xf32>,
      %get3A_356 = vector.shape_cast %get3A_355 : vector<1x16xf32> to vector<16xf32>
      %add3A_357 = arith.addf %mul3A_352, %get3A_356 : vector<16xf32>
      %swap3A_358 = arith.index_cast %scan3A_263 : i32 to index
      %swap3A_359 = arith.constant 80 : index
      %swap3A_360 = tpu.vector_load %arg6[%swap3A_358, %swap3A_359] {strides = array<i32>} : memref<128x128xf32, #tpu.memory_space<vmem>>, vector<1x16xf32>,
      %swap3A_361 = vector.shape_cast %swap3A_360 : vector<1x16xf32> to vector<16xf32>
      %swap3A_362 = vector.shape_cast %add3A_357 : vector<16xf32> to vector<1x16xf32>
      tpu.vector_store %arg6[%swap3A_358, %swap3A_359], %swap3A_362 {strides = array<i32>} : memref<128x128xf32, #tpu.memory_space<vmem>>, vector<1x16xf32>,
      %get3A_363 = arith.index_cast %scan3A_263 : i32 to index
      %get3A_364 = arith.constant 96 : index
      %get3A_365 = tpu.vector_load %arg6[%get3A_363, %get3A_364] {strides = array<i32>} : memref<128x128xf32, #tpu.memory_space<vmem>>, vector<1x16xf32>,
      %get3A_366 = vector.shape_cast %get3A_365 : vector<1x16xf32> to vector<16xf32>
      %mul3A_367 = arith.mulf %get3A_366, %select_n3A : vector<16xf32>
      %get3A_368 = arith.index_cast %scan3A_263 : i32 to index
      %get3A_369 = arith.constant 96 : index
      %get3A_370 = tpu.vector_load %arg8[%get3A_368, %get3A_369] {strides = array<i32>} : memref<128x128xf32, #tpu.memory_space<vmem>>, vector<1x16xf32>,
      %get3A_371 = vector.shape_cast %get3A_370 : vector<1x16xf32> to vector<16xf32>
      %add3A_372 = arith.addf %mul3A_367, %get3A_371 : vector<16xf32>
      %swap3A_373 = arith.index_cast %scan3A_263 : i32 to index
      %swap3A_374 = arith.constant 96 : index
      %swap3A_375 = tpu.vector_load %arg6[%swap3A_373, %swap3A_374] {strides = array<i32>} : memref<128x128xf32, #tpu.memory_space<vmem>>, vector<1x16xf32>,
      %swap3A_376 = vector.shape_cast %swap3A_375 : vector<1x16xf32> to vector<16xf32>
      %swap3A_377 = vector.shape_cast %add3A_372 : vector<16xf32> to vector<1x16xf32>
      tpu.vector_store %arg6[%swap3A_373, %swap3A_374], %swap3A_377 {strides = array<i32>} : memref<128x128xf32, #tpu.memory_space<vmem>>, vector<1x16xf32>,
      %get3A_378 = arith.index_cast %scan3A_263 : i32 to index
      %get3A_379 = arith.constant 112 : index
      %get3A_380 = tpu.vector_load %arg6[%get3A_378, %get3A_379] {strides = array<i32>} : memref<128x128xf32, #tpu.memory_space<vmem>>, vector<1x16xf32>,
      %get3A_381 = vector.shape_cast %get3A_380 : vector<1x16xf32> to vector<16xf32>
      %mul3A_382 = arith.mulf %get3A_381, %select_n3A : vector<16xf32>
      %get3A_383 = arith.index_cast %scan3A_263 : i32 to index
      %get3A_384 = arith.constant 112 : index
      %get3A_385 = tpu.vector_load %arg8[%get3A_383, %get3A_384] {strides = array<i32>} : memref<128x128xf32, #tpu.memory_space<vmem>>, vector<1x16xf32>,
      %get3A_386 = vector.shape_cast %get3A_385 : vector<1x16xf32> to vector<16xf32>
      %add3A_387 = arith.addf %mul3A_382, %get3A_386 : vector<16xf32>
      %swap3A_388 = arith.index_cast %scan3A_263 : i32 to index
      %swap3A_389 = arith.constant 112 : index
      %swap3A_390 = tpu.vector_load %arg6[%swap3A_388, %swap3A_389] {strides = array<i32>} : memref<128x128xf32, #tpu.memory_space<vmem>>, vector<1x16xf32>,
      %swap3A_391 = vector.shape_cast %swap3A_390 : vector<1x16xf32> to vector<16xf32>
      %swap3A_392 = vector.shape_cast %add3A_387 : vector<16xf32> to vector<1x16xf32>
      tpu.vector_store %arg6[%swap3A_388, %swap3A_389], %swap3A_392 {strides = array<i32>} : memref<128x128xf32, #tpu.memory_space<vmem>>, vector<1x16xf32>,
    }
    %scan3A_182 = arith.constant 128 : i32
    %mul3A_183 = arith.constant 4096 : i32
    %mul3A_184 = arith.muli %add3A_146, %mul3A_183 : i32
    %add3A_185 = arith.addi %mul3A_184, %add3A_177 : i32
    "tpu.region"() ({
      %run_scoped3A = tpu.sem_alloc : memref<!tpu.dma_semaphore, #tpu.memory_space<semaphore_mem>>
      %dma_start3A_263 = arith.constant 0 : i32
      %dma_start3A_264 = tpu.memref_slice %arg5[%add3A_185, %dma_start3A_263] : memref<32768x128xf32, #tpu.memory_space<hbm>> -> memref<128x128xf32, #tpu.memory_space<hbm>>
      %dma_start3A_265 = arith.constant 0 : i32
      %dma_start3A_266 = tpu.memref_slice %arg5[%add3A_185, %dma_start3A_265] : memref<32768x128xf32, #tpu.memory_space<hbm>> -> memref<128x128xf32, #tpu.memory_space<hbm>>
      tpu.enqueue_dma source(%arg6 : memref<128x128xf32, #tpu.memory_space<vmem>>) target(%dma_start3A_266 : memref<128x128xf32, #tpu.memory_space<hbm>>) target_semaphore(%run_scoped3A : memref<!tpu.dma_semaphore, #tpu.memory_space<semaphore_mem>>)
      %dma_wait3A = arith.constant 0 : i32
      %dma_wait3A_267 = tpu.memref_slice %arg5[%add3A_185, %dma_wait3A] : memref<32768x128xf32, #tpu.memory_space<hbm>> -> memref<128x128xf32, #tpu.memory_space<hbm>>
      %dma_wait3A_268 = arith.constant 0 : i32
      %dma_wait3A_269 = tpu.memref_slice %arg5[%add3A_185, %dma_wait3A_268] : memref<32768x128xf32, #tpu.memory_space<hbm>> -> memref<128x128xf32, #tpu.memory_space<hbm>>
      tpu.wait_dma2 semaphore(%run_scoped3A : memref<!tpu.dma_semaphore, #tpu.memory_space<semaphore_mem>>) src(%arg6 : memref<128x128xf32, #tpu.memory_space<vmem>>) dst(%dma_wait3A_269 : memref<128x128xf32, #tpu.memory_space<hbm>>)
      tpu.yield
    }) : () -> ()
    %scan3A_186 = arith.constant 0 : i32
    %scan3A_187 = arith.constant 128 : i32
    %scan3A_188 = arith.addi %scan3A_186, %scan3A_187 : i32
    %scan3A_189 = arith.constant 1 : i32
    scf.for %scan3A_263 = %scan3A_186 to %scan3A_188 step %scan3A_189  : i32 {
      %swap3A = arith.index_cast %scan3A_263 : i32 to index
      %swap3A_264 = arith.constant 0 : index
      %swap3A_265 = tpu.vector_load %arg7[%swap3A, %swap3A_264] {strides = array<i32>} : memref<128x128xf32, #tpu.memory_space<vmem>>, vector<1x16xf32>,
      %swap3A_266 = vector.shape_cast %swap3A_265 : vector<1x16xf32> to vector<16xf32>
      %swap3A_267 = vector.shape_cast %broadcast_in_dim3A_0 : vector<16xf32> to vector<1x16xf32>
      tpu.vector_store %arg7[%swap3A, %swap3A_264], %swap3A_267 {strides = array<i32>} : memref<128x128xf32, #tpu.memory_space<vmem>>, vector<1x16xf32>,
      %swap3A_268 = arith.index_cast %scan3A_263 : i32 to index
      %swap3A_269 = arith.constant 16 : index
      %swap3A_270 = tpu.vector_load %arg7[%swap3A_268, %swap3A_269] {strides = array<i32>} : memref<128x128xf32, #tpu.memory_space<vmem>>, vector<1x16xf32>,
      %swap3A_271 = vector.shape_cast %swap3A_270 : vector<1x16xf32> to vector<16xf32>
      %swap3A_272 = vector.shape_cast %broadcast_in_dim3A_0 : vector<16xf32> to vector<1x16xf32>
      tpu.vector_store %arg7[%swap3A_268, %swap3A_269], %swap3A_272 {strides = array<i32>} : memref<128x128xf32, #tpu.memory_space<vmem>>, vector<1x16xf32>,
      %swap3A_273 = arith.index_cast %scan3A_263 : i32 to index
      %swap3A_274 = arith.constant 32 : index
      %swap3A_275 = tpu.vector_load %arg7[%swap3A_273, %swap3A_274] {strides = array<i32>} : memref<128x128xf32, #tpu.memory_space<vmem>>, vector<1x16xf32>,
      %swap3A_276 = vector.shape_cast %swap3A_275 : vector<1x16xf32> to vector<16xf32>
      %swap3A_277 = vector.shape_cast %broadcast_in_dim3A_0 : vector<16xf32> to vector<1x16xf32>
      tpu.vector_store %arg7[%swap3A_273, %swap3A_274], %swap3A_277 {strides = array<i32>} : memref<128x128xf32, #tpu.memory_space<vmem>>, vector<1x16xf32>,
      %swap3A_278 = arith.index_cast %scan3A_263 : i32 to index
      %swap3A_279 = arith.constant 48 : index
      %swap3A_280 = tpu.vector_load %arg7[%swap3A_278, %swap3A_279] {strides = array<i32>} : memref<128x128xf32, #tpu.memory_space<vmem>>, vector<1x16xf32>,
      %swap3A_281 = vector.shape_cast %swap3A_280 : vector<1x16xf32> to vector<16xf32>
      %swap3A_282 = vector.shape_cast %broadcast_in_dim3A_0 : vector<16xf32> to vector<1x16xf32>
      tpu.vector_store %arg7[%swap3A_278, %swap3A_279], %swap3A_282 {strides = array<i32>} : memref<128x128xf32, #tpu.memory_space<vmem>>, vector<1x16xf32>,
      %swap3A_283 = arith.index_cast %scan3A_263 : i32 to index
      %swap3A_284 = arith.constant 64 : index
      %swap3A_285 = tpu.vector_load %arg7[%swap3A_283, %swap3A_284] {strides = array<i32>} : memref<128x128xf32, #tpu.memory_space<vmem>>, vector<1x16xf32>,
      %swap3A_286 = vector.shape_cast %swap3A_285 : vector<1x16xf32> to vector<16xf32>
      %swap3A_287 = vector.shape_cast %broadcast_in_dim3A_0 : vector<16xf32> to vector<1x16xf32>
      tpu.vector_store %arg7[%swap3A_283, %swap3A_284], %swap3A_287 {strides = array<i32>} : memref<128x128xf32, #tpu.memory_space<vmem>>, vector<1x16xf32>,
      %swap3A_288 = arith.index_cast %scan3A_263 : i32 to index
      %swap3A_289 = arith.constant 80 : index
      %swap3A_290 = tpu.vector_load %arg7[%swap3A_288, %swap3A_289] {strides = array<i32>} : memref<128x128xf32, #tpu.memory_space<vmem>>, vector<1x16xf32>,
      %swap3A_291 = vector.shape_cast %swap3A_290 : vector<1x16xf32> to vector<16xf32>
      %swap3A_292 = vector.shape_cast %broadcast_in_dim3A_0 : vector<16xf32> to vector<1x16xf32>
      tpu.vector_store %arg7[%swap3A_288, %swap3A_289], %swap3A_292 {strides = array<i32>} : memref<128x128xf32, #tpu.memory_space<vmem>>, vector<1x16xf32>,
      %swap3A_293 = arith.index_cast %scan3A_263 : i32 to index
      %swap3A_294 = arith.constant 96 : index
      %swap3A_295 = tpu.vector_load %arg7[%swap3A_293, %swap3A_294] {strides = array<i32>} : memref<128x128xf32, #tpu.memory_space<vmem>>, vector<1x16xf32>,
      %swap3A_296 = vector.shape_cast %swap3A_295 : vector<1x16xf32> to vector<16xf32>
      %swap3A_297 = vector.shape_cast %broadcast_in_dim3A_0 : vector<16xf32> to vector<1x16xf32>
      tpu.vector_store %arg7[%swap3A_293, %swap3A_294], %swap3A_297 {strides = array<i32>} : memref<128x128xf32, #tpu.memory_space<vmem>>, vector<1x16xf32>,
      %swap3A_298 = arith.index_cast %scan3A_263 : i32 to index
      %swap3A_299 = arith.constant 112 : index
      %swap3A_300 = tpu.vector_load %arg7[%swap3A_298, %swap3A_299] {strides = array<i32>} : memref<128x128xf32, #tpu.memory_space<vmem>>, vector<1x16xf32>,
      %swap3A_301 = vector.shape_cast %swap3A_300 : vector<1x16xf32> to vector<16xf32>
      %swap3A_302 = vector.shape_cast %broadcast_in_dim3A_0 : vector<16xf32> to vector<1x16xf32>
      tpu.vector_store %arg7[%swap3A_298, %swap3A_299], %swap3A_302 {strides = array<i32>} : memref<128x128xf32, #tpu.memory_space<vmem>>, vector<1x16xf32>,
    }
    %scan3A_190 = arith.constant 128 : i32
    "tpu.region"() ({
      %run_scoped3A = tpu.sem_alloc : memref<!tpu.dma_semaphore, #tpu.memory_space<semaphore_mem>>
      %dma_start3A_263 = arith.constant 0 : i32
      %dma_start3A_264 = tpu.memref_slice %arg12[%add3A_177, %dma_start3A_263] : memref<4096x128xf32, #tpu.memory_space<vmem_shared>> -> memref<128x128xf32, #tpu.memory_space<vmem_shared>>
      %dma_start3A_265 = arith.constant 0 : i32
      %dma_start3A_266 = tpu.memref_slice %arg12[%add3A_177, %dma_start3A_265] : memref<4096x128xf32, #tpu.memory_space<vmem_shared>> -> memref<128x128xf32, #tpu.memory_space<vmem_shared>>
      tpu.enqueue_dma source(%arg7 : memref<128x128xf32, #tpu.memory_space<vmem>>) target(%dma_start3A_266 : memref<128x128xf32, #tpu.memory_space<vmem_shared>>) target_semaphore(%run_scoped3A : memref<!tpu.dma_semaphore, #tpu.memory_space<semaphore_mem>>)
      %dma_wait3A = arith.constant 0 : i32
      %dma_wait3A_267 = tpu.memref_slice %arg12[%add3A_177, %dma_wait3A] : memref<4096x128xf32, #tpu.memory_space<vmem_shared>> -> memref<128x128xf32, #tpu.memory_space<vmem_shared>>
      %dma_wait3A_268 = arith.constant 0 : i32
      %dma_wait3A_269 = tpu.memref_slice %arg12[%add3A_177, %dma_wait3A_268] : memref<4096x128xf32, #tpu.memory_space<vmem_shared>> -> memref<128x128xf32, #tpu.memory_space<vmem_shared>>
      tpu.wait_dma2 semaphore(%run_scoped3A : memref<!tpu.dma_semaphore, #tpu.memory_space<semaphore_mem>>) src(%arg7 : memref<128x128xf32, #tpu.memory_space<vmem>>) dst(%dma_wait3A_269 : memref<128x128xf32, #tpu.memory_space<vmem_shared>>)
      tpu.yield
    }) : () -> ()
    "tpu.region"() ({
      %run_scoped3A = tpu.sem_alloc : memref<!tpu.dma_semaphore, #tpu.memory_space<semaphore_mem>>
      %dma_start3A_263 = arith.constant 0 : i32
      %dma_start3A_264 = tpu.memref_slice %arg13[%add3A_177, %dma_start3A_263] : memref<4096x128xf32, #tpu.memory_space<vmem_shared>> -> memref<128x128xf32, #tpu.memory_space<vmem_shared>>
      %dma_start3A_265 = arith.constant 0 : i32
      %dma_start3A_266 = tpu.memref_slice %arg13[%add3A_177, %dma_start3A_265] : memref<4096x128xf32, #tpu.memory_space<vmem_shared>> -> memref<128x128xf32, #tpu.memory_space<vmem_shared>>
      tpu.enqueue_dma source(%arg7 : memref<128x128xf32, #tpu.memory_space<vmem>>) target(%dma_start3A_266 : memref<128x128xf32, #tpu.memory_space<vmem_shared>>) target_semaphore(%run_scoped3A : memref<!tpu.dma_semaphore, #tpu.memory_space<semaphore_mem>>)
      %dma_wait3A = arith.constant 0 : i32
      %dma_wait3A_267 = tpu.memref_slice %arg13[%add3A_177, %dma_wait3A] : memref<4096x128xf32, #tpu.memory_space<vmem_shared>> -> memref<128x128xf32, #tpu.memory_space<vmem_shared>>
      %dma_wait3A_268 = arith.constant 0 : i32
      %dma_wait3A_269 = tpu.memref_slice %arg13[%add3A_177, %dma_wait3A_268] : memref<4096x128xf32, #tpu.memory_space<vmem_shared>> -> memref<128x128xf32, #tpu.memory_space<vmem_shared>>
      tpu.wait_dma2 semaphore(%run_scoped3A : memref<!tpu.dma_semaphore, #tpu.memory_space<semaphore_mem>>) src(%arg7 : memref<128x128xf32, #tpu.memory_space<vmem>>) dst(%dma_wait3A_269 : memref<128x128xf32, #tpu.memory_space<vmem_shared>>)
      tpu.yield
    }) : () -> ()
    %mul3A_191 = arith.constant 256 : i32
    %mul3A_192 = arith.muli %arg1, %mul3A_191 : i32
    %add3A_193 = arith.constant 128 : i32
    %add3A_194 = arith.addi %mul3A_192, %add3A_193 : i32
    "tpu.region"() ({
      %run_scoped3A = tpu.sem_alloc : memref<!tpu.dma_semaphore, #tpu.memory_space<semaphore_mem>>
      %dma_start3A_263 = arith.constant 0 : i32
      %dma_start3A_264 = tpu.memref_slice %arg12[%add3A_194, %dma_start3A_263] : memref<4096x128xf32, #tpu.memory_space<vmem_shared>> -> memref<128x128xf32, #tpu.memory_space<vmem_shared>>
      %dma_start3A_265 = arith.constant 0 : i32
      %dma_start3A_266 = tpu.memref_slice %arg12[%add3A_194, %dma_start3A_265] : memref<4096x128xf32, #tpu.memory_space<vmem_shared>> -> memref<128x128xf32, #tpu.memory_space<vmem_shared>>
      tpu.enqueue_dma source(%dma_start3A_266 : memref<128x128xf32, #tpu.memory_space<vmem_shared>>) target(%arg6 : memref<128x128xf32, #tpu.memory_space<vmem>>) target_semaphore(%run_scoped3A : memref<!tpu.dma_semaphore, #tpu.memory_space<semaphore_mem>>)
      %dma_wait3A = arith.constant 0 : i32
      %dma_wait3A_267 = tpu.memref_slice %arg12[%add3A_194, %dma_wait3A] : memref<4096x128xf32, #tpu.memory_space<vmem_shared>> -> memref<128x128xf32, #tpu.memory_space<vmem_shared>>
      %dma_wait3A_268 = arith.constant 0 : i32
      %dma_wait3A_269 = tpu.memref_slice %arg12[%add3A_194, %dma_wait3A_268] : memref<4096x128xf32, #tpu.memory_space<vmem_shared>> -> memref<128x128xf32, #tpu.memory_space<vmem_shared>>
      tpu.wait_dma2 semaphore(%run_scoped3A : memref<!tpu.dma_semaphore, #tpu.memory_space<semaphore_mem>>) src(%dma_wait3A_269 : memref<128x128xf32, #tpu.memory_space<vmem_shared>>) dst(%arg6 : memref<128x128xf32, #tpu.memory_space<vmem>>)
      tpu.yield
    }) : () -> ()
    "tpu.region"() ({
      %run_scoped3A = tpu.sem_alloc : memref<!tpu.dma_semaphore, #tpu.memory_space<semaphore_mem>>
      %dma_start3A_263 = arith.constant 0 : i32
      %dma_start3A_264 = tpu.memref_slice %arg13[%add3A_194, %dma_start3A_263] : memref<4096x128xf32, #tpu.memory_space<vmem_shared>> -> memref<128x128xf32, #tpu.memory_space<vmem_shared>>
      %dma_start3A_265 = arith.constant 0 : i32
      %dma_start3A_266 = tpu.memref_slice %arg13[%add3A_194, %dma_start3A_265] : memref<4096x128xf32, #tpu.memory_space<vmem_shared>> -> memref<128x128xf32, #tpu.memory_space<vmem_shared>>
      tpu.enqueue_dma source(%dma_start3A_266 : memref<128x128xf32, #tpu.memory_space<vmem_shared>>) target(%arg7 : memref<128x128xf32, #tpu.memory_space<vmem>>) target_semaphore(%run_scoped3A : memref<!tpu.dma_semaphore, #tpu.memory_space<semaphore_mem>>)
      %dma_wait3A = arith.constant 0 : i32
      %dma_wait3A_267 = tpu.memref_slice %arg13[%add3A_194, %dma_wait3A] : memref<4096x128xf32, #tpu.memory_space<vmem_shared>> -> memref<128x128xf32, #tpu.memory_space<vmem_shared>>
      %dma_wait3A_268 = arith.constant 0 : i32
      %dma_wait3A_269 = tpu.memref_slice %arg13[%add3A_194, %dma_wait3A_268] : memref<4096x128xf32, #tpu.memory_space<vmem_shared>> -> memref<128x128xf32, #tpu.memory_space<vmem_shared>>
      tpu.wait_dma2 semaphore(%run_scoped3A : memref<!tpu.dma_semaphore, #tpu.memory_space<semaphore_mem>>) src(%dma_wait3A_269 : memref<128x128xf32, #tpu.memory_space<vmem_shared>>) dst(%arg7 : memref<128x128xf32, #tpu.memory_space<vmem>>)
      tpu.yield
    }) : () -> ()
    "tpu.region"() ({
      %run_scoped3A = tpu.sem_alloc : memref<!tpu.dma_semaphore, #tpu.memory_space<semaphore_mem>>
      %dma_start3A_263 = arith.constant 0 : i32
      %dma_start3A_264 = tpu.memref_slice %arg4[%add3A_194, %dma_start3A_263] : memref<4096x128xf32, #tpu.memory_space<hbm>> -> memref<128x128xf32, #tpu.memory_space<hbm>>
      %dma_start3A_265 = arith.constant 0 : i32
      %dma_start3A_266 = tpu.memref_slice %arg4[%add3A_194, %dma_start3A_265] : memref<4096x128xf32, #tpu.memory_space<hbm>> -> memref<128x128xf32, #tpu.memory_space<hbm>>
      tpu.enqueue_dma source(%dma_start3A_266 : memref<128x128xf32, #tpu.memory_space<hbm>>) target(%arg8 : memref<128x128xf32, #tpu.memory_space<vmem>>) target_semaphore(%run_scoped3A : memref<!tpu.dma_semaphore, #tpu.memory_space<semaphore_mem>>)
      %dma_wait3A = arith.constant 0 : i32
      %dma_wait3A_267 = tpu.memref_slice %arg4[%add3A_194, %dma_wait3A] : memref<4096x128xf32, #tpu.memory_space<hbm>> -> memref<128x128xf32, #tpu.memory_space<hbm>>
      %dma_wait3A_268 = arith.constant 0 : i32
      %dma_wait3A_269 = tpu.memref_slice %arg4[%add3A_194, %dma_wait3A_268] : memref<4096x128xf32, #tpu.memory_space<hbm>> -> memref<128x128xf32, #tpu.memory_space<hbm>>
      tpu.wait_dma2 semaphore(%run_scoped3A : memref<!tpu.dma_semaphore, #tpu.memory_space<semaphore_mem>>) src(%dma_wait3A_269 : memref<128x128xf32, #tpu.memory_space<hbm>>) dst(%arg8 : memref<128x128xf32, #tpu.memory_space<vmem>>)
      tpu.yield
    }) : () -> ()
    %scan3A_195 = arith.constant 0 : i32
    %scan3A_196 = arith.constant 128 : i32
    %scan3A_197 = arith.addi %scan3A_195, %scan3A_196 : i32
    %scan3A_198 = arith.constant 1 : i32
    scf.for %scan3A_263 = %scan3A_195 to %scan3A_197 step %scan3A_198  : i32 {
      %get3A = arith.index_cast %scan3A_263 : i32 to index
      %get3A_264 = arith.constant 0 : index
      %get3A_265 = tpu.vector_load %arg7[%get3A, %get3A_264] {strides = array<i32>} : memref<128x128xf32, #tpu.memory_space<vmem>>, vector<1x16xf32>,
      %get3A_266 = vector.shape_cast %get3A_265 : vector<1x16xf32> to vector<16xf32>
      %ge3A = arith.constant 1.000000e+00 : f32
      %ge3A_267 = vector.broadcast %ge3A : f32 to vector<16xf32>
      %ge3A_268 = arith.cmpf oge, %get3A_266, %ge3A_267 : vector<16xf32>
      %max3A = arith.constant 1.000000e+00 : f32
      %max3A_269 = vector.broadcast %max3A : f32 to vector<16xf32>
      %max3A_270 = arith.maximumf %get3A_266, %max3A_269 : vector<16xf32>
      %div3A = arith.constant 1.000000e+00 : f32
      %div3A_271 = vector.broadcast %div3A : f32 to vector<16xf32>
      %div3A_272 = arith.divf %div3A_271, %max3A_270 : vector<16xf32>
      %jit3A = arith.constant 0.000000e+00 : f32
      %broadcast_in_dim3A_273 = vector.broadcast %jit3A : f32 to vector<16xf32>
      %select_n3A = arith.select %ge3A_268, %div3A_272, %broadcast_in_dim3A_273 : vector<16xi1>, vector<16xf32>
      %get3A_274 = arith.index_cast %scan3A_263 : i32 to index
      %get3A_275 = arith.constant 0 : index
      %get3A_276 = tpu.vector_load %arg6[%get3A_274, %get3A_275] {strides = array<i32>} : memref<128x128xf32, #tpu.memory_space<vmem>>, vector<1x16xf32>,
      %get3A_277 = vector.shape_cast %get3A_276 : vector<1x16xf32> to vector<16xf32>
      %mul3A_278 = arith.mulf %get3A_277, %select_n3A : vector<16xf32>
      %get3A_279 = arith.index_cast %scan3A_263 : i32 to index
      %get3A_280 = arith.constant 0 : index
      %get3A_281 = tpu.vector_load %arg8[%get3A_279, %get3A_280] {strides = array<i32>} : memref<128x128xf32, #tpu.memory_space<vmem>>, vector<1x16xf32>,
      %get3A_282 = vector.shape_cast %get3A_281 : vector<1x16xf32> to vector<16xf32>
      %add3A_283 = arith.addf %mul3A_278, %get3A_282 : vector<16xf32>
      %swap3A = arith.index_cast %scan3A_263 : i32 to index
      %swap3A_284 = arith.constant 0 : index
      %swap3A_285 = tpu.vector_load %arg6[%swap3A, %swap3A_284] {strides = array<i32>} : memref<128x128xf32, #tpu.memory_space<vmem>>, vector<1x16xf32>,
      %swap3A_286 = vector.shape_cast %swap3A_285 : vector<1x16xf32> to vector<16xf32>
      %swap3A_287 = vector.shape_cast %add3A_283 : vector<16xf32> to vector<1x16xf32>
      tpu.vector_store %arg6[%swap3A, %swap3A_284], %swap3A_287 {strides = array<i32>} : memref<128x128xf32, #tpu.memory_space<vmem>>, vector<1x16xf32>,
      %get3A_288 = arith.index_cast %scan3A_263 : i32 to index
      %get3A_289 = arith.constant 16 : index
      %get3A_290 = tpu.vector_load %arg6[%get3A_288, %get3A_289] {strides = array<i32>} : memref<128x128xf32, #tpu.memory_space<vmem>>, vector<1x16xf32>,
      %get3A_291 = vector.shape_cast %get3A_290 : vector<1x16xf32> to vector<16xf32>
      %mul3A_292 = arith.mulf %get3A_291, %select_n3A : vector<16xf32>
      %get3A_293 = arith.index_cast %scan3A_263 : i32 to index
      %get3A_294 = arith.constant 16 : index
      %get3A_295 = tpu.vector_load %arg8[%get3A_293, %get3A_294] {strides = array<i32>} : memref<128x128xf32, #tpu.memory_space<vmem>>, vector<1x16xf32>,
      %get3A_296 = vector.shape_cast %get3A_295 : vector<1x16xf32> to vector<16xf32>
      %add3A_297 = arith.addf %mul3A_292, %get3A_296 : vector<16xf32>
      %swap3A_298 = arith.index_cast %scan3A_263 : i32 to index
      %swap3A_299 = arith.constant 16 : index
      %swap3A_300 = tpu.vector_load %arg6[%swap3A_298, %swap3A_299] {strides = array<i32>} : memref<128x128xf32, #tpu.memory_space<vmem>>, vector<1x16xf32>,
      %swap3A_301 = vector.shape_cast %swap3A_300 : vector<1x16xf32> to vector<16xf32>
      %swap3A_302 = vector.shape_cast %add3A_297 : vector<16xf32> to vector<1x16xf32>
      tpu.vector_store %arg6[%swap3A_298, %swap3A_299], %swap3A_302 {strides = array<i32>} : memref<128x128xf32, #tpu.memory_space<vmem>>, vector<1x16xf32>,
      %get3A_303 = arith.index_cast %scan3A_263 : i32 to index
      %get3A_304 = arith.constant 32 : index
      %get3A_305 = tpu.vector_load %arg6[%get3A_303, %get3A_304] {strides = array<i32>} : memref<128x128xf32, #tpu.memory_space<vmem>>, vector<1x16xf32>,
      %get3A_306 = vector.shape_cast %get3A_305 : vector<1x16xf32> to vector<16xf32>
      %mul3A_307 = arith.mulf %get3A_306, %select_n3A : vector<16xf32>
      %get3A_308 = arith.index_cast %scan3A_263 : i32 to index
      %get3A_309 = arith.constant 32 : index
      %get3A_310 = tpu.vector_load %arg8[%get3A_308, %get3A_309] {strides = array<i32>} : memref<128x128xf32, #tpu.memory_space<vmem>>, vector<1x16xf32>,
      %get3A_311 = vector.shape_cast %get3A_310 : vector<1x16xf32> to vector<16xf32>
      %add3A_312 = arith.addf %mul3A_307, %get3A_311 : vector<16xf32>
      %swap3A_313 = arith.index_cast %scan3A_263 : i32 to index
      %swap3A_314 = arith.constant 32 : index
      %swap3A_315 = tpu.vector_load %arg6[%swap3A_313, %swap3A_314] {strides = array<i32>} : memref<128x128xf32, #tpu.memory_space<vmem>>, vector<1x16xf32>,
      %swap3A_316 = vector.shape_cast %swap3A_315 : vector<1x16xf32> to vector<16xf32>
      %swap3A_317 = vector.shape_cast %add3A_312 : vector<16xf32> to vector<1x16xf32>
      tpu.vector_store %arg6[%swap3A_313, %swap3A_314], %swap3A_317 {strides = array<i32>} : memref<128x128xf32, #tpu.memory_space<vmem>>, vector<1x16xf32>,
      %get3A_318 = arith.index_cast %scan3A_263 : i32 to index
      %get3A_319 = arith.constant 48 : index
      %get3A_320 = tpu.vector_load %arg6[%get3A_318, %get3A_319] {strides = array<i32>} : memref<128x128xf32, #tpu.memory_space<vmem>>, vector<1x16xf32>,
      %get3A_321 = vector.shape_cast %get3A_320 : vector<1x16xf32> to vector<16xf32>
      %mul3A_322 = arith.mulf %get3A_321, %select_n3A : vector<16xf32>
      %get3A_323 = arith.index_cast %scan3A_263 : i32 to index
      %get3A_324 = arith.constant 48 : index
      %get3A_325 = tpu.vector_load %arg8[%get3A_323, %get3A_324] {strides = array<i32>} : memref<128x128xf32, #tpu.memory_space<vmem>>, vector<1x16xf32>,
      %get3A_326 = vector.shape_cast %get3A_325 : vector<1x16xf32> to vector<16xf32>
      %add3A_327 = arith.addf %mul3A_322, %get3A_326 : vector<16xf32>
      %swap3A_328 = arith.index_cast %scan3A_263 : i32 to index
      %swap3A_329 = arith.constant 48 : index
      %swap3A_330 = tpu.vector_load %arg6[%swap3A_328, %swap3A_329] {strides = array<i32>} : memref<128x128xf32, #tpu.memory_space<vmem>>, vector<1x16xf32>,
      %swap3A_331 = vector.shape_cast %swap3A_330 : vector<1x16xf32> to vector<16xf32>
      %swap3A_332 = vector.shape_cast %add3A_327 : vector<16xf32> to vector<1x16xf32>
      tpu.vector_store %arg6[%swap3A_328, %swap3A_329], %swap3A_332 {strides = array<i32>} : memref<128x128xf32, #tpu.memory_space<vmem>>, vector<1x16xf32>,
      %get3A_333 = arith.index_cast %scan3A_263 : i32 to index
      %get3A_334 = arith.constant 64 : index
      %get3A_335 = tpu.vector_load %arg6[%get3A_333, %get3A_334] {strides = array<i32>} : memref<128x128xf32, #tpu.memory_space<vmem>>, vector<1x16xf32>,
      %get3A_336 = vector.shape_cast %get3A_335 : vector<1x16xf32> to vector<16xf32>
      %mul3A_337 = arith.mulf %get3A_336, %select_n3A : vector<16xf32>
      %get3A_338 = arith.index_cast %scan3A_263 : i32 to index
      %get3A_339 = arith.constant 64 : index
      %get3A_340 = tpu.vector_load %arg8[%get3A_338, %get3A_339] {strides = array<i32>} : memref<128x128xf32, #tpu.memory_space<vmem>>, vector<1x16xf32>,
      %get3A_341 = vector.shape_cast %get3A_340 : vector<1x16xf32> to vector<16xf32>
      %add3A_342 = arith.addf %mul3A_337, %get3A_341 : vector<16xf32>
      %swap3A_343 = arith.index_cast %scan3A_263 : i32 to index
      %swap3A_344 = arith.constant 64 : index
      %swap3A_345 = tpu.vector_load %arg6[%swap3A_343, %swap3A_344] {strides = array<i32>} : memref<128x128xf32, #tpu.memory_space<vmem>>, vector<1x16xf32>,
      %swap3A_346 = vector.shape_cast %swap3A_345 : vector<1x16xf32> to vector<16xf32>
      %swap3A_347 = vector.shape_cast %add3A_342 : vector<16xf32> to vector<1x16xf32>
      tpu.vector_store %arg6[%swap3A_343, %swap3A_344], %swap3A_347 {strides = array<i32>} : memref<128x128xf32, #tpu.memory_space<vmem>>, vector<1x16xf32>,
      %get3A_348 = arith.index_cast %scan3A_263 : i32 to index
      %get3A_349 = arith.constant 80 : index
      %get3A_350 = tpu.vector_load %arg6[%get3A_348, %get3A_349] {strides = array<i32>} : memref<128x128xf32, #tpu.memory_space<vmem>>, vector<1x16xf32>,
      %get3A_351 = vector.shape_cast %get3A_350 : vector<1x16xf32> to vector<16xf32>
      %mul3A_352 = arith.mulf %get3A_351, %select_n3A : vector<16xf32>
      %get3A_353 = arith.index_cast %scan3A_263 : i32 to index
      %get3A_354 = arith.constant 80 : index
      %get3A_355 = tpu.vector_load %arg8[%get3A_353, %get3A_354] {strides = array<i32>} : memref<128x128xf32, #tpu.memory_space<vmem>>, vector<1x16xf32>,
      %get3A_356 = vector.shape_cast %get3A_355 : vector<1x16xf32> to vector<16xf32>
      %add3A_357 = arith.addf %mul3A_352, %get3A_356 : vector<16xf32>
      %swap3A_358 = arith.index_cast %scan3A_263 : i32 to index
      %swap3A_359 = arith.constant 80 : index
      %swap3A_360 = tpu.vector_load %arg6[%swap3A_358, %swap3A_359] {strides = array<i32>} : memref<128x128xf32, #tpu.memory_space<vmem>>, vector<1x16xf32>,
      %swap3A_361 = vector.shape_cast %swap3A_360 : vector<1x16xf32> to vector<16xf32>
      %swap3A_362 = vector.shape_cast %add3A_357 : vector<16xf32> to vector<1x16xf32>
      tpu.vector_store %arg6[%swap3A_358, %swap3A_359], %swap3A_362 {strides = array<i32>} : memref<128x128xf32, #tpu.memory_space<vmem>>, vector<1x16xf32>,
      %get3A_363 = arith.index_cast %scan3A_263 : i32 to index
      %get3A_364 = arith.constant 96 : index
      %get3A_365 = tpu.vector_load %arg6[%get3A_363, %get3A_364] {strides = array<i32>} : memref<128x128xf32, #tpu.memory_space<vmem>>, vector<1x16xf32>,
      %get3A_366 = vector.shape_cast %get3A_365 : vector<1x16xf32> to vector<16xf32>
      %mul3A_367 = arith.mulf %get3A_366, %select_n3A : vector<16xf32>
      %get3A_368 = arith.index_cast %scan3A_263 : i32 to index
      %get3A_369 = arith.constant 96 : index
      %get3A_370 = tpu.vector_load %arg8[%get3A_368, %get3A_369] {strides = array<i32>} : memref<128x128xf32, #tpu.memory_space<vmem>>, vector<1x16xf32>,
      %get3A_371 = vector.shape_cast %get3A_370 : vector<1x16xf32> to vector<16xf32>
      %add3A_372 = arith.addf %mul3A_367, %get3A_371 : vector<16xf32>
      %swap3A_373 = arith.index_cast %scan3A_263 : i32 to index
      %swap3A_374 = arith.constant 96 : index
      %swap3A_375 = tpu.vector_load %arg6[%swap3A_373, %swap3A_374] {strides = array<i32>} : memref<128x128xf32, #tpu.memory_space<vmem>>, vector<1x16xf32>,
      %swap3A_376 = vector.shape_cast %swap3A_375 : vector<1x16xf32> to vector<16xf32>
      %swap3A_377 = vector.shape_cast %add3A_372 : vector<16xf32> to vector<1x16xf32>
      tpu.vector_store %arg6[%swap3A_373, %swap3A_374], %swap3A_377 {strides = array<i32>} : memref<128x128xf32, #tpu.memory_space<vmem>>, vector<1x16xf32>,
      %get3A_378 = arith.index_cast %scan3A_263 : i32 to index
      %get3A_379 = arith.constant 112 : index
      %get3A_380 = tpu.vector_load %arg6[%get3A_378, %get3A_379] {strides = array<i32>} : memref<128x128xf32, #tpu.memory_space<vmem>>, vector<1x16xf32>,
      %get3A_381 = vector.shape_cast %get3A_380 : vector<1x16xf32> to vector<16xf32>
      %mul3A_382 = arith.mulf %get3A_381, %select_n3A : vector<16xf32>
      %get3A_383 = arith.index_cast %scan3A_263 : i32 to index
      %get3A_384 = arith.constant 112 : index
      %get3A_385 = tpu.vector_load %arg8[%get3A_383, %get3A_384] {strides = array<i32>} : memref<128x128xf32, #tpu.memory_space<vmem>>, vector<1x16xf32>,
      %get3A_386 = vector.shape_cast %get3A_385 : vector<1x16xf32> to vector<16xf32>
      %add3A_387 = arith.addf %mul3A_382, %get3A_386 : vector<16xf32>
      %swap3A_388 = arith.index_cast %scan3A_263 : i32 to index
      %swap3A_389 = arith.constant 112 : index
      %swap3A_390 = tpu.vector_load %arg6[%swap3A_388, %swap3A_389] {strides = array<i32>} : memref<128x128xf32, #tpu.memory_space<vmem>>, vector<1x16xf32>,
      %swap3A_391 = vector.shape_cast %swap3A_390 : vector<1x16xf32> to vector<16xf32>
      %swap3A_392 = vector.shape_cast %add3A_387 : vector<16xf32> to vector<1x16xf32>
      tpu.vector_store %arg6[%swap3A_388, %swap3A_389], %swap3A_392 {strides = array<i32>} : memref<128x128xf32, #tpu.memory_space<vmem>>, vector<1x16xf32>,
    }
    %scan3A_199 = arith.constant 128 : i32
    %mul3A_200 = arith.constant 4096 : i32
    %mul3A_201 = arith.muli %add3A_146, %mul3A_200 : i32
    %add3A_202 = arith.addi %mul3A_201, %add3A_194 : i32
    "tpu.region"() ({
      %run_scoped3A = tpu.sem_alloc : memref<!tpu.dma_semaphore, #tpu.memory_space<semaphore_mem>>
      %dma_start3A_263 = arith.constant 0 : i32
      %dma_start3A_264 = tpu.memref_slice %arg5[%add3A_202, %dma_start3A_263] : memref<32768x128xf32, #tpu.memory_space<hbm>> -> memref<128x128xf32, #tpu.memory_space<hbm>>
      %dma_start3A_265 = arith.constant 0 : i32
      %dma_start3A_266 = tpu.memref_slice %arg5[%add3A_202, %dma_start3A_265] : memref<32768x128xf32, #tpu.memory_space<hbm>> -> memref<128x128xf32, #tpu.memory_space<hbm>>
      tpu.enqueue_dma source(%arg6 : memref<128x128xf32, #tpu.memory_space<vmem>>) target(%dma_start3A_266 : memref<128x128xf32, #tpu.memory_space<hbm>>) target_semaphore(%run_scoped3A : memref<!tpu.dma_semaphore, #tpu.memory_space<semaphore_mem>>)
      %dma_wait3A = arith.constant 0 : i32
      %dma_wait3A_267 = tpu.memref_slice %arg5[%add3A_202, %dma_wait3A] : memref<32768x128xf32, #tpu.memory_space<hbm>> -> memref<128x128xf32, #tpu.memory_space<hbm>>
      %dma_wait3A_268 = arith.constant 0 : i32
      %dma_wait3A_269 = tpu.memref_slice %arg5[%add3A_202, %dma_wait3A_268] : memref<32768x128xf32, #tpu.memory_space<hbm>> -> memref<128x128xf32, #tpu.memory_space<hbm>>
      tpu.wait_dma2 semaphore(%run_scoped3A : memref<!tpu.dma_semaphore, #tpu.memory_space<semaphore_mem>>) src(%arg6 : memref<128x128xf32, #tpu.memory_space<vmem>>) dst(%dma_wait3A_269 : memref<128x128xf32, #tpu.memory_space<hbm>>)
      tpu.yield
    }) : () -> ()
    %scan3A_203 = arith.constant 0 : i32
    %scan3A_204 = arith.constant 128 : i32
    %scan3A_205 = arith.addi %scan3A_203, %scan3A_204 : i32
    %scan3A_206 = arith.constant 1 : i32
    scf.for %scan3A_263 = %scan3A_203 to %scan3A_205 step %scan3A_206  : i32 {
      %swap3A = arith.index_cast %scan3A_263 : i32 to index
      %swap3A_264 = arith.constant 0 : index
      %swap3A_265 = tpu.vector_load %arg7[%swap3A, %swap3A_264] {strides = array<i32>} : memref<128x128xf32, #tpu.memory_space<vmem>>, vector<1x16xf32>,
      %swap3A_266 = vector.shape_cast %swap3A_265 : vector<1x16xf32> to vector<16xf32>
      %swap3A_267 = vector.shape_cast %broadcast_in_dim3A_0 : vector<16xf32> to vector<1x16xf32>
      tpu.vector_store %arg7[%swap3A, %swap3A_264], %swap3A_267 {strides = array<i32>} : memref<128x128xf32, #tpu.memory_space<vmem>>, vector<1x16xf32>,
      %swap3A_268 = arith.index_cast %scan3A_263 : i32 to index
      %swap3A_269 = arith.constant 16 : index
      %swap3A_270 = tpu.vector_load %arg7[%swap3A_268, %swap3A_269] {strides = array<i32>} : memref<128x128xf32, #tpu.memory_space<vmem>>, vector<1x16xf32>,
      %swap3A_271 = vector.shape_cast %swap3A_270 : vector<1x16xf32> to vector<16xf32>
      %swap3A_272 = vector.shape_cast %broadcast_in_dim3A_0 : vector<16xf32> to vector<1x16xf32>
      tpu.vector_store %arg7[%swap3A_268, %swap3A_269], %swap3A_272 {strides = array<i32>} : memref<128x128xf32, #tpu.memory_space<vmem>>, vector<1x16xf32>,
      %swap3A_273 = arith.index_cast %scan3A_263 : i32 to index
      %swap3A_274 = arith.constant 32 : index
      %swap3A_275 = tpu.vector_load %arg7[%swap3A_273, %swap3A_274] {strides = array<i32>} : memref<128x128xf32, #tpu.memory_space<vmem>>, vector<1x16xf32>,
      %swap3A_276 = vector.shape_cast %swap3A_275 : vector<1x16xf32> to vector<16xf32>
      %swap3A_277 = vector.shape_cast %broadcast_in_dim3A_0 : vector<16xf32> to vector<1x16xf32>
      tpu.vector_store %arg7[%swap3A_273, %swap3A_274], %swap3A_277 {strides = array<i32>} : memref<128x128xf32, #tpu.memory_space<vmem>>, vector<1x16xf32>,
      %swap3A_278 = arith.index_cast %scan3A_263 : i32 to index
      %swap3A_279 = arith.constant 48 : index
      %swap3A_280 = tpu.vector_load %arg7[%swap3A_278, %swap3A_279] {strides = array<i32>} : memref<128x128xf32, #tpu.memory_space<vmem>>, vector<1x16xf32>,
      %swap3A_281 = vector.shape_cast %swap3A_280 : vector<1x16xf32> to vector<16xf32>
      %swap3A_282 = vector.shape_cast %broadcast_in_dim3A_0 : vector<16xf32> to vector<1x16xf32>
      tpu.vector_store %arg7[%swap3A_278, %swap3A_279], %swap3A_282 {strides = array<i32>} : memref<128x128xf32, #tpu.memory_space<vmem>>, vector<1x16xf32>,
      %swap3A_283 = arith.index_cast %scan3A_263 : i32 to index
      %swap3A_284 = arith.constant 64 : index
      %swap3A_285 = tpu.vector_load %arg7[%swap3A_283, %swap3A_284] {strides = array<i32>} : memref<128x128xf32, #tpu.memory_space<vmem>>, vector<1x16xf32>,
      %swap3A_286 = vector.shape_cast %swap3A_285 : vector<1x16xf32> to vector<16xf32>
      %swap3A_287 = vector.shape_cast %broadcast_in_dim3A_0 : vector<16xf32> to vector<1x16xf32>
      tpu.vector_store %arg7[%swap3A_283, %swap3A_284], %swap3A_287 {strides = array<i32>} : memref<128x128xf32, #tpu.memory_space<vmem>>, vector<1x16xf32>,
      %swap3A_288 = arith.index_cast %scan3A_263 : i32 to index
      %swap3A_289 = arith.constant 80 : index
      %swap3A_290 = tpu.vector_load %arg7[%swap3A_288, %swap3A_289] {strides = array<i32>} : memref<128x128xf32, #tpu.memory_space<vmem>>, vector<1x16xf32>,
      %swap3A_291 = vector.shape_cast %swap3A_290 : vector<1x16xf32> to vector<16xf32>
      %swap3A_292 = vector.shape_cast %broadcast_in_dim3A_0 : vector<16xf32> to vector<1x16xf32>
      tpu.vector_store %arg7[%swap3A_288, %swap3A_289], %swap3A_292 {strides = array<i32>} : memref<128x128xf32, #tpu.memory_space<vmem>>, vector<1x16xf32>,
      %swap3A_293 = arith.index_cast %scan3A_263 : i32 to index
      %swap3A_294 = arith.constant 96 : index
      %swap3A_295 = tpu.vector_load %arg7[%swap3A_293, %swap3A_294] {strides = array<i32>} : memref<128x128xf32, #tpu.memory_space<vmem>>, vector<1x16xf32>,
      %swap3A_296 = vector.shape_cast %swap3A_295 : vector<1x16xf32> to vector<16xf32>
      %swap3A_297 = vector.shape_cast %broadcast_in_dim3A_0 : vector<16xf32> to vector<1x16xf32>
      tpu.vector_store %arg7[%swap3A_293, %swap3A_294], %swap3A_297 {strides = array<i32>} : memref<128x128xf32, #tpu.memory_space<vmem>>, vector<1x16xf32>,
      %swap3A_298 = arith.index_cast %scan3A_263 : i32 to index
      %swap3A_299 = arith.constant 112 : index
      %swap3A_300 = tpu.vector_load %arg7[%swap3A_298, %swap3A_299] {strides = array<i32>} : memref<128x128xf32, #tpu.memory_space<vmem>>, vector<1x16xf32>,
      %swap3A_301 = vector.shape_cast %swap3A_300 : vector<1x16xf32> to vector<16xf32>
      %swap3A_302 = vector.shape_cast %broadcast_in_dim3A_0 : vector<16xf32> to vector<1x16xf32>
      tpu.vector_store %arg7[%swap3A_298, %swap3A_299], %swap3A_302 {strides = array<i32>} : memref<128x128xf32, #tpu.memory_space<vmem>>, vector<1x16xf32>,
    }
    %scan3A_207 = arith.constant 128 : i32
    "tpu.region"() ({
      %run_scoped3A = tpu.sem_alloc : memref<!tpu.dma_semaphore, #tpu.memory_space<semaphore_mem>>
      %dma_start3A_263 = arith.constant 0 : i32
      %dma_start3A_264 = tpu.memref_slice %arg12[%add3A_194, %dma_start3A_263] : memref<4096x128xf32, #tpu.memory_space<vmem_shared>> -> memref<128x128xf32, #tpu.memory_space<vmem_shared>>
      %dma_start3A_265 = arith.constant 0 : i32
      %dma_start3A_266 = tpu.memref_slice %arg12[%add3A_194, %dma_start3A_265] : memref<4096x128xf32, #tpu.memory_space<vmem_shared>> -> memref<128x128xf32, #tpu.memory_space<vmem_shared>>
      tpu.enqueue_dma source(%arg7 : memref<128x128xf32, #tpu.memory_space<vmem>>) target(%dma_start3A_266 : memref<128x128xf32, #tpu.memory_space<vmem_shared>>) target_semaphore(%run_scoped3A : memref<!tpu.dma_semaphore, #tpu.memory_space<semaphore_mem>>)
      %dma_wait3A = arith.constant 0 : i32
      %dma_wait3A_267 = tpu.memref_slice %arg12[%add3A_194, %dma_wait3A] : memref<4096x128xf32, #tpu.memory_space<vmem_shared>> -> memref<128x128xf32, #tpu.memory_space<vmem_shared>>
      %dma_wait3A_268 = arith.constant 0 : i32
      %dma_wait3A_269 = tpu.memref_slice %arg12[%add3A_194, %dma_wait3A_268] : memref<4096x128xf32, #tpu.memory_space<vmem_shared>> -> memref<128x128xf32, #tpu.memory_space<vmem_shared>>
      tpu.wait_dma2 semaphore(%run_scoped3A : memref<!tpu.dma_semaphore, #tpu.memory_space<semaphore_mem>>) src(%arg7 : memref<128x128xf32, #tpu.memory_space<vmem>>) dst(%dma_wait3A_269 : memref<128x128xf32, #tpu.memory_space<vmem_shared>>)
      tpu.yield
    }) : () -> ()
    "tpu.region"() ({
      %run_scoped3A = tpu.sem_alloc : memref<!tpu.dma_semaphore, #tpu.memory_space<semaphore_mem>>
      %dma_start3A_263 = arith.constant 0 : i32
      %dma_start3A_264 = tpu.memref_slice %arg13[%add3A_194, %dma_start3A_263] : memref<4096x128xf32, #tpu.memory_space<vmem_shared>> -> memref<128x128xf32, #tpu.memory_space<vmem_shared>>
      %dma_start3A_265 = arith.constant 0 : i32
      %dma_start3A_266 = tpu.memref_slice %arg13[%add3A_194, %dma_start3A_265] : memref<4096x128xf32, #tpu.memory_space<vmem_shared>> -> memref<128x128xf32, #tpu.memory_space<vmem_shared>>
      tpu.enqueue_dma source(%arg7 : memref<128x128xf32, #tpu.memory_space<vmem>>) target(%dma_start3A_266 : memref<128x128xf32, #tpu.memory_space<vmem_shared>>) target_semaphore(%run_scoped3A : memref<!tpu.dma_semaphore, #tpu.memory_space<semaphore_mem>>)
      %dma_wait3A = arith.constant 0 : i32
      %dma_wait3A_267 = tpu.memref_slice %arg13[%add3A_194, %dma_wait3A] : memref<4096x128xf32, #tpu.memory_space<vmem_shared>> -> memref<128x128xf32, #tpu.memory_space<vmem_shared>>
      %dma_wait3A_268 = arith.constant 0 : i32
      %dma_wait3A_269 = tpu.memref_slice %arg13[%add3A_194, %dma_wait3A_268] : memref<4096x128xf32, #tpu.memory_space<vmem_shared>> -> memref<128x128xf32, #tpu.memory_space<vmem_shared>>
      tpu.wait_dma2 semaphore(%run_scoped3A : memref<!tpu.dma_semaphore, #tpu.memory_space<semaphore_mem>>) src(%arg7 : memref<128x128xf32, #tpu.memory_space<vmem>>) dst(%dma_wait3A_269 : memref<128x128xf32, #tpu.memory_space<vmem_shared>>)
      tpu.yield
    }) : () -> ()
    %mul3A_208 = arith.constant 4 : i32
    %mul3A_209 = arith.muli %arg0, %mul3A_208 : i32
    %add3A_210 = arith.constant 3 : i32
    %add3A_211 = arith.addi %mul3A_209, %add3A_210 : i32
    %barrier3A_212 = arith.constant 0 : index
    tpu.barrier barrier_id(%barrier3A_212)
    %scan3A_213 = arith.constant 0 : i32
    %scan3A_214 = arith.constant 128 : i32
    %scan3A_215 = arith.addi %scan3A_213, %scan3A_214 : i32
    %scan3A_216 = arith.constant 1 : i32
    scf.for %scan3A_263 = %scan3A_213 to %scan3A_215 step %scan3A_216  : i32 {
      %swap3A = arith.index_cast %scan3A_263 : i32 to index
      %swap3A_264 = arith.constant 0 : index
      %swap3A_265 = tpu.vector_load %arg8[%swap3A, %swap3A_264] {strides = array<i32>} : memref<128x128xf32, #tpu.memory_space<vmem>>, vector<1x16xf32>,
      %swap3A_266 = vector.shape_cast %swap3A_265 : vector<1x16xf32> to vector<16xf32>
      %swap3A_267 = vector.shape_cast %broadcast_in_dim3A_2 : vector<16xf32> to vector<1x16xf32>
      tpu.vector_store %arg8[%swap3A, %swap3A_264], %swap3A_267 {strides = array<i32>} : memref<128x128xf32, #tpu.memory_space<vmem>>, vector<1x16xf32>,
      %swap3A_268 = arith.index_cast %scan3A_263 : i32 to index
      %swap3A_269 = arith.constant 16 : index
      %swap3A_270 = tpu.vector_load %arg8[%swap3A_268, %swap3A_269] {strides = array<i32>} : memref<128x128xf32, #tpu.memory_space<vmem>>, vector<1x16xf32>,
      %swap3A_271 = vector.shape_cast %swap3A_270 : vector<1x16xf32> to vector<16xf32>
      %swap3A_272 = vector.shape_cast %broadcast_in_dim3A_2 : vector<16xf32> to vector<1x16xf32>
      tpu.vector_store %arg8[%swap3A_268, %swap3A_269], %swap3A_272 {strides = array<i32>} : memref<128x128xf32, #tpu.memory_space<vmem>>, vector<1x16xf32>,
      %swap3A_273 = arith.index_cast %scan3A_263 : i32 to index
      %swap3A_274 = arith.constant 32 : index
      %swap3A_275 = tpu.vector_load %arg8[%swap3A_273, %swap3A_274] {strides = array<i32>} : memref<128x128xf32, #tpu.memory_space<vmem>>, vector<1x16xf32>,
      %swap3A_276 = vector.shape_cast %swap3A_275 : vector<1x16xf32> to vector<16xf32>
      %swap3A_277 = vector.shape_cast %broadcast_in_dim3A_2 : vector<16xf32> to vector<1x16xf32>
      tpu.vector_store %arg8[%swap3A_273, %swap3A_274], %swap3A_277 {strides = array<i32>} : memref<128x128xf32, #tpu.memory_space<vmem>>, vector<1x16xf32>,
      %swap3A_278 = arith.index_cast %scan3A_263 : i32 to index
      %swap3A_279 = arith.constant 48 : index
      %swap3A_280 = tpu.vector_load %arg8[%swap3A_278, %swap3A_279] {strides = array<i32>} : memref<128x128xf32, #tpu.memory_space<vmem>>, vector<1x16xf32>,
      %swap3A_281 = vector.shape_cast %swap3A_280 : vector<1x16xf32> to vector<16xf32>
      %swap3A_282 = vector.shape_cast %broadcast_in_dim3A_2 : vector<16xf32> to vector<1x16xf32>
      tpu.vector_store %arg8[%swap3A_278, %swap3A_279], %swap3A_282 {strides = array<i32>} : memref<128x128xf32, #tpu.memory_space<vmem>>, vector<1x16xf32>,
      %swap3A_283 = arith.index_cast %scan3A_263 : i32 to index
      %swap3A_284 = arith.constant 64 : index
      %swap3A_285 = tpu.vector_load %arg8[%swap3A_283, %swap3A_284] {strides = array<i32>} : memref<128x128xf32, #tpu.memory_space<vmem>>, vector<1x16xf32>,
      %swap3A_286 = vector.shape_cast %swap3A_285 : vector<1x16xf32> to vector<16xf32>
      %swap3A_287 = vector.shape_cast %broadcast_in_dim3A_2 : vector<16xf32> to vector<1x16xf32>
      tpu.vector_store %arg8[%swap3A_283, %swap3A_284], %swap3A_287 {strides = array<i32>} : memref<128x128xf32, #tpu.memory_space<vmem>>, vector<1x16xf32>,
      %swap3A_288 = arith.index_cast %scan3A_263 : i32 to index
      %swap3A_289 = arith.constant 80 : index
      %swap3A_290 = tpu.vector_load %arg8[%swap3A_288, %swap3A_289] {strides = array<i32>} : memref<128x128xf32, #tpu.memory_space<vmem>>, vector<1x16xf32>,
      %swap3A_291 = vector.shape_cast %swap3A_290 : vector<1x16xf32> to vector<16xf32>
      %swap3A_292 = vector.shape_cast %broadcast_in_dim3A_2 : vector<16xf32> to vector<1x16xf32>
      tpu.vector_store %arg8[%swap3A_288, %swap3A_289], %swap3A_292 {strides = array<i32>} : memref<128x128xf32, #tpu.memory_space<vmem>>, vector<1x16xf32>,
      %swap3A_293 = arith.index_cast %scan3A_263 : i32 to index
      %swap3A_294 = arith.constant 96 : index
      %swap3A_295 = tpu.vector_load %arg8[%swap3A_293, %swap3A_294] {strides = array<i32>} : memref<128x128xf32, #tpu.memory_space<vmem>>, vector<1x16xf32>,
      %swap3A_296 = vector.shape_cast %swap3A_295 : vector<1x16xf32> to vector<16xf32>
      %swap3A_297 = vector.shape_cast %broadcast_in_dim3A_2 : vector<16xf32> to vector<1x16xf32>
      tpu.vector_store %arg8[%swap3A_293, %swap3A_294], %swap3A_297 {strides = array<i32>} : memref<128x128xf32, #tpu.memory_space<vmem>>, vector<1x16xf32>,
      %swap3A_298 = arith.index_cast %scan3A_263 : i32 to index
      %swap3A_299 = arith.constant 112 : index
      %swap3A_300 = tpu.vector_load %arg8[%swap3A_298, %swap3A_299] {strides = array<i32>} : memref<128x128xf32, #tpu.memory_space<vmem>>, vector<1x16xf32>,
      %swap3A_301 = vector.shape_cast %swap3A_300 : vector<1x16xf32> to vector<16xf32>
      %swap3A_302 = vector.shape_cast %broadcast_in_dim3A_2 : vector<16xf32> to vector<1x16xf32>
      tpu.vector_store %arg8[%swap3A_298, %swap3A_299], %swap3A_302 {strides = array<i32>} : memref<128x128xf32, #tpu.memory_space<vmem>>, vector<1x16xf32>,
    }
    %scan3A_217 = arith.constant 128 : i32
    %mul3A_218 = arith.constant 32768 : i32
    %mul3A_219 = arith.muli %add3A_211, %mul3A_218 : i32
    %add3A_220 = arith.addi %mul3A_219, %mul3A_14 : i32
    "tpu.region"() ({
      %run_scoped3A = tpu.sem_alloc : memref<!tpu.dma_semaphore, #tpu.memory_space<semaphore_mem>>
      %dma_start3A_263 = arith.constant 0 : i32
      %dma_start3A_264 = tpu.memref_slice %arg9[%dma_start3A_263] : memref<4096xf32, #tpu.memory_space<vmem>> -> memref<2048xf32, #tpu.memory_space<vmem>>
      %dma_start3A_265 = tpu.memref_slice %arg2[%add3A_220] : memref<524288xf32, #tpu.memory_space<hbm>> -> memref<2048xf32, #tpu.memory_space<hbm>>
      %dma_start3A_266 = arith.constant 0 : i32
      %dma_start3A_267 = tpu.memref_slice %arg9[%dma_start3A_266] : memref<4096xf32, #tpu.memory_space<vmem>> -> memref<2048xf32, #tpu.memory_space<vmem>>
      %dma_start3A_268 = tpu.memref_slice %arg2[%add3A_220] : memref<524288xf32, #tpu.memory_space<hbm>> -> memref<2048xf32, #tpu.memory_space<hbm>>
      tpu.enqueue_dma source(%dma_start3A_268 : memref<2048xf32, #tpu.memory_space<hbm>>) target(%dma_start3A_267 : memref<2048xf32, #tpu.memory_space<vmem>>) target_semaphore(%run_scoped3A : memref<!tpu.dma_semaphore, #tpu.memory_space<semaphore_mem>>)
      %dma_wait3A = arith.constant 0 : i32
      %dma_wait3A_269 = tpu.memref_slice %arg9[%dma_wait3A] : memref<4096xf32, #tpu.memory_space<vmem>> -> memref<2048xf32, #tpu.memory_space<vmem>>
      %dma_wait3A_270 = tpu.memref_slice %arg2[%add3A_220] : memref<524288xf32, #tpu.memory_space<hbm>> -> memref<2048xf32, #tpu.memory_space<hbm>>
      %dma_wait3A_271 = arith.constant 0 : i32
      %dma_wait3A_272 = tpu.memref_slice %arg9[%dma_wait3A_271] : memref<4096xf32, #tpu.memory_space<vmem>> -> memref<2048xf32, #tpu.memory_space<vmem>>
      %dma_wait3A_273 = tpu.memref_slice %arg2[%add3A_220] : memref<524288xf32, #tpu.memory_space<hbm>> -> memref<2048xf32, #tpu.memory_space<hbm>>
      tpu.wait_dma2 semaphore(%run_scoped3A : memref<!tpu.dma_semaphore, #tpu.memory_space<semaphore_mem>>) src(%dma_wait3A_273 : memref<2048xf32, #tpu.memory_space<hbm>>) dst(%dma_wait3A_272 : memref<2048xf32, #tpu.memory_space<vmem>>)
      tpu.yield
    }) : () -> ()
    %mul3A_221 = arith.constant 32768 : i32
    %mul3A_222 = arith.muli %add3A_211, %mul3A_221 : i32
    %add3A_223 = arith.constant 262144 : i32
    %add3A_224 = arith.addi %add3A_223, %mul3A_222 : i32
    %add3A_225 = arith.addi %add3A_224, %mul3A_14 : i32
    "tpu.region"() ({
      %run_scoped3A = tpu.sem_alloc : memref<!tpu.dma_semaphore, #tpu.memory_space<semaphore_mem>>
      %dma_start3A_263 = arith.constant 2048 : i32
      %dma_start3A_264 = tpu.memref_slice %arg9[%dma_start3A_263] : memref<4096xf32, #tpu.memory_space<vmem>> -> memref<2048xf32, #tpu.memory_space<vmem>>
      %dma_start3A_265 = tpu.memref_slice %arg2[%add3A_225] : memref<524288xf32, #tpu.memory_space<hbm>> -> memref<2048xf32, #tpu.memory_space<hbm>>
      %dma_start3A_266 = arith.constant 2048 : i32
      %dma_start3A_267 = tpu.memref_slice %arg9[%dma_start3A_266] : memref<4096xf32, #tpu.memory_space<vmem>> -> memref<2048xf32, #tpu.memory_space<vmem>>
      %dma_start3A_268 = tpu.memref_slice %arg2[%add3A_225] : memref<524288xf32, #tpu.memory_space<hbm>> -> memref<2048xf32, #tpu.memory_space<hbm>>
      tpu.enqueue_dma source(%dma_start3A_268 : memref<2048xf32, #tpu.memory_space<hbm>>) target(%dma_start3A_267 : memref<2048xf32, #tpu.memory_space<vmem>>) target_semaphore(%run_scoped3A : memref<!tpu.dma_semaphore, #tpu.memory_space<semaphore_mem>>)
      %dma_wait3A = arith.constant 2048 : i32
      %dma_wait3A_269 = tpu.memref_slice %arg9[%dma_wait3A] : memref<4096xf32, #tpu.memory_space<vmem>> -> memref<2048xf32, #tpu.memory_space<vmem>>
      %dma_wait3A_270 = tpu.memref_slice %arg2[%add3A_225] : memref<524288xf32, #tpu.memory_space<hbm>> -> memref<2048xf32, #tpu.memory_space<hbm>>
      %dma_wait3A_271 = arith.constant 2048 : i32
      %dma_wait3A_272 = tpu.memref_slice %arg9[%dma_wait3A_271] : memref<4096xf32, #tpu.memory_space<vmem>> -> memref<2048xf32, #tpu.memory_space<vmem>>
      %dma_wait3A_273 = tpu.memref_slice %arg2[%add3A_225] : memref<524288xf32, #tpu.memory_space<hbm>> -> memref<2048xf32, #tpu.memory_space<hbm>>
      tpu.wait_dma2 semaphore(%run_scoped3A : memref<!tpu.dma_semaphore, #tpu.memory_space<semaphore_mem>>) src(%dma_wait3A_273 : memref<2048xf32, #tpu.memory_space<hbm>>) dst(%dma_wait3A_272 : memref<2048xf32, #tpu.memory_space<vmem>>)
      tpu.yield
    }) : () -> ()
    %mul3A_226 = arith.constant 32768 : i32
    %mul3A_227 = arith.muli %add3A_211, %mul3A_226 : i32
    %add3A_228 = arith.addi %mul3A_227, %mul3A_14 : i32
    %dma_start3A_229 = arith.constant 0 : i32
    %dma_start3A_230 = tpu.memref_slice %arg3[%add3A_228, %dma_start3A_229] : memref<262144x128xf32, #tpu.memory_space<hbm>> -> memref<128x128xf32, #tpu.memory_space<hbm>>
    %dma_start3A_231 = arith.constant 0 : i32
    %dma_start3A_232 = tpu.memref_slice %arg3[%add3A_228, %dma_start3A_231] : memref<262144x128xf32, #tpu.memory_space<hbm>> -> memref<128x128xf32, #tpu.memory_space<hbm>>
    tpu.enqueue_dma source(%dma_start3A_232 : memref<128x128xf32, #tpu.memory_space<hbm>>) target(%arg6 : memref<128x128xf32, #tpu.memory_space<vmem>>) target_semaphore(%arg11 : memref<!tpu.dma_semaphore, #tpu.memory_space<semaphore_mem>>)
    %scan3A_233 = arith.constant 0 : i32
    %scan3A_234 = arith.constant 16 : i32
    %scan3A_235 = arith.addi %scan3A_233, %scan3A_234 : i32
    %scan3A_236 = arith.constant 1 : i32
    scf.for %scan3A_263 = %scan3A_233 to %scan3A_235 step %scan3A_236  : i32 {
      %scan3A_264 = arith.constant 0 : i32
      %scan3A_265 = arith.constant 8 : i32
      %scan3A_266 = arith.addi %scan3A_264, %scan3A_265 : i32
      %scan3A_267 = arith.constant 1 : i32
      scf.for %scan3A_276 = %scan3A_264 to %scan3A_266 step %scan3A_267  : i32 {
        %mul3A_277 = arith.constant 128 : i32
        %mul3A_278 = arith.muli %scan3A_263, %mul3A_277 : i32
        %mul3A_279 = arith.constant 16 : i32
        %mul3A_280 = arith.muli %scan3A_276, %mul3A_279 : i32
        %add3A_281 = arith.addi %mul3A_278, %mul3A_280 : i32
        %get3A = arith.index_cast %add3A_281 : i32 to index
        %get3A_282 = tpu.vector_load %arg9[%get3A] {strides = array<i32>} : memref<4096xf32, #tpu.memory_space<vmem>>, vector<16xf32>,
        %get3A_283 = vector.shape_cast %get3A_282 : vector<16xf32> to vector<16xf32>
        %div3A = arith.constant 0.0158730168 : f32
        %div3A_284 = vector.broadcast %div3A : f32 to vector<16xf32>
        %div3A_285 = arith.divf %get3A_283, %div3A_284 : vector<16xf32>
        %add3A_286 = arith.constant 2048 : i32
        %add3A_287 = arith.addi %add3A_286, %add3A_281 : i32
        %get3A_288 = arith.index_cast %add3A_287 : i32 to index
        %get3A_289 = tpu.vector_load %arg9[%get3A_288] {strides = array<i32>} : memref<4096xf32, #tpu.memory_space<vmem>>, vector<16xf32>,
        %get3A_290 = vector.shape_cast %get3A_289 : vector<16xf32> to vector<16xf32>
        %div3A_291 = arith.constant 0.0158730168 : f32
        %div3A_292 = vector.broadcast %div3A_291 : f32 to vector<16xf32>
        %div3A_293 = arith.divf %get3A_290, %div3A_292 : vector<16xf32>
        %add3A_294 = arith.constant 0x4B400000 : f32
        %add3A_295 = vector.broadcast %add3A_294 : f32 to vector<16xf32>
        %add3A_296 = arith.addf %div3A_285, %add3A_295 : vector<16xf32>
        %sub3A = arith.constant 0x4B400000 : f32
        %sub3A_297 = vector.broadcast %sub3A : f32 to vector<16xf32>
        %sub3A_298 = arith.subf %add3A_296, %sub3A_297 : vector<16xf32>
        %add3A_299 = arith.constant 0x4B400000 : f32
        %add3A_300 = vector.broadcast %add3A_299 : f32 to vector<16xf32>
        %add3A_301 = arith.addf %div3A_293, %add3A_300 : vector<16xf32>
        %sub3A_302 = arith.constant 0x4B400000 : f32
        %sub3A_303 = vector.broadcast %sub3A_302 : f32 to vector<16xf32>
        %sub3A_304 = arith.subf %add3A_301, %sub3A_303 : vector<16xf32>
        %max3A = arith.constant 0.000000e+00 : f32
        %max3A_305 = vector.broadcast %max3A : f32 to vector<16xf32>
        %max3A_306 = arith.maximumf %sub3A_298, %max3A_305 : vector<16xf32>
        %min3A = arith.constant 6.300000e+01 : f32
        %min3A_307 = vector.broadcast %min3A : f32 to vector<16xf32>
        %min3A_308 = arith.minimumf %max3A_306, %min3A_307 : vector<16xf32>
        %max3A_309 = arith.constant 0.000000e+00 : f32
        %max3A_310 = vector.broadcast %max3A_309 : f32 to vector<16xf32>
        %max3A_311 = arith.maximumf %sub3A_304, %max3A_310 : vector<16xf32>
        %min3A_312 = arith.constant 6.300000e+01 : f32
        %min3A_313 = vector.broadcast %min3A_312 : f32 to vector<16xf32>
        %min3A_314 = arith.minimumf %max3A_311, %min3A_313 : vector<16xf32>
        %convert_element_type3A_315 = arith.fptosi %min3A_308 : vector<16xf32> to vector<16xi32>
        %mul3A_316 = arith.constant 64 : i32
        %mul3A_317 = vector.broadcast %mul3A_316 : i32 to vector<16xi32>
        %mul3A_318 = arith.muli %convert_element_type3A_315, %mul3A_317 : vector<16xi32>
        %convert_element_type3A_319 = arith.fptosi %min3A_314 : vector<16xf32> to vector<16xi32>
        %add3A_320 = arith.addi %mul3A_318, %convert_element_type3A_319 : vector<16xi32>
        %max3A_321 = arith.constant 0 : i32
        %max3A_322 = vector.broadcast %max3A_321 : i32 to vector<16xi32>
        %max3A_323 = arith.maxsi %add3A_320, %max3A_322 : vector<16xi32>
        %min3A_324 = arith.constant 4095 : i32
        %min3A_325 = vector.broadcast %min3A_324 : i32 to vector<16xi32>
        %min3A_326 = arith.minsi %max3A_323, %min3A_325 : vector<16xi32>
        %mul3A_327 = arith.constant 16 : i32
        %mul3A_328 = arith.muli %scan3A_276, %mul3A_327 : i32
        %swap3A = arith.index_cast %mul3A_328 : i32 to index
        %swap3A_329 = tpu.vector_load %arg10[%swap3A] {strides = array<i32>} : memref<128xi32, #tpu.memory_space<vmem>>, vector<16xi32>,
        %swap3A_330 = vector.shape_cast %swap3A_329 : vector<16xi32> to vector<16xi32>
        %swap3A_331 = vector.shape_cast %min3A_326 : vector<16xi32> to vector<16xi32>
        tpu.vector_store %arg10[%swap3A], %swap3A_331 {strides = array<i32>} : memref<128xi32, #tpu.memory_space<vmem>>, vector<16xi32>,
      }
      %scan3A_268 = arith.constant 8 : i32
      %dma_wait3A = arith.constant 0 : i32
      %dma_wait3A_269 = arith.constant 0 : i32
      %dma_wait3A_270 = tpu.memref_slice %arg3[%dma_wait3A, %dma_wait3A_269] : memref<262144x128xf32, #tpu.memory_space<hbm>> -> memref<128x128xf32, #tpu.memory_space<hbm>>
      %dma_wait3A_271 = arith.constant 0 : i32
      %dma_wait3A_272 = arith.constant 0 : i32
      %dma_wait3A_273 = tpu.memref_slice %arg3[%dma_wait3A_271, %dma_wait3A_272] : memref<262144x128xf32, #tpu.memory_space<hbm>> -> memref<128x128xf32, #tpu.memory_space<hbm>>
      tpu.wait_dma2 semaphore(%arg11 : memref<!tpu.dma_semaphore, #tpu.memory_space<semaphore_mem>>) src(%dma_wait3A_273 : memref<128x128xf32, #tpu.memory_space<hbm>>) dst(%arg6 : memref<128x128xf32, #tpu.memory_space<vmem>>)
      "tpu.region"() ({
        %run_scoped3A = tpu.sem_alloc : memref<!tpu.dma_semaphore, #tpu.memory_space<semaphore_mem>>
        %dma_start3A_276 = arith.constant 0 : i32
        %dma_start3A_277 = arith.constant 0 : i32
        %dma_start3A_278 = tpu.memref_slice %arg12[%dma_start3A_276, %dma_start3A_277] : memref<4096x128xf32, #tpu.memory_space<vmem_shared>> -> memref<4096x128xf32, #tpu.memory_space<vmem_shared>>
        tpu.enqueue_indirect_dma source(%arg6 : memref<128x128xf32, #tpu.memory_space<vmem>>) target(%dma_start3A_278 : memref<4096x128xf32, #tpu.memory_space<vmem_shared>>) offsets(%arg10 : memref<128xi32, #tpu.memory_space<vmem>>) semaphore(%run_scoped3A : memref<!tpu.dma_semaphore, #tpu.memory_space<semaphore_mem>>) {add = true}
        %dma_wait3A_279 = arith.constant 0 : i32
        %dma_wait3A_280 = arith.constant 0 : i32
        %dma_wait3A_281 = tpu.memref_slice %arg12[%dma_wait3A_279, %dma_wait3A_280] : memref<4096x128xf32, #tpu.memory_space<vmem_shared>> -> memref<4096x128xf32, #tpu.memory_space<vmem_shared>>
        tpu.wait_indirect_dma semaphore(%run_scoped3A : memref<!tpu.dma_semaphore, #tpu.memory_space<semaphore_mem>>) src(%arg6 : memref<128x128xf32, #tpu.memory_space<vmem>>) dst(%dma_wait3A_281 : memref<4096x128xf32, #tpu.memory_space<vmem_shared>>)
        tpu.yield
      }) : () -> ()
      %lt3A = arith.constant 15 : i32
      %lt3A_274 = arith.cmpi slt, %scan3A_263, %lt3A : i32
      %convert_element_type3A = arith.extui %lt3A_274 : i1 to i32
      %cond3A = arith.constant 0 : i32
      %cond3A_275 = arith.cmpi ne, %convert_element_type3A, %cond3A : i32
      scf.if %cond3A_275 {
        %mul3A_276 = arith.constant 32768 : i32
        %mul3A_277 = arith.muli %add3A_211, %mul3A_276 : i32
        %add3A_278 = arith.addi %mul3A_277, %mul3A_14 : i32
        %add3A_279 = arith.constant 1 : i32
        %add3A_280 = arith.addi %scan3A_263, %add3A_279 : i32
        %mul3A_281 = arith.constant 128 : i32
        %mul3A_282 = arith.muli %add3A_280, %mul3A_281 : i32
        %add3A_283 = arith.addi %add3A_278, %mul3A_282 : i32
        %dma_start3A_284 = arith.constant 0 : i32
        %dma_start3A_285 = tpu.memref_slice %arg3[%add3A_283, %dma_start3A_284] : memref<262144x128xf32, #tpu.memory_space<hbm>> -> memref<128x128xf32, #tpu.memory_space<hbm>>
        %dma_start3A_286 = arith.constant 0 : i32
        %dma_start3A_287 = tpu.memref_slice %arg3[%add3A_283, %dma_start3A_286] : memref<262144x128xf32, #tpu.memory_space<hbm>> -> memref<128x128xf32, #tpu.memory_space<hbm>>
        tpu.enqueue_dma source(%dma_start3A_287 : memref<128x128xf32, #tpu.memory_space<hbm>>) target(%arg6 : memref<128x128xf32, #tpu.memory_space<vmem>>) target_semaphore(%arg11 : memref<!tpu.dma_semaphore, #tpu.memory_space<semaphore_mem>>)
      } else {
      }
      "tpu.region"() ({
        %run_scoped3A = tpu.sem_alloc : memref<!tpu.dma_semaphore, #tpu.memory_space<semaphore_mem>>
        %dma_start3A_276 = arith.constant 0 : i32
        %dma_start3A_277 = arith.constant 0 : i32
        %dma_start3A_278 = tpu.memref_slice %arg13[%dma_start3A_276, %dma_start3A_277] : memref<4096x128xf32, #tpu.memory_space<vmem_shared>> -> memref<4096x128xf32, #tpu.memory_space<vmem_shared>>
        tpu.enqueue_indirect_dma source(%arg8 : memref<128x128xf32, #tpu.memory_space<vmem>>) target(%dma_start3A_278 : memref<4096x128xf32, #tpu.memory_space<vmem_shared>>) offsets(%arg10 : memref<128xi32, #tpu.memory_space<vmem>>) semaphore(%run_scoped3A : memref<!tpu.dma_semaphore, #tpu.memory_space<semaphore_mem>>) {add = true}
        %dma_wait3A_279 = arith.constant 0 : i32
        %dma_wait3A_280 = arith.constant 0 : i32
        %dma_wait3A_281 = tpu.memref_slice %arg13[%dma_wait3A_279, %dma_wait3A_280] : memref<4096x128xf32, #tpu.memory_space<vmem_shared>> -> memref<4096x128xf32, #tpu.memory_space<vmem_shared>>
        tpu.wait_indirect_dma semaphore(%run_scoped3A : memref<!tpu.dma_semaphore, #tpu.memory_space<semaphore_mem>>) src(%arg8 : memref<128x128xf32, #tpu.memory_space<vmem>>) dst(%dma_wait3A_281 : memref<4096x128xf32, #tpu.memory_space<vmem_shared>>)
        tpu.yield
      }) : () -> ()
    }
    %scan3A_237 = arith.constant 16 : i32
    %barrier3A_238 = arith.constant 0 : index
    tpu.barrier barrier_id(%barrier3A_238)
    %mul3A_239 = arith.constant 256 : i32
    %mul3A_240 = arith.muli %arg1, %mul3A_239 : i32
    %add3A_241 = arith.constant 0 : i32
    %add3A_242 = arith.addi %mul3A_240, %add3A_241 : i32
    "tpu.region"() ({
      %run_scoped3A = tpu.sem_alloc : memref<!tpu.dma_semaphore, #tpu.memory_space<semaphore_mem>>
      %dma_start3A_263 = arith.constant 0 : i32
      %dma_start3A_264 = tpu.memref_slice %arg12[%add3A_242, %dma_start3A_263] : memref<4096x128xf32, #tpu.memory_space<vmem_shared>> -> memref<128x128xf32, #tpu.memory_space<vmem_shared>>
      %dma_start3A_265 = arith.constant 0 : i32
      %dma_start3A_266 = tpu.memref_slice %arg12[%add3A_242, %dma_start3A_265] : memref<4096x128xf32, #tpu.memory_space<vmem_shared>> -> memref<128x128xf32, #tpu.memory_space<vmem_shared>>
      tpu.enqueue_dma source(%dma_start3A_266 : memref<128x128xf32, #tpu.memory_space<vmem_shared>>) target(%arg6 : memref<128x128xf32, #tpu.memory_space<vmem>>) target_semaphore(%run_scoped3A : memref<!tpu.dma_semaphore, #tpu.memory_space<semaphore_mem>>)
      %dma_wait3A = arith.constant 0 : i32
      %dma_wait3A_267 = tpu.memref_slice %arg12[%add3A_242, %dma_wait3A] : memref<4096x128xf32, #tpu.memory_space<vmem_shared>> -> memref<128x128xf32, #tpu.memory_space<vmem_shared>>
      %dma_wait3A_268 = arith.constant 0 : i32
      %dma_wait3A_269 = tpu.memref_slice %arg12[%add3A_242, %dma_wait3A_268] : memref<4096x128xf32, #tpu.memory_space<vmem_shared>> -> memref<128x128xf32, #tpu.memory_space<vmem_shared>>
      tpu.wait_dma2 semaphore(%run_scoped3A : memref<!tpu.dma_semaphore, #tpu.memory_space<semaphore_mem>>) src(%dma_wait3A_269 : memref<128x128xf32, #tpu.memory_space<vmem_shared>>) dst(%arg6 : memref<128x128xf32, #tpu.memory_space<vmem>>)
      tpu.yield
    }) : () -> ()
    "tpu.region"() ({
      %run_scoped3A = tpu.sem_alloc : memref<!tpu.dma_semaphore, #tpu.memory_space<semaphore_mem>>
      %dma_start3A_263 = arith.constant 0 : i32
      %dma_start3A_264 = tpu.memref_slice %arg13[%add3A_242, %dma_start3A_263] : memref<4096x128xf32, #tpu.memory_space<vmem_shared>> -> memref<128x128xf32, #tpu.memory_space<vmem_shared>>
      %dma_start3A_265 = arith.constant 0 : i32
      %dma_start3A_266 = tpu.memref_slice %arg13[%add3A_242, %dma_start3A_265] : memref<4096x128xf32, #tpu.memory_space<vmem_shared>> -> memref<128x128xf32, #tpu.memory_space<vmem_shared>>
      tpu.enqueue_dma source(%dma_start3A_266 : memref<128x128xf32, #tpu.memory_space<vmem_shared>>) target(%arg7 : memref<128x128xf32, #tpu.memory_space<vmem>>) target_semaphore(%run_scoped3A : memref<!tpu.dma_semaphore, #tpu.memory_space<semaphore_mem>>)
      %dma_wait3A = arith.constant 0 : i32
      %dma_wait3A_267 = tpu.memref_slice %arg13[%add3A_242, %dma_wait3A] : memref<4096x128xf32, #tpu.memory_space<vmem_shared>> -> memref<128x128xf32, #tpu.memory_space<vmem_shared>>
      %dma_wait3A_268 = arith.constant 0 : i32
      %dma_wait3A_269 = tpu.memref_slice %arg13[%add3A_242, %dma_wait3A_268] : memref<4096x128xf32, #tpu.memory_space<vmem_shared>> -> memref<128x128xf32, #tpu.memory_space<vmem_shared>>
      tpu.wait_dma2 semaphore(%run_scoped3A : memref<!tpu.dma_semaphore, #tpu.memory_space<semaphore_mem>>) src(%dma_wait3A_269 : memref<128x128xf32, #tpu.memory_space<vmem_shared>>) dst(%arg7 : memref<128x128xf32, #tpu.memory_space<vmem>>)
      tpu.yield
    }) : () -> ()
    "tpu.region"() ({
      %run_scoped3A = tpu.sem_alloc : memref<!tpu.dma_semaphore, #tpu.memory_space<semaphore_mem>>
      %dma_start3A_263 = arith.constant 0 : i32
      %dma_start3A_264 = tpu.memref_slice %arg4[%add3A_242, %dma_start3A_263] : memref<4096x128xf32, #tpu.memory_space<hbm>> -> memref<128x128xf32, #tpu.memory_space<hbm>>
      %dma_start3A_265 = arith.constant 0 : i32
      %dma_start3A_266 = tpu.memref_slice %arg4[%add3A_242, %dma_start3A_265] : memref<4096x128xf32, #tpu.memory_space<hbm>> -> memref<128x128xf32, #tpu.memory_space<hbm>>
      tpu.enqueue_dma source(%dma_start3A_266 : memref<128x128xf32, #tpu.memory_space<hbm>>) target(%arg8 : memref<128x128xf32, #tpu.memory_space<vmem>>) target_semaphore(%run_scoped3A : memref<!tpu.dma_semaphore, #tpu.memory_space<semaphore_mem>>)
      %dma_wait3A = arith.constant 0 : i32
      %dma_wait3A_267 = tpu.memref_slice %arg4[%add3A_242, %dma_wait3A] : memref<4096x128xf32, #tpu.memory_space<hbm>> -> memref<128x128xf32, #tpu.memory_space<hbm>>
      %dma_wait3A_268 = arith.constant 0 : i32
      %dma_wait3A_269 = tpu.memref_slice %arg4[%add3A_242, %dma_wait3A_268] : memref<4096x128xf32, #tpu.memory_space<hbm>> -> memref<128x128xf32, #tpu.memory_space<hbm>>
      tpu.wait_dma2 semaphore(%run_scoped3A : memref<!tpu.dma_semaphore, #tpu.memory_space<semaphore_mem>>) src(%dma_wait3A_269 : memref<128x128xf32, #tpu.memory_space<hbm>>) dst(%arg8 : memref<128x128xf32, #tpu.memory_space<vmem>>)
      tpu.yield
    }) : () -> ()
    %scan3A_243 = arith.constant 0 : i32
    %scan3A_244 = arith.constant 128 : i32
    %scan3A_245 = arith.addi %scan3A_243, %scan3A_244 : i32
    %scan3A_246 = arith.constant 1 : i32
    scf.for %scan3A_263 = %scan3A_243 to %scan3A_245 step %scan3A_246  : i32 {
      %get3A = arith.index_cast %scan3A_263 : i32 to index
      %get3A_264 = arith.constant 0 : index
      %get3A_265 = tpu.vector_load %arg7[%get3A, %get3A_264] {strides = array<i32>} : memref<128x128xf32, #tpu.memory_space<vmem>>, vector<1x16xf32>,
      %get3A_266 = vector.shape_cast %get3A_265 : vector<1x16xf32> to vector<16xf32>
      %ge3A = arith.constant 1.000000e+00 : f32
      %ge3A_267 = vector.broadcast %ge3A : f32 to vector<16xf32>
      %ge3A_268 = arith.cmpf oge, %get3A_266, %ge3A_267 : vector<16xf32>
      %max3A = arith.constant 1.000000e+00 : f32
      %max3A_269 = vector.broadcast %max3A : f32 to vector<16xf32>
      %max3A_270 = arith.maximumf %get3A_266, %max3A_269 : vector<16xf32>
      %div3A = arith.constant 1.000000e+00 : f32
      %div3A_271 = vector.broadcast %div3A : f32 to vector<16xf32>
      %div3A_272 = arith.divf %div3A_271, %max3A_270 : vector<16xf32>
      %jit3A = arith.constant 0.000000e+00 : f32
      %broadcast_in_dim3A_273 = vector.broadcast %jit3A : f32 to vector<16xf32>
      %select_n3A = arith.select %ge3A_268, %div3A_272, %broadcast_in_dim3A_273 : vector<16xi1>, vector<16xf32>
      %get3A_274 = arith.index_cast %scan3A_263 : i32 to index
      %get3A_275 = arith.constant 0 : index
      %get3A_276 = tpu.vector_load %arg6[%get3A_274, %get3A_275] {strides = array<i32>} : memref<128x128xf32, #tpu.memory_space<vmem>>, vector<1x16xf32>,
      %get3A_277 = vector.shape_cast %get3A_276 : vector<1x16xf32> to vector<16xf32>
      %mul3A_278 = arith.mulf %get3A_277, %select_n3A : vector<16xf32>
      %get3A_279 = arith.index_cast %scan3A_263 : i32 to index
      %get3A_280 = arith.constant 0 : index
      %get3A_281 = tpu.vector_load %arg8[%get3A_279, %get3A_280] {strides = array<i32>} : memref<128x128xf32, #tpu.memory_space<vmem>>, vector<1x16xf32>,
      %get3A_282 = vector.shape_cast %get3A_281 : vector<1x16xf32> to vector<16xf32>
      %add3A_283 = arith.addf %mul3A_278, %get3A_282 : vector<16xf32>
      %swap3A = arith.index_cast %scan3A_263 : i32 to index
      %swap3A_284 = arith.constant 0 : index
      %swap3A_285 = tpu.vector_load %arg6[%swap3A, %swap3A_284] {strides = array<i32>} : memref<128x128xf32, #tpu.memory_space<vmem>>, vector<1x16xf32>,
      %swap3A_286 = vector.shape_cast %swap3A_285 : vector<1x16xf32> to vector<16xf32>
      %swap3A_287 = vector.shape_cast %add3A_283 : vector<16xf32> to vector<1x16xf32>
      tpu.vector_store %arg6[%swap3A, %swap3A_284], %swap3A_287 {strides = array<i32>} : memref<128x128xf32, #tpu.memory_space<vmem>>, vector<1x16xf32>,
      %get3A_288 = arith.index_cast %scan3A_263 : i32 to index
      %get3A_289 = arith.constant 16 : index
      %get3A_290 = tpu.vector_load %arg6[%get3A_288, %get3A_289] {strides = array<i32>} : memref<128x128xf32, #tpu.memory_space<vmem>>, vector<1x16xf32>,
      %get3A_291 = vector.shape_cast %get3A_290 : vector<1x16xf32> to vector<16xf32>
      %mul3A_292 = arith.mulf %get3A_291, %select_n3A : vector<16xf32>
      %get3A_293 = arith.index_cast %scan3A_263 : i32 to index
      %get3A_294 = arith.constant 16 : index
      %get3A_295 = tpu.vector_load %arg8[%get3A_293, %get3A_294] {strides = array<i32>} : memref<128x128xf32, #tpu.memory_space<vmem>>, vector<1x16xf32>,
      %get3A_296 = vector.shape_cast %get3A_295 : vector<1x16xf32> to vector<16xf32>
      %add3A_297 = arith.addf %mul3A_292, %get3A_296 : vector<16xf32>
      %swap3A_298 = arith.index_cast %scan3A_263 : i32 to index
      %swap3A_299 = arith.constant 16 : index
      %swap3A_300 = tpu.vector_load %arg6[%swap3A_298, %swap3A_299] {strides = array<i32>} : memref<128x128xf32, #tpu.memory_space<vmem>>, vector<1x16xf32>,
      %swap3A_301 = vector.shape_cast %swap3A_300 : vector<1x16xf32> to vector<16xf32>
      %swap3A_302 = vector.shape_cast %add3A_297 : vector<16xf32> to vector<1x16xf32>
      tpu.vector_store %arg6[%swap3A_298, %swap3A_299], %swap3A_302 {strides = array<i32>} : memref<128x128xf32, #tpu.memory_space<vmem>>, vector<1x16xf32>,
      %get3A_303 = arith.index_cast %scan3A_263 : i32 to index
      %get3A_304 = arith.constant 32 : index
      %get3A_305 = tpu.vector_load %arg6[%get3A_303, %get3A_304] {strides = array<i32>} : memref<128x128xf32, #tpu.memory_space<vmem>>, vector<1x16xf32>,
      %get3A_306 = vector.shape_cast %get3A_305 : vector<1x16xf32> to vector<16xf32>
      %mul3A_307 = arith.mulf %get3A_306, %select_n3A : vector<16xf32>
      %get3A_308 = arith.index_cast %scan3A_263 : i32 to index
      %get3A_309 = arith.constant 32 : index
      %get3A_310 = tpu.vector_load %arg8[%get3A_308, %get3A_309] {strides = array<i32>} : memref<128x128xf32, #tpu.memory_space<vmem>>, vector<1x16xf32>,
      %get3A_311 = vector.shape_cast %get3A_310 : vector<1x16xf32> to vector<16xf32>
      %add3A_312 = arith.addf %mul3A_307, %get3A_311 : vector<16xf32>
      %swap3A_313 = arith.index_cast %scan3A_263 : i32 to index
      %swap3A_314 = arith.constant 32 : index
      %swap3A_315 = tpu.vector_load %arg6[%swap3A_313, %swap3A_314] {strides = array<i32>} : memref<128x128xf32, #tpu.memory_space<vmem>>, vector<1x16xf32>,
      %swap3A_316 = vector.shape_cast %swap3A_315 : vector<1x16xf32> to vector<16xf32>
      %swap3A_317 = vector.shape_cast %add3A_312 : vector<16xf32> to vector<1x16xf32>
      tpu.vector_store %arg6[%swap3A_313, %swap3A_314], %swap3A_317 {strides = array<i32>} : memref<128x128xf32, #tpu.memory_space<vmem>>, vector<1x16xf32>,
      %get3A_318 = arith.index_cast %scan3A_263 : i32 to index
      %get3A_319 = arith.constant 48 : index
      %get3A_320 = tpu.vector_load %arg6[%get3A_318, %get3A_319] {strides = array<i32>} : memref<128x128xf32, #tpu.memory_space<vmem>>, vector<1x16xf32>,
      %get3A_321 = vector.shape_cast %get3A_320 : vector<1x16xf32> to vector<16xf32>
      %mul3A_322 = arith.mulf %get3A_321, %select_n3A : vector<16xf32>
      %get3A_323 = arith.index_cast %scan3A_263 : i32 to index
      %get3A_324 = arith.constant 48 : index
      %get3A_325 = tpu.vector_load %arg8[%get3A_323, %get3A_324] {strides = array<i32>} : memref<128x128xf32, #tpu.memory_space<vmem>>, vector<1x16xf32>,
      %get3A_326 = vector.shape_cast %get3A_325 : vector<1x16xf32> to vector<16xf32>
      %add3A_327 = arith.addf %mul3A_322, %get3A_326 : vector<16xf32>
      %swap3A_328 = arith.index_cast %scan3A_263 : i32 to index
      %swap3A_329 = arith.constant 48 : index
      %swap3A_330 = tpu.vector_load %arg6[%swap3A_328, %swap3A_329] {strides = array<i32>} : memref<128x128xf32, #tpu.memory_space<vmem>>, vector<1x16xf32>,
      %swap3A_331 = vector.shape_cast %swap3A_330 : vector<1x16xf32> to vector<16xf32>
      %swap3A_332 = vector.shape_cast %add3A_327 : vector<16xf32> to vector<1x16xf32>
      tpu.vector_store %arg6[%swap3A_328, %swap3A_329], %swap3A_332 {strides = array<i32>} : memref<128x128xf32, #tpu.memory_space<vmem>>, vector<1x16xf32>,
      %get3A_333 = arith.index_cast %scan3A_263 : i32 to index
      %get3A_334 = arith.constant 64 : index
      %get3A_335 = tpu.vector_load %arg6[%get3A_333, %get3A_334] {strides = array<i32>} : memref<128x128xf32, #tpu.memory_space<vmem>>, vector<1x16xf32>,
      %get3A_336 = vector.shape_cast %get3A_335 : vector<1x16xf32> to vector<16xf32>
      %mul3A_337 = arith.mulf %get3A_336, %select_n3A : vector<16xf32>
      %get3A_338 = arith.index_cast %scan3A_263 : i32 to index
      %get3A_339 = arith.constant 64 : index
      %get3A_340 = tpu.vector_load %arg8[%get3A_338, %get3A_339] {strides = array<i32>} : memref<128x128xf32, #tpu.memory_space<vmem>>, vector<1x16xf32>,
      %get3A_341 = vector.shape_cast %get3A_340 : vector<1x16xf32> to vector<16xf32>
      %add3A_342 = arith.addf %mul3A_337, %get3A_341 : vector<16xf32>
      %swap3A_343 = arith.index_cast %scan3A_263 : i32 to index
      %swap3A_344 = arith.constant 64 : index
      %swap3A_345 = tpu.vector_load %arg6[%swap3A_343, %swap3A_344] {strides = array<i32>} : memref<128x128xf32, #tpu.memory_space<vmem>>, vector<1x16xf32>,
      %swap3A_346 = vector.shape_cast %swap3A_345 : vector<1x16xf32> to vector<16xf32>
      %swap3A_347 = vector.shape_cast %add3A_342 : vector<16xf32> to vector<1x16xf32>
      tpu.vector_store %arg6[%swap3A_343, %swap3A_344], %swap3A_347 {strides = array<i32>} : memref<128x128xf32, #tpu.memory_space<vmem>>, vector<1x16xf32>,
      %get3A_348 = arith.index_cast %scan3A_263 : i32 to index
      %get3A_349 = arith.constant 80 : index
      %get3A_350 = tpu.vector_load %arg6[%get3A_348, %get3A_349] {strides = array<i32>} : memref<128x128xf32, #tpu.memory_space<vmem>>, vector<1x16xf32>,
      %get3A_351 = vector.shape_cast %get3A_350 : vector<1x16xf32> to vector<16xf32>
      %mul3A_352 = arith.mulf %get3A_351, %select_n3A : vector<16xf32>
      %get3A_353 = arith.index_cast %scan3A_263 : i32 to index
      %get3A_354 = arith.constant 80 : index
      %get3A_355 = tpu.vector_load %arg8[%get3A_353, %get3A_354] {strides = array<i32>} : memref<128x128xf32, #tpu.memory_space<vmem>>, vector<1x16xf32>,
      %get3A_356 = vector.shape_cast %get3A_355 : vector<1x16xf32> to vector<16xf32>
      %add3A_357 = arith.addf %mul3A_352, %get3A_356 : vector<16xf32>
      %swap3A_358 = arith.index_cast %scan3A_263 : i32 to index
      %swap3A_359 = arith.constant 80 : index
      %swap3A_360 = tpu.vector_load %arg6[%swap3A_358, %swap3A_359] {strides = array<i32>} : memref<128x128xf32, #tpu.memory_space<vmem>>, vector<1x16xf32>,
      %swap3A_361 = vector.shape_cast %swap3A_360 : vector<1x16xf32> to vector<16xf32>
      %swap3A_362 = vector.shape_cast %add3A_357 : vector<16xf32> to vector<1x16xf32>
      tpu.vector_store %arg6[%swap3A_358, %swap3A_359], %swap3A_362 {strides = array<i32>} : memref<128x128xf32, #tpu.memory_space<vmem>>, vector<1x16xf32>,
      %get3A_363 = arith.index_cast %scan3A_263 : i32 to index
      %get3A_364 = arith.constant 96 : index
      %get3A_365 = tpu.vector_load %arg6[%get3A_363, %get3A_364] {strides = array<i32>} : memref<128x128xf32, #tpu.memory_space<vmem>>, vector<1x16xf32>,
      %get3A_366 = vector.shape_cast %get3A_365 : vector<1x16xf32> to vector<16xf32>
      %mul3A_367 = arith.mulf %get3A_366, %select_n3A : vector<16xf32>
      %get3A_368 = arith.index_cast %scan3A_263 : i32 to index
      %get3A_369 = arith.constant 96 : index
      %get3A_370 = tpu.vector_load %arg8[%get3A_368, %get3A_369] {strides = array<i32>} : memref<128x128xf32, #tpu.memory_space<vmem>>, vector<1x16xf32>,
      %get3A_371 = vector.shape_cast %get3A_370 : vector<1x16xf32> to vector<16xf32>
      %add3A_372 = arith.addf %mul3A_367, %get3A_371 : vector<16xf32>
      %swap3A_373 = arith.index_cast %scan3A_263 : i32 to index
      %swap3A_374 = arith.constant 96 : index
      %swap3A_375 = tpu.vector_load %arg6[%swap3A_373, %swap3A_374] {strides = array<i32>} : memref<128x128xf32, #tpu.memory_space<vmem>>, vector<1x16xf32>,
      %swap3A_376 = vector.shape_cast %swap3A_375 : vector<1x16xf32> to vector<16xf32>
      %swap3A_377 = vector.shape_cast %add3A_372 : vector<16xf32> to vector<1x16xf32>
      tpu.vector_store %arg6[%swap3A_373, %swap3A_374], %swap3A_377 {strides = array<i32>} : memref<128x128xf32, #tpu.memory_space<vmem>>, vector<1x16xf32>,
      %get3A_378 = arith.index_cast %scan3A_263 : i32 to index
      %get3A_379 = arith.constant 112 : index
      %get3A_380 = tpu.vector_load %arg6[%get3A_378, %get3A_379] {strides = array<i32>} : memref<128x128xf32, #tpu.memory_space<vmem>>, vector<1x16xf32>,
      %get3A_381 = vector.shape_cast %get3A_380 : vector<1x16xf32> to vector<16xf32>
      %mul3A_382 = arith.mulf %get3A_381, %select_n3A : vector<16xf32>
      %get3A_383 = arith.index_cast %scan3A_263 : i32 to index
      %get3A_384 = arith.constant 112 : index
      %get3A_385 = tpu.vector_load %arg8[%get3A_383, %get3A_384] {strides = array<i32>} : memref<128x128xf32, #tpu.memory_space<vmem>>, vector<1x16xf32>,
      %get3A_386 = vector.shape_cast %get3A_385 : vector<1x16xf32> to vector<16xf32>
      %add3A_387 = arith.addf %mul3A_382, %get3A_386 : vector<16xf32>
      %swap3A_388 = arith.index_cast %scan3A_263 : i32 to index
      %swap3A_389 = arith.constant 112 : index
      %swap3A_390 = tpu.vector_load %arg6[%swap3A_388, %swap3A_389] {strides = array<i32>} : memref<128x128xf32, #tpu.memory_space<vmem>>, vector<1x16xf32>,
      %swap3A_391 = vector.shape_cast %swap3A_390 : vector<1x16xf32> to vector<16xf32>
      %swap3A_392 = vector.shape_cast %add3A_387 : vector<16xf32> to vector<1x16xf32>
      tpu.vector_store %arg6[%swap3A_388, %swap3A_389], %swap3A_392 {strides = array<i32>} : memref<128x128xf32, #tpu.memory_space<vmem>>, vector<1x16xf32>,
    }
    %scan3A_247 = arith.constant 128 : i32
    %mul3A_248 = arith.constant 4096 : i32
    %mul3A_249 = arith.muli %add3A_211, %mul3A_248 : i32
    %add3A_250 = arith.addi %mul3A_249, %add3A_242 : i32
    "tpu.region"() ({
      %run_scoped3A = tpu.sem_alloc : memref<!tpu.dma_semaphore, #tpu.memory_space<semaphore_mem>>
      %dma_start3A_263 = arith.constant 0 : i32
      %dma_start3A_264 = tpu.memref_slice %arg5[%add3A_250, %dma_start3A_263] : memref<32768x128xf32, #tpu.memory_space<hbm>> -> memref<128x128xf32, #tpu.memory_space<hbm>>
      %dma_start3A_265 = arith.constant 0 : i32
      %dma_start3A_266 = tpu.memref_slice %arg5[%add3A_250, %dma_start3A_265] : memref<32768x128xf32, #tpu.memory_space<hbm>> -> memref<128x128xf32, #tpu.memory_space<hbm>>
      tpu.enqueue_dma source(%arg6 : memref<128x128xf32, #tpu.memory_space<vmem>>) target(%dma_start3A_266 : memref<128x128xf32, #tpu.memory_space<hbm>>) target_semaphore(%run_scoped3A : memref<!tpu.dma_semaphore, #tpu.memory_space<semaphore_mem>>)
      %dma_wait3A = arith.constant 0 : i32
      %dma_wait3A_267 = tpu.memref_slice %arg5[%add3A_250, %dma_wait3A] : memref<32768x128xf32, #tpu.memory_space<hbm>> -> memref<128x128xf32, #tpu.memory_space<hbm>>
      %dma_wait3A_268 = arith.constant 0 : i32
      %dma_wait3A_269 = tpu.memref_slice %arg5[%add3A_250, %dma_wait3A_268] : memref<32768x128xf32, #tpu.memory_space<hbm>> -> memref<128x128xf32, #tpu.memory_space<hbm>>
      tpu.wait_dma2 semaphore(%run_scoped3A : memref<!tpu.dma_semaphore, #tpu.memory_space<semaphore_mem>>) src(%arg6 : memref<128x128xf32, #tpu.memory_space<vmem>>) dst(%dma_wait3A_269 : memref<128x128xf32, #tpu.memory_space<hbm>>)
      tpu.yield
    }) : () -> ()
    %mul3A_251 = arith.constant 256 : i32
    %mul3A_252 = arith.muli %arg1, %mul3A_251 : i32
    %add3A_253 = arith.constant 128 : i32
    %add3A_254 = arith.addi %mul3A_252, %add3A_253 : i32
    "tpu.region"() ({
      %run_scoped3A = tpu.sem_alloc : memref<!tpu.dma_semaphore, #tpu.memory_space<semaphore_mem>>
      %dma_start3A_263 = arith.constant 0 : i32
      %dma_start3A_264 = tpu.memref_slice %arg12[%add3A_254, %dma_start3A_263] : memref<4096x128xf32, #tpu.memory_space<vmem_shared>> -> memref<128x128xf32, #tpu.memory_space<vmem_shared>>
      %dma_start3A_265 = arith.constant 0 : i32
      %dma_start3A_266 = tpu.memref_slice %arg12[%add3A_254, %dma_start3A_265] : memref<4096x128xf32, #tpu.memory_space<vmem_shared>> -> memref<128x128xf32, #tpu.memory_space<vmem_shared>>
      tpu.enqueue_dma source(%dma_start3A_266 : memref<128x128xf32, #tpu.memory_space<vmem_shared>>) target(%arg6 : memref<128x128xf32, #tpu.memory_space<vmem>>) target_semaphore(%run_scoped3A : memref<!tpu.dma_semaphore, #tpu.memory_space<semaphore_mem>>)
      %dma_wait3A = arith.constant 0 : i32
      %dma_wait3A_267 = tpu.memref_slice %arg12[%add3A_254, %dma_wait3A] : memref<4096x128xf32, #tpu.memory_space<vmem_shared>> -> memref<128x128xf32, #tpu.memory_space<vmem_shared>>
      %dma_wait3A_268 = arith.constant 0 : i32
      %dma_wait3A_269 = tpu.memref_slice %arg12[%add3A_254, %dma_wait3A_268] : memref<4096x128xf32, #tpu.memory_space<vmem_shared>> -> memref<128x128xf32, #tpu.memory_space<vmem_shared>>
      tpu.wait_dma2 semaphore(%run_scoped3A : memref<!tpu.dma_semaphore, #tpu.memory_space<semaphore_mem>>) src(%dma_wait3A_269 : memref<128x128xf32, #tpu.memory_space<vmem_shared>>) dst(%arg6 : memref<128x128xf32, #tpu.memory_space<vmem>>)
      tpu.yield
    }) : () -> ()
    "tpu.region"() ({
      %run_scoped3A = tpu.sem_alloc : memref<!tpu.dma_semaphore, #tpu.memory_space<semaphore_mem>>
      %dma_start3A_263 = arith.constant 0 : i32
      %dma_start3A_264 = tpu.memref_slice %arg13[%add3A_254, %dma_start3A_263] : memref<4096x128xf32, #tpu.memory_space<vmem_shared>> -> memref<128x128xf32, #tpu.memory_space<vmem_shared>>
      %dma_start3A_265 = arith.constant 0 : i32
      %dma_start3A_266 = tpu.memref_slice %arg13[%add3A_254, %dma_start3A_265] : memref<4096x128xf32, #tpu.memory_space<vmem_shared>> -> memref<128x128xf32, #tpu.memory_space<vmem_shared>>
      tpu.enqueue_dma source(%dma_start3A_266 : memref<128x128xf32, #tpu.memory_space<vmem_shared>>) target(%arg7 : memref<128x128xf32, #tpu.memory_space<vmem>>) target_semaphore(%run_scoped3A : memref<!tpu.dma_semaphore, #tpu.memory_space<semaphore_mem>>)
      %dma_wait3A = arith.constant 0 : i32
      %dma_wait3A_267 = tpu.memref_slice %arg13[%add3A_254, %dma_wait3A] : memref<4096x128xf32, #tpu.memory_space<vmem_shared>> -> memref<128x128xf32, #tpu.memory_space<vmem_shared>>
      %dma_wait3A_268 = arith.constant 0 : i32
      %dma_wait3A_269 = tpu.memref_slice %arg13[%add3A_254, %dma_wait3A_268] : memref<4096x128xf32, #tpu.memory_space<vmem_shared>> -> memref<128x128xf32, #tpu.memory_space<vmem_shared>>
      tpu.wait_dma2 semaphore(%run_scoped3A : memref<!tpu.dma_semaphore, #tpu.memory_space<semaphore_mem>>) src(%dma_wait3A_269 : memref<128x128xf32, #tpu.memory_space<vmem_shared>>) dst(%arg7 : memref<128x128xf32, #tpu.memory_space<vmem>>)
      tpu.yield
    }) : () -> ()
    "tpu.region"() ({
      %run_scoped3A = tpu.sem_alloc : memref<!tpu.dma_semaphore, #tpu.memory_space<semaphore_mem>>
      %dma_start3A_263 = arith.constant 0 : i32
      %dma_start3A_264 = tpu.memref_slice %arg4[%add3A_254, %dma_start3A_263] : memref<4096x128xf32, #tpu.memory_space<hbm>> -> memref<128x128xf32, #tpu.memory_space<hbm>>
      %dma_start3A_265 = arith.constant 0 : i32
      %dma_start3A_266 = tpu.memref_slice %arg4[%add3A_254, %dma_start3A_265] : memref<4096x128xf32, #tpu.memory_space<hbm>> -> memref<128x128xf32, #tpu.memory_space<hbm>>
      tpu.enqueue_dma source(%dma_start3A_266 : memref<128x128xf32, #tpu.memory_space<hbm>>) target(%arg8 : memref<128x128xf32, #tpu.memory_space<vmem>>) target_semaphore(%run_scoped3A : memref<!tpu.dma_semaphore, #tpu.memory_space<semaphore_mem>>)
      %dma_wait3A = arith.constant 0 : i32
      %dma_wait3A_267 = tpu.memref_slice %arg4[%add3A_254, %dma_wait3A] : memref<4096x128xf32, #tpu.memory_space<hbm>> -> memref<128x128xf32, #tpu.memory_space<hbm>>
      %dma_wait3A_268 = arith.constant 0 : i32
      %dma_wait3A_269 = tpu.memref_slice %arg4[%add3A_254, %dma_wait3A_268] : memref<4096x128xf32, #tpu.memory_space<hbm>> -> memref<128x128xf32, #tpu.memory_space<hbm>>
      tpu.wait_dma2 semaphore(%run_scoped3A : memref<!tpu.dma_semaphore, #tpu.memory_space<semaphore_mem>>) src(%dma_wait3A_269 : memref<128x128xf32, #tpu.memory_space<hbm>>) dst(%arg8 : memref<128x128xf32, #tpu.memory_space<vmem>>)
      tpu.yield
    }) : () -> ()
    %scan3A_255 = arith.constant 0 : i32
    %scan3A_256 = arith.constant 128 : i32
    %scan3A_257 = arith.addi %scan3A_255, %scan3A_256 : i32
    %scan3A_258 = arith.constant 1 : i32
    scf.for %scan3A_263 = %scan3A_255 to %scan3A_257 step %scan3A_258  : i32 {
      %get3A = arith.index_cast %scan3A_263 : i32 to index
      %get3A_264 = arith.constant 0 : index
      %get3A_265 = tpu.vector_load %arg7[%get3A, %get3A_264] {strides = array<i32>} : memref<128x128xf32, #tpu.memory_space<vmem>>, vector<1x16xf32>,
      %get3A_266 = vector.shape_cast %get3A_265 : vector<1x16xf32> to vector<16xf32>
      %ge3A = arith.constant 1.000000e+00 : f32
      %ge3A_267 = vector.broadcast %ge3A : f32 to vector<16xf32>
      %ge3A_268 = arith.cmpf oge, %get3A_266, %ge3A_267 : vector<16xf32>
      %max3A = arith.constant 1.000000e+00 : f32
      %max3A_269 = vector.broadcast %max3A : f32 to vector<16xf32>
      %max3A_270 = arith.maximumf %get3A_266, %max3A_269 : vector<16xf32>
      %div3A = arith.constant 1.000000e+00 : f32
      %div3A_271 = vector.broadcast %div3A : f32 to vector<16xf32>
      %div3A_272 = arith.divf %div3A_271, %max3A_270 : vector<16xf32>
      %jit3A = arith.constant 0.000000e+00 : f32
      %broadcast_in_dim3A_273 = vector.broadcast %jit3A : f32 to vector<16xf32>
      %select_n3A = arith.select %ge3A_268, %div3A_272, %broadcast_in_dim3A_273 : vector<16xi1>, vector<16xf32>
      %get3A_274 = arith.index_cast %scan3A_263 : i32 to index
      %get3A_275 = arith.constant 0 : index
      %get3A_276 = tpu.vector_load %arg6[%get3A_274, %get3A_275] {strides = array<i32>} : memref<128x128xf32, #tpu.memory_space<vmem>>, vector<1x16xf32>,
      %get3A_277 = vector.shape_cast %get3A_276 : vector<1x16xf32> to vector<16xf32>
      %mul3A_278 = arith.mulf %get3A_277, %select_n3A : vector<16xf32>
      %get3A_279 = arith.index_cast %scan3A_263 : i32 to index
      %get3A_280 = arith.constant 0 : index
      %get3A_281 = tpu.vector_load %arg8[%get3A_279, %get3A_280] {strides = array<i32>} : memref<128x128xf32, #tpu.memory_space<vmem>>, vector<1x16xf32>,
      %get3A_282 = vector.shape_cast %get3A_281 : vector<1x16xf32> to vector<16xf32>
      %add3A_283 = arith.addf %mul3A_278, %get3A_282 : vector<16xf32>
      %swap3A = arith.index_cast %scan3A_263 : i32 to index
      %swap3A_284 = arith.constant 0 : index
      %swap3A_285 = tpu.vector_load %arg6[%swap3A, %swap3A_284] {strides = array<i32>} : memref<128x128xf32, #tpu.memory_space<vmem>>, vector<1x16xf32>,
      %swap3A_286 = vector.shape_cast %swap3A_285 : vector<1x16xf32> to vector<16xf32>
      %swap3A_287 = vector.shape_cast %add3A_283 : vector<16xf32> to vector<1x16xf32>
      tpu.vector_store %arg6[%swap3A, %swap3A_284], %swap3A_287 {strides = array<i32>} : memref<128x128xf32, #tpu.memory_space<vmem>>, vector<1x16xf32>,
      %get3A_288 = arith.index_cast %scan3A_263 : i32 to index
      %get3A_289 = arith.constant 16 : index
      %get3A_290 = tpu.vector_load %arg6[%get3A_288, %get3A_289] {strides = array<i32>} : memref<128x128xf32, #tpu.memory_space<vmem>>, vector<1x16xf32>,
      %get3A_291 = vector.shape_cast %get3A_290 : vector<1x16xf32> to vector<16xf32>
      %mul3A_292 = arith.mulf %get3A_291, %select_n3A : vector<16xf32>
      %get3A_293 = arith.index_cast %scan3A_263 : i32 to index
      %get3A_294 = arith.constant 16 : index
      %get3A_295 = tpu.vector_load %arg8[%get3A_293, %get3A_294] {strides = array<i32>} : memref<128x128xf32, #tpu.memory_space<vmem>>, vector<1x16xf32>,
      %get3A_296 = vector.shape_cast %get3A_295 : vector<1x16xf32> to vector<16xf32>
      %add3A_297 = arith.addf %mul3A_292, %get3A_296 : vector<16xf32>
      %swap3A_298 = arith.index_cast %scan3A_263 : i32 to index
      %swap3A_299 = arith.constant 16 : index
      %swap3A_300 = tpu.vector_load %arg6[%swap3A_298, %swap3A_299] {strides = array<i32>} : memref<128x128xf32, #tpu.memory_space<vmem>>, vector<1x16xf32>,
      %swap3A_301 = vector.shape_cast %swap3A_300 : vector<1x16xf32> to vector<16xf32>
      %swap3A_302 = vector.shape_cast %add3A_297 : vector<16xf32> to vector<1x16xf32>
      tpu.vector_store %arg6[%swap3A_298, %swap3A_299], %swap3A_302 {strides = array<i32>} : memref<128x128xf32, #tpu.memory_space<vmem>>, vector<1x16xf32>,
      %get3A_303 = arith.index_cast %scan3A_263 : i32 to index
      %get3A_304 = arith.constant 32 : index
      %get3A_305 = tpu.vector_load %arg6[%get3A_303, %get3A_304] {strides = array<i32>} : memref<128x128xf32, #tpu.memory_space<vmem>>, vector<1x16xf32>,
      %get3A_306 = vector.shape_cast %get3A_305 : vector<1x16xf32> to vector<16xf32>
      %mul3A_307 = arith.mulf %get3A_306, %select_n3A : vector<16xf32>
      %get3A_308 = arith.index_cast %scan3A_263 : i32 to index
      %get3A_309 = arith.constant 32 : index
      %get3A_310 = tpu.vector_load %arg8[%get3A_308, %get3A_309] {strides = array<i32>} : memref<128x128xf32, #tpu.memory_space<vmem>>, vector<1x16xf32>,
      %get3A_311 = vector.shape_cast %get3A_310 : vector<1x16xf32> to vector<16xf32>
      %add3A_312 = arith.addf %mul3A_307, %get3A_311 : vector<16xf32>
      %swap3A_313 = arith.index_cast %scan3A_263 : i32 to index
      %swap3A_314 = arith.constant 32 : index
      %swap3A_315 = tpu.vector_load %arg6[%swap3A_313, %swap3A_314] {strides = array<i32>} : memref<128x128xf32, #tpu.memory_space<vmem>>, vector<1x16xf32>,
      %swap3A_316 = vector.shape_cast %swap3A_315 : vector<1x16xf32> to vector<16xf32>
      %swap3A_317 = vector.shape_cast %add3A_312 : vector<16xf32> to vector<1x16xf32>
      tpu.vector_store %arg6[%swap3A_313, %swap3A_314], %swap3A_317 {strides = array<i32>} : memref<128x128xf32, #tpu.memory_space<vmem>>, vector<1x16xf32>,
      %get3A_318 = arith.index_cast %scan3A_263 : i32 to index
      %get3A_319 = arith.constant 48 : index
      %get3A_320 = tpu.vector_load %arg6[%get3A_318, %get3A_319] {strides = array<i32>} : memref<128x128xf32, #tpu.memory_space<vmem>>, vector<1x16xf32>,
      %get3A_321 = vector.shape_cast %get3A_320 : vector<1x16xf32> to vector<16xf32>
      %mul3A_322 = arith.mulf %get3A_321, %select_n3A : vector<16xf32>
      %get3A_323 = arith.index_cast %scan3A_263 : i32 to index
      %get3A_324 = arith.constant 48 : index
      %get3A_325 = tpu.vector_load %arg8[%get3A_323, %get3A_324] {strides = array<i32>} : memref<128x128xf32, #tpu.memory_space<vmem>>, vector<1x16xf32>,
      %get3A_326 = vector.shape_cast %get3A_325 : vector<1x16xf32> to vector<16xf32>
      %add3A_327 = arith.addf %mul3A_322, %get3A_326 : vector<16xf32>
      %swap3A_328 = arith.index_cast %scan3A_263 : i32 to index
      %swap3A_329 = arith.constant 48 : index
      %swap3A_330 = tpu.vector_load %arg6[%swap3A_328, %swap3A_329] {strides = array<i32>} : memref<128x128xf32, #tpu.memory_space<vmem>>, vector<1x16xf32>,
      %swap3A_331 = vector.shape_cast %swap3A_330 : vector<1x16xf32> to vector<16xf32>
      %swap3A_332 = vector.shape_cast %add3A_327 : vector<16xf32> to vector<1x16xf32>
      tpu.vector_store %arg6[%swap3A_328, %swap3A_329], %swap3A_332 {strides = array<i32>} : memref<128x128xf32, #tpu.memory_space<vmem>>, vector<1x16xf32>,
      %get3A_333 = arith.index_cast %scan3A_263 : i32 to index
      %get3A_334 = arith.constant 64 : index
      %get3A_335 = tpu.vector_load %arg6[%get3A_333, %get3A_334] {strides = array<i32>} : memref<128x128xf32, #tpu.memory_space<vmem>>, vector<1x16xf32>,
      %get3A_336 = vector.shape_cast %get3A_335 : vector<1x16xf32> to vector<16xf32>
      %mul3A_337 = arith.mulf %get3A_336, %select_n3A : vector<16xf32>
      %get3A_338 = arith.index_cast %scan3A_263 : i32 to index
      %get3A_339 = arith.constant 64 : index
      %get3A_340 = tpu.vector_load %arg8[%get3A_338, %get3A_339] {strides = array<i32>} : memref<128x128xf32, #tpu.memory_space<vmem>>, vector<1x16xf32>,
      %get3A_341 = vector.shape_cast %get3A_340 : vector<1x16xf32> to vector<16xf32>
      %add3A_342 = arith.addf %mul3A_337, %get3A_341 : vector<16xf32>
      %swap3A_343 = arith.index_cast %scan3A_263 : i32 to index
      %swap3A_344 = arith.constant 64 : index
      %swap3A_345 = tpu.vector_load %arg6[%swap3A_343, %swap3A_344] {strides = array<i32>} : memref<128x128xf32, #tpu.memory_space<vmem>>, vector<1x16xf32>,
      %swap3A_346 = vector.shape_cast %swap3A_345 : vector<1x16xf32> to vector<16xf32>
      %swap3A_347 = vector.shape_cast %add3A_342 : vector<16xf32> to vector<1x16xf32>
      tpu.vector_store %arg6[%swap3A_343, %swap3A_344], %swap3A_347 {strides = array<i32>} : memref<128x128xf32, #tpu.memory_space<vmem>>, vector<1x16xf32>,
      %get3A_348 = arith.index_cast %scan3A_263 : i32 to index
      %get3A_349 = arith.constant 80 : index
      %get3A_350 = tpu.vector_load %arg6[%get3A_348, %get3A_349] {strides = array<i32>} : memref<128x128xf32, #tpu.memory_space<vmem>>, vector<1x16xf32>,
      %get3A_351 = vector.shape_cast %get3A_350 : vector<1x16xf32> to vector<16xf32>
      %mul3A_352 = arith.mulf %get3A_351, %select_n3A : vector<16xf32>
      %get3A_353 = arith.index_cast %scan3A_263 : i32 to index
      %get3A_354 = arith.constant 80 : index
      %get3A_355 = tpu.vector_load %arg8[%get3A_353, %get3A_354] {strides = array<i32>} : memref<128x128xf32, #tpu.memory_space<vmem>>, vector<1x16xf32>,
      %get3A_356 = vector.shape_cast %get3A_355 : vector<1x16xf32> to vector<16xf32>
      %add3A_357 = arith.addf %mul3A_352, %get3A_356 : vector<16xf32>
      %swap3A_358 = arith.index_cast %scan3A_263 : i32 to index
      %swap3A_359 = arith.constant 80 : index
      %swap3A_360 = tpu.vector_load %arg6[%swap3A_358, %swap3A_359] {strides = array<i32>} : memref<128x128xf32, #tpu.memory_space<vmem>>, vector<1x16xf32>,
      %swap3A_361 = vector.shape_cast %swap3A_360 : vector<1x16xf32> to vector<16xf32>
      %swap3A_362 = vector.shape_cast %add3A_357 : vector<16xf32> to vector<1x16xf32>
      tpu.vector_store %arg6[%swap3A_358, %swap3A_359], %swap3A_362 {strides = array<i32>} : memref<128x128xf32, #tpu.memory_space<vmem>>, vector<1x16xf32>,
      %get3A_363 = arith.index_cast %scan3A_263 : i32 to index
      %get3A_364 = arith.constant 96 : index
      %get3A_365 = tpu.vector_load %arg6[%get3A_363, %get3A_364] {strides = array<i32>} : memref<128x128xf32, #tpu.memory_space<vmem>>, vector<1x16xf32>,
      %get3A_366 = vector.shape_cast %get3A_365 : vector<1x16xf32> to vector<16xf32>
      %mul3A_367 = arith.mulf %get3A_366, %select_n3A : vector<16xf32>
      %get3A_368 = arith.index_cast %scan3A_263 : i32 to index
      %get3A_369 = arith.constant 96 : index
      %get3A_370 = tpu.vector_load %arg8[%get3A_368, %get3A_369] {strides = array<i32>} : memref<128x128xf32, #tpu.memory_space<vmem>>, vector<1x16xf32>,
      %get3A_371 = vector.shape_cast %get3A_370 : vector<1x16xf32> to vector<16xf32>
      %add3A_372 = arith.addf %mul3A_367, %get3A_371 : vector<16xf32>
      %swap3A_373 = arith.index_cast %scan3A_263 : i32 to index
      %swap3A_374 = arith.constant 96 : index
      %swap3A_375 = tpu.vector_load %arg6[%swap3A_373, %swap3A_374] {strides = array<i32>} : memref<128x128xf32, #tpu.memory_space<vmem>>, vector<1x16xf32>,
      %swap3A_376 = vector.shape_cast %swap3A_375 : vector<1x16xf32> to vector<16xf32>
      %swap3A_377 = vector.shape_cast %add3A_372 : vector<16xf32> to vector<1x16xf32>
      tpu.vector_store %arg6[%swap3A_373, %swap3A_374], %swap3A_377 {strides = array<i32>} : memref<128x128xf32, #tpu.memory_space<vmem>>, vector<1x16xf32>,
      %get3A_378 = arith.index_cast %scan3A_263 : i32 to index
      %get3A_379 = arith.constant 112 : index
      %get3A_380 = tpu.vector_load %arg6[%get3A_378, %get3A_379] {strides = array<i32>} : memref<128x128xf32, #tpu.memory_space<vmem>>, vector<1x16xf32>,
      %get3A_381 = vector.shape_cast %get3A_380 : vector<1x16xf32> to vector<16xf32>
      %mul3A_382 = arith.mulf %get3A_381, %select_n3A : vector<16xf32>
      %get3A_383 = arith.index_cast %scan3A_263 : i32 to index
      %get3A_384 = arith.constant 112 : index
      %get3A_385 = tpu.vector_load %arg8[%get3A_383, %get3A_384] {strides = array<i32>} : memref<128x128xf32, #tpu.memory_space<vmem>>, vector<1x16xf32>,
      %get3A_386 = vector.shape_cast %get3A_385 : vector<1x16xf32> to vector<16xf32>
      %add3A_387 = arith.addf %mul3A_382, %get3A_386 : vector<16xf32>
      %swap3A_388 = arith.index_cast %scan3A_263 : i32 to index
      %swap3A_389 = arith.constant 112 : index
      %swap3A_390 = tpu.vector_load %arg6[%swap3A_388, %swap3A_389] {strides = array<i32>} : memref<128x128xf32, #tpu.memory_space<vmem>>, vector<1x16xf32>,
      %swap3A_391 = vector.shape_cast %swap3A_390 : vector<1x16xf32> to vector<16xf32>
      %swap3A_392 = vector.shape_cast %add3A_387 : vector<16xf32> to vector<1x16xf32>
      tpu.vector_store %arg6[%swap3A_388, %swap3A_389], %swap3A_392 {strides = array<i32>} : memref<128x128xf32, #tpu.memory_space<vmem>>, vector<1x16xf32>,
    }
    %scan3A_259 = arith.constant 128 : i32
    %mul3A_260 = arith.constant 4096 : i32
    %mul3A_261 = arith.muli %add3A_211, %mul3A_260 : i32
    %add3A_262 = arith.addi %mul3A_261, %add3A_254 : i32
    "tpu.region"() ({
      %run_scoped3A = tpu.sem_alloc : memref<!tpu.dma_semaphore, #tpu.memory_space<semaphore_mem>>
      %dma_start3A_263 = arith.constant 0 : i32
      %dma_start3A_264 = tpu.memref_slice %arg5[%add3A_262, %dma_start3A_263] : memref<32768x128xf32, #tpu.memory_space<hbm>> -> memref<128x128xf32, #tpu.memory_space<hbm>>
      %dma_start3A_265 = arith.constant 0 : i32
      %dma_start3A_266 = tpu.memref_slice %arg5[%add3A_262, %dma_start3A_265] : memref<32768x128xf32, #tpu.memory_space<hbm>> -> memref<128x128xf32, #tpu.memory_space<hbm>>
      tpu.enqueue_dma source(%arg6 : memref<128x128xf32, #tpu.memory_space<vmem>>) target(%dma_start3A_266 : memref<128x128xf32, #tpu.memory_space<hbm>>) target_semaphore(%run_scoped3A : memref<!tpu.dma_semaphore, #tpu.memory_space<semaphore_mem>>)
      %dma_wait3A = arith.constant 0 : i32
      %dma_wait3A_267 = tpu.memref_slice %arg5[%add3A_262, %dma_wait3A] : memref<32768x128xf32, #tpu.memory_space<hbm>> -> memref<128x128xf32, #tpu.memory_space<hbm>>
      %dma_wait3A_268 = arith.constant 0 : i32
      %dma_wait3A_269 = tpu.memref_slice %arg5[%add3A_262, %dma_wait3A_268] : memref<32768x128xf32, #tpu.memory_space<hbm>> -> memref<128x128xf32, #tpu.memory_space<hbm>>
      tpu.wait_dma2 semaphore(%run_scoped3A : memref<!tpu.dma_semaphore, #tpu.memory_space<semaphore_mem>>) src(%arg6 : memref<128x128xf32, #tpu.memory_space<vmem>>) dst(%dma_wait3A_269 : memref<128x128xf32, #tpu.memory_space<hbm>>)
      tpu.yield
    }) : () -> ()
    return
  }
}

</mosaic_0001>

<sc_bundles>
// kernel: kernel.3.cloned.1.call-start
scs
__scs_entry_jumppad:
0x0: {  	(pc) =	sbr.rel $0x88, $3  }
0x1: {  	(tag) =	ssettag $0x0;
	lr =	simm.s32 $0x1  }
0x2: {  	[smem:$0x3F9E] =	sst lr;
	_ =	strace $0xD0000000  }
0x3: {  	_ = 	snop  }
0x4: {  	_ = 	snop  }
0x5: {  	_ = 	snop  }
0x6: {  	_ = 	snop  }
0x7: {  	_ = 	snop  }
__scs_overlays_trampoline_lowered:
0x8: {  	[smem:$0x3FAD] =	sst s0  }
0x9: {  	[smem:$0x3FAE] =	sst s1  }
0xa: {  	[smem:$0x3FAF] =	sst s2  }
0xb: {  	[smem:$0x3FB0] =	sst s3  }
0xc: {  	[smem:$0x3FB1] =	sst s4  }
0xd: {  	[smem:$0x3FB2] =	sst s5  }
0xe: {  	[smem:$0x3FB3] =	sst s6  }
0xf: {  	[smem:$0x3FB4] =	sst s7  }
0x10: {  	[smem:$0x3FB5] =	sst s8  }
0x11: {  	[smem:$0x3FB6] =	sst s9;
	s0 =	simm.s32 @!p0 $0x0  }
0x12: {  	s1 =	sld [smem:$0x3F9C];
	s0 =	simm.s32 @p0 $0x1  }
0x13: {  	[smem:$0x3FB7] =	sst s0;
	s0 =	simm.s32 @!p1 $0x0  }
0x14: {  	s2 =	sld [smem:$0x3F9B];
	s0 =	simm.s32 @p1 $0x1  }
0x15: {  	[smem:$0x3FB8] =	sst s0;
	s0 =	simm.s32 @!p2 $0x0  }
0x16: {  	s3 =	sld [smem:$0x3FDB];
	s0 =	simm.s32 @p2 $0x1  }
0x17: {  	s4 =	simm.s32 $0x1BF5;
	[smem:$0x3FBA] =	sst s0  }
0x18: {  	s0 =	sld [smem:$0x3F9D];
	_ =	swait.ge [sflag:s4], $0x0  }
0x19: {  	s7 =	sld [smem:$0x3F9E]  }
0x1a: {  	s8 =	sadd.s32 $0xFFFFE003, lr  }
0x1b: {  	s9 =	sadd.s32 $0xFFFFFEF7, lr;
	s5 =	simm.s32 $0xFFFFFFFF;
	p2 =	slt.u32 s8, $0xFFFFF086  }
0x1c: {  	p1 =	slt.u32 s9, $0xF7A;
	s5 =	simm.s32 @!p2 $0x0  }
0x1d: {  	s5 =	simm.s32 @p1 $0x1;
	p0 =	seq.s32 s7, s2  }
0x1e: {  	s7 =	smul.u32 @!p0 $0xF7A, s2;
	p2 =	seq.s32 @!p0 s5, $0x0  }
0x1f: {  	s9 =	smul.u32 $0xF7A, s1;
	s8 =	simm.s32 @!p0 $0x1BF5;
	p2 =	por !p2, p0  }
0x20: {  	[sflag:s8] =	ssyncset.s32 @!p0 $0xFFFFF086;
	s6 =	sadd.s32 @!p0 s3, s7;
	s7 =	simm.s32 @!p0 $0x108  }
0x21: {  	s3 =	sadd.s32 s3, s9;
	s6 =	sadd.s32 @!p0 $0x88, s6;
	s7 =	simm.s32 @p2 $0x1082  }
0x22: {  	[simem:s7], [sflag:s8] =	dma.local @!p0 [hbm:s6], $0xF7A  }
0x23: {  	s9 =	sor.u32 $0xD0000000, s2;
	s6 =	simm.s32 $0x108;
	_ =	swait.ge @!p0 [sflag:s8], $0x0  }
0x24: {  	s3 =	sadd.s32 $0x88, s3;
	s6 =	simm.s32 @!p1 $0x1082;
	[sflag:s4] =	ssyncset.s32 $0xFFFFF086  }
0x25: {  	[simem:s6], [sflag:s4] =	dma.local [hbm:s3], $0xF7A  }
0x26: {  	[smem:$0x3F9E] =	sst s1;
	(tag) =	ssettag s2;
	_ =	strace s9  }
0x27: {  	s1 =	sld [smem:$0x3FAE]  }
0x28: {  	s2 =	sld [smem:$0x3FAF]  }
0x29: {  	s4 =	sld [smem:$0x3FB1]  }
0x2a: {  	p0 =	seq.s32 s5, $0x0;
	s5 =	sld [smem:$0x3FB2]  }
0x2b: {  	s6 =	sld [smem:$0x3FB3]  }
0x2c: {  	s7 =	sld [smem:$0x3FB4]  }
0x2d: {  	s3 =	simm.s32 $0x108;
	s8 =	sld [smem:$0x3FB5]  }
0x2e: {  	s3 =	simm.s32 @!p0 $0x1082;
	s9 =	sld [smem:$0x3FB6]  }
0x2f: {  	lr =	sadd.s32 s0, s3;
	s0 =	sld [smem:$0x3FAD]  }
0x30: {  	s3 =	sld [smem:$0x3FB0]  }
0x31: {  	[smem:$0x3FB9] =	sst s10  }
0x32: {  	s10 =	sld [smem:$0x3FB7];
	_ =	sdelay $0x3  }
0x33: {  	p0 =	seq.s32 s10, $0x1;
	s10 =	sld [smem:$0x3FB9];
	_ =	sdelay $0x3  }
0x34: {  	[smem:$0x3FB9] =	sst s10  }
0x35: {  	s10 =	sld [smem:$0x3FB8];
	_ =	sdelay $0x3  }
0x36: {  	p1 =	seq.s32 s10, $0x1;
	s10 =	sld [smem:$0x3FB9];
	_ =	sdelay $0x3  }
0x37: {  	[smem:$0x3FB9] =	sst s10  }
0x38: {  	s10 =	sld [smem:$0x3FBA]  }
0x39: {  	_ = 	snop;
	(pc) =	sbr.ind lr, $3  }
0x3a: {  	_ = 	snop  }
0x3b: {  	_ = 	snop  }
0x3c: {  	p2 =	seq.s32 s10, $0x1;
	s10 =	sld [smem:$0x3FB9]  }
0x3d: {  	_ =	shalt  }
0x3e: {  	_ =	shalt  }
0x3f: {  	_ =	shalt  }
0x40: {  	_ =	shalt  }
0x41: {  	_ =	shalt  }
0x42: {  	_ =	shalt  }
0x43: {  	_ =	shalt  }
0x44: {  	_ =	shalt  }
0x45: {  	_ =	shalt  }
0x46: {  	_ =	shalt  }
0x47: {  	_ =	shalt  }
0x48: {  	_ =	shalt  }
0x49: {  	_ =	shalt  }
0x4a: {  	_ =	shalt  }
0x4b: {  	_ =	shalt  }
0x4c: {  	_ =	shalt  }
0x4d: {  	_ =	shalt  }
0x4e: {  	_ =	shalt  }
0x4f: {  	_ =	shalt  }
0x50: {  	_ =	shalt  }
0x51: {  	_ =	shalt  }
0x52: {  	_ =	shalt  }
0x53: {  	_ =	shalt  }
0x54: {  	_ =	shalt  }
0x55: {  	_ =	shalt  }
0x56: {  	_ =	shalt  }
0x57: {  	_ =	shalt  }
0x58: {  	_ =	shalt  }
0x59: {  	_ =	shalt  }
0x5a: {  	_ =	shalt  }
0x5b: {  	_ =	shalt  }
0x5c: {  	_ =	shalt  }
0x5d: {  	_ =	shalt  }
0x5e: {  	_ =	shalt  }
0x5f: {  	_ =	shalt  }
0x60: {  	_ =	shalt  }
0x61: {  	_ =	shalt  }
0x62: {  	_ =	shalt  }
0x63: {  	_ =	shalt  }
0x64: {  	_ =	shalt  }
0x65: {  	_ =	shalt  }
0x66: {  	_ =	shalt  }
0x67: {  	_ =	shalt  }
0x68: {  	_ =	shalt  }
0x69: {  	_ =	shalt  }
0x6a: {  	_ =	shalt  }
0x6b: {  	_ =	shalt  }
0x6c: {  	_ =	shalt  }
0x6d: {  	_ =	shalt  }
0x6e: {  	_ =	shalt  }
0x6f: {  	_ =	shalt  }
0x70: {  	_ =	shalt  }
0x71: {  	_ =	shalt  }
0x72: {  	_ =	shalt  }
0x73: {  	_ =	shalt  }
0x74: {  	_ =	shalt  }
0x75: {  	_ =	shalt  }
0x76: {  	_ =	shalt  }
0x77: {  	_ =	shalt  }
0x78: {  	_ =	shalt  }
0x79: {  	_ =	shalt  }
0x7a: {  	_ =	shalt  }
0x7b: {  	_ =	shalt  }
0x7c: {  	_ =	shalt  }
0x7d: {  	_ =	shalt  }
0x7e: {  	_ =	shalt  }
0x7f: {  	_ =	shalt  }
0x80: {  	_ =	shalt  }
0x81: {  	_ =	shalt  }
0x82: {  	_ =	shalt  }
0x83: {  	_ =	shalt  }
0x84: {  	_ =	shalt  }
0x85: {  	_ =	shalt  }
0x86: {  	_ =	shalt  }
0x87: {  	_ =	shalt  }
.Lfunc_end0:
.L_simem_size_0:
called_computation_lowered:
.L_overlay_start_0:
0x88: {  	s2 =	sld [smem:$0x3FD9]  }
0x89: {  	s3 =	sld [smem:$0x3FFE];
	_ =	sdelay $0x1  }
0x8a: {  	s1 =	srdreg.scid  }
0x8b: {  	s0 =	sand.u32 $0x1, s1  }
0x8c: {  	s14 =	sshll.u32 s0, $0xA;
	s2 =	sadd.s32 s3, s2  }
0x8d: {  	s2 =	sadd.s32 s2, s14  }
0x8e: {  	[smem:$0x3FC5] =	sst s2  }
0x8f: {  	_ = 	snop  }
0x90: {  	s2 =	sld [smem:$0x3FD0];
	_ =	sdelay $0x1  }
0x91: {  	s15 =	sld [smem:$0x3FC8]  }
0x92: {  	s5 =	simm.s32 $0xA;
	s6 =	simm.s32 $0x10;
	s4 =	sld [smem:$0x3FC7]  }
0x93: {  	[smem:s6], [sflag:s5] =	dma.local [hbm:s2], $0x1  }
0x94: {  	_ =	swait.eq [sflag:s5], $0x1  }
0x95: {  	[sflag:s5] =	ssyncset.done $0x0  }
0x96: {  	[sflag:s5] =	ssyncadd.s32 $0xFFFFFFFF  }
0x97: {  	s16 =	sld [smem:$0x11];
	(tm) =	ssettm $0x1  }
0x98: {  	s17 =	sld [smem:$0x3FFB];
	_ =	sdelay $0x3  }
0x99: {  	_ =	strace s17  }
0x9a: {  	s5 =	sld [smem:$0x3FFC];
	_ =	sdelay $0x3  }
0x9b: {  	_ =	strace s5  }
0x9c: {  	s5 =	sld [smem:$0x3FFD];
	_ =	sdelay $0x3  }
0x9d: {  	_ =	strace s5  }
0x9e: {  	_ =	strace $0x8FFFFFFF  }
0x9f: {  	s18 =	sld [smem:$0x3FDB];
	_ =	sdelay $0x1  }
0xa0: {  	s19 =	simm.s32 $_scs_section_size  }
0xa1: {  	s7 =	simm.s32 $_size__tile_overlayer_lowered;
	s8 =	simm.s32 $_tile_overlayer_lowered  }
0xa2: {  	s22 =	simm.s32 $0x1BFF;
	s21 =	sshll.u32 s8, $0x1;
	s5 =	sadd.s32 s19, s18  }
0xa3: {  	s9 =	simm.s32 $0x0;
	s20 =	sshll.u32 s7, $0x1;
	s7 =	sadd.s32 s21, s5  }
0xa4: {  	[timem:s9], [sflag:s22] =	dma.local [hbm:s7], s20  }
0xa5: {  	_ =	swait.ge [sflag:s22], s20  }
0xa6: {  	s6 =	ssub.s32 $0x0, s20;
	[sflag:s22] =	ssyncset.done $0x0  }
0xa7: {  	[sflag:s22] =	ssyncadd.s32 s6;
	_ =	sdelay $0x1  }
0xa8: {  	s23 =	simm.s32 $0x1B8B  }
0xa9: {  	_ =	swait.ge [sflag:s23], $0x1  }
0xaa: {  	[sflag:s23] =	ssyncset.done $0x0  }
0xab: {  	s25 =	simm.s32 $0x1B8E;
	s24 =	sld [smem:$0x3FFE];
	[sflag:s23] =	ssyncadd.s32 $0xFFFFFFFF  }
0xac: {  	s26 =	simm.s32 $execute0_lowered;
	[smem:$0x3FD2] =	sst s25  }
0xad: {  	s7 =	sshll.u32 s26, $0x1;
	_ =	strace $0x80000046;
	[dreg:$0x1] =	wrdreg $0xFFFFFFFF  }
0xae: {  	s28 =	simm.s32 $_size_execute0_lowered;
	s5 =	sadd.s32 s5, s7;
	[dreg:$0x0] =	wrdreg $0x0  }
0xaf: {  	s7 =	sshll.u32 s28, $0x1;
	[dreg:$0x2] =	wrdreg s5  }
0xb0: {  	[dreg:$0x3] =	wrdreg s7  }
0xb1: {  	[dreg:$0x4] =	wrdreg $0xC0  }
0xb2: {  	_ =	task [dreg:s9], $0x5FFFF  }
0xb3: {  	[dreg:$0x1] =	wrdreg $0xFFFFFFFF  }
0xb4: {  	[dreg:$0x0] =	wrdreg $0x60  }
0xb5: {  	[dreg:$0x2] =	wrdreg s24  }
0xb6: {  	[dreg:$0x3] =	wrdreg s15  }
0xb7: {  	[dreg:$0x4] =	wrdreg s4  }
0xb8: {  	[dreg:$0x5] =	wrdreg s16  }
0xb9: {  	[dreg:$0x6] =	wrdreg $0xD0800  }
0xba: {  	[dreg:$0x7] =	wrdreg $0x150800  }
0xbb: {  	[dreg:$0x8] =	wrdreg $0x9  }
0xbc: {  	_ =	task.clear_ibuf [dreg:s9], $0x9FFFF;
	_ =	strace $0x90000046  }
0xbd: {  	s29 =	simm.s32 $0x9;
	_ =	strace $0x80000048  }
0xbe: {  	_ =	swait.ge [sflag:s29], $0x1  }
0xbf: {  	[sflag:s29] =	ssyncadd.s32 $0xFFFFFFFF  }
0xc0: {  	_ =	strace $0x90000048  }
0xc1: {  	_ =	sfence  }
0xc2: {  	s30 =	sld [smem:$0x0];
	_ =	sdelay $0x2  }
0xc3: {  	s31 =	sshll.u32 s1, $0xD;
	s1 =	sshrl.u32 s1, $0x2  }
0xc4: {  	s3 =	sand.u32 $0x4000, s31;
	s1 =	sadd.s32 s1, s30  }
0xc5: {  	s0 =	sor.u32 s3, s0;
	s1 =	sshll.u32 s1, $0x11  }
0xc6: {  	s0 =	sor.u32 s1, s0  }
0xc7: {  	s0 =	sadd.s32 $0x8F2B, s0  }
0xc8: {  	[sflag:s0] =	ssyncadd.remote.s32 $0x1  }
0xc9: {  	_ =	sfence.sel $0xFFFF  }
0xca: {  	[dreg:$0x0] =	wrdreg $0xFFFFFFFF;
	(pc) =	sbr.abs _section_cstart, $3  }
0xcb: {  	[dreg:$0x1] =	wrdreg $0xFFFFFFFF  }
0xcc: {  	_ =	task.clear_ibuf [dreg:s9], $0x2FFFF;
	_ =	strace $0x9FFFFFFF  }
0xcd: {  	(tm) =	ssettm $0x7FFFFFFF  }
tec
execute0_lowered:
.L_overlay_start_1:
0x0: {  	(tag) =	ssettag $0x1  }
0x1: {  	s3 =	rddreg [dreg:$0x0]  }
0x2: {  	s7 =	rddreg [dreg:$0x1]  }
0x3: {  	s5 =	rddreg [dreg:$0x2];
	s1 =	srdreg.scid  }
0x4: {  	s0 =	rddreg [dreg:$0x3];
	s21 =	stileid.u32;
	s8 =	sand.u32 $0x1, s1  }
0x5: {  	s1 =	rddreg [dreg:$0x4];
	s9 =	sshll.u32 s21, $0xB;
	s10 =	sadd.s32 $0x400, s3  }
0x6: {  	s12 =	sadd.s32 $0x8400, s3;
	s23 =	sshll.u32 s21, $0xC;
	s2 =	ssub.s32 $0x2, s8  }
0x7: {  	s6 =	sshll.u32 s8, $0x11;
	s24 =	sshll.u32 s8, $0x2;
	s17 =	sshllo.u32 s8, $0x2  }
0x8: {  	s4 =	sshrl.u32 s2, $0x1;
	s22 =	sor.u32 s9, s6;
	s6 =	sshll.u32 s21, $0x8  }
0x9: {  	s15 =	sor.u32 $0x1, s24;
	s16 =	sor.u32 $0x2, s24;
	s11 =	sshrl.u32 s22, $0x3  }
0xa: {  	s2 =	ssub.s32 s2, s4;
	s3 =	sor.u32 $0x80, s6;
	s13 =	sadd.s32 s10, s11  }
0xb: {  	s4 =	sadd.s32 s5, s23;
	s11 =	sadd.s32 s11, s12;
	[dreg:$0x7] =	wrdreg s13  }
0xc: {  	s25 =	sshll.u32 s15, $0xF;
	s14 =	sshll.u32 s3, $0x4;
	[dreg:$0x8] =	wrdreg s11  }
0xd: {  	s13 =	sshll.u32 s22, $0x4;
	s5 =	sadd.s32 s5, s14;
	s11 =	sshll.u32 s16, $0xF  }
0xe: {  	s14 =	sor.u32 s9, s25;
	s19 =	sor.u32 s9, s11;
	s11 =	simm.s32 $0x0  }
0xf: {  	s18 =	sshrl.u32 s14, $0x3;
	s13 =	sadd.s32 s7, s13;
	[smem:$0x7FF] =	sst s11  }
0x10: {  	s26 =	sshll.u32 s17, $0xF;
	s20 =	sadd.s32 s10, s18;
	[dreg:$0xf] =	wrdreg s13  }
0x11: {  	s9 =	sor.u32 s9, s26;
	s23 =	sadd.s32 s18, s12;
	[dreg:$0x9] =	wrdreg s20  }
0x12: {  	s22 =	sshrl.u32 s19, $0x3;
	s18 =	sshll.u32 s19, $0x4;
	[dreg:$0xa] =	wrdreg s23  }
0x13: {  	s24 =	sadd.s32 s10, s22;
	s19 =	sadd.s32 s7, s18;
	s18 =	rddreg [dreg:$0x5]  }
0x14: {  	s25 =	sshrl.u32 s9, $0x3;
	s26 =	sadd.s32 s22, s12;
	[dreg:$0xb] =	wrdreg s24  }
0x15: {  	s10 =	sadd.s32 s10, s25;
	[dreg:$0xc] =	wrdreg s26  }
0x16: {  	s9 =	sshll.u32 s9, $0x4;
	s12 =	sadd.s32 s25, s12;
	[dreg:$0xd] =	wrdreg s10  }
0x17: {  	s14 =	sshll.u32 s14, $0x4;
	s9 =	sadd.s32 s7, s9;
	[dreg:$0xe] =	wrdreg s12  }
0x18: {  	s20 =	sshll.u32 s8, $0xE;
	s8 =	sshll.u32 s8, $0x15;
	[dreg:$0x11] =	wrdreg s19  }
0x19: {  	s10 =	sadd.s32 s7, s14;
	[dreg:$0x12] =	wrdreg s9;
	s7 =	sadd.s32 s8, s7  }
0x1a: {  	s22 =	sor.u32 s6, s20;
	s9 =	sor.u32 s20, s3;
	s24 =	sshll.u32 s15, $0xC  }
0x1b: {  	s26 =	sshll.u32 s16, $0xC;
	s15 =	sshll.u32 s17, $0xC;
	s20 =	sshll.u32 s21, $0xF  }
0x1c: {  	s21 =	sshll.u32 s3, $0x7;
	[dreg:$0x10] =	wrdreg s10;
	s8 =	sshll.u32 s22, $0x4  }
0x1d: {  	s23 =	sshll.u32 s9, $0x4;
	s25 =	sor.u32 s6, s24;
	s9 =	sor.u32 s3, s24  }
0x1e: {  	s13 =	sor.u32 s6, s26;
	s14 =	sor.u32 s3, s26;
	s6 =	sor.u32 s6, s15  }
0x1f: {  	s17 =	sor.u32 s3, s15;
	s22 =	sadd.s32 s20, s7;
	s28 =	sadd.s32 s20, s1  }
0x20: {  	s29 =	sadd.s32 s20, s18;
	s30 =	sadd.s32 s21, s1;
	s31 =	sadd.s32 s21, s18  }
0x21: {  	v0 =	vimm.f32 $1.587301680e-02;
	s15 =	smax.u32 s2, $0x1;
	s7 =	simm.s32 $0x4000;
	_ =	strace $0x80000047  }
0x22: {  	s10 =	simm.s32 $0xC800;
	s8 =	sadd.s32 s0, s8;
	s9 =	sshll.u32 s9, $0x4;
	(erf) = vrcp.f32 v0  }
0x23: {  	s16 =	sshll.u32 s14, $0x4;
	s6 =	sshll.u32 s6, $0x4;
	s19 =	sshll.u32 s17, $0x4  }
0x24: {  	s20 =	sadd.s32 $0x800, s22;
	s3 =	sadd.s32 $0x100800, s22;
	s14 =	simm.s32 $0xD000  }
0x25: {  	s17 =	simm.s32 $0x0;
	[dreg:$0x13] =	wrdreg s8;
	s8 =	sadd.s32 s0, s23  }
0x26: {  	s12 =	sadd.s32 s0, s9;
	s24 =	sadd.s32 s0, s16;
	s26 =	sadd.s32 s0, s19  }
0x27: {  	s9 =	simm.s32 $0xC000;
	s16 =	simm.s32 $0x8000;
	[dreg:$0x14] =	wrdreg s8  }
0x28: {  	s8 =	sshll.u32 s25, $0x4;
	[dreg:$0x16] =	wrdreg s12;
	s25 =	sadd.s32 s0, s6  }
0x29: {  	s6 =	sadd.s32 $0x180800, s22;
	s12 =	simm.s32 $0x1;
	s8 =	sadd.s32 s0, s8  }
0x2a: {  	[dreg:$0x15] =	wrdreg s8;
	s8 =	sshll.u32 s13, $0x4;
	s13 =	simm.s32 $0x80  }
0x2b: {  	v1 =	vimm.f32 $0.0e+00;
	v2 =	vimm.f32 $1.000000000e+00;
	s23 =	sadd.s32 s0, s8;
	s0 =	sadd.s32 $0x80800, s22;
	s8 =	simm.s32 $0x2;
	v0 =	vpop (erf)  }
.LBB2_1:
0x2c: {  	s2 =	simm.s32 $0x0;
	s19 =	simm.s32 $0x200  }
.LBB2_2:
0x2d: {  	p0 =	sne.s32 s19, $0xFE00;
	[tilespmem:s2+$0x4070] =	vst v1  }
0x2e: {  	[tilespmem:s2+$0x4000] =	vst v1  }
0x2f: {  	[tilespmem:s2+$0x4010] =	vst v1  }
.Ltmp0:
0x30: {  	[tilespmem:s2+$0x4020] =	vst v1;
	(pc) =	sbr.rel @p0 .LBB2_2-.Ltmp0, $4  }
0x31: {  	[tilespmem:s2+$0x4030] =	vst v1  }
0x32: {  	[tilespmem:s2+$0x4040] =	vst v1  }
0x33: {  	[tilespmem:s2+$0x4050] =	vst v1  }
0x34: {  	[tilespmem:s2+$0x4060] =	vst v1;
	s2 =	sshra.s32 s19, $0x2;
	s19 =	sadd.s32 $0x200, s19  }
0x35: {  	[tilespmem:s2+$0x4070] =	vst v1  }
0x36: {  	[tilespmem:s2+$0x4000] =	vst v1  }
0x37: {  	[tilespmem:s2+$0x4010] =	vst v1  }
0x38: {  	[tilespmem:s2+$0x4020] =	vst v1  }
0x39: {  	[tilespmem:s2+$0x4030] =	vst v1  }
0x3a: {  	[tilespmem:s2+$0x4040] =	vst v1  }
0x3b: {  	[tilespmem:s2+$0x4050] =	vst v1  }
0x3c: {  	[tilespmem:s2+$0x4060] =	vst v1  }
0x3d: {  	[spmem:s28] =	stream.linear.scatter [tilespmem:s7], [sflag:$0x2], $0x4000, $0x38;
	[tilespmem:$0x1D080] =	vst v63  }
0x3e: {  	_ =	swait.ge [sflag:s8], $0x4000  }
0x3f: {  	[sflag:s8] =	ssyncset.done $0x0  }
0x40: {  	[sflag:s8] =	ssyncadd.s32 $0xFFFFC000  }
0x41: {  	[spmem:s29] =	stream.linear.scatter [tilespmem:s7], [sflag:$0x2], $0x4000, $0x38;
	[tilespmem:$0x1D080] =	vst v63  }
0x42: {  	_ =	swait.ge [sflag:s8], $0x4000  }
0x43: {  	[sflag:s8] =	ssyncset.done $0x0  }
0x44: {  	[sflag:s8] =	ssyncadd.s32 $0xFFFFC000  }
0x45: {  	[spmem:s30] =	stream.linear.scatter [tilespmem:s7], [sflag:$0x2], $0x4000, $0x38;
	[tilespmem:$0x1D080] =	vst v63  }
0x46: {  	_ =	swait.ge [sflag:s8], $0x4000  }
0x47: {  	[sflag:s8] =	ssyncset.done $0x0  }
0x48: {  	[sflag:s8] =	ssyncadd.s32 $0xFFFFC000  }
0x49: {  	[spmem:s31] =	stream.linear.scatter [tilespmem:s7], [sflag:$0x2], $0x4000, $0x38;
	[tilespmem:$0x1D080] =	vst v63  }
0x4a: {  	_ =	swait.ge [sflag:s8], $0x4000  }
0x4b: {  	[sflag:s8] =	ssyncset.done $0x0  }
0x4c: {  	[sflag:s8] =	ssyncadd.s32 $0xFFFFC000  }
0x4d: {  	s2 =	simm.s32 $0x0;
	s19 =	simm.s32 $0x200;
	[bflag:$0x0] =	sbarrier.arrive $0xFFFF  }
.LBB2_4:
0x4e: {  	p0 =	sne.s32 s19, $0xFE00;
	[tilespmem:s2+$0x8070] =	vst v2  }
0x4f: {  	[tilespmem:s2+$0x8000] =	vst v2  }
0x50: {  	[tilespmem:s2+$0x8010] =	vst v2  }
.Ltmp1:
0x51: {  	[tilespmem:s2+$0x8020] =	vst v2;
	(pc) =	sbr.rel @p0 .LBB2_4-.Ltmp1, $4  }
0x52: {  	[tilespmem:s2+$0x8030] =	vst v2  }
0x53: {  	[tilespmem:s2+$0x8040] =	vst v2  }
0x54: {  	[tilespmem:s2+$0x8050] =	vst v2  }
0x55: {  	[tilespmem:s2+$0x8060] =	vst v2;
	s2 =	sshra.s32 s19, $0x2;
	s19 =	sadd.s32 $0x200, s19  }
0x56: {  	[tilespmem:s2+$0x8070] =	vst v2  }
0x57: {  	[tilespmem:s2+$0x8000] =	vst v2  }
0x58: {  	[tilespmem:s2+$0x8010] =	vst v2  }
0x59: {  	[tilespmem:s2+$0x8020] =	vst v2  }
0x5a: {  	[tilespmem:s2+$0x8030] =	vst v2  }
0x5b: {  	[tilespmem:s2+$0x8040] =	vst v2  }
0x5c: {  	[tilespmem:s2+$0x8050] =	vst v2  }
0x5d: {  	[tilespmem:s2+$0x8060] =	vst v2;
	s2 =	simm.s32 $0x0;
	s19 =	rddreg [dreg:$0x7]  }
0x5e: {  	[tilespmem:s9], [sflag:$0x2] =	stream.linear.gather [hbm4b:s19+s2], $0x800, $0x38;
	[tilespmem:$0x1D080] =	vst v63  }
0x5f: {  	_ =	swait.ge [sflag:s8], $0x800  }
0x60: {  	[sflag:s8] =	ssyncset.done $0x0  }
0x61: {  	s22 =	rddreg [dreg:$0x8];
	[sflag:s8] =	ssyncadd.s32 $0xFFFFF800  }
0x62: {  	[tilespmem:s10], [sflag:$0x2] =	stream.linear.gather [hbm4b:s22+s2], $0x800, $0x38;
	[tilespmem:$0x1D080] =	vst v63  }
0x63: {  	_ =	swait.ge [sflag:s8], $0x800  }
0x64: {  	[sflag:s8] =	ssyncset.done $0x0  }
0x65: {  	s22 =	simm.s32 $0x0;
	s21 =	rddreg [dreg:$0xf];
	[sflag:s8] =	ssyncadd.s32 $0xFFFFF800  }
0x66: {  	[tilespmem:s2], [sflag:$0x1] =	stream.linear.gather [hbm4b:s21+s2], $0x4000, $0x38;
	[tilespmem:$0x1D080] =	vst v63  }
0x67: {  	v3 =	vld [tilespmem:s22+$0xC000]  }
0x68: {  	v4 =	vld [tilespmem:s22+$0xC800];
	_ =	sdelay $0x3  }
0x69: {  	v3 =	vmul.f32 v3, v0  }
0x6a: {  	v4 =	vmul.f32 v4, v0  }
0x6b: {  	v3 =	vadd.f32 $1.258291200e+07, v3  }
0x6c: {  	v4 =	vadd.f32 $1.258291200e+07, v4  }
0x6d: {  	v3 =	vadd.f32 $-1.258291200e+07, v3  }
0x6e: {  	v4 =	vadd.f32 $-1.258291200e+07, v4  }
0x6f: {  	v3 =	vmax.f32 v3, $0.0e+00  }
0x70: {  	v4 =	vmax.f32 v4, $0.0e+00;
	v3 =	vmin.f32 v3, $6.300000000e+01  }
0x71: {  	v4 =	vmin.f32 v4, $6.300000000e+01;
	v3 =	vtrunc.f32 v3  }
0x72: {  	v4 =	vtrunc.f32 v4;
	v3 =	vcvt.f32.s32 v3  }
0x73: {  	v4 =	vcvt.f32.s32 v4  }
0x74: {  	v3 =	vshll.u32 v3, $0x6  }
0x75: {  	v3 =	vadd.s32 v4, v3  }
0x76: {  	vm0 =	vgt.s32 v3, $0x0  }
0x77: {  	v3 =	vnsel vm0, $0x0, v3  }
0x78: {  	v3 =	vmin.u32 v3, $0xFFF  }
0x79: {  	[tilespmem:$0xD000] =	vst v3  }
0x7a: {  	v3 =	vld [tilespmem:s22+$0xC010]  }
0x7b: {  	v57 =	vld [tilespmem:s22+$0xC810];
	_ =	sdelay $0x3  }
0x7c: {  	v3 =	vmul.f32 v3, v0  }
0x7d: {  	v4 =	vmul.f32 v57, v0  }
0x7e: {  	v3 =	vadd.f32 $1.258291200e+07, v3  }
0x7f: {  	v4 =	vadd.f32 $1.258291200e+07, v4  }
0x80: {  	v3 =	vadd.f32 $-1.258291200e+07, v3  }
0x81: {  	v4 =	vadd.f32 $-1.258291200e+07, v4  }
0x82: {  	v3 =	vmax.f32 v3, $0.0e+00  }
0x83: {  	v4 =	vmax.f32 v4, $0.0e+00;
	v3 =	vmin.f32 v3, $6.300000000e+01  }
0x84: {  	v4 =	vmin.f32 v4, $6.300000000e+01;
	v3 =	vtrunc.f32 v3  }
0x85: {  	v4 =	vtrunc.f32 v4;
	v3 =	vcvt.f32.s32 v3  }
0x86: {  	v4 =	vcvt.f32.s32 v4  }
0x87: {  	v3 =	vshll.u32 v3, $0x6  }
0x88: {  	v3 =	vadd.s32 v4, v3  }
0x89: {  	vm9 =	vgt.s32 v3, $0x0  }
0x8a: {  	v3 =	vnsel vm9, $0x0, v3  }
0x8b: {  	v3 =	vmin.u32 v3, $0xFFF  }
0x8c: {  	[tilespmem:$0xD010] =	vst v3  }
0x8d: {  	v3 =	vld [tilespmem:s22+$0xC020]  }
0x8e: {  	v58 =	vld [tilespmem:s22+$0xC820];
	_ =	sdelay $0x3  }
0x8f: {  	v3 =	vmul.f32 v3, v0  }
0x90: {  	v4 =	vmul.f32 v58, v0  }
0x91: {  	v3 =	vadd.f32 $1.258291200e+07, v3  }
0x92: {  	v4 =	vadd.f32 $1.258291200e+07, v4  }
0x93: {  	v3 =	vadd.f32 $-1.258291200e+07, v3  }
0x94: {  	v4 =	vadd.f32 $-1.258291200e+07, v4  }
0x95: {  	v3 =	vmax.f32 v3, $0.0e+00  }
0x96: {  	v4 =	vmax.f32 v4, $0.0e+00;
	v3 =	vmin.f32 v3, $6.300000000e+01  }
0x97: {  	v4 =	vmin.f32 v4, $6.300000000e+01;
	v3 =	vtrunc.f32 v3  }
0x98: {  	v4 =	vtrunc.f32 v4;
	v3 =	vcvt.f32.s32 v3  }
0x99: {  	v4 =	vcvt.f32.s32 v4  }
0x9a: {  	v3 =	vshll.u32 v3, $0x6  }
0x9b: {  	v3 =	vadd.s32 v4, v3  }
0x9c: {  	vm10 =	vgt.s32 v3, $0x0  }
0x9d: {  	v3 =	vnsel vm10, $0x0, v3  }
0x9e: {  	v3 =	vmin.u32 v3, $0xFFF  }
0x9f: {  	[tilespmem:$0xD020] =	vst v3  }
0xa0: {  	v3 =	vld [tilespmem:s22+$0xC030]  }
0xa1: {  	v59 =	vld [tilespmem:s22+$0xC830];
	_ =	sdelay $0x3  }
0xa2: {  	v3 =	vmul.f32 v3, v0  }
0xa3: {  	v4 =	vmul.f32 v59, v0  }
0xa4: {  	v3 =	vadd.f32 $1.258291200e+07, v3  }
0xa5: {  	v4 =	vadd.f32 $1.258291200e+07, v4  }
0xa6: {  	v3 =	vadd.f32 $-1.258291200e+07, v3  }
0xa7: {  	v4 =	vadd.f32 $-1.258291200e+07, v4  }
0xa8: {  	v3 =	vmax.f32 v3, $0.0e+00  }
0xa9: {  	v4 =	vmax.f32 v4, $0.0e+00;
	v3 =	vmin.f32 v3, $6.300000000e+01  }
0xaa: {  	v4 =	vmin.f32 v4, $6.300000000e+01;
	v3 =	vtrunc.f32 v3  }
0xab: {  	v4 =	vtrunc.f32 v4;
	v3 =	vcvt.f32.s32 v3  }
0xac: {  	v4 =	vcvt.f32.s32 v4  }
0xad: {  	v3 =	vshll.u32 v3, $0x6  }
0xae: {  	v3 =	vadd.s32 v4, v3  }
0xaf: {  	vm11 =	vgt.s32 v3, $0x0  }
0xb0: {  	v3 =	vnsel vm11, $0x0, v3  }
0xb1: {  	v3 =	vmin.u32 v3, $0xFFF  }
0xb2: {  	[tilespmem:$0xD030] =	vst v3  }
0xb3: {  	v3 =	vld [tilespmem:s22+$0xC040]  }
0xb4: {  	v60 =	vld [tilespmem:s22+$0xC840];
	_ =	sdelay $0x3  }
0xb5: {  	v3 =	vmul.f32 v3, v0  }
0xb6: {  	v4 =	vmul.f32 v60, v0  }
0xb7: {  	v3 =	vadd.f32 $1.258291200e+07, v3  }
0xb8: {  	v4 =	vadd.f32 $1.258291200e+07, v4  }
0xb9: {  	v3 =	vadd.f32 $-1.258291200e+07, v3  }
0xba: {  	v4 =	vadd.f32 $-1.258291200e+07, v4  }
0xbb: {  	v3 =	vmax.f32 v3, $0.0e+00  }
0xbc: {  	v4 =	vmax.f32 v4, $0.0e+00;
	v3 =	vmin.f32 v3, $6.300000000e+01  }
0xbd: {  	v4 =	vmin.f32 v4, $6.300000000e+01;
	v3 =	vtrunc.f32 v3  }
0xbe: {  	v4 =	vtrunc.f32 v4;
	v3 =	vcvt.f32.s32 v3  }
0xbf: {  	v4 =	vcvt.f32.s32 v4  }
0xc0: {  	v3 =	vshll.u32 v3, $0x6  }
0xc1: {  	v3 =	vadd.s32 v4, v3  }
0xc2: {  	vm12 =	vgt.s32 v3, $0x0  }
0xc3: {  	v3 =	vnsel vm12, $0x0, v3  }
0xc4: {  	v3 =	vmin.u32 v3, $0xFFF  }
0xc5: {  	[tilespmem:$0xD040] =	vst v3  }
0xc6: {  	v3 =	vld [tilespmem:s22+$0xC050]  }
0xc7: {  	v61 =	vld [tilespmem:s22+$0xC850];
	_ =	sdelay $0x3  }
0xc8: {  	v3 =	vmul.f32 v3, v0  }
0xc9: {  	v4 =	vmul.f32 v61, v0  }
0xca: {  	v3 =	vadd.f32 $1.258291200e+07, v3  }
0xcb: {  	v4 =	vadd.f32 $1.258291200e+07, v4  }
0xcc: {  	v3 =	vadd.f32 $-1.258291200e+07, v3  }
0xcd: {  	v4 =	vadd.f32 $-1.258291200e+07, v4  }
0xce: {  	v3 =	vmax.f32 v3, $0.0e+00  }
0xcf: {  	v4 =	vmax.f32 v4, $0.0e+00;
	v3 =	vmin.f32 v3, $6.300000000e+01  }
0xd0: {  	v4 =	vmin.f32 v4, $6.300000000e+01;
	v3 =	vtrunc.f32 v3  }
0xd1: {  	v4 =	vtrunc.f32 v4;
	v3 =	vcvt.f32.s32 v3  }
0xd2: {  	v4 =	vcvt.f32.s32 v4  }
0xd3: {  	v3 =	vshll.u32 v3, $0x6  }
0xd4: {  	v3 =	vadd.s32 v4, v3  }
0xd5: {  	vm13 =	vgt.s32 v3, $0x0  }
0xd6: {  	v3 =	vnsel vm13, $0x0, v3  }
0xd7: {  	v3 =	vmin.u32 v3, $0xFFF  }
0xd8: {  	[tilespmem:$0xD050] =	vst v3  }
0xd9: {  	v3 =	vld [tilespmem:s22+$0xC060]  }
0xda: {  	v62 =	vld [tilespmem:s22+$0xC860];
	_ =	sdelay $0x3  }
0xdb: {  	v3 =	vmul.f32 v3, v0  }
0xdc: {  	v4 =	vmul.f32 v62, v0  }
0xdd: {  	v3 =	vadd.f32 $1.258291200e+07, v3  }
0xde: {  	v4 =	vadd.f32 $1.258291200e+07, v4  }
0xdf: {  	v3 =	vadd.f32 $-1.258291200e+07, v3  }
0xe0: {  	v4 =	vadd.f32 $-1.258291200e+07, v4  }
0xe1: {  	v3 =	vmax.f32 v3, $0.0e+00  }
0xe2: {  	v4 =	vmax.f32 v4, $0.0e+00;
	v3 =	vmin.f32 v3, $6.300000000e+01  }
0xe3: {  	v4 =	vmin.f32 v4, $6.300000000e+01;
	v3 =	vtrunc.f32 v3  }
0xe4: {  	v4 =	vtrunc.f32 v4;
	v3 =	vcvt.f32.s32 v3  }
0xe5: {  	v4 =	vcvt.f32.s32 v4  }
0xe6: {  	v3 =	vshll.u32 v3, $0x6  }
0xe7: {  	v3 =	vadd.s32 v4, v3  }
0xe8: {  	vm14 =	vgt.s32 v3, $0x0  }
0xe9: {  	v3 =	vnsel vm14, $0x0, v3  }
0xea: {  	v3 =	vmin.u32 v3, $0xFFF  }
0xeb: {  	[tilespmem:$0xD060] =	vst v3  }
0xec: {  	v3 =	vld [tilespmem:s22+$0xC070]  }
0xed: {  	v63 =	vld [tilespmem:s22+$0xC870];
	_ =	sdelay $0x3  }
0xee: {  	v3 =	vmul.f32 v3, v0  }
0xef: {  	v4 =	vmul.f32 v63, v0  }
0xf0: {  	v3 =	vadd.f32 $1.258291200e+07, v3  }
0xf1: {  	v4 =	vadd.f32 $1.258291200e+07, v4  }
0xf2: {  	v3 =	vadd.f32 $-1.258291200e+07, v3  }
0xf3: {  	v4 =	vadd.f32 $-1.258291200e+07, v4  }
0xf4: {  	v3 =	vmax.f32 v3, $0.0e+00  }
0xf5: {  	v4 =	vmax.f32 v4, $0.0e+00;
	v3 =	vmin.f32 v3, $6.300000000e+01  }
0xf6: {  	v4 =	vmin.f32 v4, $6.300000000e+01;
	v3 =	vtrunc.f32 v3  }
0xf7: {  	v4 =	vtrunc.f32 v4;
	v3 =	vcvt.f32.s32 v3  }
0xf8: {  	v4 =	vcvt.f32.s32 v4  }
0xf9: {  	v3 =	vshll.u32 v3, $0x6  }
0xfa: {  	v3 =	vadd.s32 v4, v3  }
0xfb: {  	vm15 =	vgt.s32 v3, $0x0  }
0xfc: {  	v3 =	vnsel vm15, $0x0, v3  }
0xfd: {  	v3 =	vmin.u32 v3, $0xFFF  }
0xfe: {  	[tilespmem:$0xD070] =	vst v3  }
0xff: {  	_ =	swait.ge [sflag:s12], $0x4000  }
0x100: {  	[sflag:s12] =	ssyncset.done $0x0  }
0x101: {  	[sflag:s12] =	ssyncadd.s32 $0xFFFFC000  }
0x102: {  	[spmem:s1] =	stream.indirect.scatter.add.f32 [tilespmem:s11], [sflag:$0x2], $0x80, s14, s13, $0xb8;
	[tilespmem:$0x1D080] =	vst v63  }
0x103: {  	_ =	swait.ge [sflag:s8], $0x4000  }
0x104: {  	p0 =	por $0x0, $0x0;
	[sflag:s8] =	ssyncset.done $0x0  }
0x105: {  	s2 =	simm.s32 @!p0 $0x0;
	[sflag:s8] =	ssyncadd.s32 $0xFFFFC000  }
0x106: {  	[tilespmem:s2], [sflag:$0x1] =	stream.linear.gather @!p0 [hbm4b:s20+s2], $0x4000, $0x38;
	[tilespmem:$0x1D080] =	vst v63  }
0x107: {  	_ = 	snop  }
0x108: {  	[spmem:s18] =	stream.indirect.scatter.add.f32 [tilespmem:s16], [sflag:$0x2], $0x80, s14, s13, $0xb8;
	[tilespmem:$0x1D080] =	vst v63  }
0x109: {  	_ =	swait.ge [sflag:s8], $0x4000  }
0x10a: {  	s19 =	simm.s32 $0x200;
	s2 =	smov.u32 s20;
	[sflag:s8] =	ssyncset.done $0x0  }
.LBB2_6:
0x10b: {  	[sflag:s8] =	ssyncadd.s32 $0xFFFFC000  }
0x10c: {  	s2 =	sadd.s32 $0x800, s2;
	s21 =	smov.u32 s19;
	s19 =	sadd.s32 $0x200, s19  }
0x10d: {  	s22 =	sshra.s32 s21, $0x2;
	p0 =	sne.s32 s19, $0x2000  }
0x10e: {  	v3 =	vld [tilespmem:s22+$0xC000]  }
0x10f: {  	v4 =	vld [tilespmem:s22+$0xC800];
	_ =	sdelay $0x3  }
0x110: {  	v3 =	vmul.f32 v3, v0  }
0x111: {  	v4 =	vmul.f32 v4, v0  }
0x112: {  	v3 =	vadd.f32 $1.258291200e+07, v3  }
0x113: {  	v4 =	vadd.f32 $1.258291200e+07, v4  }
0x114: {  	v3 =	vadd.f32 $-1.258291200e+07, v3  }
0x115: {  	v4 =	vadd.f32 $-1.258291200e+07, v4  }
0x116: {  	v3 =	vmax.f32 v3, $0.0e+00  }
0x117: {  	v3 =	vmin.f32 v3, $6.300000000e+01;
	v4 =	vmax.f32 v4, $0.0e+00  }
0x118: {  	v4 =	vmin.f32 v4, $6.300000000e+01;
	v3 =	vtrunc.f32 v3  }
0x119: {  	v3 =	vcvt.f32.s32 v3;
	v4 =	vtrunc.f32 v4  }
0x11a: {  	v4 =	vcvt.f32.s32 v4  }
0x11b: {  	v3 =	vshll.u32 v3, $0x6  }
0x11c: {  	v3 =	vadd.s32 v4, v3  }
0x11d: {  	vm0 =	vgt.s32 v3, $0x0  }
0x11e: {  	v3 =	vnsel vm0, $0x0, v3  }
0x11f: {  	v3 =	vmin.u32 v3, $0xFFF  }
0x120: {  	[tilespmem:$0xD000] =	vst v3  }
0x121: {  	v3 =	vld [tilespmem:s22+$0xC010]  }
0x122: {  	v4 =	vld [tilespmem:s22+$0xC810];
	_ =	sdelay $0x3  }
0x123: {  	v3 =	vmul.f32 v3, v0  }
0x124: {  	v4 =	vmul.f32 v4, v0  }
0x125: {  	v3 =	vadd.f32 $1.258291200e+07, v3  }
0x126: {  	v4 =	vadd.f32 $1.258291200e+07, v4  }
0x127: {  	v3 =	vadd.f32 $-1.258291200e+07, v3  }
0x128: {  	v4 =	vadd.f32 $-1.258291200e+07, v4  }
0x129: {  	v3 =	vmax.f32 v3, $0.0e+00  }
0x12a: {  	v3 =	vmin.f32 v3, $6.300000000e+01;
	v4 =	vmax.f32 v4, $0.0e+00  }
0x12b: {  	v4 =	vmin.f32 v4, $6.300000000e+01;
	v3 =	vtrunc.f32 v3  }
0x12c: {  	v3 =	vcvt.f32.s32 v3;
	v4 =	vtrunc.f32 v4  }
0x12d: {  	v4 =	vcvt.f32.s32 v4  }
0x12e: {  	v3 =	vshll.u32 v3, $0x6  }
0x12f: {  	v3 =	vadd.s32 v4, v3  }
0x130: {  	vm0 =	vgt.s32 v3, $0x0  }
0x131: {  	v3 =	vnsel vm0, $0x0, v3  }
0x132: {  	v3 =	vmin.u32 v3, $0xFFF  }
0x133: {  	[tilespmem:$0xD010] =	vst v3  }
0x134: {  	v3 =	vld [tilespmem:s22+$0xC020]  }
0x135: {  	v4 =	vld [tilespmem:s22+$0xC820];
	_ =	sdelay $0x3  }
0x136: {  	v3 =	vmul.f32 v3, v0  }
0x137: {  	v4 =	vmul.f32 v4, v0  }
0x138: {  	v3 =	vadd.f32 $1.258291200e+07, v3  }
0x139: {  	v4 =	vadd.f32 $1.258291200e+07, v4  }
0x13a: {  	v3 =	vadd.f32 $-1.258291200e+07, v3  }
0x13b: {  	v4 =	vadd.f32 $-1.258291200e+07, v4  }
0x13c: {  	v3 =	vmax.f32 v3, $0.0e+00  }
0x13d: {  	v3 =	vmin.f32 v3, $6.300000000e+01;
	v4 =	vmax.f32 v4, $0.0e+00  }
0x13e: {  	v4 =	vmin.f32 v4, $6.300000000e+01;
	v3 =	vtrunc.f32 v3  }
0x13f: {  	v3 =	vcvt.f32.s32 v3;
	v4 =	vtrunc.f32 v4  }
0x140: {  	v4 =	vcvt.f32.s32 v4  }
0x141: {  	v3 =	vshll.u32 v3, $0x6  }
0x142: {  	v3 =	vadd.s32 v4, v3  }
0x143: {  	vm0 =	vgt.s32 v3, $0x0  }
0x144: {  	v3 =	vnsel vm0, $0x0, v3  }
0x145: {  	v3 =	vmin.u32 v3, $0xFFF  }
0x146: {  	[tilespmem:$0xD020] =	vst v3  }
0x147: {  	v3 =	vld [tilespmem:s22+$0xC030]  }
0x148: {  	v4 =	vld [tilespmem:s22+$0xC830];
	_ =	sdelay $0x3  }
0x149: {  	v3 =	vmul.f32 v3, v0  }
0x14a: {  	v4 =	vmul.f32 v4, v0  }
0x14b: {  	v3 =	vadd.f32 $1.258291200e+07, v3  }
0x14c: {  	v4 =	vadd.f32 $1.258291200e+07, v4  }
0x14d: {  	v3 =	vadd.f32 $-1.258291200e+07, v3  }
0x14e: {  	v4 =	vadd.f32 $-1.258291200e+07, v4  }
0x14f: {  	v3 =	vmax.f32 v3, $0.0e+00  }
0x150: {  	v3 =	vmin.f32 v3, $6.300000000e+01;
	v4 =	vmax.f32 v4, $0.0e+00  }
0x151: {  	v4 =	vmin.f32 v4, $6.300000000e+01;
	v3 =	vtrunc.f32 v3  }
0x152: {  	v3 =	vcvt.f32.s32 v3;
	v4 =	vtrunc.f32 v4  }
0x153: {  	v4 =	vcvt.f32.s32 v4  }
0x154: {  	v3 =	vshll.u32 v3, $0x6  }
0x155: {  	v3 =	vadd.s32 v4, v3  }
0x156: {  	vm0 =	vgt.s32 v3, $0x0  }
0x157: {  	v3 =	vnsel vm0, $0x0, v3  }
0x158: {  	v3 =	vmin.u32 v3, $0xFFF  }
0x159: {  	[tilespmem:$0xD030] =	vst v3  }
0x15a: {  	v3 =	vld [tilespmem:s22+$0xC040]  }
0x15b: {  	v4 =	vld [tilespmem:s22+$0xC840];
	_ =	sdelay $0x3  }
0x15c: {  	v3 =	vmul.f32 v3, v0  }
0x15d: {  	v4 =	vmul.f32 v4, v0  }
0x15e: {  	v3 =	vadd.f32 $1.258291200e+07, v3  }
0x15f: {  	v4 =	vadd.f32 $1.258291200e+07, v4  }
0x160: {  	v3 =	vadd.f32 $-1.258291200e+07, v3  }
0x161: {  	v4 =	vadd.f32 $-1.258291200e+07, v4  }
0x162: {  	v3 =	vmax.f32 v3, $0.0e+00  }
0x163: {  	v3 =	vmin.f32 v3, $6.300000000e+01;
	v4 =	vmax.f32 v4, $0.0e+00  }
0x164: {  	v4 =	vmin.f32 v4, $6.300000000e+01;
	v3 =	vtrunc.f32 v3  }
0x165: {  	v3 =	vcvt.f32.s32 v3;
	v4 =	vtrunc.f32 v4  }
0x166: {  	v4 =	vcvt.f32.s32 v4  }
0x167: {  	v3 =	vshll.u32 v3, $0x6  }
0x168: {  	v3 =	vadd.s32 v4, v3  }
0x169: {  	vm0 =	vgt.s32 v3, $0x0  }
0x16a: {  	v3 =	vnsel vm0, $0x0, v3  }
0x16b: {  	v3 =	vmin.u32 v3, $0xFFF  }
0x16c: {  	[tilespmem:$0xD040] =	vst v3  }
0x16d: {  	v3 =	vld [tilespmem:s22+$0xC050]  }
0x16e: {  	v4 =	vld [tilespmem:s22+$0xC850];
	_ =	sdelay $0x3  }
0x16f: {  	v3 =	vmul.f32 v3, v0  }
0x170: {  	v4 =	vmul.f32 v4, v0  }
0x171: {  	v3 =	vadd.f32 $1.258291200e+07, v3  }
0x172: {  	v4 =	vadd.f32 $1.258291200e+07, v4  }
0x173: {  	v3 =	vadd.f32 $-1.258291200e+07, v3  }
0x174: {  	v4 =	vadd.f32 $-1.258291200e+07, v4  }
0x175: {  	v3 =	vmax.f32 v3, $0.0e+00  }
0x176: {  	v3 =	vmin.f32 v3, $6.300000000e+01;
	v4 =	vmax.f32 v4, $0.0e+00  }
0x177: {  	v4 =	vmin.f32 v4, $6.300000000e+01;
	v3 =	vtrunc.f32 v3  }
0x178: {  	v3 =	vcvt.f32.s32 v3;
	v4 =	vtrunc.f32 v4  }
0x179: {  	v4 =	vcvt.f32.s32 v4  }
0x17a: {  	v3 =	vshll.u32 v3, $0x6  }
0x17b: {  	v3 =	vadd.s32 v4, v3  }
0x17c: {  	vm0 =	vgt.s32 v3, $0x0  }
0x17d: {  	v3 =	vnsel vm0, $0x0, v3  }
0x17e: {  	v3 =	vmin.u32 v3, $0xFFF  }
0x17f: {  	[tilespmem:$0xD050] =	vst v3  }
0x180: {  	v3 =	vld [tilespmem:s22+$0xC060]  }
0x181: {  	v4 =	vld [tilespmem:s22+$0xC860];
	_ =	sdelay $0x3  }
0x182: {  	v3 =	vmul.f32 v3, v0  }
0x183: {  	v4 =	vmul.f32 v4, v0  }
0x184: {  	v3 =	vadd.f32 $1.258291200e+07, v3  }
0x185: {  	v4 =	vadd.f32 $1.258291200e+07, v4  }
0x186: {  	v3 =	vadd.f32 $-1.258291200e+07, v3  }
0x187: {  	v4 =	vadd.f32 $-1.258291200e+07, v4  }
0x188: {  	v3 =	vmax.f32 v3, $0.0e+00  }
0x189: {  	v3 =	vmin.f32 v3, $6.300000000e+01;
	v4 =	vmax.f32 v4, $0.0e+00  }
0x18a: {  	v4 =	vmin.f32 v4, $6.300000000e+01;
	v3 =	vtrunc.f32 v3  }
0x18b: {  	v3 =	vcvt.f32.s32 v3;
	v4 =	vtrunc.f32 v4  }
0x18c: {  	v4 =	vcvt.f32.s32 v4  }
0x18d: {  	v3 =	vshll.u32 v3, $0x6  }
0x18e: {  	v3 =	vadd.s32 v4, v3  }
0x18f: {  	vm0 =	vgt.s32 v3, $0x0  }
0x190: {  	v3 =	vnsel vm0, $0x0, v3  }
0x191: {  	v3 =	vmin.u32 v3, $0xFFF  }
0x192: {  	[tilespmem:$0xD060] =	vst v3  }
0x193: {  	v3 =	vld [tilespmem:s22+$0xC070]  }
0x194: {  	v4 =	vld [tilespmem:s22+$0xC870];
	_ =	sdelay $0x3  }
0x195: {  	v3 =	vmul.f32 v3, v0  }
0x196: {  	v4 =	vmul.f32 v4, v0  }
0x197: {  	v3 =	vadd.f32 $1.258291200e+07, v3  }
0x198: {  	v4 =	vadd.f32 $1.258291200e+07, v4  }
0x199: {  	v3 =	vadd.f32 $-1.258291200e+07, v3  }
0x19a: {  	v4 =	vadd.f32 $-1.258291200e+07, v4  }
0x19b: {  	v3 =	vmax.f32 v3, $0.0e+00  }
0x19c: {  	v3 =	vmin.f32 v3, $6.300000000e+01;
	v4 =	vmax.f32 v4, $0.0e+00  }
0x19d: {  	v4 =	vmin.f32 v4, $6.300000000e+01;
	v3 =	vtrunc.f32 v3  }
0x19e: {  	v3 =	vcvt.f32.s32 v3;
	v4 =	vtrunc.f32 v4  }
0x19f: {  	v4 =	vcvt.f32.s32 v4  }
0x1a0: {  	v3 =	vshll.u32 v3, $0x6  }
0x1a1: {  	v3 =	vadd.s32 v4, v3  }
0x1a2: {  	vm0 =	vgt.s32 v3, $0x0  }
0x1a3: {  	v3 =	vnsel vm0, $0x0, v3  }
0x1a4: {  	v3 =	vmin.u32 v3, $0xFFF  }
0x1a5: {  	[tilespmem:$0xD070] =	vst v3  }
0x1a6: {  	_ =	swait.ge [sflag:s12], $0x4000  }
0x1a7: {  	[sflag:s12] =	ssyncset.done $0x0  }
0x1a8: {  	[sflag:s12] =	ssyncadd.s32 $0xFFFFC000  }
0x1a9: {  	[spmem:s1] =	stream.indirect.scatter.add.f32 [tilespmem:s11], [sflag:$0x2], $0x80, s14, s13, $0xb8;
	[tilespmem:$0x1D080] =	vst v63  }
0x1aa: {  	_ =	swait.ge [sflag:s8], $0x4000  }
0x1ab: {  	p1 =	seq.s32 s21, $0x1E00;
	[sflag:s8] =	ssyncset.done $0x0  }
0x1ac: {  	s21 =	simm.s32 @!p1 $0x0;
	[sflag:s8] =	ssyncadd.s32 $0xFFFFC000  }
0x1ad: {  	[tilespmem:s21], [sflag:$0x1] =	stream.linear.gather @!p1 [hbm4b:s2+s21], $0x4000, $0x38;
	[tilespmem:$0x1D080] =	vst v63  }
.Ltmp2:
0x1ae: {  	_ = 	snop;
	(pc) =	sbr.rel @p0 .LBB2_6-.Ltmp2, $4  }
0x1af: {  	_ = 	snop  }
0x1b0: {  	[spmem:s18] =	stream.indirect.scatter.add.f32 [tilespmem:s16], [sflag:$0x2], $0x80, s14, s13, $0xb8;
	[tilespmem:$0x1D080] =	vst v63  }
0x1b1: {  	_ =	swait.ge [sflag:s8], $0x4000  }
0x1b2: {  	[sflag:s8] =	ssyncset.done $0x0  }
0x1b3: {  	[sflag:s8] =	ssyncadd.s32 $0xFFFFC000  }
0x1b4: {  	s2 =	simm.s32 $0x0;
	[bflag:$0x0] =	sbarrier.arrive $0xFFFF  }
0x1b5: {  	[tilespmem:s2], [sflag:$0x2] =	stream.linear.gather [spmem:s28], $0x4000, $0x38;
	[tilespmem:$0x1D080] =	vst v63  }
0x1b6: {  	_ =	swait.ge [sflag:s8], $0x4000  }
0x1b7: {  	[sflag:s8] =	ssyncset.done $0x0  }
0x1b8: {  	[sflag:s8] =	ssyncadd.s32 $0xFFFFC000  }
0x1b9: {  	[tilespmem:s7], [sflag:$0x2] =	stream.linear.gather [spmem:s29], $0x4000, $0x38;
	[tilespmem:$0x1D080] =	vst v63  }
0x1ba: {  	_ =	swait.ge [sflag:s8], $0x4000  }
0x1bb: {  	[sflag:s8] =	ssyncset.done $0x0  }
0x1bc: {  	[sflag:s8] =	ssyncadd.s32 $0xFFFFC000  }
0x1bd: {  	[tilespmem:s16], [sflag:$0x2] =	stream.linear.gather [hbm4b:s4+s2], $0x4000, $0x38;
	[tilespmem:$0x1D080] =	vst v63  }
0x1be: {  	_ =	swait.ge [sflag:s8], $0x4000  }
0x1bf: {  	[sflag:s8] =	ssyncset.done $0x0  }
0x1c0: {  	s19 =	simm.s32 $0x0;
	[sflag:s8] =	ssyncadd.s32 $0xFFFFC000  }
0x1c1: {  	v5 =	vld [tilespmem:s19+$0x4000];
	_ =	sdelay $0x4  }
0x1c2: {  	v3 =	vmax.f32 v5, $1.000000000e+00  }
0x1c3: {  	(erf) = vrcp.f32 v3  }
0x1c4: {  	v6 =	vld [tilespmem:s19+$0x8000]  }
0x1c5: {  	v10 =	vld [tilespmem:s19+$0x8010]  }
0x1c6: {  	v11 =	vld [tilespmem:s19+$0x8020]  }
0x1c7: {  	v12 =	vld [tilespmem:s19+$0x8030]  }
0x1c8: {  	v13 =	vld [tilespmem:s19+$0x8040]  }
0x1c9: {  	v8 =	vld [tilespmem:s19+$0x0]  }
0x1ca: {  	v4 =	vld [tilespmem:s19+$0x8050]  }
0x1cb: {  	v9 =	vld [tilespmem:s19+$0x10]  }
0x1cc: {  	v14 =	vld [tilespmem:s19+$0x20];
	vm0 =	vge.f32 v5, $1.000000000e+00;
	v7 =	vpop (erf)  }
0x1cd: {  	v15 =	vld [tilespmem:s19+$0x40];
	v7 =	vnsel vm0, $0x0, v7  }
0x1ce: {  	v5 =	vld [tilespmem:s19+$0x30];
	v8 =	vmul.f32 v7, v8  }
0x1cf: {  	s2 =	simm.s32 $0x80;
	v16 =	vld [tilespmem:s19+$0x50]  }
0x1d0: {  	v3 =	vld [tilespmem:s2+$0x4000];
	v6 =	vadd.f32 v8, v6  }
0x1d1: {  	v17 =	vld [tilespmem:s19+$0x60];
	v18 =	vmul.f32 v9, v7  }
0x1d2: {  	v8 =	vld [tilespmem:s19+$0x70];
	[tilespmem:s19+$0x0] =	vst v6;
	v6 =	vmul.f32 v14, v7  }
0x1d3: {  	v9 =	vld [tilespmem:s19+$0x8060];
	v63 =	vmul.f32 v5, v7;
	v14 =	vadd.f32 v10, v18  }
0x1d4: {  	v15 =	vmul.f32 v15, v7;
	v10 =	vld [tilespmem:s19+$0x8070];
	v19 =	vadd.f32 v11, v6  }
0x1d5: {  	v12 =	vadd.f32 v12, v63;
	v5 =	vld [tilespmem:s2+$0x8000];
	[tilespmem:s19+$0x10] =	vst v14;
	v14 =	vmax.f32 v3, $1.000000000e+00;
	v11 =	vmul.f32 v16, v7  }
0x1d6: {  	s21 =	simm.s32 $0x400;
	v6 =	vld [tilespmem:s2+$0x8010];
	(erf) = vrcp.f32 v14;
	v14 =	vadd.f32 v13, v15;
	v13 =	vmul.f32 v17, v7;
	[tilespmem:s19+$0x20] =	vst v19  }
.LBB2_8:
0x1d7: {  	p0 =	sne.s32 s21, $0xFE00;
	v15 =	vld [tilespmem:s2+$0x8020];
	[tilespmem:s19+$0x30] =	vst v12;
	v4 =	vadd.f32 v4, v11;
	v7 =	vmul.f32 v8, v7  }
0x1d8: {  	v11 =	vld [tilespmem:s2+$0x8030];
	[tilespmem:s19+$0x40] =	vst v14;
	v8 =	vadd.f32 v9, v13  }
0x1d9: {  	v13 =	vld [tilespmem:s2+$0x8040];
	[tilespmem:s19+$0x50] =	vst v4;
	v7 =	vadd.f32 v10, v7  }
0x1da: {  	s22 =	sshra.s32 s21, $0x2;
	v4 =	vld [tilespmem:s2+$0x8050];
	[tilespmem:s19+$0x60] =	vst v8  }
0x1db: {  	v8 =	vld [tilespmem:s22+$0x4000];
	[tilespmem:s19+$0x70] =	vst v7;
	s19 =	smov.u32 s2;
	s2 =	smov.u32 s22  }
0x1dc: {  	v9 =	vld [tilespmem:s19+$0x0]  }
0x1dd: {  	v10 =	vld [tilespmem:s19+$0x10]  }
0x1de: {  	v12 =	vld [tilespmem:s19+$0x20]  }
0x1df: {  	vm0 =	vge.f32 v3, $1.000000000e+00;
	v14 =	vld [tilespmem:s19+$0x30];
	v3 =	vpop (erf)  }
0x1e0: {  	v7 =	vnsel vm0, $0x0, v3;
	v16 =	vld [tilespmem:s19+$0x40];
	v3 =	vmov v8  }
0x1e1: {  	v8 =	vmul.f32 v7, v9;
	v17 =	vld [tilespmem:s19+$0x50]  }
0x1e2: {  	v9 =	vmul.f32 v10, v7;
	v18 =	vld [tilespmem:s19+$0x60]  }
.Ltmp3:
0x1e3: {  	v5 =	vadd.f32 v8, v5;
	v10 =	vmul.f32 v12, v7;
	v8 =	vld [tilespmem:s19+$0x70];
	(pc) =	sbr.rel @p0 .LBB2_8-.Ltmp3, $4  }
0x1e4: {  	v6 =	vadd.f32 v6, v9;
	v12 =	vmul.f32 v14, v7;
	v9 =	vld [tilespmem:s19+$0x8060]  }
0x1e5: {  	[tilespmem:s19+$0x0] =	vst v5;
	v14 =	vadd.f32 v15, v10;
	v15 =	vmul.f32 v16, v7;
	v10 =	vld [tilespmem:s19+$0x8070]  }
0x1e6: {  	v16 =	vmax.f32 v3, $1.000000000e+00;
	v5 =	vld [tilespmem:s2+$0x8000];
	[tilespmem:s19+$0x10] =	vst v6;
	v12 =	vadd.f32 v11, v12;
	v11 =	vmul.f32 v17, v7  }
0x1e7: {  	s21 =	sadd.s32 $0x200, s21;
	v6 =	vld [tilespmem:s2+$0x8010];
	(erf) = vrcp.f32 v16;
	[tilespmem:s19+$0x20] =	vst v14;
	v14 =	vadd.f32 v13, v15;
	v13 =	vmul.f32 v18, v7  }
0x1e8: {  	v15 =	vld [tilespmem:s2+$0x8020];
	[tilespmem:s19+$0x30] =	vst v12;
	v4 =	vadd.f32 v4, v11;
	v7 =	vmul.f32 v8, v7  }
0x1e9: {  	v12 =	vld [tilespmem:s2+$0x8030];
	[tilespmem:s19+$0x40] =	vst v14;
	v9 =	vadd.f32 v9, v13  }
0x1ea: {  	v50 =	vld [tilespmem:s2+$0x8040];
	[tilespmem:s19+$0x50] =	vst v4;
	v51 =	vadd.f32 v10, v7  }
0x1eb: {  	v52 =	vld [tilespmem:s2+$0x8050];
	[tilespmem:s19+$0x60] =	vst v9  }
0x1ec: {  	[tilespmem:s19+$0x70] =	vst v51  }
0x1ed: {  	v4 =	vld [tilespmem:s2+$0x0]  }
0x1ee: {  	v9 =	vld [tilespmem:s2+$0x10]  }
0x1ef: {  	v53 =	vld [tilespmem:s2+$0x20]  }
0x1f0: {  	vm0 =	vge.f32 v3, $1.000000000e+00;
	v3 =	vld [tilespmem:s2+$0x30];
	v54 =	vpop (erf)  }
0x1f1: {  	v55 =	vld [tilespmem:s2+$0x40];
	v11 =	vnsel vm0, $0x0, v54  }
0x1f2: {  	v14 =	vld [tilespmem:s2+$0x50];
	v4 =	vmul.f32 v11, v4  }
0x1f3: {  	v16 =	vld [tilespmem:s2+$0x60];
	v9 =	vmul.f32 v9, v11  }
0x1f4: {  	v56 =	vld [tilespmem:s2+$0x70];
	v10 =	vmul.f32 v53, v11;
	v4 =	vadd.f32 v4, v5  }
0x1f5: {  	v17 =	vld [tilespmem:s2+$0x8060];
	v3 =	vmul.f32 v3, v11;
	v6 =	vadd.f32 v6, v9  }
0x1f6: {  	v59 =	vld [tilespmem:s2+$0x8070];
	v58 =	vmul.f32 v55, v11;
	v57 =	vadd.f32 v15, v10;
	[tilespmem:s2+$0x0] =	vst v4  }
0x1f7: {  	v60 =	vmul.f32 v14, v11;
	v3 =	vadd.f32 v12, v3;
	[tilespmem:s2+$0x10] =	vst v6  }
0x1f8: {  	v62 =	vmul.f32 v16, v11;
	v61 =	vadd.f32 v50, v58;
	[tilespmem:s2+$0x20] =	vst v57  }
0x1f9: {  	v5 =	vmul.f32 v56, v11;
	[tilespmem:s2+$0x30] =	vst v3;
	v3 =	vadd.f32 v52, v60  }
0x1fa: {  	v63 =	vadd.f32 v17, v62;
	[tilespmem:s2+$0x40] =	vst v61  }
0x1fb: {  	[tilespmem:s2+$0x50] =	vst v3;
	v3 =	vadd.f32 v59, v5  }
0x1fc: {  	[tilespmem:s2+$0x60] =	vst v63  }
0x1fd: {  	s21 =	simm.s32 $0x0;
	s22 =	rddreg [dreg:$0x13];
	[tilespmem:s2+$0x70] =	vst v3  }
0x1fe: {  	[hbm4b:s22+s21] =	stream.linear.scatter [tilespmem:s21], [sflag:$0x2], $0x4000, $0x38;
	[tilespmem:$0x1D080] =	vst v63  }
0x1ff: {  	_ =	swait.ge [sflag:s8], $0x4000  }
0x200: {  	[sflag:s8] =	ssyncset.done $0x0  }
0x201: {  	s19 =	simm.s32 $0x200;
	s2 =	simm.s32 $0x0;
	[sflag:s8] =	ssyncadd.s32 $0xFFFFC000  }
.LBB2_10:
0x202: {  	p0 =	sne.s32 s19, $0xFE00;
	[tilespmem:s2+$0x4070] =	vst v1  }
0x203: {  	[tilespmem:s2+$0x4000] =	vst v1  }
0x204: {  	[tilespmem:s2+$0x4010] =	vst v1  }
.Ltmp4:
0x205: {  	[tilespmem:s2+$0x4020] =	vst v1;
	(pc) =	sbr.rel @p0 .LBB2_10-.Ltmp4, $4  }
0x206: {  	[tilespmem:s2+$0x4030] =	vst v1  }
0x207: {  	[tilespmem:s2+$0x4040] =	vst v1  }
0x208: {  	[tilespmem:s2+$0x4050] =	vst v1  }
0x209: {  	[tilespmem:s2+$0x4060] =	vst v1;
	s2 =	sshra.s32 s19, $0x2;
	s19 =	sadd.s32 $0x200, s19  }
0x20a: {  	[tilespmem:s2+$0x4070] =	vst v1  }
0x20b: {  	[tilespmem:s2+$0x4000] =	vst v1  }
0x20c: {  	[tilespmem:s2+$0x4010] =	vst v1  }
0x20d: {  	[tilespmem:s2+$0x4020] =	vst v1  }
0x20e: {  	[tilespmem:s2+$0x4030] =	vst v1  }
0x20f: {  	[tilespmem:s2+$0x4040] =	vst v1  }
0x210: {  	[tilespmem:s2+$0x4050] =	vst v1  }
0x211: {  	[tilespmem:s2+$0x4060] =	vst v1  }
0x212: {  	[spmem:s28] =	stream.linear.scatter [tilespmem:s7], [sflag:$0x2], $0x4000, $0x38;
	[tilespmem:$0x1D080] =	vst v63  }
0x213: {  	_ =	swait.ge [sflag:s8], $0x4000  }
0x214: {  	[sflag:s8] =	ssyncset.done $0x0  }
0x215: {  	[sflag:s8] =	ssyncadd.s32 $0xFFFFC000  }
0x216: {  	[spmem:s29] =	stream.linear.scatter [tilespmem:s7], [sflag:$0x2], $0x4000, $0x38;
	[tilespmem:$0x1D080] =	vst v63  }
0x217: {  	_ =	swait.ge [sflag:s8], $0x4000  }
0x218: {  	[sflag:s8] =	ssyncset.done $0x0  }
0x219: {  	s22 =	simm.s32 $0x0;
	[sflag:s8] =	ssyncadd.s32 $0xFFFFC000  }
0x21a: {  	[tilespmem:s22], [sflag:$0x2] =	stream.linear.gather [spmem:s30], $0x4000, $0x38;
	[tilespmem:$0x1D080] =	vst v63  }
0x21b: {  	_ =	swait.ge [sflag:s8], $0x4000  }
0x21c: {  	[sflag:s8] =	ssyncset.done $0x0  }
0x21d: {  	[sflag:s8] =	ssyncadd.s32 $0xFFFFC000  }
0x21e: {  	[tilespmem:s7], [sflag:$0x2] =	stream.linear.gather [spmem:s31], $0x4000, $0x38;
	[tilespmem:$0x1D080] =	vst v63  }
0x21f: {  	_ =	swait.ge [sflag:s8], $0x4000  }
0x220: {  	[sflag:s8] =	ssyncset.done $0x0  }
0x221: {  	[sflag:s8] =	ssyncadd.s32 $0xFFFFC000  }
0x222: {  	[tilespmem:s16], [sflag:$0x2] =	stream.linear.gather [hbm4b:s5+s22], $0x4000, $0x38;
	[tilespmem:$0x1D080] =	vst v63  }
0x223: {  	_ =	swait.ge [sflag:s8], $0x4000  }
0x224: {  	[sflag:s8] =	ssyncset.done $0x0  }
0x225: {  	s19 =	simm.s32 $0x0;
	[sflag:s8] =	ssyncadd.s32 $0xFFFFC000  }
0x226: {  	v5 =	vld [tilespmem:s19+$0x4000];
	_ =	sdelay $0x4  }
0x227: {  	v3 =	vmax.f32 v5, $1.000000000e+00  }
0x228: {  	(erf) = vrcp.f32 v3  }
0x229: {  	v6 =	vld [tilespmem:s19+$0x8000]  }
0x22a: {  	v10 =	vld [tilespmem:s19+$0x8010]  }
0x22b: {  	v11 =	vld [tilespmem:s19+$0x8020]  }
0x22c: {  	v12 =	vld [tilespmem:s19+$0x8030]  }
0x22d: {  	v13 =	vld [tilespmem:s19+$0x8040]  }
0x22e: {  	v8 =	vld [tilespmem:s19+$0x0]  }
0x22f: {  	v4 =	vld [tilespmem:s19+$0x8050]  }
0x230: {  	v9 =	vld [tilespmem:s19+$0x10]  }
0x231: {  	v14 =	vld [tilespmem:s19+$0x20];
	vm0 =	vge.f32 v5, $1.000000000e+00;
	v7 =	vpop (erf)  }
0x232: {  	v15 =	vld [tilespmem:s19+$0x40];
	v7 =	vnsel vm0, $0x0, v7  }
0x233: {  	v5 =	vld [tilespmem:s19+$0x30];
	v8 =	vmul.f32 v7, v8  }
0x234: {  	s2 =	simm.s32 $0x80;
	v16 =	vld [tilespmem:s19+$0x50]  }
0x235: {  	v3 =	vld [tilespmem:s2+$0x4000];
	v6 =	vadd.f32 v8, v6  }
0x236: {  	v17 =	vld [tilespmem:s19+$0x60];
	v18 =	vmul.f32 v9, v7  }
0x237: {  	v8 =	vld [tilespmem:s19+$0x70];
	[tilespmem:s19+$0x0] =	vst v6;
	v6 =	vmul.f32 v14, v7  }
0x238: {  	v9 =	vld [tilespmem:s19+$0x8060];
	v63 =	vmul.f32 v5, v7;
	v14 =	vadd.f32 v10, v18  }
0x239: {  	v15 =	vmul.f32 v15, v7;
	v10 =	vld [tilespmem:s19+$0x8070];
	v19 =	vadd.f32 v11, v6  }
0x23a: {  	v12 =	vadd.f32 v12, v63;
	v5 =	vld [tilespmem:s2+$0x8000];
	[tilespmem:s19+$0x10] =	vst v14;
	v14 =	vmax.f32 v3, $1.000000000e+00;
	v11 =	vmul.f32 v16, v7  }
0x23b: {  	s21 =	simm.s32 $0x400;
	v6 =	vld [tilespmem:s2+$0x8010];
	(erf) = vrcp.f32 v14;
	v14 =	vadd.f32 v13, v15;
	v13 =	vmul.f32 v17, v7;
	[tilespmem:s19+$0x20] =	vst v19  }
.LBB2_12:
0x23c: {  	p0 =	sne.s32 s21, $0xFE00;
	v15 =	vld [tilespmem:s2+$0x8020];
	[tilespmem:s19+$0x30] =	vst v12;
	v4 =	vadd.f32 v4, v11;
	v7 =	vmul.f32 v8, v7  }
0x23d: {  	v11 =	vld [tilespmem:s2+$0x8030];
	[tilespmem:s19+$0x40] =	vst v14;
	v8 =	vadd.f32 v9, v13  }
0x23e: {  	v13 =	vld [tilespmem:s2+$0x8040];
	[tilespmem:s19+$0x50] =	vst v4;
	v7 =	vadd.f32 v10, v7  }
0x23f: {  	s22 =	sshra.s32 s21, $0x2;
	v4 =	vld [tilespmem:s2+$0x8050];
	[tilespmem:s19+$0x60] =	vst v8  }
0x240: {  	v8 =	vld [tilespmem:s22+$0x4000];
	[tilespmem:s19+$0x70] =	vst v7;
	s19 =	smov.u32 s2;
	s2 =	smov.u32 s22  }
0x241: {  	v9 =	vld [tilespmem:s19+$0x0]  }
0x242: {  	v10 =	vld [tilespmem:s19+$0x10]  }
0x243: {  	v12 =	vld [tilespmem:s19+$0x20]  }
0x244: {  	vm0 =	vge.f32 v3, $1.000000000e+00;
	v14 =	vld [tilespmem:s19+$0x30];
	v3 =	vpop (erf)  }
0x245: {  	v7 =	vnsel vm0, $0x0, v3;
	v16 =	vld [tilespmem:s19+$0x40];
	v3 =	vmov v8  }
0x246: {  	v8 =	vmul.f32 v7, v9;
	v17 =	vld [tilespmem:s19+$0x50]  }
0x247: {  	v9 =	vmul.f32 v10, v7;
	v18 =	vld [tilespmem:s19+$0x60]  }
.Ltmp5:
0x248: {  	v5 =	vadd.f32 v8, v5;
	v10 =	vmul.f32 v12, v7;
	v8 =	vld [tilespmem:s19+$0x70];
	(pc) =	sbr.rel @p0 .LBB2_12-.Ltmp5, $4  }
0x249: {  	v6 =	vadd.f32 v6, v9;
	v12 =	vmul.f32 v14, v7;
	v9 =	vld [tilespmem:s19+$0x8060]  }
0x24a: {  	[tilespmem:s19+$0x0] =	vst v5;
	v14 =	vadd.f32 v15, v10;
	v15 =	vmul.f32 v16, v7;
	v10 =	vld [tilespmem:s19+$0x8070]  }
0x24b: {  	v16 =	vmax.f32 v3, $1.000000000e+00;
	v5 =	vld [tilespmem:s2+$0x8000];
	[tilespmem:s19+$0x10] =	vst v6;
	v12 =	vadd.f32 v11, v12;
	v11 =	vmul.f32 v17, v7  }
0x24c: {  	s21 =	sadd.s32 $0x200, s21;
	v6 =	vld [tilespmem:s2+$0x8010];
	(erf) = vrcp.f32 v16;
	[tilespmem:s19+$0x20] =	vst v14;
	v14 =	vadd.f32 v13, v15;
	v13 =	vmul.f32 v18, v7  }
0x24d: {  	v15 =	vld [tilespmem:s2+$0x8020];
	[tilespmem:s19+$0x30] =	vst v12;
	v4 =	vadd.f32 v4, v11;
	v7 =	vmul.f32 v8, v7  }
0x24e: {  	v12 =	vld [tilespmem:s2+$0x8030];
	[tilespmem:s19+$0x40] =	vst v14;
	v9 =	vadd.f32 v9, v13  }
0x24f: {  	v50 =	vld [tilespmem:s2+$0x8040];
	[tilespmem:s19+$0x50] =	vst v4;
	v51 =	vadd.f32 v10, v7  }
0x250: {  	v52 =	vld [tilespmem:s2+$0x8050];
	[tilespmem:s19+$0x60] =	vst v9  }
0x251: {  	[tilespmem:s19+$0x70] =	vst v51  }
0x252: {  	v4 =	vld [tilespmem:s2+$0x0]  }
0x253: {  	v9 =	vld [tilespmem:s2+$0x10]  }
0x254: {  	v53 =	vld [tilespmem:s2+$0x20]  }
0x255: {  	vm0 =	vge.f32 v3, $1.000000000e+00;
	v3 =	vld [tilespmem:s2+$0x30];
	v54 =	vpop (erf)  }
0x256: {  	v55 =	vld [tilespmem:s2+$0x40];
	v11 =	vnsel vm0, $0x0, v54  }
0x257: {  	v14 =	vld [tilespmem:s2+$0x50];
	v4 =	vmul.f32 v11, v4  }
0x258: {  	v16 =	vld [tilespmem:s2+$0x60];
	v9 =	vmul.f32 v9, v11  }
0x259: {  	v56 =	vld [tilespmem:s2+$0x70];
	v10 =	vmul.f32 v53, v11;
	v4 =	vadd.f32 v4, v5  }
0x25a: {  	v17 =	vld [tilespmem:s2+$0x8060];
	v3 =	vmul.f32 v3, v11;
	v6 =	vadd.f32 v6, v9  }
0x25b: {  	v59 =	vld [tilespmem:s2+$0x8070];
	v58 =	vmul.f32 v55, v11;
	v57 =	vadd.f32 v15, v10;
	[tilespmem:s2+$0x0] =	vst v4  }
0x25c: {  	v60 =	vmul.f32 v14, v11;
	v3 =	vadd.f32 v12, v3;
	[tilespmem:s2+$0x10] =	vst v6  }
0x25d: {  	v62 =	vmul.f32 v16, v11;
	v61 =	vadd.f32 v50, v58;
	[tilespmem:s2+$0x20] =	vst v57  }
0x25e: {  	v5 =	vmul.f32 v56, v11;
	[tilespmem:s2+$0x30] =	vst v3;
	v3 =	vadd.f32 v52, v60  }
0x25f: {  	v63 =	vadd.f32 v17, v62;
	[tilespmem:s2+$0x40] =	vst v61  }
0x260: {  	[tilespmem:s2+$0x50] =	vst v3;
	v3 =	vadd.f32 v59, v5  }
0x261: {  	[tilespmem:s2+$0x60] =	vst v63  }
0x262: {  	s21 =	simm.s32 $0x0;
	s22 =	rddreg [dreg:$0x14];
	[tilespmem:s2+$0x70] =	vst v3  }
0x263: {  	[hbm4b:s22+s21] =	stream.linear.scatter [tilespmem:s21], [sflag:$0x2], $0x4000, $0x38;
	[tilespmem:$0x1D080] =	vst v63  }
0x264: {  	_ =	swait.ge [sflag:s8], $0x4000  }
0x265: {  	[sflag:s8] =	ssyncset.done $0x0  }
0x266: {  	s19 =	simm.s32 $0x200;
	s2 =	simm.s32 $0x0;
	[sflag:s8] =	ssyncadd.s32 $0xFFFFC000  }
.LBB2_14:
0x267: {  	p0 =	sne.s32 s19, $0xFE00;
	[tilespmem:s2+$0x4070] =	vst v1  }
0x268: {  	[tilespmem:s2+$0x4000] =	vst v1  }
0x269: {  	[tilespmem:s2+$0x4010] =	vst v1  }
.Ltmp6:
0x26a: {  	[tilespmem:s2+$0x4020] =	vst v1;
	(pc) =	sbr.rel @p0 .LBB2_14-.Ltmp6, $4  }
0x26b: {  	[tilespmem:s2+$0x4030] =	vst v1  }
0x26c: {  	[tilespmem:s2+$0x4040] =	vst v1  }
0x26d: {  	[tilespmem:s2+$0x4050] =	vst v1  }
0x26e: {  	[tilespmem:s2+$0x4060] =	vst v1;
	s2 =	sshra.s32 s19, $0x2;
	s19 =	sadd.s32 $0x200, s19  }
0x26f: {  	[tilespmem:s2+$0x4070] =	vst v1  }
0x270: {  	[tilespmem:s2+$0x4000] =	vst v1  }
0x271: {  	[tilespmem:s2+$0x4010] =	vst v1  }
0x272: {  	[tilespmem:s2+$0x4020] =	vst v1  }
0x273: {  	[tilespmem:s2+$0x4030] =	vst v1  }
0x274: {  	[tilespmem:s2+$0x4040] =	vst v1  }
0x275: {  	[tilespmem:s2+$0x4050] =	vst v1  }
0x276: {  	[tilespmem:s2+$0x4060] =	vst v1  }
0x277: {  	[spmem:s30] =	stream.linear.scatter [tilespmem:s7], [sflag:$0x2], $0x4000, $0x38;
	[tilespmem:$0x1D080] =	vst v63  }
0x278: {  	_ =	swait.ge [sflag:s8], $0x4000  }
0x279: {  	[sflag:s8] =	ssyncset.done $0x0  }
0x27a: {  	[sflag:s8] =	ssyncadd.s32 $0xFFFFC000  }
0x27b: {  	[spmem:s31] =	stream.linear.scatter [tilespmem:s7], [sflag:$0x2], $0x4000, $0x38;
	[tilespmem:$0x1D080] =	vst v63  }
0x27c: {  	_ =	swait.ge [sflag:s8], $0x4000  }
0x27d: {  	[sflag:s8] =	ssyncset.done $0x0  }
0x27e: {  	[sflag:s8] =	ssyncadd.s32 $0xFFFFC000  }
0x27f: {  	s2 =	simm.s32 $0x0;
	s19 =	simm.s32 $0x200;
	[bflag:$0x0] =	sbarrier.arrive $0xFFFF  }
.LBB2_16:
0x280: {  	p0 =	sne.s32 s19, $0xFE00;
	[tilespmem:s2+$0x8070] =	vst v2  }
0x281: {  	[tilespmem:s2+$0x8000] =	vst v2  }
0x282: {  	[tilespmem:s2+$0x8010] =	vst v2  }
.Ltmp7:
0x283: {  	[tilespmem:s2+$0x8020] =	vst v2;
	(pc) =	sbr.rel @p0 .LBB2_16-.Ltmp7, $4  }
0x284: {  	[tilespmem:s2+$0x8030] =	vst v2  }
0x285: {  	[tilespmem:s2+$0x8040] =	vst v2  }
0x286: {  	[tilespmem:s2+$0x8050] =	vst v2  }
0x287: {  	[tilespmem:s2+$0x8060] =	vst v2;
	s2 =	sshra.s32 s19, $0x2;
	s19 =	sadd.s32 $0x200, s19  }
0x288: {  	[tilespmem:s2+$0x8070] =	vst v2  }
0x289: {  	[tilespmem:s2+$0x8000] =	vst v2  }
0x28a: {  	[tilespmem:s2+$0x8010] =	vst v2  }
0x28b: {  	[tilespmem:s2+$0x8020] =	vst v2  }
0x28c: {  	[tilespmem:s2+$0x8030] =	vst v2  }
0x28d: {  	[tilespmem:s2+$0x8040] =	vst v2  }
0x28e: {  	[tilespmem:s2+$0x8050] =	vst v2  }
0x28f: {  	[tilespmem:s2+$0x8060] =	vst v2;
	s2 =	simm.s32 $0x0;
	s19 =	rddreg [dreg:$0x9]  }
0x290: {  	[tilespmem:s9], [sflag:$0x2] =	stream.linear.gather [hbm4b:s19+s2], $0x800, $0x38;
	[tilespmem:$0x1D080] =	vst v63  }
0x291: {  	_ =	swait.ge [sflag:s8], $0x800  }
0x292: {  	[sflag:s8] =	ssyncset.done $0x0  }
0x293: {  	s22 =	rddreg [dreg:$0xa];
	[sflag:s8] =	ssyncadd.s32 $0xFFFFF800  }
0x294: {  	[tilespmem:s10], [sflag:$0x2] =	stream.linear.gather [hbm4b:s22+s2], $0x800, $0x38;
	[tilespmem:$0x1D080] =	vst v63  }
0x295: {  	_ =	swait.ge [sflag:s8], $0x800  }
0x296: {  	[sflag:s8] =	ssyncset.done $0x0  }
0x297: {  	s22 =	simm.s32 $0x0;
	s21 =	rddreg [dreg:$0x10];
	[sflag:s8] =	ssyncadd.s32 $0xFFFFF800  }
0x298: {  	[tilespmem:s2], [sflag:$0x1] =	stream.linear.gather [hbm4b:s21+s2], $0x4000, $0x38;
	[tilespmem:$0x1D080] =	vst v63  }
0x299: {  	v3 =	vld [tilespmem:s22+$0xC000]  }
0x29a: {  	v4 =	vld [tilespmem:s22+$0xC800];
	_ =	sdelay $0x3  }
0x29b: {  	v3 =	vmul.f32 v3, v0  }
0x29c: {  	v4 =	vmul.f32 v4, v0  }
0x29d: {  	v3 =	vadd.f32 $1.258291200e+07, v3  }
0x29e: {  	v4 =	vadd.f32 $1.258291200e+07, v4  }
0x29f: {  	v3 =	vadd.f32 $-1.258291200e+07, v3  }
0x2a0: {  	v4 =	vadd.f32 $-1.258291200e+07, v4  }
0x2a1: {  	v3 =	vmax.f32 v3, $0.0e+00  }
0x2a2: {  	v4 =	vmax.f32 v4, $0.0e+00;
	v3 =	vmin.f32 v3, $6.300000000e+01  }
0x2a3: {  	v4 =	vmin.f32 v4, $6.300000000e+01;
	v3 =	vtrunc.f32 v3  }
0x2a4: {  	v4 =	vtrunc.f32 v4;
	v3 =	vcvt.f32.s32 v3  }
0x2a5: {  	v4 =	vcvt.f32.s32 v4  }
0x2a6: {  	v3 =	vshll.u32 v3, $0x6  }
0x2a7: {  	v3 =	vadd.s32 v4, v3  }
0x2a8: {  	vm0 =	vgt.s32 v3, $0x0  }
0x2a9: {  	v3 =	vnsel vm0, $0x0, v3  }
0x2aa: {  	v3 =	vmin.u32 v3, $0xFFF  }
0x2ab: {  	[tilespmem:$0xD000] =	vst v3  }
0x2ac: {  	v3 =	vld [tilespmem:s22+$0xC010]  }
0x2ad: {  	v57 =	vld [tilespmem:s22+$0xC810];
	_ =	sdelay $0x3  }
0x2ae: {  	v3 =	vmul.f32 v3, v0  }
0x2af: {  	v4 =	vmul.f32 v57, v0  }
0x2b0: {  	v3 =	vadd.f32 $1.258291200e+07, v3  }
0x2b1: {  	v4 =	vadd.f32 $1.258291200e+07, v4  }
0x2b2: {  	v3 =	vadd.f32 $-1.258291200e+07, v3  }
0x2b3: {  	v4 =	vadd.f32 $-1.258291200e+07, v4  }
0x2b4: {  	v3 =	vmax.f32 v3, $0.0e+00  }
0x2b5: {  	v4 =	vmax.f32 v4, $0.0e+00;
	v3 =	vmin.f32 v3, $6.300000000e+01  }
0x2b6: {  	v4 =	vmin.f32 v4, $6.300000000e+01;
	v3 =	vtrunc.f32 v3  }
0x2b7: {  	v4 =	vtrunc.f32 v4;
	v3 =	vcvt.f32.s32 v3  }
0x2b8: {  	v4 =	vcvt.f32.s32 v4  }
0x2b9: {  	v3 =	vshll.u32 v3, $0x6  }
0x2ba: {  	v3 =	vadd.s32 v4, v3  }
0x2bb: {  	vm9 =	vgt.s32 v3, $0x0  }
0x2bc: {  	v3 =	vnsel vm9, $0x0, v3  }
0x2bd: {  	v3 =	vmin.u32 v3, $0xFFF  }
0x2be: {  	[tilespmem:$0xD010] =	vst v3  }
0x2bf: {  	v3 =	vld [tilespmem:s22+$0xC020]  }
0x2c0: {  	v58 =	vld [tilespmem:s22+$0xC820];
	_ =	sdelay $0x3  }
0x2c1: {  	v3 =	vmul.f32 v3, v0  }
0x2c2: {  	v4 =	vmul.f32 v58, v0  }
0x2c3: {  	v3 =	vadd.f32 $1.258291200e+07, v3  }
0x2c4: {  	v4 =	vadd.f32 $1.258291200e+07, v4  }
0x2c5: {  	v3 =	vadd.f32 $-1.258291200e+07, v3  }
0x2c6: {  	v4 =	vadd.f32 $-1.258291200e+07, v4  }
0x2c7: {  	v3 =	vmax.f32 v3, $0.0e+00  }
0x2c8: {  	v4 =	vmax.f32 v4, $0.0e+00;
	v3 =	vmin.f32 v3, $6.300000000e+01  }
0x2c9: {  	v4 =	vmin.f32 v4, $6.300000000e+01;
	v3 =	vtrunc.f32 v3  }
0x2ca: {  	v4 =	vtrunc.f32 v4;
	v3 =	vcvt.f32.s32 v3  }
0x2cb: {  	v4 =	vcvt.f32.s32 v4  }
0x2cc: {  	v3 =	vshll.u32 v3, $0x6  }
0x2cd: {  	v3 =	vadd.s32 v4, v3  }
0x2ce: {  	vm10 =	vgt.s32 v3, $0x0  }
0x2cf: {  	v3 =	vnsel vm10, $0x0, v3  }
0x2d0: {  	v3 =	vmin.u32 v3, $0xFFF  }
0x2d1: {  	[tilespmem:$0xD020] =	vst v3  }
0x2d2: {  	v3 =	vld [tilespmem:s22+$0xC030]  }
0x2d3: {  	v59 =	vld [tilespmem:s22+$0xC830];
	_ =	sdelay $0x3  }
0x2d4: {  	v3 =	vmul.f32 v3, v0  }
0x2d5: {  	v4 =	vmul.f32 v59, v0  }
0x2d6: {  	v3 =	vadd.f32 $1.258291200e+07, v3  }
0x2d7: {  	v4 =	vadd.f32 $1.258291200e+07, v4  }
0x2d8: {  	v3 =	vadd.f32 $-1.258291200e+07, v3  }
0x2d9: {  	v4 =	vadd.f32 $-1.258291200e+07, v4  }
0x2da: {  	v3 =	vmax.f32 v3, $0.0e+00  }
0x2db: {  	v4 =	vmax.f32 v4, $0.0e+00;
	v3 =	vmin.f32 v3, $6.300000000e+01  }
0x2dc: {  	v4 =	vmin.f32 v4, $6.300000000e+01;
	v3 =	vtrunc.f32 v3  }
0x2dd: {  	v4 =	vtrunc.f32 v4;
	v3 =	vcvt.f32.s32 v3  }
0x2de: {  	v4 =	vcvt.f32.s32 v4  }
0x2df: {  	v3 =	vshll.u32 v3, $0x6  }
0x2e0: {  	v3 =	vadd.s32 v4, v3  }
0x2e1: {  	vm11 =	vgt.s32 v3, $0x0  }
0x2e2: {  	v3 =	vnsel vm11, $0x0, v3  }
0x2e3: {  	v3 =	vmin.u32 v3, $0xFFF  }
0x2e4: {  	[tilespmem:$0xD030] =	vst v3  }
0x2e5: {  	v3 =	vld [tilespmem:s22+$0xC040]  }
0x2e6: {  	v60 =	vld [tilespmem:s22+$0xC840];
	_ =	sdelay $0x3  }
0x2e7: {  	v3 =	vmul.f32 v3, v0  }
0x2e8: {  	v4 =	vmul.f32 v60, v0  }
0x2e9: {  	v3 =	vadd.f32 $1.258291200e+07, v3  }
0x2ea: {  	v4 =	vadd.f32 $1.258291200e+07, v4  }
0x2eb: {  	v3 =	vadd.f32 $-1.258291200e+07, v3  }
0x2ec: {  	v4 =	vadd.f32 $-1.258291200e+07, v4  }
0x2ed: {  	v3 =	vmax.f32 v3, $0.0e+00  }
0x2ee: {  	v4 =	vmax.f32 v4, $0.0e+00;
	v3 =	vmin.f32 v3, $6.300000000e+01  }
0x2ef: {  	v4 =	vmin.f32 v4, $6.300000000e+01;
	v3 =	vtrunc.f32 v3  }
0x2f0: {  	v4 =	vtrunc.f32 v4;
	v3 =	vcvt.f32.s32 v3  }
0x2f1: {  	v4 =	vcvt.f32.s32 v4  }
0x2f2: {  	v3 =	vshll.u32 v3, $0x6  }
0x2f3: {  	v3 =	vadd.s32 v4, v3  }
0x2f4: {  	vm12 =	vgt.s32 v3, $0x0  }
0x2f5: {  	v3 =	vnsel vm12, $0x0, v3  }
0x2f6: {  	v3 =	vmin.u32 v3, $0xFFF  }
0x2f7: {  	[tilespmem:$0xD040] =	vst v3  }
0x2f8: {  	v3 =	vld [tilespmem:s22+$0xC050]  }
0x2f9: {  	v61 =	vld [tilespmem:s22+$0xC850];
	_ =	sdelay $0x3  }
0x2fa: {  	v3 =	vmul.f32 v3, v0  }
0x2fb: {  	v4 =	vmul.f32 v61, v0  }
0x2fc: {  	v3 =	vadd.f32 $1.258291200e+07, v3  }
0x2fd: {  	v4 =	vadd.f32 $1.258291200e+07, v4  }
0x2fe: {  	v3 =	vadd.f32 $-1.258291200e+07, v3  }
0x2ff: {  	v4 =	vadd.f32 $-1.258291200e+07, v4  }
0x300: {  	v3 =	vmax.f32 v3, $0.0e+00  }
0x301: {  	v4 =	vmax.f32 v4, $0.0e+00;
	v3 =	vmin.f32 v3, $6.300000000e+01  }
0x302: {  	v4 =	vmin.f32 v4, $6.300000000e+01;
	v3 =	vtrunc.f32 v3  }
0x303: {  	v4 =	vtrunc.f32 v4;
	v3 =	vcvt.f32.s32 v3  }
0x304: {  	v4 =	vcvt.f32.s32 v4  }
0x305: {  	v3 =	vshll.u32 v3, $0x6  }
0x306: {  	v3 =	vadd.s32 v4, v3  }
0x307: {  	vm13 =	vgt.s32 v3, $0x0  }
0x308: {  	v3 =	vnsel vm13, $0x0, v3  }
0x309: {  	v3 =	vmin.u32 v3, $0xFFF  }
0x30a: {  	[tilespmem:$0xD050] =	vst v3  }
0x30b: {  	v3 =	vld [tilespmem:s22+$0xC060]  }
0x30c: {  	v62 =	vld [tilespmem:s22+$0xC860];
	_ =	sdelay $0x3  }
0x30d: {  	v3 =	vmul.f32 v3, v0  }
0x30e: {  	v4 =	vmul.f32 v62, v0  }
0x30f: {  	v3 =	vadd.f32 $1.258291200e+07, v3  }
0x310: {  	v4 =	vadd.f32 $1.258291200e+07, v4  }
0x311: {  	v3 =	vadd.f32 $-1.258291200e+07, v3  }
0x312: {  	v4 =	vadd.f32 $-1.258291200e+07, v4  }
0x313: {  	v3 =	vmax.f32 v3, $0.0e+00  }
0x314: {  	v4 =	vmax.f32 v4, $0.0e+00;
	v3 =	vmin.f32 v3, $6.300000000e+01  }
0x315: {  	v4 =	vmin.f32 v4, $6.300000000e+01;
	v3 =	vtrunc.f32 v3  }
0x316: {  	v4 =	vtrunc.f32 v4;
	v3 =	vcvt.f32.s32 v3  }
0x317: {  	v4 =	vcvt.f32.s32 v4  }
0x318: {  	v3 =	vshll.u32 v3, $0x6  }
0x319: {  	v3 =	vadd.s32 v4, v3  }
0x31a: {  	vm14 =	vgt.s32 v3, $0x0  }
0x31b: {  	v3 =	vnsel vm14, $0x0, v3  }
0x31c: {  	v3 =	vmin.u32 v3, $0xFFF  }
0x31d: {  	[tilespmem:$0xD060] =	vst v3  }
0x31e: {  	v3 =	vld [tilespmem:s22+$0xC070]  }
0x31f: {  	v63 =	vld [tilespmem:s22+$0xC870];
	_ =	sdelay $0x3  }
0x320: {  	v3 =	vmul.f32 v3, v0  }
0x321: {  	v4 =	vmul.f32 v63, v0  }
0x322: {  	v3 =	vadd.f32 $1.258291200e+07, v3  }
0x323: {  	v4 =	vadd.f32 $1.258291200e+07, v4  }
0x324: {  	v3 =	vadd.f32 $-1.258291200e+07, v3  }
0x325: {  	v4 =	vadd.f32 $-1.258291200e+07, v4  }
0x326: {  	v3 =	vmax.f32 v3, $0.0e+00  }
0x327: {  	v4 =	vmax.f32 v4, $0.0e+00;
	v3 =	vmin.f32 v3, $6.300000000e+01  }
0x328: {  	v4 =	vmin.f32 v4, $6.300000000e+01;
	v3 =	vtrunc.f32 v3  }
0x329: {  	v4 =	vtrunc.f32 v4;
	v3 =	vcvt.f32.s32 v3  }
0x32a: {  	v4 =	vcvt.f32.s32 v4  }
0x32b: {  	v3 =	vshll.u32 v3, $0x6  }
0x32c: {  	v3 =	vadd.s32 v4, v3  }
0x32d: {  	vm15 =	vgt.s32 v3, $0x0  }
0x32e: {  	v3 =	vnsel vm15, $0x0, v3  }
0x32f: {  	v3 =	vmin.u32 v3, $0xFFF  }
0x330: {  	[tilespmem:$0xD070] =	vst v3  }
0x331: {  	_ =	swait.ge [sflag:s12], $0x4000  }
0x332: {  	[sflag:s12] =	ssyncset.done $0x0  }
0x333: {  	[sflag:s12] =	ssyncadd.s32 $0xFFFFC000  }
0x334: {  	[spmem:s1] =	stream.indirect.scatter.add.f32 [tilespmem:s11], [sflag:$0x2], $0x80, s14, s13, $0xb8;
	[tilespmem:$0x1D080] =	vst v63  }
0x335: {  	_ =	swait.ge [sflag:s8], $0x4000  }
0x336: {  	p0 =	por $0x0, $0x0;
	[sflag:s8] =	ssyncset.done $0x0  }
0x337: {  	s2 =	simm.s32 @!p0 $0x0;
	[sflag:s8] =	ssyncadd.s32 $0xFFFFC000  }
0x338: {  	[tilespmem:s2], [sflag:$0x1] =	stream.linear.gather @!p0 [hbm4b:s0+s2], $0x4000, $0x38;
	[tilespmem:$0x1D080] =	vst v63  }
0x339: {  	_ = 	snop  }
0x33a: {  	[spmem:s18] =	stream.indirect.scatter.add.f32 [tilespmem:s16], [sflag:$0x2], $0x80, s14, s13, $0xb8;
	[tilespmem:$0x1D080] =	vst v63  }
0x33b: {  	_ =	swait.ge [sflag:s8], $0x4000  }
0x33c: {  	s19 =	simm.s32 $0x200;
	s2 =	smov.u32 s0;
	[sflag:s8] =	ssyncset.done $0x0  }
.LBB2_18:
0x33d: {  	[sflag:s8] =	ssyncadd.s32 $0xFFFFC000  }
0x33e: {  	s2 =	sadd.s32 $0x800, s2;
	s21 =	smov.u32 s19;
	s19 =	sadd.s32 $0x200, s19  }
0x33f: {  	s22 =	sshra.s32 s21, $0x2;
	p0 =	sne.s32 s19, $0x2000  }
0x340: {  	v3 =	vld [tilespmem:s22+$0xC000]  }
0x341: {  	v4 =	vld [tilespmem:s22+$0xC800];
	_ =	sdelay $0x3  }
0x342: {  	v3 =	vmul.f32 v3, v0  }
0x343: {  	v4 =	vmul.f32 v4, v0  }
0x344: {  	v3 =	vadd.f32 $1.258291200e+07, v3  }
0x345: {  	v4 =	vadd.f32 $1.258291200e+07, v4  }
0x346: {  	v3 =	vadd.f32 $-1.258291200e+07, v3  }
0x347: {  	v4 =	vadd.f32 $-1.258291200e+07, v4  }
0x348: {  	v3 =	vmax.f32 v3, $0.0e+00  }
0x349: {  	v3 =	vmin.f32 v3, $6.300000000e+01;
	v4 =	vmax.f32 v4, $0.0e+00  }
0x34a: {  	v4 =	vmin.f32 v4, $6.300000000e+01;
	v3 =	vtrunc.f32 v3  }
0x34b: {  	v3 =	vcvt.f32.s32 v3;
	v4 =	vtrunc.f32 v4  }
0x34c: {  	v4 =	vcvt.f32.s32 v4  }
0x34d: {  	v3 =	vshll.u32 v3, $0x6  }
0x34e: {  	v3 =	vadd.s32 v4, v3  }
0x34f: {  	vm0 =	vgt.s32 v3, $0x0  }
0x350: {  	v3 =	vnsel vm0, $0x0, v3  }
0x351: {  	v3 =	vmin.u32 v3, $0xFFF  }
0x352: {  	[tilespmem:$0xD000] =	vst v3  }
0x353: {  	v3 =	vld [tilespmem:s22+$0xC010]  }
0x354: {  	v4 =	vld [tilespmem:s22+$0xC810];
	_ =	sdelay $0x3  }
0x355: {  	v3 =	vmul.f32 v3, v0  }
0x356: {  	v4 =	vmul.f32 v4, v0  }
0x357: {  	v3 =	vadd.f32 $1.258291200e+07, v3  }
0x358: {  	v4 =	vadd.f32 $1.258291200e+07, v4  }
0x359: {  	v3 =	vadd.f32 $-1.258291200e+07, v3  }
0x35a: {  	v4 =	vadd.f32 $-1.258291200e+07, v4  }
0x35b: {  	v3 =	vmax.f32 v3, $0.0e+00  }
0x35c: {  	v3 =	vmin.f32 v3, $6.300000000e+01;
	v4 =	vmax.f32 v4, $0.0e+00  }
0x35d: {  	v4 =	vmin.f32 v4, $6.300000000e+01;
	v3 =	vtrunc.f32 v3  }
0x35e: {  	v3 =	vcvt.f32.s32 v3;
	v4 =	vtrunc.f32 v4  }
0x35f: {  	v4 =	vcvt.f32.s32 v4  }
0x360: {  	v3 =	vshll.u32 v3, $0x6  }
0x361: {  	v3 =	vadd.s32 v4, v3  }
0x362: {  	vm0 =	vgt.s32 v3, $0x0  }
0x363: {  	v3 =	vnsel vm0, $0x0, v3  }
0x364: {  	v3 =	vmin.u32 v3, $0xFFF  }
0x365: {  	[tilespmem:$0xD010] =	vst v3  }
0x366: {  	v3 =	vld [tilespmem:s22+$0xC020]  }
0x367: {  	v4 =	vld [tilespmem:s22+$0xC820];
	_ =	sdelay $0x3  }
0x368: {  	v3 =	vmul.f32 v3, v0  }
0x369: {  	v4 =	vmul.f32 v4, v0  }
0x36a: {  	v3 =	vadd.f32 $1.258291200e+07, v3  }
0x36b: {  	v4 =	vadd.f32 $1.258291200e+07, v4  }
0x36c: {  	v3 =	vadd.f32 $-1.258291200e+07, v3  }
0x36d: {  	v4 =	vadd.f32 $-1.258291200e+07, v4  }
0x36e: {  	v3 =	vmax.f32 v3, $0.0e+00  }
0x36f: {  	v3 =	vmin.f32 v3, $6.300000000e+01;
	v4 =	vmax.f32 v4, $0.0e+00  }
0x370: {  	v4 =	vmin.f32 v4, $6.300000000e+01;
	v3 =	vtrunc.f32 v3  }
0x371: {  	v3 =	vcvt.f32.s32 v3;
	v4 =	vtrunc.f32 v4  }
0x372: {  	v4 =	vcvt.f32.s32 v4  }
0x373: {  	v3 =	vshll.u32 v3, $0x6  }
0x374: {  	v3 =	vadd.s32 v4, v3  }
0x375: {  	vm0 =	vgt.s32 v3, $0x0  }
0x376: {  	v3 =	vnsel vm0, $0x0, v3  }
0x377: {  	v3 =	vmin.u32 v3, $0xFFF  }
0x378: {  	[tilespmem:$0xD020] =	vst v3  }
0x379: {  	v3 =	vld [tilespmem:s22+$0xC030]  }
0x37a: {  	v4 =	vld [tilespmem:s22+$0xC830];
	_ =	sdelay $0x3  }
0x37b: {  	v3 =	vmul.f32 v3, v0  }
0x37c: {  	v4 =	vmul.f32 v4, v0  }
0x37d: {  	v3 =	vadd.f32 $1.258291200e+07, v3  }
0x37e: {  	v4 =	vadd.f32 $1.258291200e+07, v4  }
0x37f: {  	v3 =	vadd.f32 $-1.258291200e+07, v3  }
0x380: {  	v4 =	vadd.f32 $-1.258291200e+07, v4  }
0x381: {  	v3 =	vmax.f32 v3, $0.0e+00  }
0x382: {  	v3 =	vmin.f32 v3, $6.300000000e+01;
	v4 =	vmax.f32 v4, $0.0e+00  }
0x383: {  	v4 =	vmin.f32 v4, $6.300000000e+01;
	v3 =	vtrunc.f32 v3  }
0x384: {  	v3 =	vcvt.f32.s32 v3;
	v4 =	vtrunc.f32 v4  }
0x385: {  	v4 =	vcvt.f32.s32 v4  }
0x386: {  	v3 =	vshll.u32 v3, $0x6  }
0x387: {  	v3 =	vadd.s32 v4, v3  }
0x388: {  	vm0 =	vgt.s32 v3, $0x0  }
0x389: {  	v3 =	vnsel vm0, $0x0, v3  }
0x38a: {  	v3 =	vmin.u32 v3, $0xFFF  }
0x38b: {  	[tilespmem:$0xD030] =	vst v3  }
0x38c: {  	v3 =	vld [tilespmem:s22+$0xC040]  }
0x38d: {  	v4 =	vld [tilespmem:s22+$0xC840];
	_ =	sdelay $0x3  }
0x38e: {  	v3 =	vmul.f32 v3, v0  }
0x38f: {  	v4 =	vmul.f32 v4, v0  }
0x390: {  	v3 =	vadd.f32 $1.258291200e+07, v3  }
0x391: {  	v4 =	vadd.f32 $1.258291200e+07, v4  }
0x392: {  	v3 =	vadd.f32 $-1.258291200e+07, v3  }
0x393: {  	v4 =	vadd.f32 $-1.258291200e+07, v4  }
0x394: {  	v3 =	vmax.f32 v3, $0.0e+00  }
0x395: {  	v3 =	vmin.f32 v3, $6.300000000e+01;
	v4 =	vmax.f32 v4, $0.0e+00  }
0x396: {  	v4 =	vmin.f32 v4, $6.300000000e+01;
	v3 =	vtrunc.f32 v3  }
0x397: {  	v3 =	vcvt.f32.s32 v3;
	v4 =	vtrunc.f32 v4  }
0x398: {  	v4 =	vcvt.f32.s32 v4  }
0x399: {  	v3 =	vshll.u32 v3, $0x6  }
0x39a: {  	v3 =	vadd.s32 v4, v3  }
0x39b: {  	vm0 =	vgt.s32 v3, $0x0  }
0x39c: {  	v3 =	vnsel vm0, $0x0, v3  }
0x39d: {  	v3 =	vmin.u32 v3, $0xFFF  }
0x39e: {  	[tilespmem:$0xD040] =	vst v3  }
0x39f: {  	v3 =	vld [tilespmem:s22+$0xC050]  }
0x3a0: {  	v4 =	vld [tilespmem:s22+$0xC850];
	_ =	sdelay $0x3  }
0x3a1: {  	v3 =	vmul.f32 v3, v0  }
0x3a2: {  	v4 =	vmul.f32 v4, v0  }
0x3a3: {  	v3 =	vadd.f32 $1.258291200e+07, v3  }
0x3a4: {  	v4 =	vadd.f32 $1.258291200e+07, v4  }
0x3a5: {  	v3 =	vadd.f32 $-1.258291200e+07, v3  }
0x3a6: {  	v4 =	vadd.f32 $-1.258291200e+07, v4  }
0x3a7: {  	v3 =	vmax.f32 v3, $0.0e+00  }
0x3a8: {  	v3 =	vmin.f32 v3, $6.300000000e+01;
	v4 =	vmax.f32 v4, $0.0e+00  }
0x3a9: {  	v4 =	vmin.f32 v4, $6.300000000e+01;
	v3 =	vtrunc.f32 v3  }
0x3aa: {  	v3 =	vcvt.f32.s32 v3;
	v4 =	vtrunc.f32 v4  }
0x3ab: {  	v4 =	vcvt.f32.s32 v4  }
0x3ac: {  	v3 =	vshll.u32 v3, $0x6  }
0x3ad: {  	v3 =	vadd.s32 v4, v3  }
0x3ae: {  	vm0 =	vgt.s32 v3, $0x0  }
0x3af: {  	v3 =	vnsel vm0, $0x0, v3  }
0x3b0: {  	v3 =	vmin.u32 v3, $0xFFF  }
0x3b1: {  	[tilespmem:$0xD050] =	vst v3  }
0x3b2: {  	v3 =	vld [tilespmem:s22+$0xC060]  }
0x3b3: {  	v4 =	vld [tilespmem:s22+$0xC860];
	_ =	sdelay $0x3  }
0x3b4: {  	v3 =	vmul.f32 v3, v0  }
0x3b5: {  	v4 =	vmul.f32 v4, v0  }
0x3b6: {  	v3 =	vadd.f32 $1.258291200e+07, v3  }
0x3b7: {  	v4 =	vadd.f32 $1.258291200e+07, v4  }
0x3b8: {  	v3 =	vadd.f32 $-1.258291200e+07, v3  }
0x3b9: {  	v4 =	vadd.f32 $-1.258291200e+07, v4  }
0x3ba: {  	v3 =	vmax.f32 v3, $0.0e+00  }
0x3bb: {  	v3 =	vmin.f32 v3, $6.300000000e+01;
	v4 =	vmax.f32 v4, $0.0e+00  }
0x3bc: {  	v4 =	vmin.f32 v4, $6.300000000e+01;
	v3 =	vtrunc.f32 v3  }
0x3bd: {  	v3 =	vcvt.f32.s32 v3;
	v4 =	vtrunc.f32 v4  }
0x3be: {  	v4 =	vcvt.f32.s32 v4  }
0x3bf: {  	v3 =	vshll.u32 v3, $0x6  }
0x3c0: {  	v3 =	vadd.s32 v4, v3  }
0x3c1: {  	vm0 =	vgt.s32 v3, $0x0  }
0x3c2: {  	v3 =	vnsel vm0, $0x0, v3  }
0x3c3: {  	v3 =	vmin.u32 v3, $0xFFF  }
0x3c4: {  	[tilespmem:$0xD060] =	vst v3  }
0x3c5: {  	v3 =	vld [tilespmem:s22+$0xC070]  }
0x3c6: {  	v4 =	vld [tilespmem:s22+$0xC870];
	_ =	sdelay $0x3  }
0x3c7: {  	v3 =	vmul.f32 v3, v0  }
0x3c8: {  	v4 =	vmul.f32 v4, v0  }
0x3c9: {  	v3 =	vadd.f32 $1.258291200e+07, v3  }
0x3ca: {  	v4 =	vadd.f32 $1.258291200e+07, v4  }
0x3cb: {  	v3 =	vadd.f32 $-1.258291200e+07, v3  }
0x3cc: {  	v4 =	vadd.f32 $-1.258291200e+07, v4  }
0x3cd: {  	v3 =	vmax.f32 v3, $0.0e+00  }
0x3ce: {  	v3 =	vmin.f32 v3, $6.300000000e+01;
	v4 =	vmax.f32 v4, $0.0e+00  }
0x3cf: {  	v4 =	vmin.f32 v4, $6.300000000e+01;
	v3 =	vtrunc.f32 v3  }
0x3d0: {  	v3 =	vcvt.f32.s32 v3;
	v4 =	vtrunc.f32 v4  }
0x3d1: {  	v4 =	vcvt.f32.s32 v4  }
0x3d2: {  	v3 =	vshll.u32 v3, $0x6  }
0x3d3: {  	v3 =	vadd.s32 v4, v3  }
0x3d4: {  	vm0 =	vgt.s32 v3, $0x0  }
0x3d5: {  	v3 =	vnsel vm0, $0x0, v3  }
0x3d6: {  	v3 =	vmin.u32 v3, $0xFFF  }
0x3d7: {  	[tilespmem:$0xD070] =	vst v3  }
0x3d8: {  	_ =	swait.ge [sflag:s12], $0x4000  }
0x3d9: {  	[sflag:s12] =	ssyncset.done $0x0  }
0x3da: {  	[sflag:s12] =	ssyncadd.s32 $0xFFFFC000  }
0x3db: {  	[spmem:s1] =	stream.indirect.scatter.add.f32 [tilespmem:s11], [sflag:$0x2], $0x80, s14, s13, $0xb8;
	[tilespmem:$0x1D080] =	vst v63  }
0x3dc: {  	_ =	swait.ge [sflag:s8], $0x4000  }
0x3dd: {  	p1 =	seq.s32 s21, $0x1E00;
	[sflag:s8] =	ssyncset.done $0x0  }
0x3de: {  	s21 =	simm.s32 @!p1 $0x0;
	[sflag:s8] =	ssyncadd.s32 $0xFFFFC000  }
0x3df: {  	[tilespmem:s21], [sflag:$0x1] =	stream.linear.gather @!p1 [hbm4b:s2+s21], $0x4000, $0x38;
	[tilespmem:$0x1D080] =	vst v63  }
.Ltmp8:
0x3e0: {  	_ = 	snop;
	(pc) =	sbr.rel @p0 .LBB2_18-.Ltmp8, $4  }
0x3e1: {  	_ = 	snop  }
0x3e2: {  	[spmem:s18] =	stream.indirect.scatter.add.f32 [tilespmem:s16], [sflag:$0x2], $0x80, s14, s13, $0xb8;
	[tilespmem:$0x1D080] =	vst v63  }
0x3e3: {  	_ =	swait.ge [sflag:s8], $0x4000  }
0x3e4: {  	[sflag:s8] =	ssyncset.done $0x0  }
0x3e5: {  	[sflag:s8] =	ssyncadd.s32 $0xFFFFC000  }
0x3e6: {  	s2 =	simm.s32 $0x0;
	[bflag:$0x0] =	sbarrier.arrive $0xFFFF  }
0x3e7: {  	[tilespmem:s2], [sflag:$0x2] =	stream.linear.gather [spmem:s28], $0x4000, $0x38;
	[tilespmem:$0x1D080] =	vst v63  }
0x3e8: {  	_ =	swait.ge [sflag:s8], $0x4000  }
0x3e9: {  	[sflag:s8] =	ssyncset.done $0x0  }
0x3ea: {  	[sflag:s8] =	ssyncadd.s32 $0xFFFFC000  }
0x3eb: {  	[tilespmem:s7], [sflag:$0x2] =	stream.linear.gather [spmem:s29], $0x4000, $0x38;
	[tilespmem:$0x1D080] =	vst v63  }
0x3ec: {  	_ =	swait.ge [sflag:s8], $0x4000  }
0x3ed: {  	[sflag:s8] =	ssyncset.done $0x0  }
0x3ee: {  	[sflag:s8] =	ssyncadd.s32 $0xFFFFC000  }
0x3ef: {  	[tilespmem:s16], [sflag:$0x2] =	stream.linear.gather [hbm4b:s4+s2], $0x4000, $0x38;
	[tilespmem:$0x1D080] =	vst v63  }
0x3f0: {  	_ =	swait.ge [sflag:s8], $0x4000  }
0x3f1: {  	[sflag:s8] =	ssyncset.done $0x0  }
0x3f2: {  	s19 =	simm.s32 $0x0;
	[sflag:s8] =	ssyncadd.s32 $0xFFFFC000  }
0x3f3: {  	v5 =	vld [tilespmem:s19+$0x4000];
	_ =	sdelay $0x4  }
0x3f4: {  	v3 =	vmax.f32 v5, $1.000000000e+00  }
0x3f5: {  	(erf) = vrcp.f32 v3  }
0x3f6: {  	v6 =	vld [tilespmem:s19+$0x8000]  }
0x3f7: {  	v10 =	vld [tilespmem:s19+$0x8010]  }
0x3f8: {  	v11 =	vld [tilespmem:s19+$0x8020]  }
0x3f9: {  	v12 =	vld [tilespmem:s19+$0x8030]  }
0x3fa: {  	v13 =	vld [tilespmem:s19+$0x8040]  }
0x3fb: {  	v8 =	vld [tilespmem:s19+$0x0]  }
0x3fc: {  	v4 =	vld [tilespmem:s19+$0x8050]  }
0x3fd: {  	v9 =	vld [tilespmem:s19+$0x10]  }
0x3fe: {  	v14 =	vld [tilespmem:s19+$0x20];
	vm0 =	vge.f32 v5, $1.000000000e+00;
	v7 =	vpop (erf)  }
0x3ff: {  	v15 =	vld [tilespmem:s19+$0x40];
	v7 =	vnsel vm0, $0x0, v7  }
0x400: {  	v5 =	vld [tilespmem:s19+$0x30];
	v8 =	vmul.f32 v7, v8  }
0x401: {  	s2 =	simm.s32 $0x80;
	v16 =	vld [tilespmem:s19+$0x50]  }
0x402: {  	v3 =	vld [tilespmem:s2+$0x4000];
	v6 =	vadd.f32 v8, v6  }
0x403: {  	v17 =	vld [tilespmem:s19+$0x60];
	v18 =	vmul.f32 v9, v7  }
0x404: {  	v8 =	vld [tilespmem:s19+$0x70];
	[tilespmem:s19+$0x0] =	vst v6;
	v6 =	vmul.f32 v14, v7  }
0x405: {  	v9 =	vld [tilespmem:s19+$0x8060];
	v63 =	vmul.f32 v5, v7;
	v14 =	vadd.f32 v10, v18  }
0x406: {  	v15 =	vmul.f32 v15, v7;
	v10 =	vld [tilespmem:s19+$0x8070];
	v19 =	vadd.f32 v11, v6  }
0x407: {  	v12 =	vadd.f32 v12, v63;
	v5 =	vld [tilespmem:s2+$0x8000];
	[tilespmem:s19+$0x10] =	vst v14;
	v14 =	vmax.f32 v3, $1.000000000e+00;
	v11 =	vmul.f32 v16, v7  }
0x408: {  	s21 =	simm.s32 $0x400;
	v6 =	vld [tilespmem:s2+$0x8010];
	(erf) = vrcp.f32 v14;
	v14 =	vadd.f32 v13, v15;
	v13 =	vmul.f32 v17, v7;
	[tilespmem:s19+$0x20] =	vst v19  }
.LBB2_20:
0x409: {  	p0 =	sne.s32 s21, $0xFE00;
	v15 =	vld [tilespmem:s2+$0x8020];
	[tilespmem:s19+$0x30] =	vst v12;
	v4 =	vadd.f32 v4, v11;
	v7 =	vmul.f32 v8, v7  }
0x40a: {  	v11 =	vld [tilespmem:s2+$0x8030];
	[tilespmem:s19+$0x40] =	vst v14;
	v8 =	vadd.f32 v9, v13  }
0x40b: {  	v13 =	vld [tilespmem:s2+$0x8040];
	[tilespmem:s19+$0x50] =	vst v4;
	v7 =	vadd.f32 v10, v7  }
0x40c: {  	s22 =	sshra.s32 s21, $0x2;
	v4 =	vld [tilespmem:s2+$0x8050];
	[tilespmem:s19+$0x60] =	vst v8  }
0x40d: {  	v8 =	vld [tilespmem:s22+$0x4000];
	[tilespmem:s19+$0x70] =	vst v7;
	s19 =	smov.u32 s2;
	s2 =	smov.u32 s22  }
0x40e: {  	v9 =	vld [tilespmem:s19+$0x0]  }
0x40f: {  	v10 =	vld [tilespmem:s19+$0x10]  }
0x410: {  	v12 =	vld [tilespmem:s19+$0x20]  }
0x411: {  	vm0 =	vge.f32 v3, $1.000000000e+00;
	v14 =	vld [tilespmem:s19+$0x30];
	v3 =	vpop (erf)  }
0x412: {  	v7 =	vnsel vm0, $0x0, v3;
	v16 =	vld [tilespmem:s19+$0x40];
	v3 =	vmov v8  }
0x413: {  	v8 =	vmul.f32 v7, v9;
	v17 =	vld [tilespmem:s19+$0x50]  }
0x414: {  	v9 =	vmul.f32 v10, v7;
	v18 =	vld [tilespmem:s19+$0x60]  }
.Ltmp9:
0x415: {  	v5 =	vadd.f32 v8, v5;
	v10 =	vmul.f32 v12, v7;
	v8 =	vld [tilespmem:s19+$0x70];
	(pc) =	sbr.rel @p0 .LBB2_20-.Ltmp9, $4  }
0x416: {  	v6 =	vadd.f32 v6, v9;
	v12 =	vmul.f32 v14, v7;
	v9 =	vld [tilespmem:s19+$0x8060]  }
0x417: {  	[tilespmem:s19+$0x0] =	vst v5;
	v14 =	vadd.f32 v15, v10;
	v15 =	vmul.f32 v16, v7;
	v10 =	vld [tilespmem:s19+$0x8070]  }
0x418: {  	v16 =	vmax.f32 v3, $1.000000000e+00;
	v5 =	vld [tilespmem:s2+$0x8000];
	[tilespmem:s19+$0x10] =	vst v6;
	v12 =	vadd.f32 v11, v12;
	v11 =	vmul.f32 v17, v7  }
0x419: {  	s21 =	sadd.s32 $0x200, s21;
	v6 =	vld [tilespmem:s2+$0x8010];
	(erf) = vrcp.f32 v16;
	[tilespmem:s19+$0x20] =	vst v14;
	v14 =	vadd.f32 v13, v15;
	v13 =	vmul.f32 v18, v7  }
0x41a: {  	v15 =	vld [tilespmem:s2+$0x8020];
	[tilespmem:s19+$0x30] =	vst v12;
	v4 =	vadd.f32 v4, v11;
	v7 =	vmul.f32 v8, v7  }
0x41b: {  	v12 =	vld [tilespmem:s2+$0x8030];
	[tilespmem:s19+$0x40] =	vst v14;
	v9 =	vadd.f32 v9, v13  }
0x41c: {  	v50 =	vld [tilespmem:s2+$0x8040];
	[tilespmem:s19+$0x50] =	vst v4;
	v51 =	vadd.f32 v10, v7  }
0x41d: {  	v52 =	vld [tilespmem:s2+$0x8050];
	[tilespmem:s19+$0x60] =	vst v9  }
0x41e: {  	[tilespmem:s19+$0x70] =	vst v51  }
0x41f: {  	v4 =	vld [tilespmem:s2+$0x0]  }
0x420: {  	v9 =	vld [tilespmem:s2+$0x10]  }
0x421: {  	v53 =	vld [tilespmem:s2+$0x20]  }
0x422: {  	vm0 =	vge.f32 v3, $1.000000000e+00;
	v3 =	vld [tilespmem:s2+$0x30];
	v54 =	vpop (erf)  }
0x423: {  	v55 =	vld [tilespmem:s2+$0x40];
	v11 =	vnsel vm0, $0x0, v54  }
0x424: {  	v14 =	vld [tilespmem:s2+$0x50];
	v4 =	vmul.f32 v11, v4  }
0x425: {  	v16 =	vld [tilespmem:s2+$0x60];
	v9 =	vmul.f32 v9, v11  }
0x426: {  	v56 =	vld [tilespmem:s2+$0x70];
	v10 =	vmul.f32 v53, v11;
	v4 =	vadd.f32 v4, v5  }
0x427: {  	v17 =	vld [tilespmem:s2+$0x8060];
	v3 =	vmul.f32 v3, v11;
	v6 =	vadd.f32 v6, v9  }
0x428: {  	v59 =	vld [tilespmem:s2+$0x8070];
	v58 =	vmul.f32 v55, v11;
	v57 =	vadd.f32 v15, v10;
	[tilespmem:s2+$0x0] =	vst v4  }
0x429: {  	v60 =	vmul.f32 v14, v11;
	v3 =	vadd.f32 v12, v3;
	[tilespmem:s2+$0x10] =	vst v6  }
0x42a: {  	v62 =	vmul.f32 v16, v11;
	v61 =	vadd.f32 v50, v58;
	[tilespmem:s2+$0x20] =	vst v57  }
0x42b: {  	v5 =	vmul.f32 v56, v11;
	[tilespmem:s2+$0x30] =	vst v3;
	v3 =	vadd.f32 v52, v60  }
0x42c: {  	v63 =	vadd.f32 v17, v62;
	[tilespmem:s2+$0x40] =	vst v61  }
0x42d: {  	[tilespmem:s2+$0x50] =	vst v3;
	v3 =	vadd.f32 v59, v5  }
0x42e: {  	[tilespmem:s2+$0x60] =	vst v63  }
0x42f: {  	s21 =	simm.s32 $0x0;
	s22 =	rddreg [dreg:$0x15];
	[tilespmem:s2+$0x70] =	vst v3  }
0x430: {  	[hbm4b:s22+s21] =	stream.linear.scatter [tilespmem:s21], [sflag:$0x2], $0x4000, $0x38;
	[tilespmem:$0x1D080] =	vst v63  }
0x431: {  	_ =	swait.ge [sflag:s8], $0x4000  }
0x432: {  	[sflag:s8] =	ssyncset.done $0x0  }
0x433: {  	s19 =	simm.s32 $0x200;
	s2 =	simm.s32 $0x0;
	[sflag:s8] =	ssyncadd.s32 $0xFFFFC000  }
.LBB2_22:
0x434: {  	p0 =	sne.s32 s19, $0xFE00;
	[tilespmem:s2+$0x4070] =	vst v1  }
0x435: {  	[tilespmem:s2+$0x4000] =	vst v1  }
0x436: {  	[tilespmem:s2+$0x4010] =	vst v1  }
.Ltmp10:
0x437: {  	[tilespmem:s2+$0x4020] =	vst v1;
	(pc) =	sbr.rel @p0 .LBB2_22-.Ltmp10, $4  }
0x438: {  	[tilespmem:s2+$0x4030] =	vst v1  }
0x439: {  	[tilespmem:s2+$0x4040] =	vst v1  }
0x43a: {  	[tilespmem:s2+$0x4050] =	vst v1  }
0x43b: {  	[tilespmem:s2+$0x4060] =	vst v1;
	s2 =	sshra.s32 s19, $0x2;
	s19 =	sadd.s32 $0x200, s19  }
0x43c: {  	[tilespmem:s2+$0x4070] =	vst v1  }
0x43d: {  	[tilespmem:s2+$0x4000] =	vst v1  }
0x43e: {  	[tilespmem:s2+$0x4010] =	vst v1  }
0x43f: {  	[tilespmem:s2+$0x4020] =	vst v1  }
0x440: {  	[tilespmem:s2+$0x4030] =	vst v1  }
0x441: {  	[tilespmem:s2+$0x4040] =	vst v1  }
0x442: {  	[tilespmem:s2+$0x4050] =	vst v1  }
0x443: {  	[tilespmem:s2+$0x4060] =	vst v1  }
0x444: {  	[spmem:s28] =	stream.linear.scatter [tilespmem:s7], [sflag:$0x2], $0x4000, $0x38;
	[tilespmem:$0x1D080] =	vst v63  }
0x445: {  	_ =	swait.ge [sflag:s8], $0x4000  }
0x446: {  	[sflag:s8] =	ssyncset.done $0x0  }
0x447: {  	[sflag:s8] =	ssyncadd.s32 $0xFFFFC000  }
0x448: {  	[spmem:s29] =	stream.linear.scatter [tilespmem:s7], [sflag:$0x2], $0x4000, $0x38;
	[tilespmem:$0x1D080] =	vst v63  }
0x449: {  	_ =	swait.ge [sflag:s8], $0x4000  }
0x44a: {  	[sflag:s8] =	ssyncset.done $0x0  }
0x44b: {  	s22 =	simm.s32 $0x0;
	[sflag:s8] =	ssyncadd.s32 $0xFFFFC000  }
0x44c: {  	[tilespmem:s22], [sflag:$0x2] =	stream.linear.gather [spmem:s30], $0x4000, $0x38;
	[tilespmem:$0x1D080] =	vst v63  }
0x44d: {  	_ =	swait.ge [sflag:s8], $0x4000  }
0x44e: {  	[sflag:s8] =	ssyncset.done $0x0  }
0x44f: {  	[sflag:s8] =	ssyncadd.s32 $0xFFFFC000  }
0x450: {  	[tilespmem:s7], [sflag:$0x2] =	stream.linear.gather [spmem:s31], $0x4000, $0x38;
	[tilespmem:$0x1D080] =	vst v63  }
0x451: {  	_ =	swait.ge [sflag:s8], $0x4000  }
0x452: {  	[sflag:s8] =	ssyncset.done $0x0  }
0x453: {  	[sflag:s8] =	ssyncadd.s32 $0xFFFFC000  }
0x454: {  	[tilespmem:s16], [sflag:$0x2] =	stream.linear.gather [hbm4b:s5+s22], $0x4000, $0x38;
	[tilespmem:$0x1D080] =	vst v63  }
0x455: {  	_ =	swait.ge [sflag:s8], $0x4000  }
0x456: {  	[sflag:s8] =	ssyncset.done $0x0  }
0x457: {  	s19 =	simm.s32 $0x0;
	[sflag:s8] =	ssyncadd.s32 $0xFFFFC000  }
0x458: {  	v5 =	vld [tilespmem:s19+$0x4000];
	_ =	sdelay $0x4  }
0x459: {  	v3 =	vmax.f32 v5, $1.000000000e+00  }
0x45a: {  	(erf) = vrcp.f32 v3  }
0x45b: {  	v6 =	vld [tilespmem:s19+$0x8000]  }
0x45c: {  	v10 =	vld [tilespmem:s19+$0x8010]  }
0x45d: {  	v11 =	vld [tilespmem:s19+$0x8020]  }
0x45e: {  	v12 =	vld [tilespmem:s19+$0x8030]  }
0x45f: {  	v13 =	vld [tilespmem:s19+$0x8040]  }
0x460: {  	v8 =	vld [tilespmem:s19+$0x0]  }
0x461: {  	v4 =	vld [tilespmem:s19+$0x8050]  }
0x462: {  	v9 =	vld [tilespmem:s19+$0x10]  }
0x463: {  	v14 =	vld [tilespmem:s19+$0x20];
	vm0 =	vge.f32 v5, $1.000000000e+00;
	v7 =	vpop (erf)  }
0x464: {  	v15 =	vld [tilespmem:s19+$0x40];
	v7 =	vnsel vm0, $0x0, v7  }
0x465: {  	v5 =	vld [tilespmem:s19+$0x30];
	v8 =	vmul.f32 v7, v8  }
0x466: {  	s2 =	simm.s32 $0x80;
	v16 =	vld [tilespmem:s19+$0x50]  }
0x467: {  	v3 =	vld [tilespmem:s2+$0x4000];
	v6 =	vadd.f32 v8, v6  }
0x468: {  	v17 =	vld [tilespmem:s19+$0x60];
	v18 =	vmul.f32 v9, v7  }
0x469: {  	v8 =	vld [tilespmem:s19+$0x70];
	[tilespmem:s19+$0x0] =	vst v6;
	v6 =	vmul.f32 v14, v7  }
0x46a: {  	v9 =	vld [tilespmem:s19+$0x8060];
	v63 =	vmul.f32 v5, v7;
	v14 =	vadd.f32 v10, v18  }
0x46b: {  	v15 =	vmul.f32 v15, v7;
	v10 =	vld [tilespmem:s19+$0x8070];
	v19 =	vadd.f32 v11, v6  }
0x46c: {  	v12 =	vadd.f32 v12, v63;
	v5 =	vld [tilespmem:s2+$0x8000];
	[tilespmem:s19+$0x10] =	vst v14;
	v14 =	vmax.f32 v3, $1.000000000e+00;
	v11 =	vmul.f32 v16, v7  }
0x46d: {  	s21 =	simm.s32 $0x400;
	v6 =	vld [tilespmem:s2+$0x8010];
	(erf) = vrcp.f32 v14;
	v14 =	vadd.f32 v13, v15;
	v13 =	vmul.f32 v17, v7;
	[tilespmem:s19+$0x20] =	vst v19  }
.LBB2_24:
0x46e: {  	p0 =	sne.s32 s21, $0xFE00;
	v15 =	vld [tilespmem:s2+$0x8020];
	[tilespmem:s19+$0x30] =	vst v12;
	v4 =	vadd.f32 v4, v11;
	v7 =	vmul.f32 v8, v7  }
0x46f: {  	v11 =	vld [tilespmem:s2+$0x8030];
	[tilespmem:s19+$0x40] =	vst v14;
	v8 =	vadd.f32 v9, v13  }
0x470: {  	v13 =	vld [tilespmem:s2+$0x8040];
	[tilespmem:s19+$0x50] =	vst v4;
	v7 =	vadd.f32 v10, v7  }
0x471: {  	s22 =	sshra.s32 s21, $0x2;
	v4 =	vld [tilespmem:s2+$0x8050];
	[tilespmem:s19+$0x60] =	vst v8  }
0x472: {  	v8 =	vld [tilespmem:s22+$0x4000];
	[tilespmem:s19+$0x70] =	vst v7;
	s19 =	smov.u32 s2;
	s2 =	smov.u32 s22  }
0x473: {  	v9 =	vld [tilespmem:s19+$0x0]  }
0x474: {  	v10 =	vld [tilespmem:s19+$0x10]  }
0x475: {  	v12 =	vld [tilespmem:s19+$0x20]  }
0x476: {  	vm0 =	vge.f32 v3, $1.000000000e+00;
	v14 =	vld [tilespmem:s19+$0x30];
	v3 =	vpop (erf)  }
0x477: {  	v7 =	vnsel vm0, $0x0, v3;
	v16 =	vld [tilespmem:s19+$0x40];
	v3 =	vmov v8  }
0x478: {  	v8 =	vmul.f32 v7, v9;
	v17 =	vld [tilespmem:s19+$0x50]  }
0x479: {  	v9 =	vmul.f32 v10, v7;
	v18 =	vld [tilespmem:s19+$0x60]  }
.Ltmp11:
0x47a: {  	v5 =	vadd.f32 v8, v5;
	v10 =	vmul.f32 v12, v7;
	v8 =	vld [tilespmem:s19+$0x70];
	(pc) =	sbr.rel @p0 .LBB2_24-.Ltmp11, $4  }
0x47b: {  	v6 =	vadd.f32 v6, v9;
	v12 =	vmul.f32 v14, v7;
	v9 =	vld [tilespmem:s19+$0x8060]  }
0x47c: {  	[tilespmem:s19+$0x0] =	vst v5;
	v14 =	vadd.f32 v15, v10;
	v15 =	vmul.f32 v16, v7;
	v10 =	vld [tilespmem:s19+$0x8070]  }
0x47d: {  	v16 =	vmax.f32 v3, $1.000000000e+00;
	v5 =	vld [tilespmem:s2+$0x8000];
	[tilespmem:s19+$0x10] =	vst v6;
	v12 =	vadd.f32 v11, v12;
	v11 =	vmul.f32 v17, v7  }
0x47e: {  	s21 =	sadd.s32 $0x200, s21;
	v6 =	vld [tilespmem:s2+$0x8010];
	(erf) = vrcp.f32 v16;
	[tilespmem:s19+$0x20] =	vst v14;
	v14 =	vadd.f32 v13, v15;
	v13 =	vmul.f32 v18, v7  }
0x47f: {  	v15 =	vld [tilespmem:s2+$0x8020];
	[tilespmem:s19+$0x30] =	vst v12;
	v4 =	vadd.f32 v4, v11;
	v7 =	vmul.f32 v8, v7  }
0x480: {  	v12 =	vld [tilespmem:s2+$0x8030];
	[tilespmem:s19+$0x40] =	vst v14;
	v9 =	vadd.f32 v9, v13  }
0x481: {  	v50 =	vld [tilespmem:s2+$0x8040];
	[tilespmem:s19+$0x50] =	vst v4;
	v51 =	vadd.f32 v10, v7  }
0x482: {  	v52 =	vld [tilespmem:s2+$0x8050];
	[tilespmem:s19+$0x60] =	vst v9  }
0x483: {  	[tilespmem:s19+$0x70] =	vst v51  }
0x484: {  	v4 =	vld [tilespmem:s2+$0x0]  }
0x485: {  	v9 =	vld [tilespmem:s2+$0x10]  }
0x486: {  	v53 =	vld [tilespmem:s2+$0x20]  }
0x487: {  	vm0 =	vge.f32 v3, $1.000000000e+00;
	v3 =	vld [tilespmem:s2+$0x30];
	v54 =	vpop (erf)  }
0x488: {  	v55 =	vld [tilespmem:s2+$0x40];
	v11 =	vnsel vm0, $0x0, v54  }
0x489: {  	v14 =	vld [tilespmem:s2+$0x50];
	v4 =	vmul.f32 v11, v4  }
0x48a: {  	v16 =	vld [tilespmem:s2+$0x60];
	v9 =	vmul.f32 v9, v11  }
0x48b: {  	v56 =	vld [tilespmem:s2+$0x70];
	v10 =	vmul.f32 v53, v11;
	v4 =	vadd.f32 v4, v5  }
0x48c: {  	v17 =	vld [tilespmem:s2+$0x8060];
	v3 =	vmul.f32 v3, v11;
	v6 =	vadd.f32 v6, v9  }
0x48d: {  	v59 =	vld [tilespmem:s2+$0x8070];
	v58 =	vmul.f32 v55, v11;
	v57 =	vadd.f32 v15, v10;
	[tilespmem:s2+$0x0] =	vst v4  }
0x48e: {  	v60 =	vmul.f32 v14, v11;
	v3 =	vadd.f32 v12, v3;
	[tilespmem:s2+$0x10] =	vst v6  }
0x48f: {  	v62 =	vmul.f32 v16, v11;
	v61 =	vadd.f32 v50, v58;
	[tilespmem:s2+$0x20] =	vst v57  }
0x490: {  	v5 =	vmul.f32 v56, v11;
	[tilespmem:s2+$0x30] =	vst v3;
	v3 =	vadd.f32 v52, v60  }
0x491: {  	v63 =	vadd.f32 v17, v62;
	[tilespmem:s2+$0x40] =	vst v61  }
0x492: {  	[tilespmem:s2+$0x50] =	vst v3;
	v3 =	vadd.f32 v59, v5  }
0x493: {  	[tilespmem:s2+$0x60] =	vst v63  }
0x494: {  	s21 =	simm.s32 $0x0;
	s22 =	rddreg [dreg:$0x16];
	[tilespmem:s2+$0x70] =	vst v3  }
0x495: {  	[hbm4b:s22+s21] =	stream.linear.scatter [tilespmem:s21], [sflag:$0x2], $0x4000, $0x38;
	[tilespmem:$0x1D080] =	vst v63  }
0x496: {  	_ =	swait.ge [sflag:s8], $0x4000  }
0x497: {  	[sflag:s8] =	ssyncset.done $0x0  }
0x498: {  	s19 =	simm.s32 $0x200;
	s2 =	simm.s32 $0x0;
	[sflag:s8] =	ssyncadd.s32 $0xFFFFC000  }
.LBB2_26:
0x499: {  	p0 =	sne.s32 s19, $0xFE00;
	[tilespmem:s2+$0x4070] =	vst v1  }
0x49a: {  	[tilespmem:s2+$0x4000] =	vst v1  }
0x49b: {  	[tilespmem:s2+$0x4010] =	vst v1  }
.Ltmp12:
0x49c: {  	[tilespmem:s2+$0x4020] =	vst v1;
	(pc) =	sbr.rel @p0 .LBB2_26-.Ltmp12, $4  }
0x49d: {  	[tilespmem:s2+$0x4030] =	vst v1  }
0x49e: {  	[tilespmem:s2+$0x4040] =	vst v1  }
0x49f: {  	[tilespmem:s2+$0x4050] =	vst v1  }
0x4a0: {  	[tilespmem:s2+$0x4060] =	vst v1;
	s2 =	sshra.s32 s19, $0x2;
	s19 =	sadd.s32 $0x200, s19  }
0x4a1: {  	[tilespmem:s2+$0x4070] =	vst v1  }
0x4a2: {  	[tilespmem:s2+$0x4000] =	vst v1  }
0x4a3: {  	[tilespmem:s2+$0x4010] =	vst v1  }
0x4a4: {  	[tilespmem:s2+$0x4020] =	vst v1  }
0x4a5: {  	[tilespmem:s2+$0x4030] =	vst v1  }
0x4a6: {  	[tilespmem:s2+$0x4040] =	vst v1  }
0x4a7: {  	[tilespmem:s2+$0x4050] =	vst v1  }
0x4a8: {  	[tilespmem:s2+$0x4060] =	vst v1  }
0x4a9: {  	[spmem:s30] =	stream.linear.scatter [tilespmem:s7], [sflag:$0x2], $0x4000, $0x38;
	[tilespmem:$0x1D080] =	vst v63  }
0x4aa: {  	_ =	swait.ge [sflag:s8], $0x4000  }
0x4ab: {  	[sflag:s8] =	ssyncset.done $0x0  }
0x4ac: {  	[sflag:s8] =	ssyncadd.s32 $0xFFFFC000  }
0x4ad: {  	[spmem:s31] =	stream.linear.scatter [tilespmem:s7], [sflag:$0x2], $0x4000, $0x38;
	[tilespmem:$0x1D080] =	vst v63  }
0x4ae: {  	_ =	swait.ge [sflag:s8], $0x4000  }
0x4af: {  	[sflag:s8] =	ssyncset.done $0x0  }
0x4b0: {  	[sflag:s8] =	ssyncadd.s32 $0xFFFFC000  }
0x4b1: {  	s2 =	simm.s32 $0x0;
	s19 =	simm.s32 $0x200;
	[bflag:$0x0] =	sbarrier.arrive $0xFFFF  }
.LBB2_28:
0x4b2: {  	p0 =	sne.s32 s19, $0xFE00;
	[tilespmem:s2+$0x8070] =	vst v2  }
0x4b3: {  	[tilespmem:s2+$0x8000] =	vst v2  }
0x4b4: {  	[tilespmem:s2+$0x8010] =	vst v2  }
.Ltmp13:
0x4b5: {  	[tilespmem:s2+$0x8020] =	vst v2;
	(pc) =	sbr.rel @p0 .LBB2_28-.Ltmp13, $4  }
0x4b6: {  	[tilespmem:s2+$0x8030] =	vst v2  }
0x4b7: {  	[tilespmem:s2+$0x8040] =	vst v2  }
0x4b8: {  	[tilespmem:s2+$0x8050] =	vst v2  }
0x4b9: {  	[tilespmem:s2+$0x8060] =	vst v2;
	s2 =	sshra.s32 s19, $0x2;
	s19 =	sadd.s32 $0x200, s19  }
0x4ba: {  	[tilespmem:s2+$0x8070] =	vst v2  }
0x4bb: {  	[tilespmem:s2+$0x8000] =	vst v2  }
0x4bc: {  	[tilespmem:s2+$0x8010] =	vst v2  }
0x4bd: {  	[tilespmem:s2+$0x8020] =	vst v2  }
0x4be: {  	[tilespmem:s2+$0x8030] =	vst v2  }
0x4bf: {  	[tilespmem:s2+$0x8040] =	vst v2  }
0x4c0: {  	[tilespmem:s2+$0x8050] =	vst v2  }
0x4c1: {  	[tilespmem:s2+$0x8060] =	vst v2;
	s2 =	simm.s32 $0x0;
	s19 =	rddreg [dreg:$0xb]  }
0x4c2: {  	[tilespmem:s9], [sflag:$0x2] =	stream.linear.gather [hbm4b:s19+s2], $0x800, $0x38;
	[tilespmem:$0x1D080] =	vst v63  }
0x4c3: {  	_ =	swait.ge [sflag:s8], $0x800  }
0x4c4: {  	[sflag:s8] =	ssyncset.done $0x0  }
0x4c5: {  	s22 =	rddreg [dreg:$0xc];
	[sflag:s8] =	ssyncadd.s32 $0xFFFFF800  }
0x4c6: {  	[tilespmem:s10], [sflag:$0x2] =	stream.linear.gather [hbm4b:s22+s2], $0x800, $0x38;
	[tilespmem:$0x1D080] =	vst v63  }
0x4c7: {  	_ =	swait.ge [sflag:s8], $0x800  }
0x4c8: {  	[sflag:s8] =	ssyncset.done $0x0  }
0x4c9: {  	s22 =	simm.s32 $0x0;
	s21 =	rddreg [dreg:$0x11];
	[sflag:s8] =	ssyncadd.s32 $0xFFFFF800  }
0x4ca: {  	[tilespmem:s2], [sflag:$0x1] =	stream.linear.gather [hbm4b:s21+s2], $0x4000, $0x38;
	[tilespmem:$0x1D080] =	vst v63  }
0x4cb: {  	v3 =	vld [tilespmem:s22+$0xC000]  }
0x4cc: {  	v4 =	vld [tilespmem:s22+$0xC800];
	_ =	sdelay $0x3  }
0x4cd: {  	v3 =	vmul.f32 v3, v0  }
0x4ce: {  	v4 =	vmul.f32 v4, v0  }
0x4cf: {  	v3 =	vadd.f32 $1.258291200e+07, v3  }
0x4d0: {  	v4 =	vadd.f32 $1.258291200e+07, v4  }
0x4d1: {  	v3 =	vadd.f32 $-1.258291200e+07, v3  }
0x4d2: {  	v4 =	vadd.f32 $-1.258291200e+07, v4  }
0x4d3: {  	v3 =	vmax.f32 v3, $0.0e+00  }
0x4d4: {  	v4 =	vmax.f32 v4, $0.0e+00;
	v3 =	vmin.f32 v3, $6.300000000e+01  }
0x4d5: {  	v4 =	vmin.f32 v4, $6.300000000e+01;
	v3 =	vtrunc.f32 v3  }
0x4d6: {  	v4 =	vtrunc.f32 v4;
	v3 =	vcvt.f32.s32 v3  }
0x4d7: {  	v4 =	vcvt.f32.s32 v4  }
0x4d8: {  	v3 =	vshll.u32 v3, $0x6  }
0x4d9: {  	v3 =	vadd.s32 v4, v3  }
0x4da: {  	vm0 =	vgt.s32 v3, $0x0  }
0x4db: {  	v3 =	vnsel vm0, $0x0, v3  }
0x4dc: {  	v3 =	vmin.u32 v3, $0xFFF  }
0x4dd: {  	[tilespmem:$0xD000] =	vst v3  }
0x4de: {  	v3 =	vld [tilespmem:s22+$0xC010]  }
0x4df: {  	v57 =	vld [tilespmem:s22+$0xC810];
	_ =	sdelay $0x3  }
0x4e0: {  	v3 =	vmul.f32 v3, v0  }
0x4e1: {  	v4 =	vmul.f32 v57, v0  }
0x4e2: {  	v3 =	vadd.f32 $1.258291200e+07, v3  }
0x4e3: {  	v4 =	vadd.f32 $1.258291200e+07, v4  }
0x4e4: {  	v3 =	vadd.f32 $-1.258291200e+07, v3  }
0x4e5: {  	v4 =	vadd.f32 $-1.258291200e+07, v4  }
0x4e6: {  	v3 =	vmax.f32 v3, $0.0e+00  }
0x4e7: {  	v4 =	vmax.f32 v4, $0.0e+00;
	v3 =	vmin.f32 v3, $6.300000000e+01  }
0x4e8: {  	v4 =	vmin.f32 v4, $6.300000000e+01;
	v3 =	vtrunc.f32 v3  }
0x4e9: {  	v4 =	vtrunc.f32 v4;
	v3 =	vcvt.f32.s32 v3  }
0x4ea: {  	v4 =	vcvt.f32.s32 v4  }
0x4eb: {  	v3 =	vshll.u32 v3, $0x6  }
0x4ec: {  	v3 =	vadd.s32 v4, v3  }
0x4ed: {  	vm9 =	vgt.s32 v3, $0x0  }
0x4ee: {  	v3 =	vnsel vm9, $0x0, v3  }
0x4ef: {  	v3 =	vmin.u32 v3, $0xFFF  }
0x4f0: {  	[tilespmem:$0xD010] =	vst v3  }
0x4f1: {  	v3 =	vld [tilespmem:s22+$0xC020]  }
0x4f2: {  	v58 =	vld [tilespmem:s22+$0xC820];
	_ =	sdelay $0x3  }
0x4f3: {  	v3 =	vmul.f32 v3, v0  }
0x4f4: {  	v4 =	vmul.f32 v58, v0  }
0x4f5: {  	v3 =	vadd.f32 $1.258291200e+07, v3  }
0x4f6: {  	v4 =	vadd.f32 $1.258291200e+07, v4  }
0x4f7: {  	v3 =	vadd.f32 $-1.258291200e+07, v3  }
0x4f8: {  	v4 =	vadd.f32 $-1.258291200e+07, v4  }
0x4f9: {  	v3 =	vmax.f32 v3, $0.0e+00  }
0x4fa: {  	v4 =	vmax.f32 v4, $0.0e+00;
	v3 =	vmin.f32 v3, $6.300000000e+01  }
0x4fb: {  	v4 =	vmin.f32 v4, $6.300000000e+01;
	v3 =	vtrunc.f32 v3  }
0x4fc: {  	v4 =	vtrunc.f32 v4;
	v3 =	vcvt.f32.s32 v3  }
0x4fd: {  	v4 =	vcvt.f32.s32 v4  }
0x4fe: {  	v3 =	vshll.u32 v3, $0x6  }
0x4ff: {  	v3 =	vadd.s32 v4, v3  }
0x500: {  	vm10 =	vgt.s32 v3, $0x0  }
0x501: {  	v3 =	vnsel vm10, $0x0, v3  }
0x502: {  	v3 =	vmin.u32 v3, $0xFFF  }
0x503: {  	[tilespmem:$0xD020] =	vst v3  }
0x504: {  	v3 =	vld [tilespmem:s22+$0xC030]  }
0x505: {  	v59 =	vld [tilespmem:s22+$0xC830];
	_ =	sdelay $0x3  }
0x506: {  	v3 =	vmul.f32 v3, v0  }
0x507: {  	v4 =	vmul.f32 v59, v0  }
0x508: {  	v3 =	vadd.f32 $1.258291200e+07, v3  }
0x509: {  	v4 =	vadd.f32 $1.258291200e+07, v4  }
0x50a: {  	v3 =	vadd.f32 $-1.258291200e+07, v3  }
0x50b: {  	v4 =	vadd.f32 $-1.258291200e+07, v4  }
0x50c: {  	v3 =	vmax.f32 v3, $0.0e+00  }
0x50d: {  	v4 =	vmax.f32 v4, $0.0e+00;
	v3 =	vmin.f32 v3, $6.300000000e+01  }
0x50e: {  	v4 =	vmin.f32 v4, $6.300000000e+01;
	v3 =	vtrunc.f32 v3  }
0x50f: {  	v4 =	vtrunc.f32 v4;
	v3 =	vcvt.f32.s32 v3  }
0x510: {  	v4 =	vcvt.f32.s32 v4  }
0x511: {  	v3 =	vshll.u32 v3, $0x6  }
0x512: {  	v3 =	vadd.s32 v4, v3  }
0x513: {  	vm11 =	vgt.s32 v3, $0x0  }
0x514: {  	v3 =	vnsel vm11, $0x0, v3  }
0x515: {  	v3 =	vmin.u32 v3, $0xFFF  }
0x516: {  	[tilespmem:$0xD030] =	vst v3  }
0x517: {  	v3 =	vld [tilespmem:s22+$0xC040]  }
0x518: {  	v60 =	vld [tilespmem:s22+$0xC840];
	_ =	sdelay $0x3  }
0x519: {  	v3 =	vmul.f32 v3, v0  }
0x51a: {  	v4 =	vmul.f32 v60, v0  }
0x51b: {  	v3 =	vadd.f32 $1.258291200e+07, v3  }
0x51c: {  	v4 =	vadd.f32 $1.258291200e+07, v4  }
0x51d: {  	v3 =	vadd.f32 $-1.258291200e+07, v3  }
0x51e: {  	v4 =	vadd.f32 $-1.258291200e+07, v4  }
0x51f: {  	v3 =	vmax.f32 v3, $0.0e+00  }
0x520: {  	v4 =	vmax.f32 v4, $0.0e+00;
	v3 =	vmin.f32 v3, $6.300000000e+01  }
0x521: {  	v4 =	vmin.f32 v4, $6.300000000e+01;
	v3 =	vtrunc.f32 v3  }
0x522: {  	v4 =	vtrunc.f32 v4;
	v3 =	vcvt.f32.s32 v3  }
0x523: {  	v4 =	vcvt.f32.s32 v4  }
0x524: {  	v3 =	vshll.u32 v3, $0x6  }
0x525: {  	v3 =	vadd.s32 v4, v3  }
0x526: {  	vm12 =	vgt.s32 v3, $0x0  }
0x527: {  	v3 =	vnsel vm12, $0x0, v3  }
0x528: {  	v3 =	vmin.u32 v3, $0xFFF  }
0x529: {  	[tilespmem:$0xD040] =	vst v3  }
0x52a: {  	v3 =	vld [tilespmem:s22+$0xC050]  }
0x52b: {  	v61 =	vld [tilespmem:s22+$0xC850];
	_ =	sdelay $0x3  }
0x52c: {  	v3 =	vmul.f32 v3, v0  }
0x52d: {  	v4 =	vmul.f32 v61, v0  }
0x52e: {  	v3 =	vadd.f32 $1.258291200e+07, v3  }
0x52f: {  	v4 =	vadd.f32 $1.258291200e+07, v4  }
0x530: {  	v3 =	vadd.f32 $-1.258291200e+07, v3  }
0x531: {  	v4 =	vadd.f32 $-1.258291200e+07, v4  }
0x532: {  	v3 =	vmax.f32 v3, $0.0e+00  }
0x533: {  	v4 =	vmax.f32 v4, $0.0e+00;
	v3 =	vmin.f32 v3, $6.300000000e+01  }
0x534: {  	v4 =	vmin.f32 v4, $6.300000000e+01;
	v3 =	vtrunc.f32 v3  }
0x535: {  	v4 =	vtrunc.f32 v4;
	v3 =	vcvt.f32.s32 v3  }
0x536: {  	v4 =	vcvt.f32.s32 v4  }
0x537: {  	v3 =	vshll.u32 v3, $0x6  }
0x538: {  	v3 =	vadd.s32 v4, v3  }
0x539: {  	vm13 =	vgt.s32 v3, $0x0  }
0x53a: {  	v3 =	vnsel vm13, $0x0, v3  }
0x53b: {  	v3 =	vmin.u32 v3, $0xFFF  }
0x53c: {  	[tilespmem:$0xD050] =	vst v3  }
0x53d: {  	v3 =	vld [tilespmem:s22+$0xC060]  }
0x53e: {  	v62 =	vld [tilespmem:s22+$0xC860];
	_ =	sdelay $0x3  }
0x53f: {  	v3 =	vmul.f32 v3, v0  }
0x540: {  	v4 =	vmul.f32 v62, v0  }
0x541: {  	v3 =	vadd.f32 $1.258291200e+07, v3  }
0x542: {  	v4 =	vadd.f32 $1.258291200e+07, v4  }
0x543: {  	v3 =	vadd.f32 $-1.258291200e+07, v3  }
0x544: {  	v4 =	vadd.f32 $-1.258291200e+07, v4  }
0x545: {  	v3 =	vmax.f32 v3, $0.0e+00  }
0x546: {  	v4 =	vmax.f32 v4, $0.0e+00;
	v3 =	vmin.f32 v3, $6.300000000e+01  }
0x547: {  	v4 =	vmin.f32 v4, $6.300000000e+01;
	v3 =	vtrunc.f32 v3  }
0x548: {  	v4 =	vtrunc.f32 v4;
	v3 =	vcvt.f32.s32 v3  }
0x549: {  	v4 =	vcvt.f32.s32 v4  }
0x54a: {  	v3 =	vshll.u32 v3, $0x6  }
0x54b: {  	v3 =	vadd.s32 v4, v3  }
0x54c: {  	vm14 =	vgt.s32 v3, $0x0  }
0x54d: {  	v3 =	vnsel vm14, $0x0, v3  }
0x54e: {  	v3 =	vmin.u32 v3, $0xFFF  }
0x54f: {  	[tilespmem:$0xD060] =	vst v3  }
0x550: {  	v3 =	vld [tilespmem:s22+$0xC070]  }
0x551: {  	v63 =	vld [tilespmem:s22+$0xC870];
	_ =	sdelay $0x3  }
0x552: {  	v3 =	vmul.f32 v3, v0  }
0x553: {  	v4 =	vmul.f32 v63, v0  }
0x554: {  	v3 =	vadd.f32 $1.258291200e+07, v3  }
0x555: {  	v4 =	vadd.f32 $1.258291200e+07, v4  }
0x556: {  	v3 =	vadd.f32 $-1.258291200e+07, v3  }
0x557: {  	v4 =	vadd.f32 $-1.258291200e+07, v4  }
0x558: {  	v3 =	vmax.f32 v3, $0.0e+00  }
0x559: {  	v4 =	vmax.f32 v4, $0.0e+00;
	v3 =	vmin.f32 v3, $6.300000000e+01  }
0x55a: {  	v4 =	vmin.f32 v4, $6.300000000e+01;
	v3 =	vtrunc.f32 v3  }
0x55b: {  	v4 =	vtrunc.f32 v4;
	v3 =	vcvt.f32.s32 v3  }
0x55c: {  	v4 =	vcvt.f32.s32 v4  }
0x55d: {  	v3 =	vshll.u32 v3, $0x6  }
0x55e: {  	v3 =	vadd.s32 v4, v3  }
0x55f: {  	vm15 =	vgt.s32 v3, $0x0  }
0x560: {  	v3 =	vnsel vm15, $0x0, v3  }
0x561: {  	v3 =	vmin.u32 v3, $0xFFF  }
0x562: {  	[tilespmem:$0xD070] =	vst v3  }
0x563: {  	_ =	swait.ge [sflag:s12], $0x4000  }
0x564: {  	[sflag:s12] =	ssyncset.done $0x0  }
0x565: {  	[sflag:s12] =	ssyncadd.s32 $0xFFFFC000  }
0x566: {  	[spmem:s1] =	stream.indirect.scatter.add.f32 [tilespmem:s11], [sflag:$0x2], $0x80, s14, s13, $0xb8;
	[tilespmem:$0x1D080] =	vst v63  }
0x567: {  	_ =	swait.ge [sflag:s8], $0x4000  }
0x568: {  	p0 =	por $0x0, $0x0;
	[sflag:s8] =	ssyncset.done $0x0  }
0x569: {  	s2 =	simm.s32 @!p0 $0x0;
	[sflag:s8] =	ssyncadd.s32 $0xFFFFC000  }
0x56a: {  	[tilespmem:s2], [sflag:$0x1] =	stream.linear.gather @!p0 [hbm4b:s3+s2], $0x4000, $0x38;
	[tilespmem:$0x1D080] =	vst v63  }
0x56b: {  	_ = 	snop  }
0x56c: {  	[spmem:s18] =	stream.indirect.scatter.add.f32 [tilespmem:s16], [sflag:$0x2], $0x80, s14, s13, $0xb8;
	[tilespmem:$0x1D080] =	vst v63  }
0x56d: {  	_ =	swait.ge [sflag:s8], $0x4000  }
0x56e: {  	s19 =	simm.s32 $0x200;
	s2 =	smov.u32 s3;
	[sflag:s8] =	ssyncset.done $0x0  }
.LBB2_30:
0x56f: {  	[sflag:s8] =	ssyncadd.s32 $0xFFFFC000  }
0x570: {  	s2 =	sadd.s32 $0x800, s2;
	s21 =	smov.u32 s19;
	s19 =	sadd.s32 $0x200, s19  }
0x571: {  	s22 =	sshra.s32 s21, $0x2;
	p0 =	sne.s32 s19, $0x2000  }
0x572: {  	v3 =	vld [tilespmem:s22+$0xC000]  }
0x573: {  	v4 =	vld [tilespmem:s22+$0xC800];
	_ =	sdelay $0x3  }
0x574: {  	v3 =	vmul.f32 v3, v0  }
0x575: {  	v4 =	vmul.f32 v4, v0  }
0x576: {  	v3 =	vadd.f32 $1.258291200e+07, v3  }
0x577: {  	v4 =	vadd.f32 $1.258291200e+07, v4  }
0x578: {  	v3 =	vadd.f32 $-1.258291200e+07, v3  }
0x579: {  	v4 =	vadd.f32 $-1.258291200e+07, v4  }
0x57a: {  	v3 =	vmax.f32 v3, $0.0e+00  }
0x57b: {  	v3 =	vmin.f32 v3, $6.300000000e+01;
	v4 =	vmax.f32 v4, $0.0e+00  }
0x57c: {  	v4 =	vmin.f32 v4, $6.300000000e+01;
	v3 =	vtrunc.f32 v3  }
0x57d: {  	v3 =	vcvt.f32.s32 v3;
	v4 =	vtrunc.f32 v4  }
0x57e: {  	v4 =	vcvt.f32.s32 v4  }
0x57f: {  	v3 =	vshll.u32 v3, $0x6  }
0x580: {  	v3 =	vadd.s32 v4, v3  }
0x581: {  	vm0 =	vgt.s32 v3, $0x0  }
0x582: {  	v3 =	vnsel vm0, $0x0, v3  }
0x583: {  	v3 =	vmin.u32 v3, $0xFFF  }
0x584: {  	[tilespmem:$0xD000] =	vst v3  }
0x585: {  	v3 =	vld [tilespmem:s22+$0xC010]  }
0x586: {  	v4 =	vld [tilespmem:s22+$0xC810];
	_ =	sdelay $0x3  }
0x587: {  	v3 =	vmul.f32 v3, v0  }
0x588: {  	v4 =	vmul.f32 v4, v0  }
0x589: {  	v3 =	vadd.f32 $1.258291200e+07, v3  }
0x58a: {  	v4 =	vadd.f32 $1.258291200e+07, v4  }
0x58b: {  	v3 =	vadd.f32 $-1.258291200e+07, v3  }
0x58c: {  	v4 =	vadd.f32 $-1.258291200e+07, v4  }
0x58d: {  	v3 =	vmax.f32 v3, $0.0e+00  }
0x58e: {  	v3 =	vmin.f32 v3, $6.300000000e+01;
	v4 =	vmax.f32 v4, $0.0e+00  }
0x58f: {  	v4 =	vmin.f32 v4, $6.300000000e+01;
	v3 =	vtrunc.f32 v3  }
0x590: {  	v3 =	vcvt.f32.s32 v3;
	v4 =	vtrunc.f32 v4  }
0x591: {  	v4 =	vcvt.f32.s32 v4  }
0x592: {  	v3 =	vshll.u32 v3, $0x6  }
0x593: {  	v3 =	vadd.s32 v4, v3  }
0x594: {  	vm0 =	vgt.s32 v3, $0x0  }
0x595: {  	v3 =	vnsel vm0, $0x0, v3  }
0x596: {  	v3 =	vmin.u32 v3, $0xFFF  }
0x597: {  	[tilespmem:$0xD010] =	vst v3  }
0x598: {  	v3 =	vld [tilespmem:s22+$0xC020]  }
0x599: {  	v4 =	vld [tilespmem:s22+$0xC820];
	_ =	sdelay $0x3  }
0x59a: {  	v3 =	vmul.f32 v3, v0  }
0x59b: {  	v4 =	vmul.f32 v4, v0  }
0x59c: {  	v3 =	vadd.f32 $1.258291200e+07, v3  }
0x59d: {  	v4 =	vadd.f32 $1.258291200e+07, v4  }
0x59e: {  	v3 =	vadd.f32 $-1.258291200e+07, v3  }
0x59f: {  	v4 =	vadd.f32 $-1.258291200e+07, v4  }
0x5a0: {  	v3 =	vmax.f32 v3, $0.0e+00  }
0x5a1: {  	v3 =	vmin.f32 v3, $6.300000000e+01;
	v4 =	vmax.f32 v4, $0.0e+00  }
0x5a2: {  	v4 =	vmin.f32 v4, $6.300000000e+01;
	v3 =	vtrunc.f32 v3  }
0x5a3: {  	v3 =	vcvt.f32.s32 v3;
	v4 =	vtrunc.f32 v4  }
0x5a4: {  	v4 =	vcvt.f32.s32 v4  }
0x5a5: {  	v3 =	vshll.u32 v3, $0x6  }
0x5a6: {  	v3 =	vadd.s32 v4, v3  }
0x5a7: {  	vm0 =	vgt.s32 v3, $0x0  }
0x5a8: {  	v3 =	vnsel vm0, $0x0, v3  }
0x5a9: {  	v3 =	vmin.u32 v3, $0xFFF  }
0x5aa: {  	[tilespmem:$0xD020] =	vst v3  }
0x5ab: {  	v3 =	vld [tilespmem:s22+$0xC030]  }
0x5ac: {  	v4 =	vld [tilespmem:s22+$0xC830];
	_ =	sdelay $0x3  }
0x5ad: {  	v3 =	vmul.f32 v3, v0  }
0x5ae: {  	v4 =	vmul.f32 v4, v0  }
0x5af: {  	v3 =	vadd.f32 $1.258291200e+07, v3  }
0x5b0: {  	v4 =	vadd.f32 $1.258291200e+07, v4  }
0x5b1: {  	v3 =	vadd.f32 $-1.258291200e+07, v3  }
0x5b2: {  	v4 =	vadd.f32 $-1.258291200e+07, v4  }
0x5b3: {  	v3 =	vmax.f32 v3, $0.0e+00  }
0x5b4: {  	v3 =	vmin.f32 v3, $6.300000000e+01;
	v4 =	vmax.f32 v4, $0.0e+00  }
0x5b5: {  	v4 =	vmin.f32 v4, $6.300000000e+01;
	v3 =	vtrunc.f32 v3  }
0x5b6: {  	v3 =	vcvt.f32.s32 v3;
	v4 =	vtrunc.f32 v4  }
0x5b7: {  	v4 =	vcvt.f32.s32 v4  }
0x5b8: {  	v3 =	vshll.u32 v3, $0x6  }
0x5b9: {  	v3 =	vadd.s32 v4, v3  }
0x5ba: {  	vm0 =	vgt.s32 v3, $0x0  }
0x5bb: {  	v3 =	vnsel vm0, $0x0, v3  }
0x5bc: {  	v3 =	vmin.u32 v3, $0xFFF  }
0x5bd: {  	[tilespmem:$0xD030] =	vst v3  }
0x5be: {  	v3 =	vld [tilespmem:s22+$0xC040]  }
0x5bf: {  	v4 =	vld [tilespmem:s22+$0xC840];
	_ =	sdelay $0x3  }
0x5c0: {  	v3 =	vmul.f32 v3, v0  }
0x5c1: {  	v4 =	vmul.f32 v4, v0  }
0x5c2: {  	v3 =	vadd.f32 $1.258291200e+07, v3  }
0x5c3: {  	v4 =	vadd.f32 $1.258291200e+07, v4  }
0x5c4: {  	v3 =	vadd.f32 $-1.258291200e+07, v3  }
0x5c5: {  	v4 =	vadd.f32 $-1.258291200e+07, v4  }
0x5c6: {  	v3 =	vmax.f32 v3, $0.0e+00  }
0x5c7: {  	v3 =	vmin.f32 v3, $6.300000000e+01;
	v4 =	vmax.f32 v4, $0.0e+00  }
0x5c8: {  	v4 =	vmin.f32 v4, $6.300000000e+01;
	v3 =	vtrunc.f32 v3  }
0x5c9: {  	v3 =	vcvt.f32.s32 v3;
	v4 =	vtrunc.f32 v4  }
0x5ca: {  	v4 =	vcvt.f32.s32 v4  }
0x5cb: {  	v3 =	vshll.u32 v3, $0x6  }
0x5cc: {  	v3 =	vadd.s32 v4, v3  }
0x5cd: {  	vm0 =	vgt.s32 v3, $0x0  }
0x5ce: {  	v3 =	vnsel vm0, $0x0, v3  }
0x5cf: {  	v3 =	vmin.u32 v3, $0xFFF  }
0x5d0: {  	[tilespmem:$0xD040] =	vst v3  }
0x5d1: {  	v3 =	vld [tilespmem:s22+$0xC050]  }
0x5d2: {  	v4 =	vld [tilespmem:s22+$0xC850];
	_ =	sdelay $0x3  }
0x5d3: {  	v3 =	vmul.f32 v3, v0  }
0x5d4: {  	v4 =	vmul.f32 v4, v0  }
0x5d5: {  	v3 =	vadd.f32 $1.258291200e+07, v3  }
0x5d6: {  	v4 =	vadd.f32 $1.258291200e+07, v4  }
0x5d7: {  	v3 =	vadd.f32 $-1.258291200e+07, v3  }
0x5d8: {  	v4 =	vadd.f32 $-1.258291200e+07, v4  }
0x5d9: {  	v3 =	vmax.f32 v3, $0.0e+00  }
0x5da: {  	v3 =	vmin.f32 v3, $6.300000000e+01;
	v4 =	vmax.f32 v4, $0.0e+00  }
0x5db: {  	v4 =	vmin.f32 v4, $6.300000000e+01;
	v3 =	vtrunc.f32 v3  }
0x5dc: {  	v3 =	vcvt.f32.s32 v3;
	v4 =	vtrunc.f32 v4  }
0x5dd: {  	v4 =	vcvt.f32.s32 v4  }
0x5de: {  	v3 =	vshll.u32 v3, $0x6  }
0x5df: {  	v3 =	vadd.s32 v4, v3  }
0x5e0: {  	vm0 =	vgt.s32 v3, $0x0  }
0x5e1: {  	v3 =	vnsel vm0, $0x0, v3  }
0x5e2: {  	v3 =	vmin.u32 v3, $0xFFF  }
0x5e3: {  	[tilespmem:$0xD050] =	vst v3  }
0x5e4: {  	v3 =	vld [tilespmem:s22+$0xC060]  }
0x5e5: {  	v4 =	vld [tilespmem:s22+$0xC860];
	_ =	sdelay $0x3  }
0x5e6: {  	v3 =	vmul.f32 v3, v0  }
0x5e7: {  	v4 =	vmul.f32 v4, v0  }
0x5e8: {  	v3 =	vadd.f32 $1.258291200e+07, v3  }
0x5e9: {  	v4 =	vadd.f32 $1.258291200e+07, v4  }
0x5ea: {  	v3 =	vadd.f32 $-1.258291200e+07, v3  }
0x5eb: {  	v4 =	vadd.f32 $-1.258291200e+07, v4  }
0x5ec: {  	v3 =	vmax.f32 v3, $0.0e+00  }
0x5ed: {  	v3 =	vmin.f32 v3, $6.300000000e+01;
	v4 =	vmax.f32 v4, $0.0e+00  }
0x5ee: {  	v4 =	vmin.f32 v4, $6.300000000e+01;
	v3 =	vtrunc.f32 v3  }
0x5ef: {  	v3 =	vcvt.f32.s32 v3;
	v4 =	vtrunc.f32 v4  }
0x5f0: {  	v4 =	vcvt.f32.s32 v4  }
0x5f1: {  	v3 =	vshll.u32 v3, $0x6  }
0x5f2: {  	v3 =	vadd.s32 v4, v3  }
0x5f3: {  	vm0 =	vgt.s32 v3, $0x0  }
0x5f4: {  	v3 =	vnsel vm0, $0x0, v3  }
0x5f5: {  	v3 =	vmin.u32 v3, $0xFFF  }
0x5f6: {  	[tilespmem:$0xD060] =	vst v3  }
0x5f7: {  	v3 =	vld [tilespmem:s22+$0xC070]  }
0x5f8: {  	v4 =	vld [tilespmem:s22+$0xC870];
	_ =	sdelay $0x3  }
0x5f9: {  	v3 =	vmul.f32 v3, v0  }
0x5fa: {  	v4 =	vmul.f32 v4, v0  }
0x5fb: {  	v3 =	vadd.f32 $1.258291200e+07, v3  }
0x5fc: {  	v4 =	vadd.f32 $1.258291200e+07, v4  }
0x5fd: {  	v3 =	vadd.f32 $-1.258291200e+07, v3  }
0x5fe: {  	v4 =	vadd.f32 $-1.258291200e+07, v4  }
0x5ff: {  	v3 =	vmax.f32 v3, $0.0e+00  }
0x600: {  	v3 =	vmin.f32 v3, $6.300000000e+01;
	v4 =	vmax.f32 v4, $0.0e+00  }
0x601: {  	v4 =	vmin.f32 v4, $6.300000000e+01;
	v3 =	vtrunc.f32 v3  }
0x602: {  	v3 =	vcvt.f32.s32 v3;
	v4 =	vtrunc.f32 v4  }
0x603: {  	v4 =	vcvt.f32.s32 v4  }
0x604: {  	v3 =	vshll.u32 v3, $0x6  }
0x605: {  	v3 =	vadd.s32 v4, v3  }
0x606: {  	vm0 =	vgt.s32 v3, $0x0  }
0x607: {  	v3 =	vnsel vm0, $0x0, v3  }
0x608: {  	v3 =	vmin.u32 v3, $0xFFF  }
0x609: {  	[tilespmem:$0xD070] =	vst v3  }
0x60a: {  	_ =	swait.ge [sflag:s12], $0x4000  }
0x60b: {  	[sflag:s12] =	ssyncset.done $0x0  }
0x60c: {  	[sflag:s12] =	ssyncadd.s32 $0xFFFFC000  }
0x60d: {  	[spmem:s1] =	stream.indirect.scatter.add.f32 [tilespmem:s11], [sflag:$0x2], $0x80, s14, s13, $0xb8;
	[tilespmem:$0x1D080] =	vst v63  }
0x60e: {  	_ =	swait.ge [sflag:s8], $0x4000  }
0x60f: {  	p1 =	seq.s32 s21, $0x1E00;
	[sflag:s8] =	ssyncset.done $0x0  }
0x610: {  	s21 =	simm.s32 @!p1 $0x0;
	[sflag:s8] =	ssyncadd.s32 $0xFFFFC000  }
0x611: {  	[tilespmem:s21], [sflag:$0x1] =	stream.linear.gather @!p1 [hbm4b:s2+s21], $0x4000, $0x38;
	[tilespmem:$0x1D080] =	vst v63  }
.Ltmp14:
0x612: {  	_ = 	snop;
	(pc) =	sbr.rel @p0 .LBB2_30-.Ltmp14, $4  }
0x613: {  	_ = 	snop  }
0x614: {  	[spmem:s18] =	stream.indirect.scatter.add.f32 [tilespmem:s16], [sflag:$0x2], $0x80, s14, s13, $0xb8;
	[tilespmem:$0x1D080] =	vst v63  }
0x615: {  	_ =	swait.ge [sflag:s8], $0x4000  }
0x616: {  	[sflag:s8] =	ssyncset.done $0x0  }
0x617: {  	[sflag:s8] =	ssyncadd.s32 $0xFFFFC000  }
0x618: {  	s2 =	simm.s32 $0x0;
	[bflag:$0x0] =	sbarrier.arrive $0xFFFF  }
0x619: {  	[tilespmem:s2], [sflag:$0x2] =	stream.linear.gather [spmem:s28], $0x4000, $0x38;
	[tilespmem:$0x1D080] =	vst v63  }
0x61a: {  	_ =	swait.ge [sflag:s8], $0x4000  }
0x61b: {  	[sflag:s8] =	ssyncset.done $0x0  }
0x61c: {  	[sflag:s8] =	ssyncadd.s32 $0xFFFFC000  }
0x61d: {  	[tilespmem:s7], [sflag:$0x2] =	stream.linear.gather [spmem:s29], $0x4000, $0x38;
	[tilespmem:$0x1D080] =	vst v63  }
0x61e: {  	_ =	swait.ge [sflag:s8], $0x4000  }
0x61f: {  	[sflag:s8] =	ssyncset.done $0x0  }
0x620: {  	[sflag:s8] =	ssyncadd.s32 $0xFFFFC000  }
0x621: {  	[tilespmem:s16], [sflag:$0x2] =	stream.linear.gather [hbm4b:s4+s2], $0x4000, $0x38;
	[tilespmem:$0x1D080] =	vst v63  }
0x622: {  	_ =	swait.ge [sflag:s8], $0x4000  }
0x623: {  	[sflag:s8] =	ssyncset.done $0x0  }
0x624: {  	s19 =	simm.s32 $0x0;
	[sflag:s8] =	ssyncadd.s32 $0xFFFFC000  }
0x625: {  	v5 =	vld [tilespmem:s19+$0x4000];
	_ =	sdelay $0x4  }
0x626: {  	v3 =	vmax.f32 v5, $1.000000000e+00  }
0x627: {  	(erf) = vrcp.f32 v3  }
0x628: {  	v6 =	vld [tilespmem:s19+$0x8000]  }
0x629: {  	v10 =	vld [tilespmem:s19+$0x8010]  }
0x62a: {  	v11 =	vld [tilespmem:s19+$0x8020]  }
0x62b: {  	v12 =	vld [tilespmem:s19+$0x8030]  }
0x62c: {  	v13 =	vld [tilespmem:s19+$0x8040]  }
0x62d: {  	v8 =	vld [tilespmem:s19+$0x0]  }
0x62e: {  	v4 =	vld [tilespmem:s19+$0x8050]  }
0x62f: {  	v9 =	vld [tilespmem:s19+$0x10]  }
0x630: {  	v14 =	vld [tilespmem:s19+$0x20];
	vm0 =	vge.f32 v5, $1.000000000e+00;
	v7 =	vpop (erf)  }
0x631: {  	v15 =	vld [tilespmem:s19+$0x40];
	v7 =	vnsel vm0, $0x0, v7  }
0x632: {  	v5 =	vld [tilespmem:s19+$0x30];
	v8 =	vmul.f32 v7, v8  }
0x633: {  	s2 =	simm.s32 $0x80;
	v16 =	vld [tilespmem:s19+$0x50]  }
0x634: {  	v3 =	vld [tilespmem:s2+$0x4000];
	v6 =	vadd.f32 v8, v6  }
0x635: {  	v17 =	vld [tilespmem:s19+$0x60];
	v18 =	vmul.f32 v9, v7  }
0x636: {  	v8 =	vld [tilespmem:s19+$0x70];
	[tilespmem:s19+$0x0] =	vst v6;
	v6 =	vmul.f32 v14, v7  }
0x637: {  	v9 =	vld [tilespmem:s19+$0x8060];
	v63 =	vmul.f32 v5, v7;
	v14 =	vadd.f32 v10, v18  }
0x638: {  	v15 =	vmul.f32 v15, v7;
	v10 =	vld [tilespmem:s19+$0x8070];
	v19 =	vadd.f32 v11, v6  }
0x639: {  	v12 =	vadd.f32 v12, v63;
	v5 =	vld [tilespmem:s2+$0x8000];
	[tilespmem:s19+$0x10] =	vst v14;
	v14 =	vmax.f32 v3, $1.000000000e+00;
	v11 =	vmul.f32 v16, v7  }
0x63a: {  	s21 =	simm.s32 $0x400;
	v6 =	vld [tilespmem:s2+$0x8010];
	(erf) = vrcp.f32 v14;
	v14 =	vadd.f32 v13, v15;
	v13 =	vmul.f32 v17, v7;
	[tilespmem:s19+$0x20] =	vst v19  }
.LBB2_32:
0x63b: {  	p0 =	sne.s32 s21, $0xFE00;
	v15 =	vld [tilespmem:s2+$0x8020];
	[tilespmem:s19+$0x30] =	vst v12;
	v4 =	vadd.f32 v4, v11;
	v7 =	vmul.f32 v8, v7  }
0x63c: {  	v11 =	vld [tilespmem:s2+$0x8030];
	[tilespmem:s19+$0x40] =	vst v14;
	v8 =	vadd.f32 v9, v13  }
0x63d: {  	v13 =	vld [tilespmem:s2+$0x8040];
	[tilespmem:s19+$0x50] =	vst v4;
	v7 =	vadd.f32 v10, v7  }
0x63e: {  	s22 =	sshra.s32 s21, $0x2;
	v4 =	vld [tilespmem:s2+$0x8050];
	[tilespmem:s19+$0x60] =	vst v8  }
0x63f: {  	v8 =	vld [tilespmem:s22+$0x4000];
	[tilespmem:s19+$0x70] =	vst v7;
	s19 =	smov.u32 s2;
	s2 =	smov.u32 s22  }
0x640: {  	v9 =	vld [tilespmem:s19+$0x0]  }
0x641: {  	v10 =	vld [tilespmem:s19+$0x10]  }
0x642: {  	v12 =	vld [tilespmem:s19+$0x20]  }
0x643: {  	vm0 =	vge.f32 v3, $1.000000000e+00;
	v14 =	vld [tilespmem:s19+$0x30];
	v3 =	vpop (erf)  }
0x644: {  	v7 =	vnsel vm0, $0x0, v3;
	v16 =	vld [tilespmem:s19+$0x40];
	v3 =	vmov v8  }
0x645: {  	v8 =	vmul.f32 v7, v9;
	v17 =	vld [tilespmem:s19+$0x50]  }
0x646: {  	v9 =	vmul.f32 v10, v7;
	v18 =	vld [tilespmem:s19+$0x60]  }
.Ltmp15:
0x647: {  	v5 =	vadd.f32 v8, v5;
	v10 =	vmul.f32 v12, v7;
	v8 =	vld [tilespmem:s19+$0x70];
	(pc) =	sbr.rel @p0 .LBB2_32-.Ltmp15, $4  }
0x648: {  	v6 =	vadd.f32 v6, v9;
	v12 =	vmul.f32 v14, v7;
	v9 =	vld [tilespmem:s19+$0x8060]  }
0x649: {  	[tilespmem:s19+$0x0] =	vst v5;
	v14 =	vadd.f32 v15, v10;
	v15 =	vmul.f32 v16, v7;
	v10 =	vld [tilespmem:s19+$0x8070]  }
0x64a: {  	v16 =	vmax.f32 v3, $1.000000000e+00;
	v5 =	vld [tilespmem:s2+$0x8000];
	[tilespmem:s19+$0x10] =	vst v6;
	v12 =	vadd.f32 v11, v12;
	v11 =	vmul.f32 v17, v7  }
0x64b: {  	s21 =	sadd.s32 $0x200, s21;
	v6 =	vld [tilespmem:s2+$0x8010];
	(erf) = vrcp.f32 v16;
	[tilespmem:s19+$0x20] =	vst v14;
	v14 =	vadd.f32 v13, v15;
	v13 =	vmul.f32 v18, v7  }
0x64c: {  	v15 =	vld [tilespmem:s2+$0x8020];
	[tilespmem:s19+$0x30] =	vst v12;
	v4 =	vadd.f32 v4, v11;
	v7 =	vmul.f32 v8, v7  }
0x64d: {  	v12 =	vld [tilespmem:s2+$0x8030];
	[tilespmem:s19+$0x40] =	vst v14;
	v9 =	vadd.f32 v9, v13  }
0x64e: {  	v50 =	vld [tilespmem:s2+$0x8040];
	[tilespmem:s19+$0x50] =	vst v4;
	v51 =	vadd.f32 v10, v7  }
0x64f: {  	v52 =	vld [tilespmem:s2+$0x8050];
	[tilespmem:s19+$0x60] =	vst v9  }
0x650: {  	[tilespmem:s19+$0x70] =	vst v51  }
0x651: {  	v4 =	vld [tilespmem:s2+$0x0]  }
0x652: {  	v9 =	vld [tilespmem:s2+$0x10]  }
0x653: {  	v53 =	vld [tilespmem:s2+$0x20]  }
0x654: {  	vm0 =	vge.f32 v3, $1.000000000e+00;
	v3 =	vld [tilespmem:s2+$0x30];
	v54 =	vpop (erf)  }
0x655: {  	v55 =	vld [tilespmem:s2+$0x40];
	v11 =	vnsel vm0, $0x0, v54  }
0x656: {  	v14 =	vld [tilespmem:s2+$0x50];
	v4 =	vmul.f32 v11, v4  }
0x657: {  	v16 =	vld [tilespmem:s2+$0x60];
	v9 =	vmul.f32 v9, v11  }
0x658: {  	v56 =	vld [tilespmem:s2+$0x70];
	v10 =	vmul.f32 v53, v11;
	v4 =	vadd.f32 v4, v5  }
0x659: {  	v17 =	vld [tilespmem:s2+$0x8060];
	v3 =	vmul.f32 v3, v11;
	v6 =	vadd.f32 v6, v9  }
0x65a: {  	v59 =	vld [tilespmem:s2+$0x8070];
	v58 =	vmul.f32 v55, v11;
	v57 =	vadd.f32 v15, v10;
	[tilespmem:s2+$0x0] =	vst v4  }
0x65b: {  	v60 =	vmul.f32 v14, v11;
	v3 =	vadd.f32 v12, v3;
	[tilespmem:s2+$0x10] =	vst v6  }
0x65c: {  	v62 =	vmul.f32 v16, v11;
	v61 =	vadd.f32 v50, v58;
	[tilespmem:s2+$0x20] =	vst v57  }
0x65d: {  	v5 =	vmul.f32 v56, v11;
	[tilespmem:s2+$0x30] =	vst v3;
	v3 =	vadd.f32 v52, v60  }
0x65e: {  	v63 =	vadd.f32 v17, v62;
	[tilespmem:s2+$0x40] =	vst v61  }
0x65f: {  	[tilespmem:s2+$0x50] =	vst v3;
	v3 =	vadd.f32 v59, v5  }
0x660: {  	[tilespmem:s2+$0x60] =	vst v63  }
0x661: {  	s22 =	simm.s32 $0x0;
	[tilespmem:s2+$0x70] =	vst v3  }
0x662: {  	[hbm4b:s23+s22] =	stream.linear.scatter [tilespmem:s22], [sflag:$0x2], $0x4000, $0x38;
	[tilespmem:$0x1D080] =	vst v63  }
0x663: {  	_ =	swait.ge [sflag:s8], $0x4000  }
0x664: {  	[sflag:s8] =	ssyncset.done $0x0  }
0x665: {  	s19 =	simm.s32 $0x200;
	s2 =	simm.s32 $0x0;
	[sflag:s8] =	ssyncadd.s32 $0xFFFFC000  }
.LBB2_34:
0x666: {  	p0 =	sne.s32 s19, $0xFE00;
	[tilespmem:s2+$0x4070] =	vst v1  }
0x667: {  	[tilespmem:s2+$0x4000] =	vst v1  }
0x668: {  	[tilespmem:s2+$0x4010] =	vst v1  }
.Ltmp16:
0x669: {  	[tilespmem:s2+$0x4020] =	vst v1;
	(pc) =	sbr.rel @p0 .LBB2_34-.Ltmp16, $4  }
0x66a: {  	[tilespmem:s2+$0x4030] =	vst v1  }
0x66b: {  	[tilespmem:s2+$0x4040] =	vst v1  }
0x66c: {  	[tilespmem:s2+$0x4050] =	vst v1  }
0x66d: {  	[tilespmem:s2+$0x4060] =	vst v1;
	s2 =	sshra.s32 s19, $0x2;
	s19 =	sadd.s32 $0x200, s19  }
0x66e: {  	[tilespmem:s2+$0x4070] =	vst v1  }
0x66f: {  	[tilespmem:s2+$0x4000] =	vst v1  }
0x670: {  	[tilespmem:s2+$0x4010] =	vst v1  }
0x671: {  	[tilespmem:s2+$0x4020] =	vst v1  }
0x672: {  	[tilespmem:s2+$0x4030] =	vst v1  }
0x673: {  	[tilespmem:s2+$0x4040] =	vst v1  }
0x674: {  	[tilespmem:s2+$0x4050] =	vst v1  }
0x675: {  	[tilespmem:s2+$0x4060] =	vst v1  }
0x676: {  	[spmem:s28] =	stream.linear.scatter [tilespmem:s7], [sflag:$0x2], $0x4000, $0x38;
	[tilespmem:$0x1D080] =	vst v63  }
0x677: {  	_ =	swait.ge [sflag:s8], $0x4000  }
0x678: {  	[sflag:s8] =	ssyncset.done $0x0  }
0x679: {  	[sflag:s8] =	ssyncadd.s32 $0xFFFFC000  }
0x67a: {  	[spmem:s29] =	stream.linear.scatter [tilespmem:s7], [sflag:$0x2], $0x4000, $0x38;
	[tilespmem:$0x1D080] =	vst v63  }
0x67b: {  	_ =	swait.ge [sflag:s8], $0x4000  }
0x67c: {  	[sflag:s8] =	ssyncset.done $0x0  }
0x67d: {  	s22 =	simm.s32 $0x0;
	[sflag:s8] =	ssyncadd.s32 $0xFFFFC000  }
0x67e: {  	[tilespmem:s22], [sflag:$0x2] =	stream.linear.gather [spmem:s30], $0x4000, $0x38;
	[tilespmem:$0x1D080] =	vst v63  }
0x67f: {  	_ =	swait.ge [sflag:s8], $0x4000  }
0x680: {  	[sflag:s8] =	ssyncset.done $0x0  }
0x681: {  	[sflag:s8] =	ssyncadd.s32 $0xFFFFC000  }
0x682: {  	[tilespmem:s7], [sflag:$0x2] =	stream.linear.gather [spmem:s31], $0x4000, $0x38;
	[tilespmem:$0x1D080] =	vst v63  }
0x683: {  	_ =	swait.ge [sflag:s8], $0x4000  }
0x684: {  	[sflag:s8] =	ssyncset.done $0x0  }
0x685: {  	[sflag:s8] =	ssyncadd.s32 $0xFFFFC000  }
0x686: {  	[tilespmem:s16], [sflag:$0x2] =	stream.linear.gather [hbm4b:s5+s22], $0x4000, $0x38;
	[tilespmem:$0x1D080] =	vst v63  }
0x687: {  	_ =	swait.ge [sflag:s8], $0x4000  }
0x688: {  	[sflag:s8] =	ssyncset.done $0x0  }
0x689: {  	s19 =	simm.s32 $0x0;
	[sflag:s8] =	ssyncadd.s32 $0xFFFFC000  }
0x68a: {  	v5 =	vld [tilespmem:s19+$0x4000];
	_ =	sdelay $0x4  }
0x68b: {  	v3 =	vmax.f32 v5, $1.000000000e+00  }
0x68c: {  	(erf) = vrcp.f32 v3  }
0x68d: {  	v6 =	vld [tilespmem:s19+$0x8000]  }
0x68e: {  	v10 =	vld [tilespmem:s19+$0x8010]  }
0x68f: {  	v11 =	vld [tilespmem:s19+$0x8020]  }
0x690: {  	v12 =	vld [tilespmem:s19+$0x8030]  }
0x691: {  	v13 =	vld [tilespmem:s19+$0x8040]  }
0x692: {  	v8 =	vld [tilespmem:s19+$0x0]  }
0x693: {  	v4 =	vld [tilespmem:s19+$0x8050]  }
0x694: {  	v9 =	vld [tilespmem:s19+$0x10]  }
0x695: {  	v14 =	vld [tilespmem:s19+$0x20];
	vm0 =	vge.f32 v5, $1.000000000e+00;
	v7 =	vpop (erf)  }
0x696: {  	v15 =	vld [tilespmem:s19+$0x40];
	v7 =	vnsel vm0, $0x0, v7  }
0x697: {  	v5 =	vld [tilespmem:s19+$0x30];
	v8 =	vmul.f32 v7, v8  }
0x698: {  	s2 =	simm.s32 $0x80;
	v16 =	vld [tilespmem:s19+$0x50]  }
0x699: {  	v3 =	vld [tilespmem:s2+$0x4000];
	v6 =	vadd.f32 v8, v6  }
0x69a: {  	v17 =	vld [tilespmem:s19+$0x60];
	v18 =	vmul.f32 v9, v7  }
0x69b: {  	v8 =	vld [tilespmem:s19+$0x70];
	[tilespmem:s19+$0x0] =	vst v6;
	v6 =	vmul.f32 v14, v7  }
0x69c: {  	v9 =	vld [tilespmem:s19+$0x8060];
	v63 =	vmul.f32 v5, v7;
	v14 =	vadd.f32 v10, v18  }
0x69d: {  	v15 =	vmul.f32 v15, v7;
	v10 =	vld [tilespmem:s19+$0x8070];
	v19 =	vadd.f32 v11, v6  }
0x69e: {  	v12 =	vadd.f32 v12, v63;
	v5 =	vld [tilespmem:s2+$0x8000];
	[tilespmem:s19+$0x10] =	vst v14;
	v14 =	vmax.f32 v3, $1.000000000e+00;
	v11 =	vmul.f32 v16, v7  }
0x69f: {  	s21 =	simm.s32 $0x400;
	v6 =	vld [tilespmem:s2+$0x8010];
	(erf) = vrcp.f32 v14;
	v14 =	vadd.f32 v13, v15;
	v13 =	vmul.f32 v17, v7;
	[tilespmem:s19+$0x20] =	vst v19  }
.LBB2_36:
0x6a0: {  	p0 =	sne.s32 s21, $0xFE00;
	v15 =	vld [tilespmem:s2+$0x8020];
	[tilespmem:s19+$0x30] =	vst v12;
	v4 =	vadd.f32 v4, v11;
	v7 =	vmul.f32 v8, v7  }
0x6a1: {  	v11 =	vld [tilespmem:s2+$0x8030];
	[tilespmem:s19+$0x40] =	vst v14;
	v8 =	vadd.f32 v9, v13  }
0x6a2: {  	v13 =	vld [tilespmem:s2+$0x8040];
	[tilespmem:s19+$0x50] =	vst v4;
	v7 =	vadd.f32 v10, v7  }
0x6a3: {  	s22 =	sshra.s32 s21, $0x2;
	v4 =	vld [tilespmem:s2+$0x8050];
	[tilespmem:s19+$0x60] =	vst v8  }
0x6a4: {  	v8 =	vld [tilespmem:s22+$0x4000];
	[tilespmem:s19+$0x70] =	vst v7;
	s19 =	smov.u32 s2;
	s2 =	smov.u32 s22  }
0x6a5: {  	v9 =	vld [tilespmem:s19+$0x0]  }
0x6a6: {  	v10 =	vld [tilespmem:s19+$0x10]  }
0x6a7: {  	v12 =	vld [tilespmem:s19+$0x20]  }
0x6a8: {  	vm0 =	vge.f32 v3, $1.000000000e+00;
	v14 =	vld [tilespmem:s19+$0x30];
	v3 =	vpop (erf)  }
0x6a9: {  	v7 =	vnsel vm0, $0x0, v3;
	v16 =	vld [tilespmem:s19+$0x40];
	v3 =	vmov v8  }
0x6aa: {  	v8 =	vmul.f32 v7, v9;
	v17 =	vld [tilespmem:s19+$0x50]  }
0x6ab: {  	v9 =	vmul.f32 v10, v7;
	v18 =	vld [tilespmem:s19+$0x60]  }
.Ltmp17:
0x6ac: {  	v5 =	vadd.f32 v8, v5;
	v10 =	vmul.f32 v12, v7;
	v8 =	vld [tilespmem:s19+$0x70];
	(pc) =	sbr.rel @p0 .LBB2_36-.Ltmp17, $4  }
0x6ad: {  	v6 =	vadd.f32 v6, v9;
	v12 =	vmul.f32 v14, v7;
	v9 =	vld [tilespmem:s19+$0x8060]  }
0x6ae: {  	[tilespmem:s19+$0x0] =	vst v5;
	v14 =	vadd.f32 v15, v10;
	v15 =	vmul.f32 v16, v7;
	v10 =	vld [tilespmem:s19+$0x8070]  }
0x6af: {  	v16 =	vmax.f32 v3, $1.000000000e+00;
	v5 =	vld [tilespmem:s2+$0x8000];
	[tilespmem:s19+$0x10] =	vst v6;
	v12 =	vadd.f32 v11, v12;
	v11 =	vmul.f32 v17, v7  }
0x6b0: {  	s21 =	sadd.s32 $0x200, s21;
	v6 =	vld [tilespmem:s2+$0x8010];
	(erf) = vrcp.f32 v16;
	[tilespmem:s19+$0x20] =	vst v14;
	v14 =	vadd.f32 v13, v15;
	v13 =	vmul.f32 v18, v7  }
0x6b1: {  	v15 =	vld [tilespmem:s2+$0x8020];
	[tilespmem:s19+$0x30] =	vst v12;
	v4 =	vadd.f32 v4, v11;
	v7 =	vmul.f32 v8, v7  }
0x6b2: {  	v12 =	vld [tilespmem:s2+$0x8030];
	[tilespmem:s19+$0x40] =	vst v14;
	v9 =	vadd.f32 v9, v13  }
0x6b3: {  	v50 =	vld [tilespmem:s2+$0x8040];
	[tilespmem:s19+$0x50] =	vst v4;
	v51 =	vadd.f32 v10, v7  }
0x6b4: {  	v52 =	vld [tilespmem:s2+$0x8050];
	[tilespmem:s19+$0x60] =	vst v9  }
0x6b5: {  	[tilespmem:s19+$0x70] =	vst v51  }
0x6b6: {  	v4 =	vld [tilespmem:s2+$0x0]  }
0x6b7: {  	v9 =	vld [tilespmem:s2+$0x10]  }
0x6b8: {  	v53 =	vld [tilespmem:s2+$0x20]  }
0x6b9: {  	vm0 =	vge.f32 v3, $1.000000000e+00;
	v3 =	vld [tilespmem:s2+$0x30];
	v54 =	vpop (erf)  }
0x6ba: {  	v55 =	vld [tilespmem:s2+$0x40];
	v11 =	vnsel vm0, $0x0, v54  }
0x6bb: {  	v14 =	vld [tilespmem:s2+$0x50];
	v4 =	vmul.f32 v11, v4  }
0x6bc: {  	v16 =	vld [tilespmem:s2+$0x60];
	v9 =	vmul.f32 v9, v11  }
0x6bd: {  	v56 =	vld [tilespmem:s2+$0x70];
	v10 =	vmul.f32 v53, v11;
	v4 =	vadd.f32 v4, v5  }
0x6be: {  	v17 =	vld [tilespmem:s2+$0x8060];
	v3 =	vmul.f32 v3, v11;
	v6 =	vadd.f32 v6, v9  }
0x6bf: {  	v59 =	vld [tilespmem:s2+$0x8070];
	v58 =	vmul.f32 v55, v11;
	v57 =	vadd.f32 v15, v10;
	[tilespmem:s2+$0x0] =	vst v4  }
0x6c0: {  	v60 =	vmul.f32 v14, v11;
	v3 =	vadd.f32 v12, v3;
	[tilespmem:s2+$0x10] =	vst v6  }
0x6c1: {  	v62 =	vmul.f32 v16, v11;
	v61 =	vadd.f32 v50, v58;
	[tilespmem:s2+$0x20] =	vst v57  }
0x6c2: {  	v5 =	vmul.f32 v56, v11;
	[tilespmem:s2+$0x30] =	vst v3;
	v3 =	vadd.f32 v52, v60  }
0x6c3: {  	v63 =	vadd.f32 v17, v62;
	[tilespmem:s2+$0x40] =	vst v61  }
0x6c4: {  	[tilespmem:s2+$0x50] =	vst v3;
	v3 =	vadd.f32 v59, v5  }
0x6c5: {  	[tilespmem:s2+$0x60] =	vst v63  }
0x6c6: {  	s22 =	simm.s32 $0x0;
	[tilespmem:s2+$0x70] =	vst v3  }
0x6c7: {  	[hbm4b:s24+s22] =	stream.linear.scatter [tilespmem:s22], [sflag:$0x2], $0x4000, $0x38;
	[tilespmem:$0x1D080] =	vst v63  }
0x6c8: {  	_ =	swait.ge [sflag:s8], $0x4000  }
0x6c9: {  	[sflag:s8] =	ssyncset.done $0x0  }
0x6ca: {  	s19 =	simm.s32 $0x200;
	s2 =	simm.s32 $0x0;
	[sflag:s8] =	ssyncadd.s32 $0xFFFFC000  }
.LBB2_38:
0x6cb: {  	p0 =	sne.s32 s19, $0xFE00;
	[tilespmem:s2+$0x4070] =	vst v1  }
0x6cc: {  	[tilespmem:s2+$0x4000] =	vst v1  }
0x6cd: {  	[tilespmem:s2+$0x4010] =	vst v1  }
.Ltmp18:
0x6ce: {  	[tilespmem:s2+$0x4020] =	vst v1;
	(pc) =	sbr.rel @p0 .LBB2_38-.Ltmp18, $4  }
0x6cf: {  	[tilespmem:s2+$0x4030] =	vst v1  }
0x6d0: {  	[tilespmem:s2+$0x4040] =	vst v1  }
0x6d1: {  	[tilespmem:s2+$0x4050] =	vst v1  }
0x6d2: {  	[tilespmem:s2+$0x4060] =	vst v1;
	s2 =	sshra.s32 s19, $0x2;
	s19 =	sadd.s32 $0x200, s19  }
0x6d3: {  	[tilespmem:s2+$0x4070] =	vst v1  }
0x6d4: {  	[tilespmem:s2+$0x4000] =	vst v1  }
0x6d5: {  	[tilespmem:s2+$0x4010] =	vst v1  }
0x6d6: {  	[tilespmem:s2+$0x4020] =	vst v1  }
0x6d7: {  	[tilespmem:s2+$0x4030] =	vst v1  }
0x6d8: {  	[tilespmem:s2+$0x4040] =	vst v1  }
0x6d9: {  	[tilespmem:s2+$0x4050] =	vst v1  }
0x6da: {  	[tilespmem:s2+$0x4060] =	vst v1  }
0x6db: {  	[spmem:s30] =	stream.linear.scatter [tilespmem:s7], [sflag:$0x2], $0x4000, $0x38;
	[tilespmem:$0x1D080] =	vst v63  }
0x6dc: {  	_ =	swait.ge [sflag:s8], $0x4000  }
0x6dd: {  	[sflag:s8] =	ssyncset.done $0x0  }
0x6de: {  	[sflag:s8] =	ssyncadd.s32 $0xFFFFC000  }
0x6df: {  	[spmem:s31] =	stream.linear.scatter [tilespmem:s7], [sflag:$0x2], $0x4000, $0x38;
	[tilespmem:$0x1D080] =	vst v63  }
0x6e0: {  	_ =	swait.ge [sflag:s8], $0x4000  }
0x6e1: {  	[sflag:s8] =	ssyncset.done $0x0  }
0x6e2: {  	[sflag:s8] =	ssyncadd.s32 $0xFFFFC000  }
0x6e3: {  	s2 =	simm.s32 $0x0;
	s19 =	simm.s32 $0x200;
	[bflag:$0x0] =	sbarrier.arrive $0xFFFF  }
.LBB2_40:
0x6e4: {  	p0 =	sne.s32 s19, $0xFE00;
	[tilespmem:s2+$0x8070] =	vst v2  }
0x6e5: {  	[tilespmem:s2+$0x8000] =	vst v2  }
0x6e6: {  	[tilespmem:s2+$0x8010] =	vst v2  }
.Ltmp19:
0x6e7: {  	[tilespmem:s2+$0x8020] =	vst v2;
	(pc) =	sbr.rel @p0 .LBB2_40-.Ltmp19, $4  }
0x6e8: {  	[tilespmem:s2+$0x8030] =	vst v2  }
0x6e9: {  	[tilespmem:s2+$0x8040] =	vst v2  }
0x6ea: {  	[tilespmem:s2+$0x8050] =	vst v2  }
0x6eb: {  	[tilespmem:s2+$0x8060] =	vst v2;
	s2 =	sshra.s32 s19, $0x2;
	s19 =	sadd.s32 $0x200, s19  }
0x6ec: {  	[tilespmem:s2+$0x8070] =	vst v2  }
0x6ed: {  	[tilespmem:s2+$0x8000] =	vst v2  }
0x6ee: {  	[tilespmem:s2+$0x8010] =	vst v2  }
0x6ef: {  	[tilespmem:s2+$0x8020] =	vst v2  }
0x6f0: {  	[tilespmem:s2+$0x8030] =	vst v2  }
0x6f1: {  	[tilespmem:s2+$0x8040] =	vst v2  }
0x6f2: {  	[tilespmem:s2+$0x8050] =	vst v2  }
0x6f3: {  	[tilespmem:s2+$0x8060] =	vst v2;
	s2 =	simm.s32 $0x0;
	s19 =	rddreg [dreg:$0xd]  }
0x6f4: {  	[tilespmem:s9], [sflag:$0x2] =	stream.linear.gather [hbm4b:s19+s2], $0x800, $0x38;
	[tilespmem:$0x1D080] =	vst v63  }
0x6f5: {  	_ =	swait.ge [sflag:s8], $0x800  }
0x6f6: {  	[sflag:s8] =	ssyncset.done $0x0  }
0x6f7: {  	s22 =	rddreg [dreg:$0xe];
	[sflag:s8] =	ssyncadd.s32 $0xFFFFF800  }
0x6f8: {  	[tilespmem:s10], [sflag:$0x2] =	stream.linear.gather [hbm4b:s22+s2], $0x800, $0x38;
	[tilespmem:$0x1D080] =	vst v63  }
0x6f9: {  	_ =	swait.ge [sflag:s8], $0x800  }
0x6fa: {  	[sflag:s8] =	ssyncset.done $0x0  }
0x6fb: {  	s22 =	simm.s32 $0x0;
	s21 =	rddreg [dreg:$0x12];
	[sflag:s8] =	ssyncadd.s32 $0xFFFFF800  }
0x6fc: {  	[tilespmem:s2], [sflag:$0x1] =	stream.linear.gather [hbm4b:s21+s2], $0x4000, $0x38;
	[tilespmem:$0x1D080] =	vst v63  }
0x6fd: {  	v3 =	vld [tilespmem:s22+$0xC000]  }
0x6fe: {  	v4 =	vld [tilespmem:s22+$0xC800];
	_ =	sdelay $0x3  }
0x6ff: {  	v3 =	vmul.f32 v3, v0  }
0x700: {  	v4 =	vmul.f32 v4, v0  }
0x701: {  	v3 =	vadd.f32 $1.258291200e+07, v3  }
0x702: {  	v4 =	vadd.f32 $1.258291200e+07, v4  }
0x703: {  	v3 =	vadd.f32 $-1.258291200e+07, v3  }
0x704: {  	v4 =	vadd.f32 $-1.258291200e+07, v4  }
0x705: {  	v3 =	vmax.f32 v3, $0.0e+00  }
0x706: {  	v4 =	vmax.f32 v4, $0.0e+00;
	v3 =	vmin.f32 v3, $6.300000000e+01  }
0x707: {  	v4 =	vmin.f32 v4, $6.300000000e+01;
	v3 =	vtrunc.f32 v3  }
0x708: {  	v4 =	vtrunc.f32 v4;
	v3 =	vcvt.f32.s32 v3  }
0x709: {  	v4 =	vcvt.f32.s32 v4  }
0x70a: {  	v3 =	vshll.u32 v3, $0x6  }
0x70b: {  	v3 =	vadd.s32 v4, v3  }
0x70c: {  	vm0 =	vgt.s32 v3, $0x0  }
0x70d: {  	v3 =	vnsel vm0, $0x0, v3  }
0x70e: {  	v3 =	vmin.u32 v3, $0xFFF  }
0x70f: {  	[tilespmem:$0xD000] =	vst v3  }
0x710: {  	v3 =	vld [tilespmem:s22+$0xC010]  }
0x711: {  	v57 =	vld [tilespmem:s22+$0xC810];
	_ =	sdelay $0x3  }
0x712: {  	v3 =	vmul.f32 v3, v0  }
0x713: {  	v4 =	vmul.f32 v57, v0  }
0x714: {  	v3 =	vadd.f32 $1.258291200e+07, v3  }
0x715: {  	v4 =	vadd.f32 $1.258291200e+07, v4  }
0x716: {  	v3 =	vadd.f32 $-1.258291200e+07, v3  }
0x717: {  	v4 =	vadd.f32 $-1.258291200e+07, v4  }
0x718: {  	v3 =	vmax.f32 v3, $0.0e+00  }
0x719: {  	v4 =	vmax.f32 v4, $0.0e+00;
	v3 =	vmin.f32 v3, $6.300000000e+01  }
0x71a: {  	v4 =	vmin.f32 v4, $6.300000000e+01;
	v3 =	vtrunc.f32 v3  }
0x71b: {  	v4 =	vtrunc.f32 v4;
	v3 =	vcvt.f32.s32 v3  }
0x71c: {  	v4 =	vcvt.f32.s32 v4  }
0x71d: {  	v3 =	vshll.u32 v3, $0x6  }
0x71e: {  	v3 =	vadd.s32 v4, v3  }
0x71f: {  	vm9 =	vgt.s32 v3, $0x0  }
0x720: {  	v3 =	vnsel vm9, $0x0, v3  }
0x721: {  	v3 =	vmin.u32 v3, $0xFFF  }
0x722: {  	[tilespmem:$0xD010] =	vst v3  }
0x723: {  	v3 =	vld [tilespmem:s22+$0xC020]  }
0x724: {  	v58 =	vld [tilespmem:s22+$0xC820];
	_ =	sdelay $0x3  }
0x725: {  	v3 =	vmul.f32 v3, v0  }
0x726: {  	v4 =	vmul.f32 v58, v0  }
0x727: {  	v3 =	vadd.f32 $1.258291200e+07, v3  }
0x728: {  	v4 =	vadd.f32 $1.258291200e+07, v4  }
0x729: {  	v3 =	vadd.f32 $-1.258291200e+07, v3  }
0x72a: {  	v4 =	vadd.f32 $-1.258291200e+07, v4  }
0x72b: {  	v3 =	vmax.f32 v3, $0.0e+00  }
0x72c: {  	v4 =	vmax.f32 v4, $0.0e+00;
	v3 =	vmin.f32 v3, $6.300000000e+01  }
0x72d: {  	v4 =	vmin.f32 v4, $6.300000000e+01;
	v3 =	vtrunc.f32 v3  }
0x72e: {  	v4 =	vtrunc.f32 v4;
	v3 =	vcvt.f32.s32 v3  }
0x72f: {  	v4 =	vcvt.f32.s32 v4  }
0x730: {  	v3 =	vshll.u32 v3, $0x6  }
0x731: {  	v3 =	vadd.s32 v4, v3  }
0x732: {  	vm10 =	vgt.s32 v3, $0x0  }
0x733: {  	v3 =	vnsel vm10, $0x0, v3  }
0x734: {  	v3 =	vmin.u32 v3, $0xFFF  }
0x735: {  	[tilespmem:$0xD020] =	vst v3  }
0x736: {  	v3 =	vld [tilespmem:s22+$0xC030]  }
0x737: {  	v59 =	vld [tilespmem:s22+$0xC830];
	_ =	sdelay $0x3  }
0x738: {  	v3 =	vmul.f32 v3, v0  }
0x739: {  	v4 =	vmul.f32 v59, v0  }
0x73a: {  	v3 =	vadd.f32 $1.258291200e+07, v3  }
0x73b: {  	v4 =	vadd.f32 $1.258291200e+07, v4  }
0x73c: {  	v3 =	vadd.f32 $-1.258291200e+07, v3  }
0x73d: {  	v4 =	vadd.f32 $-1.258291200e+07, v4  }
0x73e: {  	v3 =	vmax.f32 v3, $0.0e+00  }
0x73f: {  	v4 =	vmax.f32 v4, $0.0e+00;
	v3 =	vmin.f32 v3, $6.300000000e+01  }
0x740: {  	v4 =	vmin.f32 v4, $6.300000000e+01;
	v3 =	vtrunc.f32 v3  }
0x741: {  	v4 =	vtrunc.f32 v4;
	v3 =	vcvt.f32.s32 v3  }
0x742: {  	v4 =	vcvt.f32.s32 v4  }
0x743: {  	v3 =	vshll.u32 v3, $0x6  }
0x744: {  	v3 =	vadd.s32 v4, v3  }
0x745: {  	vm11 =	vgt.s32 v3, $0x0  }
0x746: {  	v3 =	vnsel vm11, $0x0, v3  }
0x747: {  	v3 =	vmin.u32 v3, $0xFFF  }
0x748: {  	[tilespmem:$0xD030] =	vst v3  }
0x749: {  	v3 =	vld [tilespmem:s22+$0xC040]  }
0x74a: {  	v60 =	vld [tilespmem:s22+$0xC840];
	_ =	sdelay $0x3  }
0x74b: {  	v3 =	vmul.f32 v3, v0  }
0x74c: {  	v4 =	vmul.f32 v60, v0  }
0x74d: {  	v3 =	vadd.f32 $1.258291200e+07, v3  }
0x74e: {  	v4 =	vadd.f32 $1.258291200e+07, v4  }
0x74f: {  	v3 =	vadd.f32 $-1.258291200e+07, v3  }
0x750: {  	v4 =	vadd.f32 $-1.258291200e+07, v4  }
0x751: {  	v3 =	vmax.f32 v3, $0.0e+00  }
0x752: {  	v4 =	vmax.f32 v4, $0.0e+00;
	v3 =	vmin.f32 v3, $6.300000000e+01  }
0x753: {  	v4 =	vmin.f32 v4, $6.300000000e+01;
	v3 =	vtrunc.f32 v3  }
0x754: {  	v4 =	vtrunc.f32 v4;
	v3 =	vcvt.f32.s32 v3  }
0x755: {  	v4 =	vcvt.f32.s32 v4  }
0x756: {  	v3 =	vshll.u32 v3, $0x6  }
0x757: {  	v3 =	vadd.s32 v4, v3  }
0x758: {  	vm12 =	vgt.s32 v3, $0x0  }
0x759: {  	v3 =	vnsel vm12, $0x0, v3  }
0x75a: {  	v3 =	vmin.u32 v3, $0xFFF  }
0x75b: {  	[tilespmem:$0xD040] =	vst v3  }
0x75c: {  	v3 =	vld [tilespmem:s22+$0xC050]  }
0x75d: {  	v61 =	vld [tilespmem:s22+$0xC850];
	_ =	sdelay $0x3  }
0x75e: {  	v3 =	vmul.f32 v3, v0  }
0x75f: {  	v4 =	vmul.f32 v61, v0  }
0x760: {  	v3 =	vadd.f32 $1.258291200e+07, v3  }
0x761: {  	v4 =	vadd.f32 $1.258291200e+07, v4  }
0x762: {  	v3 =	vadd.f32 $-1.258291200e+07, v3  }
0x763: {  	v4 =	vadd.f32 $-1.258291200e+07, v4  }
0x764: {  	v3 =	vmax.f32 v3, $0.0e+00  }
0x765: {  	v4 =	vmax.f32 v4, $0.0e+00;
	v3 =	vmin.f32 v3, $6.300000000e+01  }
0x766: {  	v4 =	vmin.f32 v4, $6.300000000e+01;
	v3 =	vtrunc.f32 v3  }
0x767: {  	v4 =	vtrunc.f32 v4;
	v3 =	vcvt.f32.s32 v3  }
0x768: {  	v4 =	vcvt.f32.s32 v4  }
0x769: {  	v3 =	vshll.u32 v3, $0x6  }
0x76a: {  	v3 =	vadd.s32 v4, v3  }
0x76b: {  	vm13 =	vgt.s32 v3, $0x0  }
0x76c: {  	v3 =	vnsel vm13, $0x0, v3  }
0x76d: {  	v3 =	vmin.u32 v3, $0xFFF  }
0x76e: {  	[tilespmem:$0xD050] =	vst v3  }
0x76f: {  	v3 =	vld [tilespmem:s22+$0xC060]  }
0x770: {  	v62 =	vld [tilespmem:s22+$0xC860];
	_ =	sdelay $0x3  }
0x771: {  	v3 =	vmul.f32 v3, v0  }
0x772: {  	v4 =	vmul.f32 v62, v0  }
0x773: {  	v3 =	vadd.f32 $1.258291200e+07, v3  }
0x774: {  	v4 =	vadd.f32 $1.258291200e+07, v4  }
0x775: {  	v3 =	vadd.f32 $-1.258291200e+07, v3  }
0x776: {  	v4 =	vadd.f32 $-1.258291200e+07, v4  }
0x777: {  	v3 =	vmax.f32 v3, $0.0e+00  }
0x778: {  	v4 =	vmax.f32 v4, $0.0e+00;
	v3 =	vmin.f32 v3, $6.300000000e+01  }
0x779: {  	v4 =	vmin.f32 v4, $6.300000000e+01;
	v3 =	vtrunc.f32 v3  }
0x77a: {  	v4 =	vtrunc.f32 v4;
	v3 =	vcvt.f32.s32 v3  }
0x77b: {  	v4 =	vcvt.f32.s32 v4  }
0x77c: {  	v3 =	vshll.u32 v3, $0x6  }
0x77d: {  	v3 =	vadd.s32 v4, v3  }
0x77e: {  	vm14 =	vgt.s32 v3, $0x0  }
0x77f: {  	v3 =	vnsel vm14, $0x0, v3  }
0x780: {  	v3 =	vmin.u32 v3, $0xFFF  }
0x781: {  	[tilespmem:$0xD060] =	vst v3  }
0x782: {  	v3 =	vld [tilespmem:s22+$0xC070]  }
0x783: {  	v63 =	vld [tilespmem:s22+$0xC870];
	_ =	sdelay $0x3  }
0x784: {  	v3 =	vmul.f32 v3, v0  }
0x785: {  	v4 =	vmul.f32 v63, v0  }
0x786: {  	v3 =	vadd.f32 $1.258291200e+07, v3  }
0x787: {  	v4 =	vadd.f32 $1.258291200e+07, v4  }
0x788: {  	v3 =	vadd.f32 $-1.258291200e+07, v3  }
0x789: {  	v4 =	vadd.f32 $-1.258291200e+07, v4  }
0x78a: {  	v3 =	vmax.f32 v3, $0.0e+00  }
0x78b: {  	v4 =	vmax.f32 v4, $0.0e+00;
	v3 =	vmin.f32 v3, $6.300000000e+01  }
0x78c: {  	v4 =	vmin.f32 v4, $6.300000000e+01;
	v3 =	vtrunc.f32 v3  }
0x78d: {  	v4 =	vtrunc.f32 v4;
	v3 =	vcvt.f32.s32 v3  }
0x78e: {  	v4 =	vcvt.f32.s32 v4  }
0x78f: {  	v3 =	vshll.u32 v3, $0x6  }
0x790: {  	v3 =	vadd.s32 v4, v3  }
0x791: {  	vm15 =	vgt.s32 v3, $0x0  }
0x792: {  	v3 =	vnsel vm15, $0x0, v3  }
0x793: {  	v3 =	vmin.u32 v3, $0xFFF  }
0x794: {  	[tilespmem:$0xD070] =	vst v3  }
0x795: {  	_ =	swait.ge [sflag:s12], $0x4000  }
0x796: {  	[sflag:s12] =	ssyncset.done $0x0  }
0x797: {  	[sflag:s12] =	ssyncadd.s32 $0xFFFFC000  }
0x798: {  	[spmem:s1] =	stream.indirect.scatter.add.f32 [tilespmem:s11], [sflag:$0x2], $0x80, s14, s13, $0xb8;
	[tilespmem:$0x1D080] =	vst v63  }
0x799: {  	_ =	swait.ge [sflag:s8], $0x4000  }
0x79a: {  	p0 =	por $0x0, $0x0;
	[sflag:s8] =	ssyncset.done $0x0  }
0x79b: {  	s2 =	simm.s32 @!p0 $0x0;
	[sflag:s8] =	ssyncadd.s32 $0xFFFFC000  }
0x79c: {  	[tilespmem:s2], [sflag:$0x1] =	stream.linear.gather @!p0 [hbm4b:s6+s2], $0x4000, $0x38;
	[tilespmem:$0x1D080] =	vst v63  }
0x79d: {  	_ = 	snop  }
0x79e: {  	[spmem:s18] =	stream.indirect.scatter.add.f32 [tilespmem:s16], [sflag:$0x2], $0x80, s14, s13, $0xb8;
	[tilespmem:$0x1D080] =	vst v63  }
0x79f: {  	_ =	swait.ge [sflag:s8], $0x4000  }
0x7a0: {  	s19 =	simm.s32 $0x200;
	s2 =	smov.u32 s6;
	[sflag:s8] =	ssyncset.done $0x0  }
.LBB2_42:
0x7a1: {  	[sflag:s8] =	ssyncadd.s32 $0xFFFFC000  }
0x7a2: {  	s2 =	sadd.s32 $0x800, s2;
	s21 =	smov.u32 s19;
	s19 =	sadd.s32 $0x200, s19  }
0x7a3: {  	s22 =	sshra.s32 s21, $0x2;
	p0 =	sne.s32 s19, $0x2000  }
0x7a4: {  	v3 =	vld [tilespmem:s22+$0xC000]  }
0x7a5: {  	v4 =	vld [tilespmem:s22+$0xC800];
	_ =	sdelay $0x3  }
0x7a6: {  	v3 =	vmul.f32 v3, v0  }
0x7a7: {  	v4 =	vmul.f32 v4, v0  }
0x7a8: {  	v3 =	vadd.f32 $1.258291200e+07, v3  }
0x7a9: {  	v4 =	vadd.f32 $1.258291200e+07, v4  }
0x7aa: {  	v3 =	vadd.f32 $-1.258291200e+07, v3  }
0x7ab: {  	v4 =	vadd.f32 $-1.258291200e+07, v4  }
0x7ac: {  	v3 =	vmax.f32 v3, $0.0e+00  }
0x7ad: {  	v3 =	vmin.f32 v3, $6.300000000e+01;
	v4 =	vmax.f32 v4, $0.0e+00  }
0x7ae: {  	v4 =	vmin.f32 v4, $6.300000000e+01;
	v3 =	vtrunc.f32 v3  }
0x7af: {  	v3 =	vcvt.f32.s32 v3;
	v4 =	vtrunc.f32 v4  }
0x7b0: {  	v4 =	vcvt.f32.s32 v4  }
0x7b1: {  	v3 =	vshll.u32 v3, $0x6  }
0x7b2: {  	v3 =	vadd.s32 v4, v3  }
0x7b3: {  	vm0 =	vgt.s32 v3, $0x0  }
0x7b4: {  	v3 =	vnsel vm0, $0x0, v3  }
0x7b5: {  	v3 =	vmin.u32 v3, $0xFFF  }
0x7b6: {  	[tilespmem:$0xD000] =	vst v3  }
0x7b7: {  	v3 =	vld [tilespmem:s22+$0xC010]  }
0x7b8: {  	v4 =	vld [tilespmem:s22+$0xC810];
	_ =	sdelay $0x3  }
0x7b9: {  	v3 =	vmul.f32 v3, v0  }
0x7ba: {  	v4 =	vmul.f32 v4, v0  }
0x7bb: {  	v3 =	vadd.f32 $1.258291200e+07, v3  }
0x7bc: {  	v4 =	vadd.f32 $1.258291200e+07, v4  }
0x7bd: {  	v3 =	vadd.f32 $-1.258291200e+07, v3  }
0x7be: {  	v4 =	vadd.f32 $-1.258291200e+07, v4  }
0x7bf: {  	v3 =	vmax.f32 v3, $0.0e+00  }
0x7c0: {  	v3 =	vmin.f32 v3, $6.300000000e+01;
	v4 =	vmax.f32 v4, $0.0e+00  }
0x7c1: {  	v4 =	vmin.f32 v4, $6.300000000e+01;
	v3 =	vtrunc.f32 v3  }
0x7c2: {  	v3 =	vcvt.f32.s32 v3;
	v4 =	vtrunc.f32 v4  }
0x7c3: {  	v4 =	vcvt.f32.s32 v4  }
0x7c4: {  	v3 =	vshll.u32 v3, $0x6  }
0x7c5: {  	v3 =	vadd.s32 v4, v3  }
0x7c6: {  	vm0 =	vgt.s32 v3, $0x0  }
0x7c7: {  	v3 =	vnsel vm0, $0x0, v3  }
0x7c8: {  	v3 =	vmin.u32 v3, $0xFFF  }
0x7c9: {  	[tilespmem:$0xD010] =	vst v3  }
0x7ca: {  	v3 =	vld [tilespmem:s22+$0xC020]  }
0x7cb: {  	v4 =	vld [tilespmem:s22+$0xC820];
	_ =	sdelay $0x3  }
0x7cc: {  	v3 =	vmul.f32 v3, v0  }
0x7cd: {  	v4 =	vmul.f32 v4, v0  }
0x7ce: {  	v3 =	vadd.f32 $1.258291200e+07, v3  }
0x7cf: {  	v4 =	vadd.f32 $1.258291200e+07, v4  }
0x7d0: {  	v3 =	vadd.f32 $-1.258291200e+07, v3  }
0x7d1: {  	v4 =	vadd.f32 $-1.258291200e+07, v4  }
0x7d2: {  	v3 =	vmax.f32 v3, $0.0e+00  }
0x7d3: {  	v3 =	vmin.f32 v3, $6.300000000e+01;
	v4 =	vmax.f32 v4, $0.0e+00  }
0x7d4: {  	v4 =	vmin.f32 v4, $6.300000000e+01;
	v3 =	vtrunc.f32 v3  }
0x7d5: {  	v3 =	vcvt.f32.s32 v3;
	v4 =	vtrunc.f32 v4  }
0x7d6: {  	v4 =	vcvt.f32.s32 v4  }
0x7d7: {  	v3 =	vshll.u32 v3, $0x6  }
0x7d8: {  	v3 =	vadd.s32 v4, v3  }
0x7d9: {  	vm0 =	vgt.s32 v3, $0x0  }
0x7da: {  	v3 =	vnsel vm0, $0x0, v3  }
0x7db: {  	v3 =	vmin.u32 v3, $0xFFF  }
0x7dc: {  	[tilespmem:$0xD020] =	vst v3  }
0x7dd: {  	v3 =	vld [tilespmem:s22+$0xC030]  }
0x7de: {  	v4 =	vld [tilespmem:s22+$0xC830];
	_ =	sdelay $0x3  }
0x7df: {  	v3 =	vmul.f32 v3, v0  }
0x7e0: {  	v4 =	vmul.f32 v4, v0  }
0x7e1: {  	v3 =	vadd.f32 $1.258291200e+07, v3  }
0x7e2: {  	v4 =	vadd.f32 $1.258291200e+07, v4  }
0x7e3: {  	v3 =	vadd.f32 $-1.258291200e+07, v3  }
0x7e4: {  	v4 =	vadd.f32 $-1.258291200e+07, v4  }
0x7e5: {  	v3 =	vmax.f32 v3, $0.0e+00  }
0x7e6: {  	v3 =	vmin.f32 v3, $6.300000000e+01;
	v4 =	vmax.f32 v4, $0.0e+00  }
0x7e7: {  	v4 =	vmin.f32 v4, $6.300000000e+01;
	v3 =	vtrunc.f32 v3  }
0x7e8: {  	v3 =	vcvt.f32.s32 v3;
	v4 =	vtrunc.f32 v4  }
0x7e9: {  	v4 =	vcvt.f32.s32 v4  }
0x7ea: {  	v3 =	vshll.u32 v3, $0x6  }
0x7eb: {  	v3 =	vadd.s32 v4, v3  }
0x7ec: {  	vm0 =	vgt.s32 v3, $0x0  }
0x7ed: {  	v3 =	vnsel vm0, $0x0, v3  }
0x7ee: {  	v3 =	vmin.u32 v3, $0xFFF  }
0x7ef: {  	[tilespmem:$0xD030] =	vst v3  }
0x7f0: {  	v3 =	vld [tilespmem:s22+$0xC040]  }
0x7f1: {  	v4 =	vld [tilespmem:s22+$0xC840];
	_ =	sdelay $0x3  }
0x7f2: {  	v3 =	vmul.f32 v3, v0  }
0x7f3: {  	v4 =	vmul.f32 v4, v0  }
0x7f4: {  	v3 =	vadd.f32 $1.258291200e+07, v3  }
0x7f5: {  	v4 =	vadd.f32 $1.258291200e+07, v4  }
0x7f6: {  	v3 =	vadd.f32 $-1.258291200e+07, v3  }
0x7f7: {  	v4 =	vadd.f32 $-1.258291200e+07, v4  }
0x7f8: {  	v3 =	vmax.f32 v3, $0.0e+00  }
0x7f9: {  	v3 =	vmin.f32 v3, $6.300000000e+01;
	v4 =	vmax.f32 v4, $0.0e+00  }
0x7fa: {  	v4 =	vmin.f32 v4, $6.300000000e+01;
	v3 =	vtrunc.f32 v3  }
0x7fb: {  	v3 =	vcvt.f32.s32 v3;
	v4 =	vtrunc.f32 v4  }
0x7fc: {  	v4 =	vcvt.f32.s32 v4  }
0x7fd: {  	v3 =	vshll.u32 v3, $0x6  }
0x7fe: {  	v3 =	vadd.s32 v4, v3  }
0x7ff: {  	vm0 =	vgt.s32 v3, $0x0  }
0x800: {  	v3 =	vnsel vm0, $0x0, v3  }
0x801: {  	v3 =	vmin.u32 v3, $0xFFF  }
0x802: {  	[tilespmem:$0xD040] =	vst v3  }
0x803: {  	v3 =	vld [tilespmem:s22+$0xC050]  }
0x804: {  	v4 =	vld [tilespmem:s22+$0xC850];
	_ =	sdelay $0x3  }
0x805: {  	v3 =	vmul.f32 v3, v0  }
0x806: {  	v4 =	vmul.f32 v4, v0  }
0x807: {  	v3 =	vadd.f32 $1.258291200e+07, v3  }
0x808: {  	v4 =	vadd.f32 $1.258291200e+07, v4  }
0x809: {  	v3 =	vadd.f32 $-1.258291200e+07, v3  }
0x80a: {  	v4 =	vadd.f32 $-1.258291200e+07, v4  }
0x80b: {  	v3 =	vmax.f32 v3, $0.0e+00  }
0x80c: {  	v3 =	vmin.f32 v3, $6.300000000e+01;
	v4 =	vmax.f32 v4, $0.0e+00  }
0x80d: {  	v4 =	vmin.f32 v4, $6.300000000e+01;
	v3 =	vtrunc.f32 v3  }
0x80e: {  	v3 =	vcvt.f32.s32 v3;
	v4 =	vtrunc.f32 v4  }
0x80f: {  	v4 =	vcvt.f32.s32 v4  }
0x810: {  	v3 =	vshll.u32 v3, $0x6  }
0x811: {  	v3 =	vadd.s32 v4, v3  }
0x812: {  	vm0 =	vgt.s32 v3, $0x0  }
0x813: {  	v3 =	vnsel vm0, $0x0, v3  }
0x814: {  	v3 =	vmin.u32 v3, $0xFFF  }
0x815: {  	[tilespmem:$0xD050] =	vst v3  }
0x816: {  	v3 =	vld [tilespmem:s22+$0xC060]  }
0x817: {  	v4 =	vld [tilespmem:s22+$0xC860];
	_ =	sdelay $0x3  }
0x818: {  	v3 =	vmul.f32 v3, v0  }
0x819: {  	v4 =	vmul.f32 v4, v0  }
0x81a: {  	v3 =	vadd.f32 $1.258291200e+07, v3  }
0x81b: {  	v4 =	vadd.f32 $1.258291200e+07, v4  }
0x81c: {  	v3 =	vadd.f32 $-1.258291200e+07, v3  }
0x81d: {  	v4 =	vadd.f32 $-1.258291200e+07, v4  }
0x81e: {  	v3 =	vmax.f32 v3, $0.0e+00  }
0x81f: {  	v3 =	vmin.f32 v3, $6.300000000e+01;
	v4 =	vmax.f32 v4, $0.0e+00  }
0x820: {  	v4 =	vmin.f32 v4, $6.300000000e+01;
	v3 =	vtrunc.f32 v3  }
0x821: {  	v3 =	vcvt.f32.s32 v3;
	v4 =	vtrunc.f32 v4  }
0x822: {  	v4 =	vcvt.f32.s32 v4  }
0x823: {  	v3 =	vshll.u32 v3, $0x6  }
0x824: {  	v3 =	vadd.s32 v4, v3  }
0x825: {  	vm0 =	vgt.s32 v3, $0x0  }
0x826: {  	v3 =	vnsel vm0, $0x0, v3  }
0x827: {  	v3 =	vmin.u32 v3, $0xFFF  }
0x828: {  	[tilespmem:$0xD060] =	vst v3  }
0x829: {  	v3 =	vld [tilespmem:s22+$0xC070]  }
0x82a: {  	v4 =	vld [tilespmem:s22+$0xC870];
	_ =	sdelay $0x3  }
0x82b: {  	v3 =	vmul.f32 v3, v0  }
0x82c: {  	v4 =	vmul.f32 v4, v0  }
0x82d: {  	v3 =	vadd.f32 $1.258291200e+07, v3  }
0x82e: {  	v4 =	vadd.f32 $1.258291200e+07, v4  }
0x82f: {  	v3 =	vadd.f32 $-1.258291200e+07, v3  }
0x830: {  	v4 =	vadd.f32 $-1.258291200e+07, v4  }
0x831: {  	v3 =	vmax.f32 v3, $0.0e+00  }
0x832: {  	v3 =	vmin.f32 v3, $6.300000000e+01;
	v4 =	vmax.f32 v4, $0.0e+00  }
0x833: {  	v4 =	vmin.f32 v4, $6.300000000e+01;
	v3 =	vtrunc.f32 v3  }
0x834: {  	v3 =	vcvt.f32.s32 v3;
	v4 =	vtrunc.f32 v4  }
0x835: {  	v4 =	vcvt.f32.s32 v4  }
0x836: {  	v3 =	vshll.u32 v3, $0x6  }
0x837: {  	v3 =	vadd.s32 v4, v3  }
0x838: {  	vm0 =	vgt.s32 v3, $0x0  }
0x839: {  	v3 =	vnsel vm0, $0x0, v3  }
0x83a: {  	v3 =	vmin.u32 v3, $0xFFF  }
0x83b: {  	[tilespmem:$0xD070] =	vst v3  }
0x83c: {  	_ =	swait.ge [sflag:s12], $0x4000  }
0x83d: {  	[sflag:s12] =	ssyncset.done $0x0  }
0x83e: {  	[sflag:s12] =	ssyncadd.s32 $0xFFFFC000  }
0x83f: {  	[spmem:s1] =	stream.indirect.scatter.add.f32 [tilespmem:s11], [sflag:$0x2], $0x80, s14, s13, $0xb8;
	[tilespmem:$0x1D080] =	vst v63  }
0x840: {  	_ =	swait.ge [sflag:s8], $0x4000  }
0x841: {  	p1 =	seq.s32 s21, $0x1E00;
	[sflag:s8] =	ssyncset.done $0x0  }
0x842: {  	s21 =	simm.s32 @!p1 $0x0;
	[sflag:s8] =	ssyncadd.s32 $0xFFFFC000  }
0x843: {  	[tilespmem:s21], [sflag:$0x1] =	stream.linear.gather @!p1 [hbm4b:s2+s21], $0x4000, $0x38;
	[tilespmem:$0x1D080] =	vst v63  }
.Ltmp20:
0x844: {  	_ = 	snop;
	(pc) =	sbr.rel @p0 .LBB2_42-.Ltmp20, $4  }
0x845: {  	_ = 	snop  }
0x846: {  	[spmem:s18] =	stream.indirect.scatter.add.f32 [tilespmem:s16], [sflag:$0x2], $0x80, s14, s13, $0xb8;
	[tilespmem:$0x1D080] =	vst v63  }
0x847: {  	_ =	swait.ge [sflag:s8], $0x4000  }
0x848: {  	[sflag:s8] =	ssyncset.done $0x0  }
0x849: {  	[sflag:s8] =	ssyncadd.s32 $0xFFFFC000  }
0x84a: {  	s2 =	simm.s32 $0x0;
	[bflag:$0x0] =	sbarrier.arrive $0xFFFF  }
0x84b: {  	[tilespmem:s2], [sflag:$0x2] =	stream.linear.gather [spmem:s28], $0x4000, $0x38;
	[tilespmem:$0x1D080] =	vst v63  }
0x84c: {  	_ =	swait.ge [sflag:s8], $0x4000  }
0x84d: {  	[sflag:s8] =	ssyncset.done $0x0  }
0x84e: {  	[sflag:s8] =	ssyncadd.s32 $0xFFFFC000  }
0x84f: {  	[tilespmem:s7], [sflag:$0x2] =	stream.linear.gather [spmem:s29], $0x4000, $0x38;
	[tilespmem:$0x1D080] =	vst v63  }
0x850: {  	_ =	swait.ge [sflag:s8], $0x4000  }
0x851: {  	[sflag:s8] =	ssyncset.done $0x0  }
0x852: {  	[sflag:s8] =	ssyncadd.s32 $0xFFFFC000  }
0x853: {  	[tilespmem:s16], [sflag:$0x2] =	stream.linear.gather [hbm4b:s4+s2], $0x4000, $0x38;
	[tilespmem:$0x1D080] =	vst v63  }
0x854: {  	_ =	swait.ge [sflag:s8], $0x4000  }
0x855: {  	[sflag:s8] =	ssyncset.done $0x0  }
0x856: {  	s19 =	simm.s32 $0x0;
	[sflag:s8] =	ssyncadd.s32 $0xFFFFC000  }
0x857: {  	v5 =	vld [tilespmem:s19+$0x4000];
	_ =	sdelay $0x4  }
0x858: {  	v3 =	vmax.f32 v5, $1.000000000e+00  }
0x859: {  	(erf) = vrcp.f32 v3  }
0x85a: {  	v6 =	vld [tilespmem:s19+$0x8000]  }
0x85b: {  	v10 =	vld [tilespmem:s19+$0x8010]  }
0x85c: {  	v11 =	vld [tilespmem:s19+$0x8020]  }
0x85d: {  	v12 =	vld [tilespmem:s19+$0x8030]  }
0x85e: {  	v13 =	vld [tilespmem:s19+$0x8040]  }
0x85f: {  	v8 =	vld [tilespmem:s19+$0x0]  }
0x860: {  	v4 =	vld [tilespmem:s19+$0x8050]  }
0x861: {  	v9 =	vld [tilespmem:s19+$0x10]  }
0x862: {  	v14 =	vld [tilespmem:s19+$0x20];
	vm0 =	vge.f32 v5, $1.000000000e+00;
	v7 =	vpop (erf)  }
0x863: {  	v15 =	vld [tilespmem:s19+$0x40];
	v7 =	vnsel vm0, $0x0, v7  }
0x864: {  	v5 =	vld [tilespmem:s19+$0x30];
	v8 =	vmul.f32 v7, v8  }
0x865: {  	s2 =	simm.s32 $0x80;
	v16 =	vld [tilespmem:s19+$0x50]  }
0x866: {  	v3 =	vld [tilespmem:s2+$0x4000];
	v6 =	vadd.f32 v8, v6  }
0x867: {  	v17 =	vld [tilespmem:s19+$0x60];
	v18 =	vmul.f32 v9, v7  }
0x868: {  	v8 =	vld [tilespmem:s19+$0x70];
	[tilespmem:s19+$0x0] =	vst v6;
	v6 =	vmul.f32 v14, v7  }
0x869: {  	v9 =	vld [tilespmem:s19+$0x8060];
	v63 =	vmul.f32 v5, v7;
	v14 =	vadd.f32 v10, v18  }
0x86a: {  	v15 =	vmul.f32 v15, v7;
	v10 =	vld [tilespmem:s19+$0x8070];
	v19 =	vadd.f32 v11, v6  }
0x86b: {  	v12 =	vadd.f32 v12, v63;
	v5 =	vld [tilespmem:s2+$0x8000];
	[tilespmem:s19+$0x10] =	vst v14;
	v14 =	vmax.f32 v3, $1.000000000e+00;
	v11 =	vmul.f32 v16, v7  }
0x86c: {  	s21 =	simm.s32 $0x400;
	v6 =	vld [tilespmem:s2+$0x8010];
	(erf) = vrcp.f32 v14;
	v14 =	vadd.f32 v13, v15;
	v13 =	vmul.f32 v17, v7;
	[tilespmem:s19+$0x20] =	vst v19  }
.LBB2_44:
0x86d: {  	p0 =	sne.s32 s21, $0xFE00;
	v15 =	vld [tilespmem:s2+$0x8020];
	[tilespmem:s19+$0x30] =	vst v12;
	v4 =	vadd.f32 v4, v11;
	v7 =	vmul.f32 v8, v7  }
0x86e: {  	v11 =	vld [tilespmem:s2+$0x8030];
	[tilespmem:s19+$0x40] =	vst v14;
	v8 =	vadd.f32 v9, v13  }
0x86f: {  	v13 =	vld [tilespmem:s2+$0x8040];
	[tilespmem:s19+$0x50] =	vst v4;
	v7 =	vadd.f32 v10, v7  }
0x870: {  	s22 =	sshra.s32 s21, $0x2;
	v4 =	vld [tilespmem:s2+$0x8050];
	[tilespmem:s19+$0x60] =	vst v8  }
0x871: {  	v8 =	vld [tilespmem:s22+$0x4000];
	[tilespmem:s19+$0x70] =	vst v7;
	s19 =	smov.u32 s2;
	s2 =	smov.u32 s22  }
0x872: {  	v9 =	vld [tilespmem:s19+$0x0]  }
0x873: {  	v10 =	vld [tilespmem:s19+$0x10]  }
0x874: {  	v12 =	vld [tilespmem:s19+$0x20]  }
0x875: {  	vm0 =	vge.f32 v3, $1.000000000e+00;
	v14 =	vld [tilespmem:s19+$0x30];
	v3 =	vpop (erf)  }
0x876: {  	v7 =	vnsel vm0, $0x0, v3;
	v16 =	vld [tilespmem:s19+$0x40];
	v3 =	vmov v8  }
0x877: {  	v8 =	vmul.f32 v7, v9;
	v17 =	vld [tilespmem:s19+$0x50]  }
0x878: {  	v9 =	vmul.f32 v10, v7;
	v18 =	vld [tilespmem:s19+$0x60]  }
.Ltmp21:
0x879: {  	v5 =	vadd.f32 v8, v5;
	v10 =	vmul.f32 v12, v7;
	v8 =	vld [tilespmem:s19+$0x70];
	(pc) =	sbr.rel @p0 .LBB2_44-.Ltmp21, $4  }
0x87a: {  	v6 =	vadd.f32 v6, v9;
	v12 =	vmul.f32 v14, v7;
	v9 =	vld [tilespmem:s19+$0x8060]  }
0x87b: {  	[tilespmem:s19+$0x0] =	vst v5;
	v14 =	vadd.f32 v15, v10;
	v15 =	vmul.f32 v16, v7;
	v10 =	vld [tilespmem:s19+$0x8070]  }
0x87c: {  	v16 =	vmax.f32 v3, $1.000000000e+00;
	v5 =	vld [tilespmem:s2+$0x8000];
	[tilespmem:s19+$0x10] =	vst v6;
	v12 =	vadd.f32 v11, v12;
	v11 =	vmul.f32 v17, v7  }
0x87d: {  	s21 =	sadd.s32 $0x200, s21;
	v6 =	vld [tilespmem:s2+$0x8010];
	(erf) = vrcp.f32 v16;
	[tilespmem:s19+$0x20] =	vst v14;
	v14 =	vadd.f32 v13, v15;
	v13 =	vmul.f32 v18, v7  }
0x87e: {  	v15 =	vld [tilespmem:s2+$0x8020];
	[tilespmem:s19+$0x30] =	vst v12;
	v4 =	vadd.f32 v4, v11;
	v7 =	vmul.f32 v8, v7  }
0x87f: {  	v12 =	vld [tilespmem:s2+$0x8030];
	[tilespmem:s19+$0x40] =	vst v14;
	v9 =	vadd.f32 v9, v13  }
0x880: {  	v8 =	vld [tilespmem:s2+$0x8040];
	[tilespmem:s19+$0x50] =	vst v4;
	v4 =	vadd.f32 v10, v7  }
0x881: {  	v7 =	vld [tilespmem:s2+$0x8050];
	[tilespmem:s19+$0x60] =	vst v9  }
0x882: {  	[tilespmem:s19+$0x70] =	vst v4  }
0x883: {  	v4 =	vld [tilespmem:s2+$0x0]  }
0x884: {  	v9 =	vld [tilespmem:s2+$0x10]  }
0x885: {  	v10 =	vld [tilespmem:s2+$0x20]  }
0x886: {  	vm0 =	vge.f32 v3, $1.000000000e+00;
	v3 =	vld [tilespmem:s2+$0x30];
	v11 =	vpop (erf)  }
0x887: {  	v13 =	vld [tilespmem:s2+$0x40];
	v11 =	vnsel vm0, $0x0, v11  }
0x888: {  	v14 =	vld [tilespmem:s2+$0x50];
	v4 =	vmul.f32 v11, v4  }
0x889: {  	v16 =	vld [tilespmem:s2+$0x60];
	v9 =	vmul.f32 v9, v11  }
0x88a: {  	v10 =	vmul.f32 v10, v11;
	v4 =	vadd.f32 v4, v5;
	v5 =	vld [tilespmem:s2+$0x70]  }
0x88b: {  	v17 =	vld [tilespmem:s2+$0x8060];
	v3 =	vmul.f32 v3, v11;
	v6 =	vadd.f32 v6, v9  }
0x88c: {  	v9 =	vmul.f32 v13, v11;
	[tilespmem:s2+$0x0] =	vst v4;
	v4 =	vadd.f32 v15, v10;
	v10 =	vld [tilespmem:s2+$0x8070]  }
0x88d: {  	v3 =	vadd.f32 v12, v3;
	[tilespmem:s2+$0x10] =	vst v6;
	v6 =	vmul.f32 v14, v11  }
0x88e: {  	[tilespmem:s2+$0x20] =	vst v4;
	v4 =	vadd.f32 v8, v9;
	v8 =	vmul.f32 v16, v11  }
0x88f: {  	[tilespmem:s2+$0x30] =	vst v3;
	v3 =	vadd.f32 v7, v6;
	v5 =	vmul.f32 v5, v11  }
0x890: {  	[tilespmem:s2+$0x40] =	vst v4;
	v4 =	vadd.f32 v17, v8  }
0x891: {  	[tilespmem:s2+$0x50] =	vst v3;
	v3 =	vadd.f32 v10, v5  }
0x892: {  	[tilespmem:s2+$0x60] =	vst v4  }
0x893: {  	s22 =	simm.s32 $0x0;
	[tilespmem:s2+$0x70] =	vst v3  }
0x894: {  	[hbm4b:s25+s22] =	stream.linear.scatter [tilespmem:s22], [sflag:$0x2], $0x4000, $0x38;
	[tilespmem:$0x1D080] =	vst v63  }
0x895: {  	_ =	swait.ge [sflag:s8], $0x4000  }
0x896: {  	[sflag:s8] =	ssyncset.done $0x0  }
0x897: {  	[sflag:s8] =	ssyncadd.s32 $0xFFFFC000  }
0x898: {  	[tilespmem:s22], [sflag:$0x2] =	stream.linear.gather [spmem:s30], $0x4000, $0x38;
	[tilespmem:$0x1D080] =	vst v63  }
0x899: {  	_ =	swait.ge [sflag:s8], $0x4000  }
0x89a: {  	[sflag:s8] =	ssyncset.done $0x0  }
0x89b: {  	[sflag:s8] =	ssyncadd.s32 $0xFFFFC000  }
0x89c: {  	[tilespmem:s7], [sflag:$0x2] =	stream.linear.gather [spmem:s31], $0x4000, $0x38;
	[tilespmem:$0x1D080] =	vst v63  }
0x89d: {  	_ =	swait.ge [sflag:s8], $0x4000  }
0x89e: {  	[sflag:s8] =	ssyncset.done $0x0  }
0x89f: {  	[sflag:s8] =	ssyncadd.s32 $0xFFFFC000  }
0x8a0: {  	[tilespmem:s16], [sflag:$0x2] =	stream.linear.gather [hbm4b:s5+s22], $0x4000, $0x38;
	[tilespmem:$0x1D080] =	vst v63  }
0x8a1: {  	_ =	swait.ge [sflag:s8], $0x4000  }
0x8a2: {  	[sflag:s8] =	ssyncset.done $0x0  }
0x8a3: {  	s19 =	simm.s32 $0x0;
	[sflag:s8] =	ssyncadd.s32 $0xFFFFC000  }
0x8a4: {  	v5 =	vld [tilespmem:s19+$0x4000];
	_ =	sdelay $0x4  }
0x8a5: {  	v3 =	vmax.f32 v5, $1.000000000e+00  }
0x8a6: {  	(erf) = vrcp.f32 v3  }
0x8a7: {  	v6 =	vld [tilespmem:s19+$0x8000]  }
0x8a8: {  	v10 =	vld [tilespmem:s19+$0x8010]  }
0x8a9: {  	v11 =	vld [tilespmem:s19+$0x8020]  }
0x8aa: {  	v12 =	vld [tilespmem:s19+$0x8030]  }
0x8ab: {  	v13 =	vld [tilespmem:s19+$0x8040]  }
0x8ac: {  	v8 =	vld [tilespmem:s19+$0x0]  }
0x8ad: {  	v4 =	vld [tilespmem:s19+$0x8050]  }
0x8ae: {  	v9 =	vld [tilespmem:s19+$0x10]  }
0x8af: {  	v14 =	vld [tilespmem:s19+$0x20];
	vm15 =	vge.f32 v5, $1.000000000e+00;
	v7 =	vpop (erf)  }
0x8b0: {  	v15 =	vld [tilespmem:s19+$0x40];
	v7 =	vnsel vm15, $0x0, v7  }
0x8b1: {  	v5 =	vld [tilespmem:s19+$0x30];
	v8 =	vmul.f32 v7, v8  }
0x8b2: {  	s2 =	simm.s32 $0x80;
	v61 =	vld [tilespmem:s19+$0x50]  }
0x8b3: {  	v3 =	vld [tilespmem:s2+$0x4000];
	v6 =	vadd.f32 v8, v6  }
0x8b4: {  	v62 =	vld [tilespmem:s19+$0x60];
	v18 =	vmul.f32 v9, v7  }
0x8b5: {  	v8 =	vld [tilespmem:s19+$0x70];
	[tilespmem:s19+$0x0] =	vst v6;
	v6 =	vmul.f32 v14, v7  }
0x8b6: {  	v9 =	vld [tilespmem:s19+$0x8060];
	v63 =	vmul.f32 v5, v7;
	v14 =	vadd.f32 v10, v18  }
0x8b7: {  	v15 =	vmul.f32 v15, v7;
	v10 =	vld [tilespmem:s19+$0x8070];
	v19 =	vadd.f32 v11, v6  }
0x8b8: {  	v12 =	vadd.f32 v12, v63;
	v5 =	vld [tilespmem:s2+$0x8000];
	[tilespmem:s19+$0x10] =	vst v14;
	v14 =	vmax.f32 v3, $1.000000000e+00;
	v11 =	vmul.f32 v61, v7  }
0x8b9: {  	s21 =	simm.s32 $0x400;
	v6 =	vld [tilespmem:s2+$0x8010];
	(erf) = vrcp.f32 v14;
	v14 =	vadd.f32 v13, v15;
	v13 =	vmul.f32 v62, v7;
	[tilespmem:s19+$0x20] =	vst v19  }
.LBB2_46:
0x8ba: {  	p0 =	sne.s32 s21, $0xFE00;
	v15 =	vld [tilespmem:s2+$0x8020];
	[tilespmem:s19+$0x30] =	vst v12;
	v4 =	vadd.f32 v4, v11;
	v7 =	vmul.f32 v8, v7  }
0x8bb: {  	v11 =	vld [tilespmem:s2+$0x8030];
	[tilespmem:s19+$0x40] =	vst v14;
	v8 =	vadd.f32 v9, v13  }
0x8bc: {  	v13 =	vld [tilespmem:s2+$0x8040];
	[tilespmem:s19+$0x50] =	vst v4;
	v7 =	vadd.f32 v10, v7  }
0x8bd: {  	s22 =	sshra.s32 s21, $0x2;
	v4 =	vld [tilespmem:s2+$0x8050];
	[tilespmem:s19+$0x60] =	vst v8  }
0x8be: {  	v8 =	vld [tilespmem:s22+$0x4000];
	[tilespmem:s19+$0x70] =	vst v7;
	s19 =	smov.u32 s2;
	s2 =	smov.u32 s22  }
0x8bf: {  	v9 =	vld [tilespmem:s19+$0x0]  }
0x8c0: {  	v10 =	vld [tilespmem:s19+$0x10]  }
0x8c1: {  	v12 =	vld [tilespmem:s19+$0x20]  }
0x8c2: {  	vm0 =	vge.f32 v3, $1.000000000e+00;
	v14 =	vld [tilespmem:s19+$0x30];
	v3 =	vpop (erf)  }
0x8c3: {  	v7 =	vnsel vm0, $0x0, v3;
	v16 =	vld [tilespmem:s19+$0x40];
	v3 =	vmov v8  }
0x8c4: {  	v8 =	vmul.f32 v7, v9;
	v17 =	vld [tilespmem:s19+$0x50]  }
0x8c5: {  	v9 =	vmul.f32 v10, v7;
	v18 =	vld [tilespmem:s19+$0x60]  }
.Ltmp22:
0x8c6: {  	v5 =	vadd.f32 v8, v5;
	v10 =	vmul.f32 v12, v7;
	v8 =	vld [tilespmem:s19+$0x70];
	(pc) =	sbr.rel @p0 .LBB2_46-.Ltmp22, $4  }
0x8c7: {  	v6 =	vadd.f32 v6, v9;
	v12 =	vmul.f32 v14, v7;
	v9 =	vld [tilespmem:s19+$0x8060]  }
0x8c8: {  	[tilespmem:s19+$0x0] =	vst v5;
	v14 =	vadd.f32 v15, v10;
	v15 =	vmul.f32 v16, v7;
	v10 =	vld [tilespmem:s19+$0x8070]  }
0x8c9: {  	v16 =	vmax.f32 v3, $1.000000000e+00;
	v5 =	vld [tilespmem:s2+$0x8000];
	[tilespmem:s19+$0x10] =	vst v6;
	v12 =	vadd.f32 v11, v12;
	v11 =	vmul.f32 v17, v7  }
0x8ca: {  	s21 =	sadd.s32 $0x200, s21;
	v6 =	vld [tilespmem:s2+$0x8010];
	(erf) = vrcp.f32 v16;
	[tilespmem:s19+$0x20] =	vst v14;
	v14 =	vadd.f32 v13, v15;
	v13 =	vmul.f32 v18, v7  }
0x8cb: {  	v15 =	vld [tilespmem:s2+$0x8020];
	[tilespmem:s19+$0x30] =	vst v12;
	v4 =	vadd.f32 v4, v11;
	v7 =	vmul.f32 v8, v7  }
0x8cc: {  	v12 =	vld [tilespmem:s2+$0x8030];
	[tilespmem:s19+$0x40] =	vst v14;
	v9 =	vadd.f32 v9, v13  }
0x8cd: {  	v50 =	vld [tilespmem:s2+$0x8040];
	[tilespmem:s19+$0x50] =	vst v4;
	v51 =	vadd.f32 v10, v7  }
0x8ce: {  	v52 =	vld [tilespmem:s2+$0x8050];
	[tilespmem:s19+$0x60] =	vst v9  }
0x8cf: {  	[tilespmem:s19+$0x70] =	vst v51  }
0x8d0: {  	v4 =	vld [tilespmem:s2+$0x0]  }
0x8d1: {  	v9 =	vld [tilespmem:s2+$0x10]  }
0x8d2: {  	v53 =	vld [tilespmem:s2+$0x20]  }
0x8d3: {  	vm0 =	vge.f32 v3, $1.000000000e+00;
	v3 =	vld [tilespmem:s2+$0x30];
	v54 =	vpop (erf)  }
0x8d4: {  	v55 =	vld [tilespmem:s2+$0x40];
	v11 =	vnsel vm0, $0x0, v54  }
0x8d5: {  	v14 =	vld [tilespmem:s2+$0x50];
	v4 =	vmul.f32 v11, v4  }
0x8d6: {  	v16 =	vld [tilespmem:s2+$0x60];
	v9 =	vmul.f32 v9, v11  }
0x8d7: {  	v56 =	vld [tilespmem:s2+$0x70];
	v10 =	vmul.f32 v53, v11;
	v4 =	vadd.f32 v4, v5  }
0x8d8: {  	v17 =	vld [tilespmem:s2+$0x8060];
	v3 =	vmul.f32 v3, v11;
	v6 =	vadd.f32 v6, v9  }
0x8d9: {  	v59 =	vld [tilespmem:s2+$0x8070];
	v58 =	vmul.f32 v55, v11;
	v57 =	vadd.f32 v15, v10;
	[tilespmem:s2+$0x0] =	vst v4  }
0x8da: {  	v60 =	vmul.f32 v14, v11;
	v3 =	vadd.f32 v12, v3;
	[tilespmem:s2+$0x10] =	vst v6  }
0x8db: {  	v62 =	vmul.f32 v16, v11;
	v61 =	vadd.f32 v50, v58;
	[tilespmem:s2+$0x20] =	vst v57  }
0x8dc: {  	v5 =	vmul.f32 v56, v11;
	[tilespmem:s2+$0x30] =	vst v3;
	v3 =	vadd.f32 v52, v60  }
0x8dd: {  	v63 =	vadd.f32 v17, v62;
	[tilespmem:s2+$0x40] =	vst v61  }
0x8de: {  	s17 =	sadd.s32 $0x1, s17;
	[tilespmem:s2+$0x50] =	vst v3;
	v3 =	vadd.f32 v59, v5  }
0x8df: {  	p0 =	sne.s32 s17, s15;
	[tilespmem:s2+$0x60] =	vst v63  }
.Ltmp23:
0x8e0: {  	[tilespmem:s2+$0x70] =	vst v3;
	(pc) =	sbr.rel @p0 .LBB2_1-.Ltmp23, $4  }
0x8e1: {  	[hbm4b:s26+s11] =	stream.linear.scatter [tilespmem:s11], [sflag:$0x2], $0x4000, $0x38;
	[tilespmem:$0x1D080] =	vst v63  }
0x8e2: {  	_ =	swait.ge [sflag:s8], $0x4000  }
0x8e3: {  	[sflag:s8] =	ssyncset.done $0x0  }
0x8e4: {  	[sflag:s8] =	ssyncadd.s32 $0xFFFFC000  }
0x8e5: {  	_ =	sfence.sel $0x180000  }
0x8e6: {  	[bflag:$0x0] =	sbarrier.arrive $0xFFFF  }
0x8e7: {  	_ =	strace $0x90000047  }
0x8e8: {  	s0 =	stileid.u32;
	[bflag:$0x2] =	sbarrier.arrive $0xFFFF  }
0x8e9: {  	p0 =	sne.s32 s0, $0x0;
	s0 =	rddreg [dreg:$0x6]  }
0x8ea: {  	s0 =	sadd.s32 @!p0 $0x100000, s0  }
0x8eb: {  	[sflag:s0] =	ssyncadd.tile.s32 @!p0 $0x1;
	_ =	shalt  }
.Lfunc_end2:
_tile_overlayer_lowered:
.L_overlay_start_2:
0x8ec: {  	(tag) =	ssettag $0x2  }
0x8ed: {  	s0 =	rddreg [dreg:$0x0];
	s2 =	stileid.u32  }
0x8ee: {  	s1 =	rddreg [dreg:$0x1];
	p0 =	sne.s32 s2, $0x0  }
0x8ef: {  	s3 =	rddreg [dreg:$0x2];
	[bflag:$0x3] =	sbarrier.arrive $0xFFFF;
	s2 =	simm.s32 @!p0 $0x1C02  }
0x8f0: {  	[timem:s3], [sflag:s2] =	dma.local @!p0 [hbm:s0], s1  }
0x8f1: {  	s0 =	simm.s32 @!p0 $0x2  }
0x8f2: {  	_ =	swait.ge @!p0 [sflag:s0], s1  }
0x8f3: {  	s1 =	ssub.s32 @!p0 $0x0, s1;
	[sflag:s0] =	ssyncset.done @!p0 $0x0  }
0x8f4: {  	[sflag:s0] =	ssyncadd.s32 @!p0 s1  }
0x8f5: {  	[bflag:$0x3] =	sbarrier.arrive $0xFFFF  }
0x8f6: {  	_ =	shalt  }

</sc_bundles>
